<compile_context>
chip_gen: v7x
topology: tpu7x:2x2x1
jax: 0.10.2.dev20260603
libtpu: 0.0.44.dev20260713+nightly
codegen_flags: <defaults>
</compile_context>

<pallas_src>
import dataclasses
import functools

import jax
import jax.numpy as jnp
from jax import lax
from jax.experimental import pallas as pl
from jax.experimental.pallas import tpu as pltpu
from jax.experimental.pallas import tpu_sc as plsc

B, C, H, W = 8, 768, 16, 16
N = H * W
HE, KN, KE = 64, 32, 3
COUT = 768

_SC_MESH = plsc.VectorSubcoreMesh(core_axis_name="c", subcore_axis_name="s")

_EQ = HE // 4
_NH = N // 2

_SC_PARAMS = pltpu.CompilerParams()
if "needs_layout_passes" in pltpu.CompilerParams.__dataclass_fields__:
    _SC_PARAMS = dataclasses.replace(_SC_PARAMS, needs_layout_passes=False)


@functools.partial(
    pl.kernel,
    compiler_params=_SC_PARAMS,
    out_type=[
        jax.ShapeDtypeStruct((B, HE, N), jnp.float32),
        jax.ShapeDtypeStruct((B, HE, N), jnp.float32),
    ],
    mesh=_SC_MESH,
    scratch_types=[
        pltpu.VMEM((KN, HE), jnp.int32),
        pltpu.VMEM((KE, N), jnp.int32),
        pltpu.VMEM((_EQ, N), jnp.float32),
        pltpu.VMEM((HE, _NH), jnp.float32),
    ],
)
def _sc_build(hm_hbm, phi_hbm, a_hbm, p_hbm, hmv, phiv, abuf, pbuf):
    wid = lax.axis_index("s") * 2 + lax.axis_index("c")
    b = wid // 4
    q = wid % 4
    e0 = pl.multiple_of(q * _EQ, _EQ)
    n0 = pl.multiple_of(q * _NH, _NH)

    pltpu.sync_copy(hm_hbm.at[b], hmv)

    zeros16 = jnp.zeros((16,), jnp.float32)
    for r in range(_EQ):
        for c0 in range(0, N, 16):
            abuf[r, pl.ds(c0, 16)] = zeros16

    row16 = lax.iota(jnp.int32, 16)
    val_a = jnp.full((16,), 1.0 / KN, jnp.float32)
    for k in range(KN):
        plsc.addupdate_scatter(abuf, [row16, hmv[k, pl.ds(e0, _EQ)]], val_a)
    pltpu.sync_copy(abuf, a_hbm.at[b, pl.ds(e0, _EQ), :])

    @pl.when(q < 2)
    def _pt_half():
        pltpu.sync_copy(phi_hbm.at[b], phiv)
        for r in range(HE):
            for c0 in range(0, _NH, 16):
                pbuf[r, pl.ds(c0, 16)] = zeros16
        val_p = jnp.full((16,), 1.0 / KE, jnp.float32)
        for j in range(KE):
            for c0 in range(0, _NH, 16):
                eidx = phiv[j, pl.ds(n0 + c0, 16)]
                plsc.addupdate_scatter(pbuf, [eidx, row16 + c0], val_p)
        pltpu.sync_copy(pbuf, p_hbm.at[b, :, pl.ds(n0, _NH)])


def _tc_body(a_ref, p_ref, x_ref, w1_ref, b1_ref, w2_ref, b2_ref, eps_ref,
             o_ref):
    f32, bf16 = jnp.float32, jnp.bfloat16
    xm = x_ref[0]
    xb = xm.astype(bf16)
    he = lax.dot_general(xb, a_ref[0].astype(bf16), (((1,), (1,)), ((), ())),
                         preferred_element_type=f32)
    h1 = jnp.maximum(
        jnp.dot(w1_ref[...].astype(bf16), he.astype(bf16),
                preferred_element_type=f32)
        + b1_ref[0][:, None], 0.0)
    nf = jnp.dot(h1.astype(bf16), p_ref[0].astype(bf16),
                 preferred_element_type=f32)
    y = (1.0 + eps_ref[0, 0]) * xm + nf
    out = jnp.maximum(
        jnp.dot(w2_ref[...].astype(bf16), y.astype(bf16),
                preferred_element_type=f32)
        + b2_ref[0][:, None], 0.0)
    o_ref[0] = out


def kernel(x, hyperedge_matrix, point_hyperedge_index, centers, W1, b1, W2,
           b2, eps):
    del centers
    xf = x.reshape(B, C, N)
    hm_t = jnp.transpose(hyperedge_matrix, (0, 2, 1))
    phi_t = jnp.transpose(point_hyperedge_index, (0, 2, 1))
    b1r = b1.reshape(1, C)
    b2r = b2.reshape(1, COUT)
    epsr = eps.reshape(1, 1)

    a_mat, p_mat = _sc_build(hm_t, phi_t)

    out = pl.pallas_call(
        _tc_body,
        grid=(B,),
        in_specs=[
            pl.BlockSpec((1, HE, N), lambda b: (b, 0, 0)),
            pl.BlockSpec((1, HE, N), lambda b: (b, 0, 0)),
            pl.BlockSpec((1, C, N), lambda b: (b, 0, 0)),
            pl.BlockSpec((COUT, C), lambda b: (0, 0)),
            pl.BlockSpec((1, C), lambda b: (0, 0)),
            pl.BlockSpec((COUT, C), lambda b: (0, 0)),
            pl.BlockSpec((1, COUT), lambda b: (0, 0)),
            pl.BlockSpec((1, 1), lambda b: (0, 0), memory_space=pltpu.SMEM),
        ],
        out_specs=pl.BlockSpec((1, COUT, N), lambda b: (b, 0, 0)),
        out_shape=jax.ShapeDtypeStruct((B, COUT, N), jnp.float32),
    )(a_mat, p_mat, xf, W1, b1r, W2, b2r, epsr)
    return out.reshape(B, COUT, H, W)

# --- scband reference (transcript-rebuilt; emitter-appended) ---
"""Pipeline reference for scband-hypergraph-conv2d-62835371541170 (READ-ONLY COPY).

The authoritative reference and input builder live on the scoring server;
editing this copy changes nothing except your own understanding.
"""

import jax, jax.numpy as jnp
import numpy as np


def batched_index_select(x, idx):
    # x: (B, C, M, 1); idx: (B, V, K) -> (B, C, V, K)
    B, C, M, _ = x.shape
    _, V, K = idx.shape
    f = x[..., 0]  # (B, C, M)
    idxf = jnp.broadcast_to(idx.reshape(B, 1, V * K), (B, C, V * K))
    g = jnp.take_along_axis(f, idxf, axis=2)
    return g.reshape(B, C, V, K)


def conv1x1(x, W, b):
    # x: (B, C, H, W); W: (Cout, Cin); b: (Cout,)
    return jnp.einsum('oc,bchw->bohw', W, x) + b[None, :, None, None]


def setup_inputs(seed: int = 0):
    key = jax.random.key(seed)
    ks = jax.random.split(key, 8)
    B, C, H, W = 8, 768, 16, 16
    N = H * W
    He, Kn, Ke = 64, 32, 3
    Cout = 768
    x = jax.random.normal(ks[0], (B, C, H, W), dtype=jnp.float32)
    hyperedge_matrix = jax.random.randint(ks[1], (B, He, Kn), 0, N, dtype=jnp.int32)
    point_hyperedge_index = jax.random.randint(ks[2], (B, N, Ke), 0, He, dtype=jnp.int32)
    centers = jax.random.normal(ks[3], (B, C, He), dtype=jnp.float32)
    W1 = jax.random.normal(ks[4], (C, C), dtype=jnp.float32) * (1.0 / np.sqrt(C))
    b1 = jnp.zeros((C,), dtype=jnp.float32)
    W2 = jax.random.normal(ks[5], (Cout, C), dtype=jnp.float32) * (1.0 / np.sqrt(C))
    b2 = jnp.zeros((Cout,), dtype=jnp.float32)
    eps = jnp.zeros((1,), dtype=jnp.float32)
    return {"x": x, "hyperedge_matrix": hyperedge_matrix,
            "point_hyperedge_index": point_hyperedge_index, "centers": centers,
            "W1": W1, "b1": b1, "W2": W2, "b2": b2, "eps": eps}


def reference(x, hyperedge_matrix, point_hyperedge_index, centers, W1, b1, W2, b2, eps):
    B, C, H, W = x.shape
    N = H * W
    xr = x.reshape(B, C, N, 1)
    # hyperedge_matrix: (B, He, Kn) -> transpose(1,2): (B, Kn, He)
    hm_t = jnp.transpose(hyperedge_matrix, (0, 2, 1))
    # gather node feats of each hyperedge member: (B, C, Kn, He)
    he = batched_index_select(xr, hm_t)
    # mean over member nodes (dim=2), keepdim: (B, C, 1, He)
    he = jnp.mean(he, axis=2, keepdims=True)
    # transpose(2,3): (B, C, He, 1)
    he = jnp.transpose(he, (0, 1, 3, 2))
    # nn_node_to_hyperedge: Conv2d 1x1 (C->C) + ReLU
    he = jax.nn.relu(conv1x1(he, W1, b1))
    # gather hyperedge feats per node: (B, C, N, Ke)
    nf = batched_index_select(he, point_hyperedge_index)
    nf = jnp.mean(nf, axis=-1, keepdims=True)  # (B, C, N, 1)
    nf = (1.0 + eps) * xr + nf
    # nn_hyperedge_to_node: Conv2d 1x1 (C->Cout) + ReLU
    out = jax.nn.relu(conv1x1(nf, W2, b2))
    return out.reshape(B, -1, H, W)

if __name__ == "__main__":
    import jax
    _d = setup_inputs()
    print(jax.jit(kernel)(*tuple(_d.values())))

</pallas_src>

<mosaic_0001>
#map = affine_map<(d0, d1) -> (0, 0, 0)>
module attributes {stable_mosaic.version = 14 : i64} {
  func.func @_sc_build(%arg0: i32, %arg1: i32, %arg2: memref<8x32x64xi32, #tpu.memory_space<hbm>>, %arg3: memref<8x3x256xi32, #tpu.memory_space<hbm>>, %arg4: memref<8x64x256xf32, #tpu.memory_space<hbm>>, %arg5: memref<8x64x256xf32, #tpu.memory_space<hbm>>, %arg6: memref<32x64xi32, #tpu.memory_space<vmem>>, %arg7: memref<3x256xi32, #tpu.memory_space<vmem>>, %arg8: memref<16x256xf32, #tpu.memory_space<vmem>>, %arg9: memref<64x128xf32, #tpu.memory_space<vmem>>) attributes {dimension_semantics = [#tpu.dimension_semantics<core_parallel>, #tpu.dimension_semantics<subcore_parallel>], iteration_bounds = array<i64: 2, 16>, scalar_prefetch = 0 : i64, scratch_operands = 4 : i64, tpu.core_type = #tpu.core_type<sc_vector_subcore>, window_params = [{transform_indices = #map}, {transform_indices = #map}, {transform_indices = #map}, {transform_indices = #map}]} {
    %mul3A = arith.constant 2 : i32
    %mul3A_0 = arith.muli %arg1, %mul3A : i32
    %add3A = arith.addi %mul3A_0, %arg0 : i32
    %jit3A = arith.constant 4 : i32
    %div3A = arith.divsi %add3A, %jit3A : i32
    %sign3A = arith.constant 0 : i32
    %sign3A_1 = arith.cmpi sgt, %add3A, %sign3A : i32
    %sign3A_2 = arith.extui %sign3A_1 : i1 to i32
    %sign3A_3 = arith.constant 0 : i32
    %sign3A_4 = arith.cmpi slt, %add3A, %sign3A_3 : i32
    %sign3A_5 = arith.extui %sign3A_4 : i1 to i32
    %sign3A_6 = arith.subi %sign3A_2, %sign3A_5 : i32
    %sign3A_7 = arith.constant 0 : i32
    %sign3A_8 = arith.cmpi sgt, %jit3A, %sign3A_7 : i32
    %sign3A_9 = arith.extui %sign3A_8 : i1 to i32
    %sign3A_10 = arith.constant 0 : i32
    %sign3A_11 = arith.cmpi slt, %jit3A, %sign3A_10 : i32
    %sign3A_12 = arith.extui %sign3A_11 : i1 to i32
    %sign3A_13 = arith.subi %sign3A_9, %sign3A_12 : i32
    %ne3A = arith.cmpi ne, %sign3A_6, %sign3A_13 : i32
    %rem3A = arith.remsi %add3A, %jit3A : i32
    %ne3A_14 = arith.constant 0 : i32
    %ne3A_15 = arith.cmpi ne, %rem3A, %ne3A_14 : i32
    %and3A = arith.andi %ne3A, %ne3A_15 : i1
    %sub3A = arith.constant 1 : i32
    %sub3A_16 = arith.subi %div3A, %sub3A : i32
    %select_n3A = arith.select %and3A, %sub3A_16, %div3A : i32
    %jit3A_17 = arith.constant 4 : i32
    %eq3A = arith.constant 0 : i32
    %eq3A_18 = arith.cmpi eq, %jit3A_17, %eq3A : i32
    %jit3A_19 = arith.constant 1 : i32
    %select_n3A_20 = arith.select %eq3A_18, %jit3A_19, %jit3A_17 : i32
    %rem3A_21 = arith.remsi %add3A, %select_n3A_20 : i32
    %ne3A_22 = arith.constant 0 : i32
    %ne3A_23 = arith.cmpi ne, %rem3A_21, %ne3A_22 : i32
    %lt3A = arith.constant 0 : i32
    %lt3A_24 = arith.cmpi slt, %rem3A_21, %lt3A : i32
    %lt3A_25 = arith.constant 0 : i32
    %lt3A_26 = arith.cmpi slt, %select_n3A_20, %lt3A_25 : i32
    %ne3A_27 = arith.xori %lt3A_24, %lt3A_26 : i1
    %and3A_28 = arith.andi %ne3A_27, %ne3A_23 : i1
    %add3A_29 = arith.addi %rem3A_21, %select_n3A_20 : i32
    %select_n3A_30 = arith.select %and3A_28, %add3A_29, %rem3A_21 : i32
    %mul3A_31 = arith.constant 16 : i32
    %mul3A_32 = arith.muli %select_n3A_30, %mul3A_31 : i32
    %multiple_of3A = tpu.assume_multiple %mul3A_32, 16 : i32
    %mul3A_33 = arith.constant 128 : i32
    %mul3A_34 = arith.muli %select_n3A_30, %mul3A_33 : i32
    %multiple_of3A_35 = tpu.assume_multiple %mul3A_34, 128 : i32
    "tpu.region"() ({
      %run_scoped3A = tpu.sem_alloc : memref<!tpu.dma_semaphore, #tpu.memory_space<semaphore_mem>>
      %dma_start3A = arith.constant 0 : i32
      %dma_start3A_1192 = arith.constant 0 : i32
      %dma_start3A_1193 = tpu.memref_slice %arg2[%select_n3A, %dma_start3A, %dma_start3A_1192] : memref<8x32x64xi32, #tpu.memory_space<hbm>> -> memref<1x32x64xi32, #tpu.memory_space<hbm>>
      %dma_start3A_1194 = tpu.memref_squeeze %dma_start3A_1193 : memref<1x32x64xi32, #tpu.memory_space<hbm>> -> memref<32x64xi32, #tpu.memory_space<hbm>>
      %dma_start3A_1195 = arith.constant 0 : i32
      %dma_start3A_1196 = arith.constant 0 : i32
      %dma_start3A_1197 = tpu.memref_slice %arg2[%select_n3A, %dma_start3A_1195, %dma_start3A_1196] : memref<8x32x64xi32, #tpu.memory_space<hbm>> -> memref<1x32x64xi32, #tpu.memory_space<hbm>>
      %dma_start3A_1198 = tpu.memref_squeeze %dma_start3A_1197 : memref<1x32x64xi32, #tpu.memory_space<hbm>> -> memref<32x64xi32, #tpu.memory_space<hbm>>
      tpu.enqueue_dma source(%dma_start3A_1198 : memref<32x64xi32, #tpu.memory_space<hbm>>) target(%arg6 : memref<32x64xi32, #tpu.memory_space<vmem>>) target_semaphore(%run_scoped3A : memref<!tpu.dma_semaphore, #tpu.memory_space<semaphore_mem>>)
      %dma_wait3A = arith.constant 0 : i32
      %dma_wait3A_1199 = arith.constant 0 : i32
      %dma_wait3A_1200 = tpu.memref_slice %arg2[%select_n3A, %dma_wait3A, %dma_wait3A_1199] : memref<8x32x64xi32, #tpu.memory_space<hbm>> -> memref<1x32x64xi32, #tpu.memory_space<hbm>>
      %dma_wait3A_1201 = tpu.memref_squeeze %dma_wait3A_1200 : memref<1x32x64xi32, #tpu.memory_space<hbm>> -> memref<32x64xi32, #tpu.memory_space<hbm>>
      %dma_wait3A_1202 = arith.constant 0 : i32
      %dma_wait3A_1203 = arith.constant 0 : i32
      %dma_wait3A_1204 = tpu.memref_slice %arg2[%select_n3A, %dma_wait3A_1202, %dma_wait3A_1203] : memref<8x32x64xi32, #tpu.memory_space<hbm>> -> memref<1x32x64xi32, #tpu.memory_space<hbm>>
      %dma_wait3A_1205 = tpu.memref_squeeze %dma_wait3A_1204 : memref<1x32x64xi32, #tpu.memory_space<hbm>> -> memref<32x64xi32, #tpu.memory_space<hbm>>
      tpu.wait_dma2 semaphore(%run_scoped3A : memref<!tpu.dma_semaphore, #tpu.memory_space<semaphore_mem>>) src(%dma_wait3A_1205 : memref<32x64xi32, #tpu.memory_space<hbm>>) dst(%arg6 : memref<32x64xi32, #tpu.memory_space<vmem>>)
      tpu.yield
    }) : () -> ()
    %broadcast_in_dim3A = arith.constant 0.000000e+00 : f32
    %broadcast_in_dim3A_36 = vector.broadcast %broadcast_in_dim3A : f32 to vector<16xf32>
    %swap3A = arith.constant 0 : i32
    %swap3A_37 = arith.index_cast %swap3A : i32 to index
    %swap3A_38 = arith.constant 0 : index
    %swap3A_39 = tpu.vector_load %arg8[%swap3A_37, %swap3A_38] {strides = array<i32>} : memref<16x256xf32, #tpu.memory_space<vmem>>, vector<16xf32>,
    tpu.vector_store %arg8[%swap3A_37, %swap3A_38], %broadcast_in_dim3A_36 {strides = array<i32>} : memref<16x256xf32, #tpu.memory_space<vmem>>, vector<16xf32>,
    %swap3A_40 = arith.constant 0 : i32
    %swap3A_41 = arith.index_cast %swap3A_40 : i32 to index
    %swap3A_42 = arith.constant 16 : index
    %swap3A_43 = tpu.vector_load %arg8[%swap3A_41, %swap3A_42] {strides = array<i32>} : memref<16x256xf32, #tpu.memory_space<vmem>>, vector<16xf32>,
    tpu.vector_store %arg8[%swap3A_41, %swap3A_42], %broadcast_in_dim3A_36 {strides = array<i32>} : memref<16x256xf32, #tpu.memory_space<vmem>>, vector<16xf32>,
    %swap3A_44 = arith.constant 0 : i32
    %swap3A_45 = arith.index_cast %swap3A_44 : i32 to index
    %swap3A_46 = arith.constant 32 : index
    %swap3A_47 = tpu.vector_load %arg8[%swap3A_45, %swap3A_46] {strides = array<i32>} : memref<16x256xf32, #tpu.memory_space<vmem>>, vector<16xf32>,
    tpu.vector_store %arg8[%swap3A_45, %swap3A_46], %broadcast_in_dim3A_36 {strides = array<i32>} : memref<16x256xf32, #tpu.memory_space<vmem>>, vector<16xf32>,
    %swap3A_48 = arith.constant 0 : i32
    %swap3A_49 = arith.index_cast %swap3A_48 : i32 to index
    %swap3A_50 = arith.constant 48 : index
    %swap3A_51 = tpu.vector_load %arg8[%swap3A_49, %swap3A_50] {strides = array<i32>} : memref<16x256xf32, #tpu.memory_space<vmem>>, vector<16xf32>,
    tpu.vector_store %arg8[%swap3A_49, %swap3A_50], %broadcast_in_dim3A_36 {strides = array<i32>} : memref<16x256xf32, #tpu.memory_space<vmem>>, vector<16xf32>,
    %swap3A_52 = arith.constant 0 : i32
    %swap3A_53 = arith.index_cast %swap3A_52 : i32 to index
    %swap3A_54 = arith.constant 64 : index
    %swap3A_55 = tpu.vector_load %arg8[%swap3A_53, %swap3A_54] {strides = array<i32>} : memref<16x256xf32, #tpu.memory_space<vmem>>, vector<16xf32>,
    tpu.vector_store %arg8[%swap3A_53, %swap3A_54], %broadcast_in_dim3A_36 {strides = array<i32>} : memref<16x256xf32, #tpu.memory_space<vmem>>, vector<16xf32>,
    %swap3A_56 = arith.constant 0 : i32
    %swap3A_57 = arith.index_cast %swap3A_56 : i32 to index
    %swap3A_58 = arith.constant 80 : index
    %swap3A_59 = tpu.vector_load %arg8[%swap3A_57, %swap3A_58] {strides = array<i32>} : memref<16x256xf32, #tpu.memory_space<vmem>>, vector<16xf32>,
    tpu.vector_store %arg8[%swap3A_57, %swap3A_58], %broadcast_in_dim3A_36 {strides = array<i32>} : memref<16x256xf32, #tpu.memory_space<vmem>>, vector<16xf32>,
    %swap3A_60 = arith.constant 0 : i32
    %swap3A_61 = arith.index_cast %swap3A_60 : i32 to index
    %swap3A_62 = arith.constant 96 : index
    %swap3A_63 = tpu.vector_load %arg8[%swap3A_61, %swap3A_62] {strides = array<i32>} : memref<16x256xf32, #tpu.memory_space<vmem>>, vector<16xf32>,
    tpu.vector_store %arg8[%swap3A_61, %swap3A_62], %broadcast_in_dim3A_36 {strides = array<i32>} : memref<16x256xf32, #tpu.memory_space<vmem>>, vector<16xf32>,
    %swap3A_64 = arith.constant 0 : i32
    %swap3A_65 = arith.index_cast %swap3A_64 : i32 to index
    %swap3A_66 = arith.constant 112 : index
    %swap3A_67 = tpu.vector_load %arg8[%swap3A_65, %swap3A_66] {strides = array<i32>} : memref<16x256xf32, #tpu.memory_space<vmem>>, vector<16xf32>,
    tpu.vector_store %arg8[%swap3A_65, %swap3A_66], %broadcast_in_dim3A_36 {strides = array<i32>} : memref<16x256xf32, #tpu.memory_space<vmem>>, vector<16xf32>,
    %swap3A_68 = arith.constant 0 : i32
    %swap3A_69 = arith.index_cast %swap3A_68 : i32 to index
    %swap3A_70 = arith.constant 128 : index
    %swap3A_71 = tpu.vector_load %arg8[%swap3A_69, %swap3A_70] {strides = array<i32>} : memref<16x256xf32, #tpu.memory_space<vmem>>, vector<16xf32>,
    tpu.vector_store %arg8[%swap3A_69, %swap3A_70], %broadcast_in_dim3A_36 {strides = array<i32>} : memref<16x256xf32, #tpu.memory_space<vmem>>, vector<16xf32>,
    %swap3A_72 = arith.constant 0 : i32
    %swap3A_73 = arith.index_cast %swap3A_72 : i32 to index
    %swap3A_74 = arith.constant 144 : index
    %swap3A_75 = tpu.vector_load %arg8[%swap3A_73, %swap3A_74] {strides = array<i32>} : memref<16x256xf32, #tpu.memory_space<vmem>>, vector<16xf32>,
    tpu.vector_store %arg8[%swap3A_73, %swap3A_74], %broadcast_in_dim3A_36 {strides = array<i32>} : memref<16x256xf32, #tpu.memory_space<vmem>>, vector<16xf32>,
    %swap3A_76 = arith.constant 0 : i32
    %swap3A_77 = arith.index_cast %swap3A_76 : i32 to index
    %swap3A_78 = arith.constant 160 : index
    %swap3A_79 = tpu.vector_load %arg8[%swap3A_77, %swap3A_78] {strides = array<i32>} : memref<16x256xf32, #tpu.memory_space<vmem>>, vector<16xf32>,
    tpu.vector_store %arg8[%swap3A_77, %swap3A_78], %broadcast_in_dim3A_36 {strides = array<i32>} : memref<16x256xf32, #tpu.memory_space<vmem>>, vector<16xf32>,
    %swap3A_80 = arith.constant 0 : i32
    %swap3A_81 = arith.index_cast %swap3A_80 : i32 to index
    %swap3A_82 = arith.constant 176 : index
    %swap3A_83 = tpu.vector_load %arg8[%swap3A_81, %swap3A_82] {strides = array<i32>} : memref<16x256xf32, #tpu.memory_space<vmem>>, vector<16xf32>,
    tpu.vector_store %arg8[%swap3A_81, %swap3A_82], %broadcast_in_dim3A_36 {strides = array<i32>} : memref<16x256xf32, #tpu.memory_space<vmem>>, vector<16xf32>,
    %swap3A_84 = arith.constant 0 : i32
    %swap3A_85 = arith.index_cast %swap3A_84 : i32 to index
    %swap3A_86 = arith.constant 192 : index
    %swap3A_87 = tpu.vector_load %arg8[%swap3A_85, %swap3A_86] {strides = array<i32>} : memref<16x256xf32, #tpu.memory_space<vmem>>, vector<16xf32>,
    tpu.vector_store %arg8[%swap3A_85, %swap3A_86], %broadcast_in_dim3A_36 {strides = array<i32>} : memref<16x256xf32, #tpu.memory_space<vmem>>, vector<16xf32>,
    %swap3A_88 = arith.constant 0 : i32
    %swap3A_89 = arith.index_cast %swap3A_88 : i32 to index
    %swap3A_90 = arith.constant 208 : index
    %swap3A_91 = tpu.vector_load %arg8[%swap3A_89, %swap3A_90] {strides = array<i32>} : memref<16x256xf32, #tpu.memory_space<vmem>>, vector<16xf32>,
    tpu.vector_store %arg8[%swap3A_89, %swap3A_90], %broadcast_in_dim3A_36 {strides = array<i32>} : memref<16x256xf32, #tpu.memory_space<vmem>>, vector<16xf32>,
    %swap3A_92 = arith.constant 0 : i32
    %swap3A_93 = arith.index_cast %swap3A_92 : i32 to index
    %swap3A_94 = arith.constant 224 : index
    %swap3A_95 = tpu.vector_load %arg8[%swap3A_93, %swap3A_94] {strides = array<i32>} : memref<16x256xf32, #tpu.memory_space<vmem>>, vector<16xf32>,
    tpu.vector_store %arg8[%swap3A_93, %swap3A_94], %broadcast_in_dim3A_36 {strides = array<i32>} : memref<16x256xf32, #tpu.memory_space<vmem>>, vector<16xf32>,
    %swap3A_96 = arith.constant 0 : i32
    %swap3A_97 = arith.index_cast %swap3A_96 : i32 to index
    %swap3A_98 = arith.constant 240 : index
    %swap3A_99 = tpu.vector_load %arg8[%swap3A_97, %swap3A_98] {strides = array<i32>} : memref<16x256xf32, #tpu.memory_space<vmem>>, vector<16xf32>,
    tpu.vector_store %arg8[%swap3A_97, %swap3A_98], %broadcast_in_dim3A_36 {strides = array<i32>} : memref<16x256xf32, #tpu.memory_space<vmem>>, vector<16xf32>,
    %swap3A_100 = arith.constant 1 : i32
    %swap3A_101 = arith.index_cast %swap3A_100 : i32 to index
    %swap3A_102 = arith.constant 0 : index
    %swap3A_103 = tpu.vector_load %arg8[%swap3A_101, %swap3A_102] {strides = array<i32>} : memref<16x256xf32, #tpu.memory_space<vmem>>, vector<16xf32>,
    tpu.vector_store %arg8[%swap3A_101, %swap3A_102], %broadcast_in_dim3A_36 {strides = array<i32>} : memref<16x256xf32, #tpu.memory_space<vmem>>, vector<16xf32>,
    %swap3A_104 = arith.constant 1 : i32
    %swap3A_105 = arith.index_cast %swap3A_104 : i32 to index
    %swap3A_106 = arith.constant 16 : index
    %swap3A_107 = tpu.vector_load %arg8[%swap3A_105, %swap3A_106] {strides = array<i32>} : memref<16x256xf32, #tpu.memory_space<vmem>>, vector<16xf32>,
    tpu.vector_store %arg8[%swap3A_105, %swap3A_106], %broadcast_in_dim3A_36 {strides = array<i32>} : memref<16x256xf32, #tpu.memory_space<vmem>>, vector<16xf32>,
    %swap3A_108 = arith.constant 1 : i32
    %swap3A_109 = arith.index_cast %swap3A_108 : i32 to index
    %swap3A_110 = arith.constant 32 : index
    %swap3A_111 = tpu.vector_load %arg8[%swap3A_109, %swap3A_110] {strides = array<i32>} : memref<16x256xf32, #tpu.memory_space<vmem>>, vector<16xf32>,
    tpu.vector_store %arg8[%swap3A_109, %swap3A_110], %broadcast_in_dim3A_36 {strides = array<i32>} : memref<16x256xf32, #tpu.memory_space<vmem>>, vector<16xf32>,
    %swap3A_112 = arith.constant 1 : i32
    %swap3A_113 = arith.index_cast %swap3A_112 : i32 to index
    %swap3A_114 = arith.constant 48 : index
    %swap3A_115 = tpu.vector_load %arg8[%swap3A_113, %swap3A_114] {strides = array<i32>} : memref<16x256xf32, #tpu.memory_space<vmem>>, vector<16xf32>,
    tpu.vector_store %arg8[%swap3A_113, %swap3A_114], %broadcast_in_dim3A_36 {strides = array<i32>} : memref<16x256xf32, #tpu.memory_space<vmem>>, vector<16xf32>,
    %swap3A_116 = arith.constant 1 : i32
    %swap3A_117 = arith.index_cast %swap3A_116 : i32 to index
    %swap3A_118 = arith.constant 64 : index
    %swap3A_119 = tpu.vector_load %arg8[%swap3A_117, %swap3A_118] {strides = array<i32>} : memref<16x256xf32, #tpu.memory_space<vmem>>, vector<16xf32>,
    tpu.vector_store %arg8[%swap3A_117, %swap3A_118], %broadcast_in_dim3A_36 {strides = array<i32>} : memref<16x256xf32, #tpu.memory_space<vmem>>, vector<16xf32>,
    %swap3A_120 = arith.constant 1 : i32
    %swap3A_121 = arith.index_cast %swap3A_120 : i32 to index
    %swap3A_122 = arith.constant 80 : index
    %swap3A_123 = tpu.vector_load %arg8[%swap3A_121, %swap3A_122] {strides = array<i32>} : memref<16x256xf32, #tpu.memory_space<vmem>>, vector<16xf32>,
    tpu.vector_store %arg8[%swap3A_121, %swap3A_122], %broadcast_in_dim3A_36 {strides = array<i32>} : memref<16x256xf32, #tpu.memory_space<vmem>>, vector<16xf32>,
    %swap3A_124 = arith.constant 1 : i32
    %swap3A_125 = arith.index_cast %swap3A_124 : i32 to index
    %swap3A_126 = arith.constant 96 : index
    %swap3A_127 = tpu.vector_load %arg8[%swap3A_125, %swap3A_126] {strides = array<i32>} : memref<16x256xf32, #tpu.memory_space<vmem>>, vector<16xf32>,
    tpu.vector_store %arg8[%swap3A_125, %swap3A_126], %broadcast_in_dim3A_36 {strides = array<i32>} : memref<16x256xf32, #tpu.memory_space<vmem>>, vector<16xf32>,
    %swap3A_128 = arith.constant 1 : i32
    %swap3A_129 = arith.index_cast %swap3A_128 : i32 to index
    %swap3A_130 = arith.constant 112 : index
    %swap3A_131 = tpu.vector_load %arg8[%swap3A_129, %swap3A_130] {strides = array<i32>} : memref<16x256xf32, #tpu.memory_space<vmem>>, vector<16xf32>,
    tpu.vector_store %arg8[%swap3A_129, %swap3A_130], %broadcast_in_dim3A_36 {strides = array<i32>} : memref<16x256xf32, #tpu.memory_space<vmem>>, vector<16xf32>,
    %swap3A_132 = arith.constant 1 : i32
    %swap3A_133 = arith.index_cast %swap3A_132 : i32 to index
    %swap3A_134 = arith.constant 128 : index
    %swap3A_135 = tpu.vector_load %arg8[%swap3A_133, %swap3A_134] {strides = array<i32>} : memref<16x256xf32, #tpu.memory_space<vmem>>, vector<16xf32>,
    tpu.vector_store %arg8[%swap3A_133, %swap3A_134], %broadcast_in_dim3A_36 {strides = array<i32>} : memref<16x256xf32, #tpu.memory_space<vmem>>, vector<16xf32>,
    %swap3A_136 = arith.constant 1 : i32
    %swap3A_137 = arith.index_cast %swap3A_136 : i32 to index
    %swap3A_138 = arith.constant 144 : index
    %swap3A_139 = tpu.vector_load %arg8[%swap3A_137, %swap3A_138] {strides = array<i32>} : memref<16x256xf32, #tpu.memory_space<vmem>>, vector<16xf32>,
    tpu.vector_store %arg8[%swap3A_137, %swap3A_138], %broadcast_in_dim3A_36 {strides = array<i32>} : memref<16x256xf32, #tpu.memory_space<vmem>>, vector<16xf32>,
    %swap3A_140 = arith.constant 1 : i32
    %swap3A_141 = arith.index_cast %swap3A_140 : i32 to index
    %swap3A_142 = arith.constant 160 : index
    %swap3A_143 = tpu.vector_load %arg8[%swap3A_141, %swap3A_142] {strides = array<i32>} : memref<16x256xf32, #tpu.memory_space<vmem>>, vector<16xf32>,
    tpu.vector_store %arg8[%swap3A_141, %swap3A_142], %broadcast_in_dim3A_36 {strides = array<i32>} : memref<16x256xf32, #tpu.memory_space<vmem>>, vector<16xf32>,
    %swap3A_144 = arith.constant 1 : i32
    %swap3A_145 = arith.index_cast %swap3A_144 : i32 to index
    %swap3A_146 = arith.constant 176 : index
    %swap3A_147 = tpu.vector_load %arg8[%swap3A_145, %swap3A_146] {strides = array<i32>} : memref<16x256xf32, #tpu.memory_space<vmem>>, vector<16xf32>,
    tpu.vector_store %arg8[%swap3A_145, %swap3A_146], %broadcast_in_dim3A_36 {strides = array<i32>} : memref<16x256xf32, #tpu.memory_space<vmem>>, vector<16xf32>,
    %swap3A_148 = arith.constant 1 : i32
    %swap3A_149 = arith.index_cast %swap3A_148 : i32 to index
    %swap3A_150 = arith.constant 192 : index
    %swap3A_151 = tpu.vector_load %arg8[%swap3A_149, %swap3A_150] {strides = array<i32>} : memref<16x256xf32, #tpu.memory_space<vmem>>, vector<16xf32>,
    tpu.vector_store %arg8[%swap3A_149, %swap3A_150], %broadcast_in_dim3A_36 {strides = array<i32>} : memref<16x256xf32, #tpu.memory_space<vmem>>, vector<16xf32>,
    %swap3A_152 = arith.constant 1 : i32
    %swap3A_153 = arith.index_cast %swap3A_152 : i32 to index
    %swap3A_154 = arith.constant 208 : index
    %swap3A_155 = tpu.vector_load %arg8[%swap3A_153, %swap3A_154] {strides = array<i32>} : memref<16x256xf32, #tpu.memory_space<vmem>>, vector<16xf32>,
    tpu.vector_store %arg8[%swap3A_153, %swap3A_154], %broadcast_in_dim3A_36 {strides = array<i32>} : memref<16x256xf32, #tpu.memory_space<vmem>>, vector<16xf32>,
    %swap3A_156 = arith.constant 1 : i32
    %swap3A_157 = arith.index_cast %swap3A_156 : i32 to index
    %swap3A_158 = arith.constant 224 : index
    %swap3A_159 = tpu.vector_load %arg8[%swap3A_157, %swap3A_158] {strides = array<i32>} : memref<16x256xf32, #tpu.memory_space<vmem>>, vector<16xf32>,
    tpu.vector_store %arg8[%swap3A_157, %swap3A_158], %broadcast_in_dim3A_36 {strides = array<i32>} : memref<16x256xf32, #tpu.memory_space<vmem>>, vector<16xf32>,
    %swap3A_160 = arith.constant 1 : i32
    %swap3A_161 = arith.index_cast %swap3A_160 : i32 to index
    %swap3A_162 = arith.constant 240 : index
    %swap3A_163 = tpu.vector_load %arg8[%swap3A_161, %swap3A_162] {strides = array<i32>} : memref<16x256xf32, #tpu.memory_space<vmem>>, vector<16xf32>,
    tpu.vector_store %arg8[%swap3A_161, %swap3A_162], %broadcast_in_dim3A_36 {strides = array<i32>} : memref<16x256xf32, #tpu.memory_space<vmem>>, vector<16xf32>,
    %swap3A_164 = arith.constant 2 : i32
    %swap3A_165 = arith.index_cast %swap3A_164 : i32 to index
    %swap3A_166 = arith.constant 0 : index
    %swap3A_167 = tpu.vector_load %arg8[%swap3A_165, %swap3A_166] {strides = array<i32>} : memref<16x256xf32, #tpu.memory_space<vmem>>, vector<16xf32>,
    tpu.vector_store %arg8[%swap3A_165, %swap3A_166], %broadcast_in_dim3A_36 {strides = array<i32>} : memref<16x256xf32, #tpu.memory_space<vmem>>, vector<16xf32>,
    %swap3A_168 = arith.constant 2 : i32
    %swap3A_169 = arith.index_cast %swap3A_168 : i32 to index
    %swap3A_170 = arith.constant 16 : index
    %swap3A_171 = tpu.vector_load %arg8[%swap3A_169, %swap3A_170] {strides = array<i32>} : memref<16x256xf32, #tpu.memory_space<vmem>>, vector<16xf32>,
    tpu.vector_store %arg8[%swap3A_169, %swap3A_170], %broadcast_in_dim3A_36 {strides = array<i32>} : memref<16x256xf32, #tpu.memory_space<vmem>>, vector<16xf32>,
    %swap3A_172 = arith.constant 2 : i32
    %swap3A_173 = arith.index_cast %swap3A_172 : i32 to index
    %swap3A_174 = arith.constant 32 : index
    %swap3A_175 = tpu.vector_load %arg8[%swap3A_173, %swap3A_174] {strides = array<i32>} : memref<16x256xf32, #tpu.memory_space<vmem>>, vector<16xf32>,
    tpu.vector_store %arg8[%swap3A_173, %swap3A_174], %broadcast_in_dim3A_36 {strides = array<i32>} : memref<16x256xf32, #tpu.memory_space<vmem>>, vector<16xf32>,
    %swap3A_176 = arith.constant 2 : i32
    %swap3A_177 = arith.index_cast %swap3A_176 : i32 to index
    %swap3A_178 = arith.constant 48 : index
    %swap3A_179 = tpu.vector_load %arg8[%swap3A_177, %swap3A_178] {strides = array<i32>} : memref<16x256xf32, #tpu.memory_space<vmem>>, vector<16xf32>,
    tpu.vector_store %arg8[%swap3A_177, %swap3A_178], %broadcast_in_dim3A_36 {strides = array<i32>} : memref<16x256xf32, #tpu.memory_space<vmem>>, vector<16xf32>,
    %swap3A_180 = arith.constant 2 : i32
    %swap3A_181 = arith.index_cast %swap3A_180 : i32 to index
    %swap3A_182 = arith.constant 64 : index
    %swap3A_183 = tpu.vector_load %arg8[%swap3A_181, %swap3A_182] {strides = array<i32>} : memref<16x256xf32, #tpu.memory_space<vmem>>, vector<16xf32>,
    tpu.vector_store %arg8[%swap3A_181, %swap3A_182], %broadcast_in_dim3A_36 {strides = array<i32>} : memref<16x256xf32, #tpu.memory_space<vmem>>, vector<16xf32>,
    %swap3A_184 = arith.constant 2 : i32
    %swap3A_185 = arith.index_cast %swap3A_184 : i32 to index
    %swap3A_186 = arith.constant 80 : index
    %swap3A_187 = tpu.vector_load %arg8[%swap3A_185, %swap3A_186] {strides = array<i32>} : memref<16x256xf32, #tpu.memory_space<vmem>>, vector<16xf32>,
    tpu.vector_store %arg8[%swap3A_185, %swap3A_186], %broadcast_in_dim3A_36 {strides = array<i32>} : memref<16x256xf32, #tpu.memory_space<vmem>>, vector<16xf32>,
    %swap3A_188 = arith.constant 2 : i32
    %swap3A_189 = arith.index_cast %swap3A_188 : i32 to index
    %swap3A_190 = arith.constant 96 : index
    %swap3A_191 = tpu.vector_load %arg8[%swap3A_189, %swap3A_190] {strides = array<i32>} : memref<16x256xf32, #tpu.memory_space<vmem>>, vector<16xf32>,
    tpu.vector_store %arg8[%swap3A_189, %swap3A_190], %broadcast_in_dim3A_36 {strides = array<i32>} : memref<16x256xf32, #tpu.memory_space<vmem>>, vector<16xf32>,
    %swap3A_192 = arith.constant 2 : i32
    %swap3A_193 = arith.index_cast %swap3A_192 : i32 to index
    %swap3A_194 = arith.constant 112 : index
    %swap3A_195 = tpu.vector_load %arg8[%swap3A_193, %swap3A_194] {strides = array<i32>} : memref<16x256xf32, #tpu.memory_space<vmem>>, vector<16xf32>,
    tpu.vector_store %arg8[%swap3A_193, %swap3A_194], %broadcast_in_dim3A_36 {strides = array<i32>} : memref<16x256xf32, #tpu.memory_space<vmem>>, vector<16xf32>,
    %swap3A_196 = arith.constant 2 : i32
    %swap3A_197 = arith.index_cast %swap3A_196 : i32 to index
    %swap3A_198 = arith.constant 128 : index
    %swap3A_199 = tpu.vector_load %arg8[%swap3A_197, %swap3A_198] {strides = array<i32>} : memref<16x256xf32, #tpu.memory_space<vmem>>, vector<16xf32>,
    tpu.vector_store %arg8[%swap3A_197, %swap3A_198], %broadcast_in_dim3A_36 {strides = array<i32>} : memref<16x256xf32, #tpu.memory_space<vmem>>, vector<16xf32>,
    %swap3A_200 = arith.constant 2 : i32
    %swap3A_201 = arith.index_cast %swap3A_200 : i32 to index
    %swap3A_202 = arith.constant 144 : index
    %swap3A_203 = tpu.vector_load %arg8[%swap3A_201, %swap3A_202] {strides = array<i32>} : memref<16x256xf32, #tpu.memory_space<vmem>>, vector<16xf32>,
    tpu.vector_store %arg8[%swap3A_201, %swap3A_202], %broadcast_in_dim3A_36 {strides = array<i32>} : memref<16x256xf32, #tpu.memory_space<vmem>>, vector<16xf32>,
    %swap3A_204 = arith.constant 2 : i32
    %swap3A_205 = arith.index_cast %swap3A_204 : i32 to index
    %swap3A_206 = arith.constant 160 : index
    %swap3A_207 = tpu.vector_load %arg8[%swap3A_205, %swap3A_206] {strides = array<i32>} : memref<16x256xf32, #tpu.memory_space<vmem>>, vector<16xf32>,
    tpu.vector_store %arg8[%swap3A_205, %swap3A_206], %broadcast_in_dim3A_36 {strides = array<i32>} : memref<16x256xf32, #tpu.memory_space<vmem>>, vector<16xf32>,
    %swap3A_208 = arith.constant 2 : i32
    %swap3A_209 = arith.index_cast %swap3A_208 : i32 to index
    %swap3A_210 = arith.constant 176 : index
    %swap3A_211 = tpu.vector_load %arg8[%swap3A_209, %swap3A_210] {strides = array<i32>} : memref<16x256xf32, #tpu.memory_space<vmem>>, vector<16xf32>,
    tpu.vector_store %arg8[%swap3A_209, %swap3A_210], %broadcast_in_dim3A_36 {strides = array<i32>} : memref<16x256xf32, #tpu.memory_space<vmem>>, vector<16xf32>,
    %swap3A_212 = arith.constant 2 : i32
    %swap3A_213 = arith.index_cast %swap3A_212 : i32 to index
    %swap3A_214 = arith.constant 192 : index
    %swap3A_215 = tpu.vector_load %arg8[%swap3A_213, %swap3A_214] {strides = array<i32>} : memref<16x256xf32, #tpu.memory_space<vmem>>, vector<16xf32>,
    tpu.vector_store %arg8[%swap3A_213, %swap3A_214], %broadcast_in_dim3A_36 {strides = array<i32>} : memref<16x256xf32, #tpu.memory_space<vmem>>, vector<16xf32>,
    %swap3A_216 = arith.constant 2 : i32
    %swap3A_217 = arith.index_cast %swap3A_216 : i32 to index
    %swap3A_218 = arith.constant 208 : index
    %swap3A_219 = tpu.vector_load %arg8[%swap3A_217, %swap3A_218] {strides = array<i32>} : memref<16x256xf32, #tpu.memory_space<vmem>>, vector<16xf32>,
    tpu.vector_store %arg8[%swap3A_217, %swap3A_218], %broadcast_in_dim3A_36 {strides = array<i32>} : memref<16x256xf32, #tpu.memory_space<vmem>>, vector<16xf32>,
    %swap3A_220 = arith.constant 2 : i32
    %swap3A_221 = arith.index_cast %swap3A_220 : i32 to index
    %swap3A_222 = arith.constant 224 : index
    %swap3A_223 = tpu.vector_load %arg8[%swap3A_221, %swap3A_222] {strides = array<i32>} : memref<16x256xf32, #tpu.memory_space<vmem>>, vector<16xf32>,
    tpu.vector_store %arg8[%swap3A_221, %swap3A_222], %broadcast_in_dim3A_36 {strides = array<i32>} : memref<16x256xf32, #tpu.memory_space<vmem>>, vector<16xf32>,
    %swap3A_224 = arith.constant 2 : i32
    %swap3A_225 = arith.index_cast %swap3A_224 : i32 to index
    %swap3A_226 = arith.constant 240 : index
    %swap3A_227 = tpu.vector_load %arg8[%swap3A_225, %swap3A_226] {strides = array<i32>} : memref<16x256xf32, #tpu.memory_space<vmem>>, vector<16xf32>,
    tpu.vector_store %arg8[%swap3A_225, %swap3A_226], %broadcast_in_dim3A_36 {strides = array<i32>} : memref<16x256xf32, #tpu.memory_space<vmem>>, vector<16xf32>,
    %swap3A_228 = arith.constant 3 : i32
    %swap3A_229 = arith.index_cast %swap3A_228 : i32 to index
    %swap3A_230 = arith.constant 0 : index
    %swap3A_231 = tpu.vector_load %arg8[%swap3A_229, %swap3A_230] {strides = array<i32>} : memref<16x256xf32, #tpu.memory_space<vmem>>, vector<16xf32>,
    tpu.vector_store %arg8[%swap3A_229, %swap3A_230], %broadcast_in_dim3A_36 {strides = array<i32>} : memref<16x256xf32, #tpu.memory_space<vmem>>, vector<16xf32>,
    %swap3A_232 = arith.constant 3 : i32
    %swap3A_233 = arith.index_cast %swap3A_232 : i32 to index
    %swap3A_234 = arith.constant 16 : index
    %swap3A_235 = tpu.vector_load %arg8[%swap3A_233, %swap3A_234] {strides = array<i32>} : memref<16x256xf32, #tpu.memory_space<vmem>>, vector<16xf32>,
    tpu.vector_store %arg8[%swap3A_233, %swap3A_234], %broadcast_in_dim3A_36 {strides = array<i32>} : memref<16x256xf32, #tpu.memory_space<vmem>>, vector<16xf32>,
    %swap3A_236 = arith.constant 3 : i32
    %swap3A_237 = arith.index_cast %swap3A_236 : i32 to index
    %swap3A_238 = arith.constant 32 : index
    %swap3A_239 = tpu.vector_load %arg8[%swap3A_237, %swap3A_238] {strides = array<i32>} : memref<16x256xf32, #tpu.memory_space<vmem>>, vector<16xf32>,
    tpu.vector_store %arg8[%swap3A_237, %swap3A_238], %broadcast_in_dim3A_36 {strides = array<i32>} : memref<16x256xf32, #tpu.memory_space<vmem>>, vector<16xf32>,
    %swap3A_240 = arith.constant 3 : i32
    %swap3A_241 = arith.index_cast %swap3A_240 : i32 to index
    %swap3A_242 = arith.constant 48 : index
    %swap3A_243 = tpu.vector_load %arg8[%swap3A_241, %swap3A_242] {strides = array<i32>} : memref<16x256xf32, #tpu.memory_space<vmem>>, vector<16xf32>,
    tpu.vector_store %arg8[%swap3A_241, %swap3A_242], %broadcast_in_dim3A_36 {strides = array<i32>} : memref<16x256xf32, #tpu.memory_space<vmem>>, vector<16xf32>,
    %swap3A_244 = arith.constant 3 : i32
    %swap3A_245 = arith.index_cast %swap3A_244 : i32 to index
    %swap3A_246 = arith.constant 64 : index
    %swap3A_247 = tpu.vector_load %arg8[%swap3A_245, %swap3A_246] {strides = array<i32>} : memref<16x256xf32, #tpu.memory_space<vmem>>, vector<16xf32>,
    tpu.vector_store %arg8[%swap3A_245, %swap3A_246], %broadcast_in_dim3A_36 {strides = array<i32>} : memref<16x256xf32, #tpu.memory_space<vmem>>, vector<16xf32>,
    %swap3A_248 = arith.constant 3 : i32
    %swap3A_249 = arith.index_cast %swap3A_248 : i32 to index
    %swap3A_250 = arith.constant 80 : index
    %swap3A_251 = tpu.vector_load %arg8[%swap3A_249, %swap3A_250] {strides = array<i32>} : memref<16x256xf32, #tpu.memory_space<vmem>>, vector<16xf32>,
    tpu.vector_store %arg8[%swap3A_249, %swap3A_250], %broadcast_in_dim3A_36 {strides = array<i32>} : memref<16x256xf32, #tpu.memory_space<vmem>>, vector<16xf32>,
    %swap3A_252 = arith.constant 3 : i32
    %swap3A_253 = arith.index_cast %swap3A_252 : i32 to index
    %swap3A_254 = arith.constant 96 : index
    %swap3A_255 = tpu.vector_load %arg8[%swap3A_253, %swap3A_254] {strides = array<i32>} : memref<16x256xf32, #tpu.memory_space<vmem>>, vector<16xf32>,
    tpu.vector_store %arg8[%swap3A_253, %swap3A_254], %broadcast_in_dim3A_36 {strides = array<i32>} : memref<16x256xf32, #tpu.memory_space<vmem>>, vector<16xf32>,
    %swap3A_256 = arith.constant 3 : i32
    %swap3A_257 = arith.index_cast %swap3A_256 : i32 to index
    %swap3A_258 = arith.constant 112 : index
    %swap3A_259 = tpu.vector_load %arg8[%swap3A_257, %swap3A_258] {strides = array<i32>} : memref<16x256xf32, #tpu.memory_space<vmem>>, vector<16xf32>,
    tpu.vector_store %arg8[%swap3A_257, %swap3A_258], %broadcast_in_dim3A_36 {strides = array<i32>} : memref<16x256xf32, #tpu.memory_space<vmem>>, vector<16xf32>,
    %swap3A_260 = arith.constant 3 : i32
    %swap3A_261 = arith.index_cast %swap3A_260 : i32 to index
    %swap3A_262 = arith.constant 128 : index
    %swap3A_263 = tpu.vector_load %arg8[%swap3A_261, %swap3A_262] {strides = array<i32>} : memref<16x256xf32, #tpu.memory_space<vmem>>, vector<16xf32>,
    tpu.vector_store %arg8[%swap3A_261, %swap3A_262], %broadcast_in_dim3A_36 {strides = array<i32>} : memref<16x256xf32, #tpu.memory_space<vmem>>, vector<16xf32>,
    %swap3A_264 = arith.constant 3 : i32
    %swap3A_265 = arith.index_cast %swap3A_264 : i32 to index
    %swap3A_266 = arith.constant 144 : index
    %swap3A_267 = tpu.vector_load %arg8[%swap3A_265, %swap3A_266] {strides = array<i32>} : memref<16x256xf32, #tpu.memory_space<vmem>>, vector<16xf32>,
    tpu.vector_store %arg8[%swap3A_265, %swap3A_266], %broadcast_in_dim3A_36 {strides = array<i32>} : memref<16x256xf32, #tpu.memory_space<vmem>>, vector<16xf32>,
    %swap3A_268 = arith.constant 3 : i32
    %swap3A_269 = arith.index_cast %swap3A_268 : i32 to index
    %swap3A_270 = arith.constant 160 : index
    %swap3A_271 = tpu.vector_load %arg8[%swap3A_269, %swap3A_270] {strides = array<i32>} : memref<16x256xf32, #tpu.memory_space<vmem>>, vector<16xf32>,
    tpu.vector_store %arg8[%swap3A_269, %swap3A_270], %broadcast_in_dim3A_36 {strides = array<i32>} : memref<16x256xf32, #tpu.memory_space<vmem>>, vector<16xf32>,
    %swap3A_272 = arith.constant 3 : i32
    %swap3A_273 = arith.index_cast %swap3A_272 : i32 to index
    %swap3A_274 = arith.constant 176 : index
    %swap3A_275 = tpu.vector_load %arg8[%swap3A_273, %swap3A_274] {strides = array<i32>} : memref<16x256xf32, #tpu.memory_space<vmem>>, vector<16xf32>,
    tpu.vector_store %arg8[%swap3A_273, %swap3A_274], %broadcast_in_dim3A_36 {strides = array<i32>} : memref<16x256xf32, #tpu.memory_space<vmem>>, vector<16xf32>,
    %swap3A_276 = arith.constant 3 : i32
    %swap3A_277 = arith.index_cast %swap3A_276 : i32 to index
    %swap3A_278 = arith.constant 192 : index
    %swap3A_279 = tpu.vector_load %arg8[%swap3A_277, %swap3A_278] {strides = array<i32>} : memref<16x256xf32, #tpu.memory_space<vmem>>, vector<16xf32>,
    tpu.vector_store %arg8[%swap3A_277, %swap3A_278], %broadcast_in_dim3A_36 {strides = array<i32>} : memref<16x256xf32, #tpu.memory_space<vmem>>, vector<16xf32>,
    %swap3A_280 = arith.constant 3 : i32
    %swap3A_281 = arith.index_cast %swap3A_280 : i32 to index
    %swap3A_282 = arith.constant 208 : index
    %swap3A_283 = tpu.vector_load %arg8[%swap3A_281, %swap3A_282] {strides = array<i32>} : memref<16x256xf32, #tpu.memory_space<vmem>>, vector<16xf32>,
    tpu.vector_store %arg8[%swap3A_281, %swap3A_282], %broadcast_in_dim3A_36 {strides = array<i32>} : memref<16x256xf32, #tpu.memory_space<vmem>>, vector<16xf32>,
    %swap3A_284 = arith.constant 3 : i32
    %swap3A_285 = arith.index_cast %swap3A_284 : i32 to index
    %swap3A_286 = arith.constant 224 : index
    %swap3A_287 = tpu.vector_load %arg8[%swap3A_285, %swap3A_286] {strides = array<i32>} : memref<16x256xf32, #tpu.memory_space<vmem>>, vector<16xf32>,
    tpu.vector_store %arg8[%swap3A_285, %swap3A_286], %broadcast_in_dim3A_36 {strides = array<i32>} : memref<16x256xf32, #tpu.memory_space<vmem>>, vector<16xf32>,
    %swap3A_288 = arith.constant 3 : i32
    %swap3A_289 = arith.index_cast %swap3A_288 : i32 to index
    %swap3A_290 = arith.constant 240 : index
    %swap3A_291 = tpu.vector_load %arg8[%swap3A_289, %swap3A_290] {strides = array<i32>} : memref<16x256xf32, #tpu.memory_space<vmem>>, vector<16xf32>,
    tpu.vector_store %arg8[%swap3A_289, %swap3A_290], %broadcast_in_dim3A_36 {strides = array<i32>} : memref<16x256xf32, #tpu.memory_space<vmem>>, vector<16xf32>,
    %swap3A_292 = arith.constant 4 : i32
    %swap3A_293 = arith.index_cast %swap3A_292 : i32 to index
    %swap3A_294 = arith.constant 0 : index
    %swap3A_295 = tpu.vector_load %arg8[%swap3A_293, %swap3A_294] {strides = array<i32>} : memref<16x256xf32, #tpu.memory_space<vmem>>, vector<16xf32>,
    tpu.vector_store %arg8[%swap3A_293, %swap3A_294], %broadcast_in_dim3A_36 {strides = array<i32>} : memref<16x256xf32, #tpu.memory_space<vmem>>, vector<16xf32>,
    %swap3A_296 = arith.constant 4 : i32
    %swap3A_297 = arith.index_cast %swap3A_296 : i32 to index
    %swap3A_298 = arith.constant 16 : index
    %swap3A_299 = tpu.vector_load %arg8[%swap3A_297, %swap3A_298] {strides = array<i32>} : memref<16x256xf32, #tpu.memory_space<vmem>>, vector<16xf32>,
    tpu.vector_store %arg8[%swap3A_297, %swap3A_298], %broadcast_in_dim3A_36 {strides = array<i32>} : memref<16x256xf32, #tpu.memory_space<vmem>>, vector<16xf32>,
    %swap3A_300 = arith.constant 4 : i32
    %swap3A_301 = arith.index_cast %swap3A_300 : i32 to index
    %swap3A_302 = arith.constant 32 : index
    %swap3A_303 = tpu.vector_load %arg8[%swap3A_301, %swap3A_302] {strides = array<i32>} : memref<16x256xf32, #tpu.memory_space<vmem>>, vector<16xf32>,
    tpu.vector_store %arg8[%swap3A_301, %swap3A_302], %broadcast_in_dim3A_36 {strides = array<i32>} : memref<16x256xf32, #tpu.memory_space<vmem>>, vector<16xf32>,
    %swap3A_304 = arith.constant 4 : i32
    %swap3A_305 = arith.index_cast %swap3A_304 : i32 to index
    %swap3A_306 = arith.constant 48 : index
    %swap3A_307 = tpu.vector_load %arg8[%swap3A_305, %swap3A_306] {strides = array<i32>} : memref<16x256xf32, #tpu.memory_space<vmem>>, vector<16xf32>,
    tpu.vector_store %arg8[%swap3A_305, %swap3A_306], %broadcast_in_dim3A_36 {strides = array<i32>} : memref<16x256xf32, #tpu.memory_space<vmem>>, vector<16xf32>,
    %swap3A_308 = arith.constant 4 : i32
    %swap3A_309 = arith.index_cast %swap3A_308 : i32 to index
    %swap3A_310 = arith.constant 64 : index
    %swap3A_311 = tpu.vector_load %arg8[%swap3A_309, %swap3A_310] {strides = array<i32>} : memref<16x256xf32, #tpu.memory_space<vmem>>, vector<16xf32>,
    tpu.vector_store %arg8[%swap3A_309, %swap3A_310], %broadcast_in_dim3A_36 {strides = array<i32>} : memref<16x256xf32, #tpu.memory_space<vmem>>, vector<16xf32>,
    %swap3A_312 = arith.constant 4 : i32
    %swap3A_313 = arith.index_cast %swap3A_312 : i32 to index
    %swap3A_314 = arith.constant 80 : index
    %swap3A_315 = tpu.vector_load %arg8[%swap3A_313, %swap3A_314] {strides = array<i32>} : memref<16x256xf32, #tpu.memory_space<vmem>>, vector<16xf32>,
    tpu.vector_store %arg8[%swap3A_313, %swap3A_314], %broadcast_in_dim3A_36 {strides = array<i32>} : memref<16x256xf32, #tpu.memory_space<vmem>>, vector<16xf32>,
    %swap3A_316 = arith.constant 4 : i32
    %swap3A_317 = arith.index_cast %swap3A_316 : i32 to index
    %swap3A_318 = arith.constant 96 : index
    %swap3A_319 = tpu.vector_load %arg8[%swap3A_317, %swap3A_318] {strides = array<i32>} : memref<16x256xf32, #tpu.memory_space<vmem>>, vector<16xf32>,
    tpu.vector_store %arg8[%swap3A_317, %swap3A_318], %broadcast_in_dim3A_36 {strides = array<i32>} : memref<16x256xf32, #tpu.memory_space<vmem>>, vector<16xf32>,
    %swap3A_320 = arith.constant 4 : i32
    %swap3A_321 = arith.index_cast %swap3A_320 : i32 to index
    %swap3A_322 = arith.constant 112 : index
    %swap3A_323 = tpu.vector_load %arg8[%swap3A_321, %swap3A_322] {strides = array<i32>} : memref<16x256xf32, #tpu.memory_space<vmem>>, vector<16xf32>,
    tpu.vector_store %arg8[%swap3A_321, %swap3A_322], %broadcast_in_dim3A_36 {strides = array<i32>} : memref<16x256xf32, #tpu.memory_space<vmem>>, vector<16xf32>,
    %swap3A_324 = arith.constant 4 : i32
    %swap3A_325 = arith.index_cast %swap3A_324 : i32 to index
    %swap3A_326 = arith.constant 128 : index
    %swap3A_327 = tpu.vector_load %arg8[%swap3A_325, %swap3A_326] {strides = array<i32>} : memref<16x256xf32, #tpu.memory_space<vmem>>, vector<16xf32>,
    tpu.vector_store %arg8[%swap3A_325, %swap3A_326], %broadcast_in_dim3A_36 {strides = array<i32>} : memref<16x256xf32, #tpu.memory_space<vmem>>, vector<16xf32>,
    %swap3A_328 = arith.constant 4 : i32
    %swap3A_329 = arith.index_cast %swap3A_328 : i32 to index
    %swap3A_330 = arith.constant 144 : index
    %swap3A_331 = tpu.vector_load %arg8[%swap3A_329, %swap3A_330] {strides = array<i32>} : memref<16x256xf32, #tpu.memory_space<vmem>>, vector<16xf32>,
    tpu.vector_store %arg8[%swap3A_329, %swap3A_330], %broadcast_in_dim3A_36 {strides = array<i32>} : memref<16x256xf32, #tpu.memory_space<vmem>>, vector<16xf32>,
    %swap3A_332 = arith.constant 4 : i32
    %swap3A_333 = arith.index_cast %swap3A_332 : i32 to index
    %swap3A_334 = arith.constant 160 : index
    %swap3A_335 = tpu.vector_load %arg8[%swap3A_333, %swap3A_334] {strides = array<i32>} : memref<16x256xf32, #tpu.memory_space<vmem>>, vector<16xf32>,
    tpu.vector_store %arg8[%swap3A_333, %swap3A_334], %broadcast_in_dim3A_36 {strides = array<i32>} : memref<16x256xf32, #tpu.memory_space<vmem>>, vector<16xf32>,
    %swap3A_336 = arith.constant 4 : i32
    %swap3A_337 = arith.index_cast %swap3A_336 : i32 to index
    %swap3A_338 = arith.constant 176 : index
    %swap3A_339 = tpu.vector_load %arg8[%swap3A_337, %swap3A_338] {strides = array<i32>} : memref<16x256xf32, #tpu.memory_space<vmem>>, vector<16xf32>,
    tpu.vector_store %arg8[%swap3A_337, %swap3A_338], %broadcast_in_dim3A_36 {strides = array<i32>} : memref<16x256xf32, #tpu.memory_space<vmem>>, vector<16xf32>,
    %swap3A_340 = arith.constant 4 : i32
    %swap3A_341 = arith.index_cast %swap3A_340 : i32 to index
    %swap3A_342 = arith.constant 192 : index
    %swap3A_343 = tpu.vector_load %arg8[%swap3A_341, %swap3A_342] {strides = array<i32>} : memref<16x256xf32, #tpu.memory_space<vmem>>, vector<16xf32>,
    tpu.vector_store %arg8[%swap3A_341, %swap3A_342], %broadcast_in_dim3A_36 {strides = array<i32>} : memref<16x256xf32, #tpu.memory_space<vmem>>, vector<16xf32>,
    %swap3A_344 = arith.constant 4 : i32
    %swap3A_345 = arith.index_cast %swap3A_344 : i32 to index
    %swap3A_346 = arith.constant 208 : index
    %swap3A_347 = tpu.vector_load %arg8[%swap3A_345, %swap3A_346] {strides = array<i32>} : memref<16x256xf32, #tpu.memory_space<vmem>>, vector<16xf32>,
    tpu.vector_store %arg8[%swap3A_345, %swap3A_346], %broadcast_in_dim3A_36 {strides = array<i32>} : memref<16x256xf32, #tpu.memory_space<vmem>>, vector<16xf32>,
    %swap3A_348 = arith.constant 4 : i32
    %swap3A_349 = arith.index_cast %swap3A_348 : i32 to index
    %swap3A_350 = arith.constant 224 : index
    %swap3A_351 = tpu.vector_load %arg8[%swap3A_349, %swap3A_350] {strides = array<i32>} : memref<16x256xf32, #tpu.memory_space<vmem>>, vector<16xf32>,
    tpu.vector_store %arg8[%swap3A_349, %swap3A_350], %broadcast_in_dim3A_36 {strides = array<i32>} : memref<16x256xf32, #tpu.memory_space<vmem>>, vector<16xf32>,
    %swap3A_352 = arith.constant 4 : i32
    %swap3A_353 = arith.index_cast %swap3A_352 : i32 to index
    %swap3A_354 = arith.constant 240 : index
    %swap3A_355 = tpu.vector_load %arg8[%swap3A_353, %swap3A_354] {strides = array<i32>} : memref<16x256xf32, #tpu.memory_space<vmem>>, vector<16xf32>,
    tpu.vector_store %arg8[%swap3A_353, %swap3A_354], %broadcast_in_dim3A_36 {strides = array<i32>} : memref<16x256xf32, #tpu.memory_space<vmem>>, vector<16xf32>,
    %swap3A_356 = arith.constant 5 : i32
    %swap3A_357 = arith.index_cast %swap3A_356 : i32 to index
    %swap3A_358 = arith.constant 0 : index
    %swap3A_359 = tpu.vector_load %arg8[%swap3A_357, %swap3A_358] {strides = array<i32>} : memref<16x256xf32, #tpu.memory_space<vmem>>, vector<16xf32>,
    tpu.vector_store %arg8[%swap3A_357, %swap3A_358], %broadcast_in_dim3A_36 {strides = array<i32>} : memref<16x256xf32, #tpu.memory_space<vmem>>, vector<16xf32>,
    %swap3A_360 = arith.constant 5 : i32
    %swap3A_361 = arith.index_cast %swap3A_360 : i32 to index
    %swap3A_362 = arith.constant 16 : index
    %swap3A_363 = tpu.vector_load %arg8[%swap3A_361, %swap3A_362] {strides = array<i32>} : memref<16x256xf32, #tpu.memory_space<vmem>>, vector<16xf32>,
    tpu.vector_store %arg8[%swap3A_361, %swap3A_362], %broadcast_in_dim3A_36 {strides = array<i32>} : memref<16x256xf32, #tpu.memory_space<vmem>>, vector<16xf32>,
    %swap3A_364 = arith.constant 5 : i32
    %swap3A_365 = arith.index_cast %swap3A_364 : i32 to index
    %swap3A_366 = arith.constant 32 : index
    %swap3A_367 = tpu.vector_load %arg8[%swap3A_365, %swap3A_366] {strides = array<i32>} : memref<16x256xf32, #tpu.memory_space<vmem>>, vector<16xf32>,
    tpu.vector_store %arg8[%swap3A_365, %swap3A_366], %broadcast_in_dim3A_36 {strides = array<i32>} : memref<16x256xf32, #tpu.memory_space<vmem>>, vector<16xf32>,
    %swap3A_368 = arith.constant 5 : i32
    %swap3A_369 = arith.index_cast %swap3A_368 : i32 to index
    %swap3A_370 = arith.constant 48 : index
    %swap3A_371 = tpu.vector_load %arg8[%swap3A_369, %swap3A_370] {strides = array<i32>} : memref<16x256xf32, #tpu.memory_space<vmem>>, vector<16xf32>,
    tpu.vector_store %arg8[%swap3A_369, %swap3A_370], %broadcast_in_dim3A_36 {strides = array<i32>} : memref<16x256xf32, #tpu.memory_space<vmem>>, vector<16xf32>,
    %swap3A_372 = arith.constant 5 : i32
    %swap3A_373 = arith.index_cast %swap3A_372 : i32 to index
    %swap3A_374 = arith.constant 64 : index
    %swap3A_375 = tpu.vector_load %arg8[%swap3A_373, %swap3A_374] {strides = array<i32>} : memref<16x256xf32, #tpu.memory_space<vmem>>, vector<16xf32>,
    tpu.vector_store %arg8[%swap3A_373, %swap3A_374], %broadcast_in_dim3A_36 {strides = array<i32>} : memref<16x256xf32, #tpu.memory_space<vmem>>, vector<16xf32>,
    %swap3A_376 = arith.constant 5 : i32
    %swap3A_377 = arith.index_cast %swap3A_376 : i32 to index
    %swap3A_378 = arith.constant 80 : index
    %swap3A_379 = tpu.vector_load %arg8[%swap3A_377, %swap3A_378] {strides = array<i32>} : memref<16x256xf32, #tpu.memory_space<vmem>>, vector<16xf32>,
    tpu.vector_store %arg8[%swap3A_377, %swap3A_378], %broadcast_in_dim3A_36 {strides = array<i32>} : memref<16x256xf32, #tpu.memory_space<vmem>>, vector<16xf32>,
    %swap3A_380 = arith.constant 5 : i32
    %swap3A_381 = arith.index_cast %swap3A_380 : i32 to index
    %swap3A_382 = arith.constant 96 : index
    %swap3A_383 = tpu.vector_load %arg8[%swap3A_381, %swap3A_382] {strides = array<i32>} : memref<16x256xf32, #tpu.memory_space<vmem>>, vector<16xf32>,
    tpu.vector_store %arg8[%swap3A_381, %swap3A_382], %broadcast_in_dim3A_36 {strides = array<i32>} : memref<16x256xf32, #tpu.memory_space<vmem>>, vector<16xf32>,
    %swap3A_384 = arith.constant 5 : i32
    %swap3A_385 = arith.index_cast %swap3A_384 : i32 to index
    %swap3A_386 = arith.constant 112 : index
    %swap3A_387 = tpu.vector_load %arg8[%swap3A_385, %swap3A_386] {strides = array<i32>} : memref<16x256xf32, #tpu.memory_space<vmem>>, vector<16xf32>,
    tpu.vector_store %arg8[%swap3A_385, %swap3A_386], %broadcast_in_dim3A_36 {strides = array<i32>} : memref<16x256xf32, #tpu.memory_space<vmem>>, vector<16xf32>,
    %swap3A_388 = arith.constant 5 : i32
    %swap3A_389 = arith.index_cast %swap3A_388 : i32 to index
    %swap3A_390 = arith.constant 128 : index
    %swap3A_391 = tpu.vector_load %arg8[%swap3A_389, %swap3A_390] {strides = array<i32>} : memref<16x256xf32, #tpu.memory_space<vmem>>, vector<16xf32>,
    tpu.vector_store %arg8[%swap3A_389, %swap3A_390], %broadcast_in_dim3A_36 {strides = array<i32>} : memref<16x256xf32, #tpu.memory_space<vmem>>, vector<16xf32>,
    %swap3A_392 = arith.constant 5 : i32
    %swap3A_393 = arith.index_cast %swap3A_392 : i32 to index
    %swap3A_394 = arith.constant 144 : index
    %swap3A_395 = tpu.vector_load %arg8[%swap3A_393, %swap3A_394] {strides = array<i32>} : memref<16x256xf32, #tpu.memory_space<vmem>>, vector<16xf32>,
    tpu.vector_store %arg8[%swap3A_393, %swap3A_394], %broadcast_in_dim3A_36 {strides = array<i32>} : memref<16x256xf32, #tpu.memory_space<vmem>>, vector<16xf32>,
    %swap3A_396 = arith.constant 5 : i32
    %swap3A_397 = arith.index_cast %swap3A_396 : i32 to index
    %swap3A_398 = arith.constant 160 : index
    %swap3A_399 = tpu.vector_load %arg8[%swap3A_397, %swap3A_398] {strides = array<i32>} : memref<16x256xf32, #tpu.memory_space<vmem>>, vector<16xf32>,
    tpu.vector_store %arg8[%swap3A_397, %swap3A_398], %broadcast_in_dim3A_36 {strides = array<i32>} : memref<16x256xf32, #tpu.memory_space<vmem>>, vector<16xf32>,
    %swap3A_400 = arith.constant 5 : i32
    %swap3A_401 = arith.index_cast %swap3A_400 : i32 to index
    %swap3A_402 = arith.constant 176 : index
    %swap3A_403 = tpu.vector_load %arg8[%swap3A_401, %swap3A_402] {strides = array<i32>} : memref<16x256xf32, #tpu.memory_space<vmem>>, vector<16xf32>,
    tpu.vector_store %arg8[%swap3A_401, %swap3A_402], %broadcast_in_dim3A_36 {strides = array<i32>} : memref<16x256xf32, #tpu.memory_space<vmem>>, vector<16xf32>,
    %swap3A_404 = arith.constant 5 : i32
    %swap3A_405 = arith.index_cast %swap3A_404 : i32 to index
    %swap3A_406 = arith.constant 192 : index
    %swap3A_407 = tpu.vector_load %arg8[%swap3A_405, %swap3A_406] {strides = array<i32>} : memref<16x256xf32, #tpu.memory_space<vmem>>, vector<16xf32>,
    tpu.vector_store %arg8[%swap3A_405, %swap3A_406], %broadcast_in_dim3A_36 {strides = array<i32>} : memref<16x256xf32, #tpu.memory_space<vmem>>, vector<16xf32>,
    %swap3A_408 = arith.constant 5 : i32
    %swap3A_409 = arith.index_cast %swap3A_408 : i32 to index
    %swap3A_410 = arith.constant 208 : index
    %swap3A_411 = tpu.vector_load %arg8[%swap3A_409, %swap3A_410] {strides = array<i32>} : memref<16x256xf32, #tpu.memory_space<vmem>>, vector<16xf32>,
    tpu.vector_store %arg8[%swap3A_409, %swap3A_410], %broadcast_in_dim3A_36 {strides = array<i32>} : memref<16x256xf32, #tpu.memory_space<vmem>>, vector<16xf32>,
    %swap3A_412 = arith.constant 5 : i32
    %swap3A_413 = arith.index_cast %swap3A_412 : i32 to index
    %swap3A_414 = arith.constant 224 : index
    %swap3A_415 = tpu.vector_load %arg8[%swap3A_413, %swap3A_414] {strides = array<i32>} : memref<16x256xf32, #tpu.memory_space<vmem>>, vector<16xf32>,
    tpu.vector_store %arg8[%swap3A_413, %swap3A_414], %broadcast_in_dim3A_36 {strides = array<i32>} : memref<16x256xf32, #tpu.memory_space<vmem>>, vector<16xf32>,
    %swap3A_416 = arith.constant 5 : i32
    %swap3A_417 = arith.index_cast %swap3A_416 : i32 to index
    %swap3A_418 = arith.constant 240 : index
    %swap3A_419 = tpu.vector_load %arg8[%swap3A_417, %swap3A_418] {strides = array<i32>} : memref<16x256xf32, #tpu.memory_space<vmem>>, vector<16xf32>,
    tpu.vector_store %arg8[%swap3A_417, %swap3A_418], %broadcast_in_dim3A_36 {strides = array<i32>} : memref<16x256xf32, #tpu.memory_space<vmem>>, vector<16xf32>,
    %swap3A_420 = arith.constant 6 : i32
    %swap3A_421 = arith.index_cast %swap3A_420 : i32 to index
    %swap3A_422 = arith.constant 0 : index
    %swap3A_423 = tpu.vector_load %arg8[%swap3A_421, %swap3A_422] {strides = array<i32>} : memref<16x256xf32, #tpu.memory_space<vmem>>, vector<16xf32>,
    tpu.vector_store %arg8[%swap3A_421, %swap3A_422], %broadcast_in_dim3A_36 {strides = array<i32>} : memref<16x256xf32, #tpu.memory_space<vmem>>, vector<16xf32>,
    %swap3A_424 = arith.constant 6 : i32
    %swap3A_425 = arith.index_cast %swap3A_424 : i32 to index
    %swap3A_426 = arith.constant 16 : index
    %swap3A_427 = tpu.vector_load %arg8[%swap3A_425, %swap3A_426] {strides = array<i32>} : memref<16x256xf32, #tpu.memory_space<vmem>>, vector<16xf32>,
    tpu.vector_store %arg8[%swap3A_425, %swap3A_426], %broadcast_in_dim3A_36 {strides = array<i32>} : memref<16x256xf32, #tpu.memory_space<vmem>>, vector<16xf32>,
    %swap3A_428 = arith.constant 6 : i32
    %swap3A_429 = arith.index_cast %swap3A_428 : i32 to index
    %swap3A_430 = arith.constant 32 : index
    %swap3A_431 = tpu.vector_load %arg8[%swap3A_429, %swap3A_430] {strides = array<i32>} : memref<16x256xf32, #tpu.memory_space<vmem>>, vector<16xf32>,
    tpu.vector_store %arg8[%swap3A_429, %swap3A_430], %broadcast_in_dim3A_36 {strides = array<i32>} : memref<16x256xf32, #tpu.memory_space<vmem>>, vector<16xf32>,
    %swap3A_432 = arith.constant 6 : i32
    %swap3A_433 = arith.index_cast %swap3A_432 : i32 to index
    %swap3A_434 = arith.constant 48 : index
    %swap3A_435 = tpu.vector_load %arg8[%swap3A_433, %swap3A_434] {strides = array<i32>} : memref<16x256xf32, #tpu.memory_space<vmem>>, vector<16xf32>,
    tpu.vector_store %arg8[%swap3A_433, %swap3A_434], %broadcast_in_dim3A_36 {strides = array<i32>} : memref<16x256xf32, #tpu.memory_space<vmem>>, vector<16xf32>,
    %swap3A_436 = arith.constant 6 : i32
    %swap3A_437 = arith.index_cast %swap3A_436 : i32 to index
    %swap3A_438 = arith.constant 64 : index
    %swap3A_439 = tpu.vector_load %arg8[%swap3A_437, %swap3A_438] {strides = array<i32>} : memref<16x256xf32, #tpu.memory_space<vmem>>, vector<16xf32>,
    tpu.vector_store %arg8[%swap3A_437, %swap3A_438], %broadcast_in_dim3A_36 {strides = array<i32>} : memref<16x256xf32, #tpu.memory_space<vmem>>, vector<16xf32>,
    %swap3A_440 = arith.constant 6 : i32
    %swap3A_441 = arith.index_cast %swap3A_440 : i32 to index
    %swap3A_442 = arith.constant 80 : index
    %swap3A_443 = tpu.vector_load %arg8[%swap3A_441, %swap3A_442] {strides = array<i32>} : memref<16x256xf32, #tpu.memory_space<vmem>>, vector<16xf32>,
    tpu.vector_store %arg8[%swap3A_441, %swap3A_442], %broadcast_in_dim3A_36 {strides = array<i32>} : memref<16x256xf32, #tpu.memory_space<vmem>>, vector<16xf32>,
    %swap3A_444 = arith.constant 6 : i32
    %swap3A_445 = arith.index_cast %swap3A_444 : i32 to index
    %swap3A_446 = arith.constant 96 : index
    %swap3A_447 = tpu.vector_load %arg8[%swap3A_445, %swap3A_446] {strides = array<i32>} : memref<16x256xf32, #tpu.memory_space<vmem>>, vector<16xf32>,
    tpu.vector_store %arg8[%swap3A_445, %swap3A_446], %broadcast_in_dim3A_36 {strides = array<i32>} : memref<16x256xf32, #tpu.memory_space<vmem>>, vector<16xf32>,
    %swap3A_448 = arith.constant 6 : i32
    %swap3A_449 = arith.index_cast %swap3A_448 : i32 to index
    %swap3A_450 = arith.constant 112 : index
    %swap3A_451 = tpu.vector_load %arg8[%swap3A_449, %swap3A_450] {strides = array<i32>} : memref<16x256xf32, #tpu.memory_space<vmem>>, vector<16xf32>,
    tpu.vector_store %arg8[%swap3A_449, %swap3A_450], %broadcast_in_dim3A_36 {strides = array<i32>} : memref<16x256xf32, #tpu.memory_space<vmem>>, vector<16xf32>,
    %swap3A_452 = arith.constant 6 : i32
    %swap3A_453 = arith.index_cast %swap3A_452 : i32 to index
    %swap3A_454 = arith.constant 128 : index
    %swap3A_455 = tpu.vector_load %arg8[%swap3A_453, %swap3A_454] {strides = array<i32>} : memref<16x256xf32, #tpu.memory_space<vmem>>, vector<16xf32>,
    tpu.vector_store %arg8[%swap3A_453, %swap3A_454], %broadcast_in_dim3A_36 {strides = array<i32>} : memref<16x256xf32, #tpu.memory_space<vmem>>, vector<16xf32>,
    %swap3A_456 = arith.constant 6 : i32
    %swap3A_457 = arith.index_cast %swap3A_456 : i32 to index
    %swap3A_458 = arith.constant 144 : index
    %swap3A_459 = tpu.vector_load %arg8[%swap3A_457, %swap3A_458] {strides = array<i32>} : memref<16x256xf32, #tpu.memory_space<vmem>>, vector<16xf32>,
    tpu.vector_store %arg8[%swap3A_457, %swap3A_458], %broadcast_in_dim3A_36 {strides = array<i32>} : memref<16x256xf32, #tpu.memory_space<vmem>>, vector<16xf32>,
    %swap3A_460 = arith.constant 6 : i32
    %swap3A_461 = arith.index_cast %swap3A_460 : i32 to index
    %swap3A_462 = arith.constant 160 : index
    %swap3A_463 = tpu.vector_load %arg8[%swap3A_461, %swap3A_462] {strides = array<i32>} : memref<16x256xf32, #tpu.memory_space<vmem>>, vector<16xf32>,
    tpu.vector_store %arg8[%swap3A_461, %swap3A_462], %broadcast_in_dim3A_36 {strides = array<i32>} : memref<16x256xf32, #tpu.memory_space<vmem>>, vector<16xf32>,
    %swap3A_464 = arith.constant 6 : i32
    %swap3A_465 = arith.index_cast %swap3A_464 : i32 to index
    %swap3A_466 = arith.constant 176 : index
    %swap3A_467 = tpu.vector_load %arg8[%swap3A_465, %swap3A_466] {strides = array<i32>} : memref<16x256xf32, #tpu.memory_space<vmem>>, vector<16xf32>,
    tpu.vector_store %arg8[%swap3A_465, %swap3A_466], %broadcast_in_dim3A_36 {strides = array<i32>} : memref<16x256xf32, #tpu.memory_space<vmem>>, vector<16xf32>,
    %swap3A_468 = arith.constant 6 : i32
    %swap3A_469 = arith.index_cast %swap3A_468 : i32 to index
    %swap3A_470 = arith.constant 192 : index
    %swap3A_471 = tpu.vector_load %arg8[%swap3A_469, %swap3A_470] {strides = array<i32>} : memref<16x256xf32, #tpu.memory_space<vmem>>, vector<16xf32>,
    tpu.vector_store %arg8[%swap3A_469, %swap3A_470], %broadcast_in_dim3A_36 {strides = array<i32>} : memref<16x256xf32, #tpu.memory_space<vmem>>, vector<16xf32>,
    %swap3A_472 = arith.constant 6 : i32
    %swap3A_473 = arith.index_cast %swap3A_472 : i32 to index
    %swap3A_474 = arith.constant 208 : index
    %swap3A_475 = tpu.vector_load %arg8[%swap3A_473, %swap3A_474] {strides = array<i32>} : memref<16x256xf32, #tpu.memory_space<vmem>>, vector<16xf32>,
    tpu.vector_store %arg8[%swap3A_473, %swap3A_474], %broadcast_in_dim3A_36 {strides = array<i32>} : memref<16x256xf32, #tpu.memory_space<vmem>>, vector<16xf32>,
    %swap3A_476 = arith.constant 6 : i32
    %swap3A_477 = arith.index_cast %swap3A_476 : i32 to index
    %swap3A_478 = arith.constant 224 : index
    %swap3A_479 = tpu.vector_load %arg8[%swap3A_477, %swap3A_478] {strides = array<i32>} : memref<16x256xf32, #tpu.memory_space<vmem>>, vector<16xf32>,
    tpu.vector_store %arg8[%swap3A_477, %swap3A_478], %broadcast_in_dim3A_36 {strides = array<i32>} : memref<16x256xf32, #tpu.memory_space<vmem>>, vector<16xf32>,
    %swap3A_480 = arith.constant 6 : i32
    %swap3A_481 = arith.index_cast %swap3A_480 : i32 to index
    %swap3A_482 = arith.constant 240 : index
    %swap3A_483 = tpu.vector_load %arg8[%swap3A_481, %swap3A_482] {strides = array<i32>} : memref<16x256xf32, #tpu.memory_space<vmem>>, vector<16xf32>,
    tpu.vector_store %arg8[%swap3A_481, %swap3A_482], %broadcast_in_dim3A_36 {strides = array<i32>} : memref<16x256xf32, #tpu.memory_space<vmem>>, vector<16xf32>,
    %swap3A_484 = arith.constant 7 : i32
    %swap3A_485 = arith.index_cast %swap3A_484 : i32 to index
    %swap3A_486 = arith.constant 0 : index
    %swap3A_487 = tpu.vector_load %arg8[%swap3A_485, %swap3A_486] {strides = array<i32>} : memref<16x256xf32, #tpu.memory_space<vmem>>, vector<16xf32>,
    tpu.vector_store %arg8[%swap3A_485, %swap3A_486], %broadcast_in_dim3A_36 {strides = array<i32>} : memref<16x256xf32, #tpu.memory_space<vmem>>, vector<16xf32>,
    %swap3A_488 = arith.constant 7 : i32
    %swap3A_489 = arith.index_cast %swap3A_488 : i32 to index
    %swap3A_490 = arith.constant 16 : index
    %swap3A_491 = tpu.vector_load %arg8[%swap3A_489, %swap3A_490] {strides = array<i32>} : memref<16x256xf32, #tpu.memory_space<vmem>>, vector<16xf32>,
    tpu.vector_store %arg8[%swap3A_489, %swap3A_490], %broadcast_in_dim3A_36 {strides = array<i32>} : memref<16x256xf32, #tpu.memory_space<vmem>>, vector<16xf32>,
    %swap3A_492 = arith.constant 7 : i32
    %swap3A_493 = arith.index_cast %swap3A_492 : i32 to index
    %swap3A_494 = arith.constant 32 : index
    %swap3A_495 = tpu.vector_load %arg8[%swap3A_493, %swap3A_494] {strides = array<i32>} : memref<16x256xf32, #tpu.memory_space<vmem>>, vector<16xf32>,
    tpu.vector_store %arg8[%swap3A_493, %swap3A_494], %broadcast_in_dim3A_36 {strides = array<i32>} : memref<16x256xf32, #tpu.memory_space<vmem>>, vector<16xf32>,
    %swap3A_496 = arith.constant 7 : i32
    %swap3A_497 = arith.index_cast %swap3A_496 : i32 to index
    %swap3A_498 = arith.constant 48 : index
    %swap3A_499 = tpu.vector_load %arg8[%swap3A_497, %swap3A_498] {strides = array<i32>} : memref<16x256xf32, #tpu.memory_space<vmem>>, vector<16xf32>,
    tpu.vector_store %arg8[%swap3A_497, %swap3A_498], %broadcast_in_dim3A_36 {strides = array<i32>} : memref<16x256xf32, #tpu.memory_space<vmem>>, vector<16xf32>,
    %swap3A_500 = arith.constant 7 : i32
    %swap3A_501 = arith.index_cast %swap3A_500 : i32 to index
    %swap3A_502 = arith.constant 64 : index
    %swap3A_503 = tpu.vector_load %arg8[%swap3A_501, %swap3A_502] {strides = array<i32>} : memref<16x256xf32, #tpu.memory_space<vmem>>, vector<16xf32>,
    tpu.vector_store %arg8[%swap3A_501, %swap3A_502], %broadcast_in_dim3A_36 {strides = array<i32>} : memref<16x256xf32, #tpu.memory_space<vmem>>, vector<16xf32>,
    %swap3A_504 = arith.constant 7 : i32
    %swap3A_505 = arith.index_cast %swap3A_504 : i32 to index
    %swap3A_506 = arith.constant 80 : index
    %swap3A_507 = tpu.vector_load %arg8[%swap3A_505, %swap3A_506] {strides = array<i32>} : memref<16x256xf32, #tpu.memory_space<vmem>>, vector<16xf32>,
    tpu.vector_store %arg8[%swap3A_505, %swap3A_506], %broadcast_in_dim3A_36 {strides = array<i32>} : memref<16x256xf32, #tpu.memory_space<vmem>>, vector<16xf32>,
    %swap3A_508 = arith.constant 7 : i32
    %swap3A_509 = arith.index_cast %swap3A_508 : i32 to index
    %swap3A_510 = arith.constant 96 : index
    %swap3A_511 = tpu.vector_load %arg8[%swap3A_509, %swap3A_510] {strides = array<i32>} : memref<16x256xf32, #tpu.memory_space<vmem>>, vector<16xf32>,
    tpu.vector_store %arg8[%swap3A_509, %swap3A_510], %broadcast_in_dim3A_36 {strides = array<i32>} : memref<16x256xf32, #tpu.memory_space<vmem>>, vector<16xf32>,
    %swap3A_512 = arith.constant 7 : i32
    %swap3A_513 = arith.index_cast %swap3A_512 : i32 to index
    %swap3A_514 = arith.constant 112 : index
    %swap3A_515 = tpu.vector_load %arg8[%swap3A_513, %swap3A_514] {strides = array<i32>} : memref<16x256xf32, #tpu.memory_space<vmem>>, vector<16xf32>,
    tpu.vector_store %arg8[%swap3A_513, %swap3A_514], %broadcast_in_dim3A_36 {strides = array<i32>} : memref<16x256xf32, #tpu.memory_space<vmem>>, vector<16xf32>,
    %swap3A_516 = arith.constant 7 : i32
    %swap3A_517 = arith.index_cast %swap3A_516 : i32 to index
    %swap3A_518 = arith.constant 128 : index
    %swap3A_519 = tpu.vector_load %arg8[%swap3A_517, %swap3A_518] {strides = array<i32>} : memref<16x256xf32, #tpu.memory_space<vmem>>, vector<16xf32>,
    tpu.vector_store %arg8[%swap3A_517, %swap3A_518], %broadcast_in_dim3A_36 {strides = array<i32>} : memref<16x256xf32, #tpu.memory_space<vmem>>, vector<16xf32>,
    %swap3A_520 = arith.constant 7 : i32
    %swap3A_521 = arith.index_cast %swap3A_520 : i32 to index
    %swap3A_522 = arith.constant 144 : index
    %swap3A_523 = tpu.vector_load %arg8[%swap3A_521, %swap3A_522] {strides = array<i32>} : memref<16x256xf32, #tpu.memory_space<vmem>>, vector<16xf32>,
    tpu.vector_store %arg8[%swap3A_521, %swap3A_522], %broadcast_in_dim3A_36 {strides = array<i32>} : memref<16x256xf32, #tpu.memory_space<vmem>>, vector<16xf32>,
    %swap3A_524 = arith.constant 7 : i32
    %swap3A_525 = arith.index_cast %swap3A_524 : i32 to index
    %swap3A_526 = arith.constant 160 : index
    %swap3A_527 = tpu.vector_load %arg8[%swap3A_525, %swap3A_526] {strides = array<i32>} : memref<16x256xf32, #tpu.memory_space<vmem>>, vector<16xf32>,
    tpu.vector_store %arg8[%swap3A_525, %swap3A_526], %broadcast_in_dim3A_36 {strides = array<i32>} : memref<16x256xf32, #tpu.memory_space<vmem>>, vector<16xf32>,
    %swap3A_528 = arith.constant 7 : i32
    %swap3A_529 = arith.index_cast %swap3A_528 : i32 to index
    %swap3A_530 = arith.constant 176 : index
    %swap3A_531 = tpu.vector_load %arg8[%swap3A_529, %swap3A_530] {strides = array<i32>} : memref<16x256xf32, #tpu.memory_space<vmem>>, vector<16xf32>,
    tpu.vector_store %arg8[%swap3A_529, %swap3A_530], %broadcast_in_dim3A_36 {strides = array<i32>} : memref<16x256xf32, #tpu.memory_space<vmem>>, vector<16xf32>,
    %swap3A_532 = arith.constant 7 : i32
    %swap3A_533 = arith.index_cast %swap3A_532 : i32 to index
    %swap3A_534 = arith.constant 192 : index
    %swap3A_535 = tpu.vector_load %arg8[%swap3A_533, %swap3A_534] {strides = array<i32>} : memref<16x256xf32, #tpu.memory_space<vmem>>, vector<16xf32>,
    tpu.vector_store %arg8[%swap3A_533, %swap3A_534], %broadcast_in_dim3A_36 {strides = array<i32>} : memref<16x256xf32, #tpu.memory_space<vmem>>, vector<16xf32>,
    %swap3A_536 = arith.constant 7 : i32
    %swap3A_537 = arith.index_cast %swap3A_536 : i32 to index
    %swap3A_538 = arith.constant 208 : index
    %swap3A_539 = tpu.vector_load %arg8[%swap3A_537, %swap3A_538] {strides = array<i32>} : memref<16x256xf32, #tpu.memory_space<vmem>>, vector<16xf32>,
    tpu.vector_store %arg8[%swap3A_537, %swap3A_538], %broadcast_in_dim3A_36 {strides = array<i32>} : memref<16x256xf32, #tpu.memory_space<vmem>>, vector<16xf32>,
    %swap3A_540 = arith.constant 7 : i32
    %swap3A_541 = arith.index_cast %swap3A_540 : i32 to index
    %swap3A_542 = arith.constant 224 : index
    %swap3A_543 = tpu.vector_load %arg8[%swap3A_541, %swap3A_542] {strides = array<i32>} : memref<16x256xf32, #tpu.memory_space<vmem>>, vector<16xf32>,
    tpu.vector_store %arg8[%swap3A_541, %swap3A_542], %broadcast_in_dim3A_36 {strides = array<i32>} : memref<16x256xf32, #tpu.memory_space<vmem>>, vector<16xf32>,
    %swap3A_544 = arith.constant 7 : i32
    %swap3A_545 = arith.index_cast %swap3A_544 : i32 to index
    %swap3A_546 = arith.constant 240 : index
    %swap3A_547 = tpu.vector_load %arg8[%swap3A_545, %swap3A_546] {strides = array<i32>} : memref<16x256xf32, #tpu.memory_space<vmem>>, vector<16xf32>,
    tpu.vector_store %arg8[%swap3A_545, %swap3A_546], %broadcast_in_dim3A_36 {strides = array<i32>} : memref<16x256xf32, #tpu.memory_space<vmem>>, vector<16xf32>,
    %swap3A_548 = arith.constant 8 : i32
    %swap3A_549 = arith.index_cast %swap3A_548 : i32 to index
    %swap3A_550 = arith.constant 0 : index
    %swap3A_551 = tpu.vector_load %arg8[%swap3A_549, %swap3A_550] {strides = array<i32>} : memref<16x256xf32, #tpu.memory_space<vmem>>, vector<16xf32>,
    tpu.vector_store %arg8[%swap3A_549, %swap3A_550], %broadcast_in_dim3A_36 {strides = array<i32>} : memref<16x256xf32, #tpu.memory_space<vmem>>, vector<16xf32>,
    %swap3A_552 = arith.constant 8 : i32
    %swap3A_553 = arith.index_cast %swap3A_552 : i32 to index
    %swap3A_554 = arith.constant 16 : index
    %swap3A_555 = tpu.vector_load %arg8[%swap3A_553, %swap3A_554] {strides = array<i32>} : memref<16x256xf32, #tpu.memory_space<vmem>>, vector<16xf32>,
    tpu.vector_store %arg8[%swap3A_553, %swap3A_554], %broadcast_in_dim3A_36 {strides = array<i32>} : memref<16x256xf32, #tpu.memory_space<vmem>>, vector<16xf32>,
    %swap3A_556 = arith.constant 8 : i32
    %swap3A_557 = arith.index_cast %swap3A_556 : i32 to index
    %swap3A_558 = arith.constant 32 : index
    %swap3A_559 = tpu.vector_load %arg8[%swap3A_557, %swap3A_558] {strides = array<i32>} : memref<16x256xf32, #tpu.memory_space<vmem>>, vector<16xf32>,
    tpu.vector_store %arg8[%swap3A_557, %swap3A_558], %broadcast_in_dim3A_36 {strides = array<i32>} : memref<16x256xf32, #tpu.memory_space<vmem>>, vector<16xf32>,
    %swap3A_560 = arith.constant 8 : i32
    %swap3A_561 = arith.index_cast %swap3A_560 : i32 to index
    %swap3A_562 = arith.constant 48 : index
    %swap3A_563 = tpu.vector_load %arg8[%swap3A_561, %swap3A_562] {strides = array<i32>} : memref<16x256xf32, #tpu.memory_space<vmem>>, vector<16xf32>,
    tpu.vector_store %arg8[%swap3A_561, %swap3A_562], %broadcast_in_dim3A_36 {strides = array<i32>} : memref<16x256xf32, #tpu.memory_space<vmem>>, vector<16xf32>,
    %swap3A_564 = arith.constant 8 : i32
    %swap3A_565 = arith.index_cast %swap3A_564 : i32 to index
    %swap3A_566 = arith.constant 64 : index
    %swap3A_567 = tpu.vector_load %arg8[%swap3A_565, %swap3A_566] {strides = array<i32>} : memref<16x256xf32, #tpu.memory_space<vmem>>, vector<16xf32>,
    tpu.vector_store %arg8[%swap3A_565, %swap3A_566], %broadcast_in_dim3A_36 {strides = array<i32>} : memref<16x256xf32, #tpu.memory_space<vmem>>, vector<16xf32>,
    %swap3A_568 = arith.constant 8 : i32
    %swap3A_569 = arith.index_cast %swap3A_568 : i32 to index
    %swap3A_570 = arith.constant 80 : index
    %swap3A_571 = tpu.vector_load %arg8[%swap3A_569, %swap3A_570] {strides = array<i32>} : memref<16x256xf32, #tpu.memory_space<vmem>>, vector<16xf32>,
    tpu.vector_store %arg8[%swap3A_569, %swap3A_570], %broadcast_in_dim3A_36 {strides = array<i32>} : memref<16x256xf32, #tpu.memory_space<vmem>>, vector<16xf32>,
    %swap3A_572 = arith.constant 8 : i32
    %swap3A_573 = arith.index_cast %swap3A_572 : i32 to index
    %swap3A_574 = arith.constant 96 : index
    %swap3A_575 = tpu.vector_load %arg8[%swap3A_573, %swap3A_574] {strides = array<i32>} : memref<16x256xf32, #tpu.memory_space<vmem>>, vector<16xf32>,
    tpu.vector_store %arg8[%swap3A_573, %swap3A_574], %broadcast_in_dim3A_36 {strides = array<i32>} : memref<16x256xf32, #tpu.memory_space<vmem>>, vector<16xf32>,
    %swap3A_576 = arith.constant 8 : i32
    %swap3A_577 = arith.index_cast %swap3A_576 : i32 to index
    %swap3A_578 = arith.constant 112 : index
    %swap3A_579 = tpu.vector_load %arg8[%swap3A_577, %swap3A_578] {strides = array<i32>} : memref<16x256xf32, #tpu.memory_space<vmem>>, vector<16xf32>,
    tpu.vector_store %arg8[%swap3A_577, %swap3A_578], %broadcast_in_dim3A_36 {strides = array<i32>} : memref<16x256xf32, #tpu.memory_space<vmem>>, vector<16xf32>,
    %swap3A_580 = arith.constant 8 : i32
    %swap3A_581 = arith.index_cast %swap3A_580 : i32 to index
    %swap3A_582 = arith.constant 128 : index
    %swap3A_583 = tpu.vector_load %arg8[%swap3A_581, %swap3A_582] {strides = array<i32>} : memref<16x256xf32, #tpu.memory_space<vmem>>, vector<16xf32>,
    tpu.vector_store %arg8[%swap3A_581, %swap3A_582], %broadcast_in_dim3A_36 {strides = array<i32>} : memref<16x256xf32, #tpu.memory_space<vmem>>, vector<16xf32>,
    %swap3A_584 = arith.constant 8 : i32
    %swap3A_585 = arith.index_cast %swap3A_584 : i32 to index
    %swap3A_586 = arith.constant 144 : index
    %swap3A_587 = tpu.vector_load %arg8[%swap3A_585, %swap3A_586] {strides = array<i32>} : memref<16x256xf32, #tpu.memory_space<vmem>>, vector<16xf32>,
    tpu.vector_store %arg8[%swap3A_585, %swap3A_586], %broadcast_in_dim3A_36 {strides = array<i32>} : memref<16x256xf32, #tpu.memory_space<vmem>>, vector<16xf32>,
    %swap3A_588 = arith.constant 8 : i32
    %swap3A_589 = arith.index_cast %swap3A_588 : i32 to index
    %swap3A_590 = arith.constant 160 : index
    %swap3A_591 = tpu.vector_load %arg8[%swap3A_589, %swap3A_590] {strides = array<i32>} : memref<16x256xf32, #tpu.memory_space<vmem>>, vector<16xf32>,
    tpu.vector_store %arg8[%swap3A_589, %swap3A_590], %broadcast_in_dim3A_36 {strides = array<i32>} : memref<16x256xf32, #tpu.memory_space<vmem>>, vector<16xf32>,
    %swap3A_592 = arith.constant 8 : i32
    %swap3A_593 = arith.index_cast %swap3A_592 : i32 to index
    %swap3A_594 = arith.constant 176 : index
    %swap3A_595 = tpu.vector_load %arg8[%swap3A_593, %swap3A_594] {strides = array<i32>} : memref<16x256xf32, #tpu.memory_space<vmem>>, vector<16xf32>,
    tpu.vector_store %arg8[%swap3A_593, %swap3A_594], %broadcast_in_dim3A_36 {strides = array<i32>} : memref<16x256xf32, #tpu.memory_space<vmem>>, vector<16xf32>,
    %swap3A_596 = arith.constant 8 : i32
    %swap3A_597 = arith.index_cast %swap3A_596 : i32 to index
    %swap3A_598 = arith.constant 192 : index
    %swap3A_599 = tpu.vector_load %arg8[%swap3A_597, %swap3A_598] {strides = array<i32>} : memref<16x256xf32, #tpu.memory_space<vmem>>, vector<16xf32>,
    tpu.vector_store %arg8[%swap3A_597, %swap3A_598], %broadcast_in_dim3A_36 {strides = array<i32>} : memref<16x256xf32, #tpu.memory_space<vmem>>, vector<16xf32>,
    %swap3A_600 = arith.constant 8 : i32
    %swap3A_601 = arith.index_cast %swap3A_600 : i32 to index
    %swap3A_602 = arith.constant 208 : index
    %swap3A_603 = tpu.vector_load %arg8[%swap3A_601, %swap3A_602] {strides = array<i32>} : memref<16x256xf32, #tpu.memory_space<vmem>>, vector<16xf32>,
    tpu.vector_store %arg8[%swap3A_601, %swap3A_602], %broadcast_in_dim3A_36 {strides = array<i32>} : memref<16x256xf32, #tpu.memory_space<vmem>>, vector<16xf32>,
    %swap3A_604 = arith.constant 8 : i32
    %swap3A_605 = arith.index_cast %swap3A_604 : i32 to index
    %swap3A_606 = arith.constant 224 : index
    %swap3A_607 = tpu.vector_load %arg8[%swap3A_605, %swap3A_606] {strides = array<i32>} : memref<16x256xf32, #tpu.memory_space<vmem>>, vector<16xf32>,
    tpu.vector_store %arg8[%swap3A_605, %swap3A_606], %broadcast_in_dim3A_36 {strides = array<i32>} : memref<16x256xf32, #tpu.memory_space<vmem>>, vector<16xf32>,
    %swap3A_608 = arith.constant 8 : i32
    %swap3A_609 = arith.index_cast %swap3A_608 : i32 to index
    %swap3A_610 = arith.constant 240 : index
    %swap3A_611 = tpu.vector_load %arg8[%swap3A_609, %swap3A_610] {strides = array<i32>} : memref<16x256xf32, #tpu.memory_space<vmem>>, vector<16xf32>,
    tpu.vector_store %arg8[%swap3A_609, %swap3A_610], %broadcast_in_dim3A_36 {strides = array<i32>} : memref<16x256xf32, #tpu.memory_space<vmem>>, vector<16xf32>,
    %swap3A_612 = arith.constant 9 : i32
    %swap3A_613 = arith.index_cast %swap3A_612 : i32 to index
    %swap3A_614 = arith.constant 0 : index
    %swap3A_615 = tpu.vector_load %arg8[%swap3A_613, %swap3A_614] {strides = array<i32>} : memref<16x256xf32, #tpu.memory_space<vmem>>, vector<16xf32>,
    tpu.vector_store %arg8[%swap3A_613, %swap3A_614], %broadcast_in_dim3A_36 {strides = array<i32>} : memref<16x256xf32, #tpu.memory_space<vmem>>, vector<16xf32>,
    %swap3A_616 = arith.constant 9 : i32
    %swap3A_617 = arith.index_cast %swap3A_616 : i32 to index
    %swap3A_618 = arith.constant 16 : index
    %swap3A_619 = tpu.vector_load %arg8[%swap3A_617, %swap3A_618] {strides = array<i32>} : memref<16x256xf32, #tpu.memory_space<vmem>>, vector<16xf32>,
    tpu.vector_store %arg8[%swap3A_617, %swap3A_618], %broadcast_in_dim3A_36 {strides = array<i32>} : memref<16x256xf32, #tpu.memory_space<vmem>>, vector<16xf32>,
    %swap3A_620 = arith.constant 9 : i32
    %swap3A_621 = arith.index_cast %swap3A_620 : i32 to index
    %swap3A_622 = arith.constant 32 : index
    %swap3A_623 = tpu.vector_load %arg8[%swap3A_621, %swap3A_622] {strides = array<i32>} : memref<16x256xf32, #tpu.memory_space<vmem>>, vector<16xf32>,
    tpu.vector_store %arg8[%swap3A_621, %swap3A_622], %broadcast_in_dim3A_36 {strides = array<i32>} : memref<16x256xf32, #tpu.memory_space<vmem>>, vector<16xf32>,
    %swap3A_624 = arith.constant 9 : i32
    %swap3A_625 = arith.index_cast %swap3A_624 : i32 to index
    %swap3A_626 = arith.constant 48 : index
    %swap3A_627 = tpu.vector_load %arg8[%swap3A_625, %swap3A_626] {strides = array<i32>} : memref<16x256xf32, #tpu.memory_space<vmem>>, vector<16xf32>,
    tpu.vector_store %arg8[%swap3A_625, %swap3A_626], %broadcast_in_dim3A_36 {strides = array<i32>} : memref<16x256xf32, #tpu.memory_space<vmem>>, vector<16xf32>,
    %swap3A_628 = arith.constant 9 : i32
    %swap3A_629 = arith.index_cast %swap3A_628 : i32 to index
    %swap3A_630 = arith.constant 64 : index
    %swap3A_631 = tpu.vector_load %arg8[%swap3A_629, %swap3A_630] {strides = array<i32>} : memref<16x256xf32, #tpu.memory_space<vmem>>, vector<16xf32>,
    tpu.vector_store %arg8[%swap3A_629, %swap3A_630], %broadcast_in_dim3A_36 {strides = array<i32>} : memref<16x256xf32, #tpu.memory_space<vmem>>, vector<16xf32>,
    %swap3A_632 = arith.constant 9 : i32
    %swap3A_633 = arith.index_cast %swap3A_632 : i32 to index
    %swap3A_634 = arith.constant 80 : index
    %swap3A_635 = tpu.vector_load %arg8[%swap3A_633, %swap3A_634] {strides = array<i32>} : memref<16x256xf32, #tpu.memory_space<vmem>>, vector<16xf32>,
    tpu.vector_store %arg8[%swap3A_633, %swap3A_634], %broadcast_in_dim3A_36 {strides = array<i32>} : memref<16x256xf32, #tpu.memory_space<vmem>>, vector<16xf32>,
    %swap3A_636 = arith.constant 9 : i32
    %swap3A_637 = arith.index_cast %swap3A_636 : i32 to index
    %swap3A_638 = arith.constant 96 : index
    %swap3A_639 = tpu.vector_load %arg8[%swap3A_637, %swap3A_638] {strides = array<i32>} : memref<16x256xf32, #tpu.memory_space<vmem>>, vector<16xf32>,
    tpu.vector_store %arg8[%swap3A_637, %swap3A_638], %broadcast_in_dim3A_36 {strides = array<i32>} : memref<16x256xf32, #tpu.memory_space<vmem>>, vector<16xf32>,
    %swap3A_640 = arith.constant 9 : i32
    %swap3A_641 = arith.index_cast %swap3A_640 : i32 to index
    %swap3A_642 = arith.constant 112 : index
    %swap3A_643 = tpu.vector_load %arg8[%swap3A_641, %swap3A_642] {strides = array<i32>} : memref<16x256xf32, #tpu.memory_space<vmem>>, vector<16xf32>,
    tpu.vector_store %arg8[%swap3A_641, %swap3A_642], %broadcast_in_dim3A_36 {strides = array<i32>} : memref<16x256xf32, #tpu.memory_space<vmem>>, vector<16xf32>,
    %swap3A_644 = arith.constant 9 : i32
    %swap3A_645 = arith.index_cast %swap3A_644 : i32 to index
    %swap3A_646 = arith.constant 128 : index
    %swap3A_647 = tpu.vector_load %arg8[%swap3A_645, %swap3A_646] {strides = array<i32>} : memref<16x256xf32, #tpu.memory_space<vmem>>, vector<16xf32>,
    tpu.vector_store %arg8[%swap3A_645, %swap3A_646], %broadcast_in_dim3A_36 {strides = array<i32>} : memref<16x256xf32, #tpu.memory_space<vmem>>, vector<16xf32>,
    %swap3A_648 = arith.constant 9 : i32
    %swap3A_649 = arith.index_cast %swap3A_648 : i32 to index
    %swap3A_650 = arith.constant 144 : index
    %swap3A_651 = tpu.vector_load %arg8[%swap3A_649, %swap3A_650] {strides = array<i32>} : memref<16x256xf32, #tpu.memory_space<vmem>>, vector<16xf32>,
    tpu.vector_store %arg8[%swap3A_649, %swap3A_650], %broadcast_in_dim3A_36 {strides = array<i32>} : memref<16x256xf32, #tpu.memory_space<vmem>>, vector<16xf32>,
    %swap3A_652 = arith.constant 9 : i32
    %swap3A_653 = arith.index_cast %swap3A_652 : i32 to index
    %swap3A_654 = arith.constant 160 : index
    %swap3A_655 = tpu.vector_load %arg8[%swap3A_653, %swap3A_654] {strides = array<i32>} : memref<16x256xf32, #tpu.memory_space<vmem>>, vector<16xf32>,
    tpu.vector_store %arg8[%swap3A_653, %swap3A_654], %broadcast_in_dim3A_36 {strides = array<i32>} : memref<16x256xf32, #tpu.memory_space<vmem>>, vector<16xf32>,
    %swap3A_656 = arith.constant 9 : i32
    %swap3A_657 = arith.index_cast %swap3A_656 : i32 to index
    %swap3A_658 = arith.constant 176 : index
    %swap3A_659 = tpu.vector_load %arg8[%swap3A_657, %swap3A_658] {strides = array<i32>} : memref<16x256xf32, #tpu.memory_space<vmem>>, vector<16xf32>,
    tpu.vector_store %arg8[%swap3A_657, %swap3A_658], %broadcast_in_dim3A_36 {strides = array<i32>} : memref<16x256xf32, #tpu.memory_space<vmem>>, vector<16xf32>,
    %swap3A_660 = arith.constant 9 : i32
    %swap3A_661 = arith.index_cast %swap3A_660 : i32 to index
    %swap3A_662 = arith.constant 192 : index
    %swap3A_663 = tpu.vector_load %arg8[%swap3A_661, %swap3A_662] {strides = array<i32>} : memref<16x256xf32, #tpu.memory_space<vmem>>, vector<16xf32>,
    tpu.vector_store %arg8[%swap3A_661, %swap3A_662], %broadcast_in_dim3A_36 {strides = array<i32>} : memref<16x256xf32, #tpu.memory_space<vmem>>, vector<16xf32>,
    %swap3A_664 = arith.constant 9 : i32
    %swap3A_665 = arith.index_cast %swap3A_664 : i32 to index
    %swap3A_666 = arith.constant 208 : index
    %swap3A_667 = tpu.vector_load %arg8[%swap3A_665, %swap3A_666] {strides = array<i32>} : memref<16x256xf32, #tpu.memory_space<vmem>>, vector<16xf32>,
    tpu.vector_store %arg8[%swap3A_665, %swap3A_666], %broadcast_in_dim3A_36 {strides = array<i32>} : memref<16x256xf32, #tpu.memory_space<vmem>>, vector<16xf32>,
    %swap3A_668 = arith.constant 9 : i32
    %swap3A_669 = arith.index_cast %swap3A_668 : i32 to index
    %swap3A_670 = arith.constant 224 : index
    %swap3A_671 = tpu.vector_load %arg8[%swap3A_669, %swap3A_670] {strides = array<i32>} : memref<16x256xf32, #tpu.memory_space<vmem>>, vector<16xf32>,
    tpu.vector_store %arg8[%swap3A_669, %swap3A_670], %broadcast_in_dim3A_36 {strides = array<i32>} : memref<16x256xf32, #tpu.memory_space<vmem>>, vector<16xf32>,
    %swap3A_672 = arith.constant 9 : i32
    %swap3A_673 = arith.index_cast %swap3A_672 : i32 to index
    %swap3A_674 = arith.constant 240 : index
    %swap3A_675 = tpu.vector_load %arg8[%swap3A_673, %swap3A_674] {strides = array<i32>} : memref<16x256xf32, #tpu.memory_space<vmem>>, vector<16xf32>,
    tpu.vector_store %arg8[%swap3A_673, %swap3A_674], %broadcast_in_dim3A_36 {strides = array<i32>} : memref<16x256xf32, #tpu.memory_space<vmem>>, vector<16xf32>,
    %swap3A_676 = arith.constant 10 : i32
    %swap3A_677 = arith.index_cast %swap3A_676 : i32 to index
    %swap3A_678 = arith.constant 0 : index
    %swap3A_679 = tpu.vector_load %arg8[%swap3A_677, %swap3A_678] {strides = array<i32>} : memref<16x256xf32, #tpu.memory_space<vmem>>, vector<16xf32>,
    tpu.vector_store %arg8[%swap3A_677, %swap3A_678], %broadcast_in_dim3A_36 {strides = array<i32>} : memref<16x256xf32, #tpu.memory_space<vmem>>, vector<16xf32>,
    %swap3A_680 = arith.constant 10 : i32
    %swap3A_681 = arith.index_cast %swap3A_680 : i32 to index
    %swap3A_682 = arith.constant 16 : index
    %swap3A_683 = tpu.vector_load %arg8[%swap3A_681, %swap3A_682] {strides = array<i32>} : memref<16x256xf32, #tpu.memory_space<vmem>>, vector<16xf32>,
    tpu.vector_store %arg8[%swap3A_681, %swap3A_682], %broadcast_in_dim3A_36 {strides = array<i32>} : memref<16x256xf32, #tpu.memory_space<vmem>>, vector<16xf32>,
    %swap3A_684 = arith.constant 10 : i32
    %swap3A_685 = arith.index_cast %swap3A_684 : i32 to index
    %swap3A_686 = arith.constant 32 : index
    %swap3A_687 = tpu.vector_load %arg8[%swap3A_685, %swap3A_686] {strides = array<i32>} : memref<16x256xf32, #tpu.memory_space<vmem>>, vector<16xf32>,
    tpu.vector_store %arg8[%swap3A_685, %swap3A_686], %broadcast_in_dim3A_36 {strides = array<i32>} : memref<16x256xf32, #tpu.memory_space<vmem>>, vector<16xf32>,
    %swap3A_688 = arith.constant 10 : i32
    %swap3A_689 = arith.index_cast %swap3A_688 : i32 to index
    %swap3A_690 = arith.constant 48 : index
    %swap3A_691 = tpu.vector_load %arg8[%swap3A_689, %swap3A_690] {strides = array<i32>} : memref<16x256xf32, #tpu.memory_space<vmem>>, vector<16xf32>,
    tpu.vector_store %arg8[%swap3A_689, %swap3A_690], %broadcast_in_dim3A_36 {strides = array<i32>} : memref<16x256xf32, #tpu.memory_space<vmem>>, vector<16xf32>,
    %swap3A_692 = arith.constant 10 : i32
    %swap3A_693 = arith.index_cast %swap3A_692 : i32 to index
    %swap3A_694 = arith.constant 64 : index
    %swap3A_695 = tpu.vector_load %arg8[%swap3A_693, %swap3A_694] {strides = array<i32>} : memref<16x256xf32, #tpu.memory_space<vmem>>, vector<16xf32>,
    tpu.vector_store %arg8[%swap3A_693, %swap3A_694], %broadcast_in_dim3A_36 {strides = array<i32>} : memref<16x256xf32, #tpu.memory_space<vmem>>, vector<16xf32>,
    %swap3A_696 = arith.constant 10 : i32
    %swap3A_697 = arith.index_cast %swap3A_696 : i32 to index
    %swap3A_698 = arith.constant 80 : index
    %swap3A_699 = tpu.vector_load %arg8[%swap3A_697, %swap3A_698] {strides = array<i32>} : memref<16x256xf32, #tpu.memory_space<vmem>>, vector<16xf32>,
    tpu.vector_store %arg8[%swap3A_697, %swap3A_698], %broadcast_in_dim3A_36 {strides = array<i32>} : memref<16x256xf32, #tpu.memory_space<vmem>>, vector<16xf32>,
    %swap3A_700 = arith.constant 10 : i32
    %swap3A_701 = arith.index_cast %swap3A_700 : i32 to index
    %swap3A_702 = arith.constant 96 : index
    %swap3A_703 = tpu.vector_load %arg8[%swap3A_701, %swap3A_702] {strides = array<i32>} : memref<16x256xf32, #tpu.memory_space<vmem>>, vector<16xf32>,
    tpu.vector_store %arg8[%swap3A_701, %swap3A_702], %broadcast_in_dim3A_36 {strides = array<i32>} : memref<16x256xf32, #tpu.memory_space<vmem>>, vector<16xf32>,
    %swap3A_704 = arith.constant 10 : i32
    %swap3A_705 = arith.index_cast %swap3A_704 : i32 to index
    %swap3A_706 = arith.constant 112 : index
    %swap3A_707 = tpu.vector_load %arg8[%swap3A_705, %swap3A_706] {strides = array<i32>} : memref<16x256xf32, #tpu.memory_space<vmem>>, vector<16xf32>,
    tpu.vector_store %arg8[%swap3A_705, %swap3A_706], %broadcast_in_dim3A_36 {strides = array<i32>} : memref<16x256xf32, #tpu.memory_space<vmem>>, vector<16xf32>,
    %swap3A_708 = arith.constant 10 : i32
    %swap3A_709 = arith.index_cast %swap3A_708 : i32 to index
    %swap3A_710 = arith.constant 128 : index
    %swap3A_711 = tpu.vector_load %arg8[%swap3A_709, %swap3A_710] {strides = array<i32>} : memref<16x256xf32, #tpu.memory_space<vmem>>, vector<16xf32>,
    tpu.vector_store %arg8[%swap3A_709, %swap3A_710], %broadcast_in_dim3A_36 {strides = array<i32>} : memref<16x256xf32, #tpu.memory_space<vmem>>, vector<16xf32>,
    %swap3A_712 = arith.constant 10 : i32
    %swap3A_713 = arith.index_cast %swap3A_712 : i32 to index
    %swap3A_714 = arith.constant 144 : index
    %swap3A_715 = tpu.vector_load %arg8[%swap3A_713, %swap3A_714] {strides = array<i32>} : memref<16x256xf32, #tpu.memory_space<vmem>>, vector<16xf32>,
    tpu.vector_store %arg8[%swap3A_713, %swap3A_714], %broadcast_in_dim3A_36 {strides = array<i32>} : memref<16x256xf32, #tpu.memory_space<vmem>>, vector<16xf32>,
    %swap3A_716 = arith.constant 10 : i32
    %swap3A_717 = arith.index_cast %swap3A_716 : i32 to index
    %swap3A_718 = arith.constant 160 : index
    %swap3A_719 = tpu.vector_load %arg8[%swap3A_717, %swap3A_718] {strides = array<i32>} : memref<16x256xf32, #tpu.memory_space<vmem>>, vector<16xf32>,
    tpu.vector_store %arg8[%swap3A_717, %swap3A_718], %broadcast_in_dim3A_36 {strides = array<i32>} : memref<16x256xf32, #tpu.memory_space<vmem>>, vector<16xf32>,
    %swap3A_720 = arith.constant 10 : i32
    %swap3A_721 = arith.index_cast %swap3A_720 : i32 to index
    %swap3A_722 = arith.constant 176 : index
    %swap3A_723 = tpu.vector_load %arg8[%swap3A_721, %swap3A_722] {strides = array<i32>} : memref<16x256xf32, #tpu.memory_space<vmem>>, vector<16xf32>,
    tpu.vector_store %arg8[%swap3A_721, %swap3A_722], %broadcast_in_dim3A_36 {strides = array<i32>} : memref<16x256xf32, #tpu.memory_space<vmem>>, vector<16xf32>,
    %swap3A_724 = arith.constant 10 : i32
    %swap3A_725 = arith.index_cast %swap3A_724 : i32 to index
    %swap3A_726 = arith.constant 192 : index
    %swap3A_727 = tpu.vector_load %arg8[%swap3A_725, %swap3A_726] {strides = array<i32>} : memref<16x256xf32, #tpu.memory_space<vmem>>, vector<16xf32>,
    tpu.vector_store %arg8[%swap3A_725, %swap3A_726], %broadcast_in_dim3A_36 {strides = array<i32>} : memref<16x256xf32, #tpu.memory_space<vmem>>, vector<16xf32>,
    %swap3A_728 = arith.constant 10 : i32
    %swap3A_729 = arith.index_cast %swap3A_728 : i32 to index
    %swap3A_730 = arith.constant 208 : index
    %swap3A_731 = tpu.vector_load %arg8[%swap3A_729, %swap3A_730] {strides = array<i32>} : memref<16x256xf32, #tpu.memory_space<vmem>>, vector<16xf32>,
    tpu.vector_store %arg8[%swap3A_729, %swap3A_730], %broadcast_in_dim3A_36 {strides = array<i32>} : memref<16x256xf32, #tpu.memory_space<vmem>>, vector<16xf32>,
    %swap3A_732 = arith.constant 10 : i32
    %swap3A_733 = arith.index_cast %swap3A_732 : i32 to index
    %swap3A_734 = arith.constant 224 : index
    %swap3A_735 = tpu.vector_load %arg8[%swap3A_733, %swap3A_734] {strides = array<i32>} : memref<16x256xf32, #tpu.memory_space<vmem>>, vector<16xf32>,
    tpu.vector_store %arg8[%swap3A_733, %swap3A_734], %broadcast_in_dim3A_36 {strides = array<i32>} : memref<16x256xf32, #tpu.memory_space<vmem>>, vector<16xf32>,
    %swap3A_736 = arith.constant 10 : i32
    %swap3A_737 = arith.index_cast %swap3A_736 : i32 to index
    %swap3A_738 = arith.constant 240 : index
    %swap3A_739 = tpu.vector_load %arg8[%swap3A_737, %swap3A_738] {strides = array<i32>} : memref<16x256xf32, #tpu.memory_space<vmem>>, vector<16xf32>,
    tpu.vector_store %arg8[%swap3A_737, %swap3A_738], %broadcast_in_dim3A_36 {strides = array<i32>} : memref<16x256xf32, #tpu.memory_space<vmem>>, vector<16xf32>,
    %swap3A_740 = arith.constant 11 : i32
    %swap3A_741 = arith.index_cast %swap3A_740 : i32 to index
    %swap3A_742 = arith.constant 0 : index
    %swap3A_743 = tpu.vector_load %arg8[%swap3A_741, %swap3A_742] {strides = array<i32>} : memref<16x256xf32, #tpu.memory_space<vmem>>, vector<16xf32>,
    tpu.vector_store %arg8[%swap3A_741, %swap3A_742], %broadcast_in_dim3A_36 {strides = array<i32>} : memref<16x256xf32, #tpu.memory_space<vmem>>, vector<16xf32>,
    %swap3A_744 = arith.constant 11 : i32
    %swap3A_745 = arith.index_cast %swap3A_744 : i32 to index
    %swap3A_746 = arith.constant 16 : index
    %swap3A_747 = tpu.vector_load %arg8[%swap3A_745, %swap3A_746] {strides = array<i32>} : memref<16x256xf32, #tpu.memory_space<vmem>>, vector<16xf32>,
    tpu.vector_store %arg8[%swap3A_745, %swap3A_746], %broadcast_in_dim3A_36 {strides = array<i32>} : memref<16x256xf32, #tpu.memory_space<vmem>>, vector<16xf32>,
    %swap3A_748 = arith.constant 11 : i32
    %swap3A_749 = arith.index_cast %swap3A_748 : i32 to index
    %swap3A_750 = arith.constant 32 : index
    %swap3A_751 = tpu.vector_load %arg8[%swap3A_749, %swap3A_750] {strides = array<i32>} : memref<16x256xf32, #tpu.memory_space<vmem>>, vector<16xf32>,
    tpu.vector_store %arg8[%swap3A_749, %swap3A_750], %broadcast_in_dim3A_36 {strides = array<i32>} : memref<16x256xf32, #tpu.memory_space<vmem>>, vector<16xf32>,
    %swap3A_752 = arith.constant 11 : i32
    %swap3A_753 = arith.index_cast %swap3A_752 : i32 to index
    %swap3A_754 = arith.constant 48 : index
    %swap3A_755 = tpu.vector_load %arg8[%swap3A_753, %swap3A_754] {strides = array<i32>} : memref<16x256xf32, #tpu.memory_space<vmem>>, vector<16xf32>,
    tpu.vector_store %arg8[%swap3A_753, %swap3A_754], %broadcast_in_dim3A_36 {strides = array<i32>} : memref<16x256xf32, #tpu.memory_space<vmem>>, vector<16xf32>,
    %swap3A_756 = arith.constant 11 : i32
    %swap3A_757 = arith.index_cast %swap3A_756 : i32 to index
    %swap3A_758 = arith.constant 64 : index
    %swap3A_759 = tpu.vector_load %arg8[%swap3A_757, %swap3A_758] {strides = array<i32>} : memref<16x256xf32, #tpu.memory_space<vmem>>, vector<16xf32>,
    tpu.vector_store %arg8[%swap3A_757, %swap3A_758], %broadcast_in_dim3A_36 {strides = array<i32>} : memref<16x256xf32, #tpu.memory_space<vmem>>, vector<16xf32>,
    %swap3A_760 = arith.constant 11 : i32
    %swap3A_761 = arith.index_cast %swap3A_760 : i32 to index
    %swap3A_762 = arith.constant 80 : index
    %swap3A_763 = tpu.vector_load %arg8[%swap3A_761, %swap3A_762] {strides = array<i32>} : memref<16x256xf32, #tpu.memory_space<vmem>>, vector<16xf32>,
    tpu.vector_store %arg8[%swap3A_761, %swap3A_762], %broadcast_in_dim3A_36 {strides = array<i32>} : memref<16x256xf32, #tpu.memory_space<vmem>>, vector<16xf32>,
    %swap3A_764 = arith.constant 11 : i32
    %swap3A_765 = arith.index_cast %swap3A_764 : i32 to index
    %swap3A_766 = arith.constant 96 : index
    %swap3A_767 = tpu.vector_load %arg8[%swap3A_765, %swap3A_766] {strides = array<i32>} : memref<16x256xf32, #tpu.memory_space<vmem>>, vector<16xf32>,
    tpu.vector_store %arg8[%swap3A_765, %swap3A_766], %broadcast_in_dim3A_36 {strides = array<i32>} : memref<16x256xf32, #tpu.memory_space<vmem>>, vector<16xf32>,
    %swap3A_768 = arith.constant 11 : i32
    %swap3A_769 = arith.index_cast %swap3A_768 : i32 to index
    %swap3A_770 = arith.constant 112 : index
    %swap3A_771 = tpu.vector_load %arg8[%swap3A_769, %swap3A_770] {strides = array<i32>} : memref<16x256xf32, #tpu.memory_space<vmem>>, vector<16xf32>,
    tpu.vector_store %arg8[%swap3A_769, %swap3A_770], %broadcast_in_dim3A_36 {strides = array<i32>} : memref<16x256xf32, #tpu.memory_space<vmem>>, vector<16xf32>,
    %swap3A_772 = arith.constant 11 : i32
    %swap3A_773 = arith.index_cast %swap3A_772 : i32 to index
    %swap3A_774 = arith.constant 128 : index
    %swap3A_775 = tpu.vector_load %arg8[%swap3A_773, %swap3A_774] {strides = array<i32>} : memref<16x256xf32, #tpu.memory_space<vmem>>, vector<16xf32>,
    tpu.vector_store %arg8[%swap3A_773, %swap3A_774], %broadcast_in_dim3A_36 {strides = array<i32>} : memref<16x256xf32, #tpu.memory_space<vmem>>, vector<16xf32>,
    %swap3A_776 = arith.constant 11 : i32
    %swap3A_777 = arith.index_cast %swap3A_776 : i32 to index
    %swap3A_778 = arith.constant 144 : index
    %swap3A_779 = tpu.vector_load %arg8[%swap3A_777, %swap3A_778] {strides = array<i32>} : memref<16x256xf32, #tpu.memory_space<vmem>>, vector<16xf32>,
    tpu.vector_store %arg8[%swap3A_777, %swap3A_778], %broadcast_in_dim3A_36 {strides = array<i32>} : memref<16x256xf32, #tpu.memory_space<vmem>>, vector<16xf32>,
    %swap3A_780 = arith.constant 11 : i32
    %swap3A_781 = arith.index_cast %swap3A_780 : i32 to index
    %swap3A_782 = arith.constant 160 : index
    %swap3A_783 = tpu.vector_load %arg8[%swap3A_781, %swap3A_782] {strides = array<i32>} : memref<16x256xf32, #tpu.memory_space<vmem>>, vector<16xf32>,
    tpu.vector_store %arg8[%swap3A_781, %swap3A_782], %broadcast_in_dim3A_36 {strides = array<i32>} : memref<16x256xf32, #tpu.memory_space<vmem>>, vector<16xf32>,
    %swap3A_784 = arith.constant 11 : i32
    %swap3A_785 = arith.index_cast %swap3A_784 : i32 to index
    %swap3A_786 = arith.constant 176 : index
    %swap3A_787 = tpu.vector_load %arg8[%swap3A_785, %swap3A_786] {strides = array<i32>} : memref<16x256xf32, #tpu.memory_space<vmem>>, vector<16xf32>,
    tpu.vector_store %arg8[%swap3A_785, %swap3A_786], %broadcast_in_dim3A_36 {strides = array<i32>} : memref<16x256xf32, #tpu.memory_space<vmem>>, vector<16xf32>,
    %swap3A_788 = arith.constant 11 : i32
    %swap3A_789 = arith.index_cast %swap3A_788 : i32 to index
    %swap3A_790 = arith.constant 192 : index
    %swap3A_791 = tpu.vector_load %arg8[%swap3A_789, %swap3A_790] {strides = array<i32>} : memref<16x256xf32, #tpu.memory_space<vmem>>, vector<16xf32>,
    tpu.vector_store %arg8[%swap3A_789, %swap3A_790], %broadcast_in_dim3A_36 {strides = array<i32>} : memref<16x256xf32, #tpu.memory_space<vmem>>, vector<16xf32>,
    %swap3A_792 = arith.constant 11 : i32
    %swap3A_793 = arith.index_cast %swap3A_792 : i32 to index
    %swap3A_794 = arith.constant 208 : index
    %swap3A_795 = tpu.vector_load %arg8[%swap3A_793, %swap3A_794] {strides = array<i32>} : memref<16x256xf32, #tpu.memory_space<vmem>>, vector<16xf32>,
    tpu.vector_store %arg8[%swap3A_793, %swap3A_794], %broadcast_in_dim3A_36 {strides = array<i32>} : memref<16x256xf32, #tpu.memory_space<vmem>>, vector<16xf32>,
    %swap3A_796 = arith.constant 11 : i32
    %swap3A_797 = arith.index_cast %swap3A_796 : i32 to index
    %swap3A_798 = arith.constant 224 : index
    %swap3A_799 = tpu.vector_load %arg8[%swap3A_797, %swap3A_798] {strides = array<i32>} : memref<16x256xf32, #tpu.memory_space<vmem>>, vector<16xf32>,
    tpu.vector_store %arg8[%swap3A_797, %swap3A_798], %broadcast_in_dim3A_36 {strides = array<i32>} : memref<16x256xf32, #tpu.memory_space<vmem>>, vector<16xf32>,
    %swap3A_800 = arith.constant 11 : i32
    %swap3A_801 = arith.index_cast %swap3A_800 : i32 to index
    %swap3A_802 = arith.constant 240 : index
    %swap3A_803 = tpu.vector_load %arg8[%swap3A_801, %swap3A_802] {strides = array<i32>} : memref<16x256xf32, #tpu.memory_space<vmem>>, vector<16xf32>,
    tpu.vector_store %arg8[%swap3A_801, %swap3A_802], %broadcast_in_dim3A_36 {strides = array<i32>} : memref<16x256xf32, #tpu.memory_space<vmem>>, vector<16xf32>,
    %swap3A_804 = arith.constant 12 : i32
    %swap3A_805 = arith.index_cast %swap3A_804 : i32 to index
    %swap3A_806 = arith.constant 0 : index
    %swap3A_807 = tpu.vector_load %arg8[%swap3A_805, %swap3A_806] {strides = array<i32>} : memref<16x256xf32, #tpu.memory_space<vmem>>, vector<16xf32>,
    tpu.vector_store %arg8[%swap3A_805, %swap3A_806], %broadcast_in_dim3A_36 {strides = array<i32>} : memref<16x256xf32, #tpu.memory_space<vmem>>, vector<16xf32>,
    %swap3A_808 = arith.constant 12 : i32
    %swap3A_809 = arith.index_cast %swap3A_808 : i32 to index
    %swap3A_810 = arith.constant 16 : index
    %swap3A_811 = tpu.vector_load %arg8[%swap3A_809, %swap3A_810] {strides = array<i32>} : memref<16x256xf32, #tpu.memory_space<vmem>>, vector<16xf32>,
    tpu.vector_store %arg8[%swap3A_809, %swap3A_810], %broadcast_in_dim3A_36 {strides = array<i32>} : memref<16x256xf32, #tpu.memory_space<vmem>>, vector<16xf32>,
    %swap3A_812 = arith.constant 12 : i32
    %swap3A_813 = arith.index_cast %swap3A_812 : i32 to index
    %swap3A_814 = arith.constant 32 : index
    %swap3A_815 = tpu.vector_load %arg8[%swap3A_813, %swap3A_814] {strides = array<i32>} : memref<16x256xf32, #tpu.memory_space<vmem>>, vector<16xf32>,
    tpu.vector_store %arg8[%swap3A_813, %swap3A_814], %broadcast_in_dim3A_36 {strides = array<i32>} : memref<16x256xf32, #tpu.memory_space<vmem>>, vector<16xf32>,
    %swap3A_816 = arith.constant 12 : i32
    %swap3A_817 = arith.index_cast %swap3A_816 : i32 to index
    %swap3A_818 = arith.constant 48 : index
    %swap3A_819 = tpu.vector_load %arg8[%swap3A_817, %swap3A_818] {strides = array<i32>} : memref<16x256xf32, #tpu.memory_space<vmem>>, vector<16xf32>,
    tpu.vector_store %arg8[%swap3A_817, %swap3A_818], %broadcast_in_dim3A_36 {strides = array<i32>} : memref<16x256xf32, #tpu.memory_space<vmem>>, vector<16xf32>,
    %swap3A_820 = arith.constant 12 : i32
    %swap3A_821 = arith.index_cast %swap3A_820 : i32 to index
    %swap3A_822 = arith.constant 64 : index
    %swap3A_823 = tpu.vector_load %arg8[%swap3A_821, %swap3A_822] {strides = array<i32>} : memref<16x256xf32, #tpu.memory_space<vmem>>, vector<16xf32>,
    tpu.vector_store %arg8[%swap3A_821, %swap3A_822], %broadcast_in_dim3A_36 {strides = array<i32>} : memref<16x256xf32, #tpu.memory_space<vmem>>, vector<16xf32>,
    %swap3A_824 = arith.constant 12 : i32
    %swap3A_825 = arith.index_cast %swap3A_824 : i32 to index
    %swap3A_826 = arith.constant 80 : index
    %swap3A_827 = tpu.vector_load %arg8[%swap3A_825, %swap3A_826] {strides = array<i32>} : memref<16x256xf32, #tpu.memory_space<vmem>>, vector<16xf32>,
    tpu.vector_store %arg8[%swap3A_825, %swap3A_826], %broadcast_in_dim3A_36 {strides = array<i32>} : memref<16x256xf32, #tpu.memory_space<vmem>>, vector<16xf32>,
    %swap3A_828 = arith.constant 12 : i32
    %swap3A_829 = arith.index_cast %swap3A_828 : i32 to index
    %swap3A_830 = arith.constant 96 : index
    %swap3A_831 = tpu.vector_load %arg8[%swap3A_829, %swap3A_830] {strides = array<i32>} : memref<16x256xf32, #tpu.memory_space<vmem>>, vector<16xf32>,
    tpu.vector_store %arg8[%swap3A_829, %swap3A_830], %broadcast_in_dim3A_36 {strides = array<i32>} : memref<16x256xf32, #tpu.memory_space<vmem>>, vector<16xf32>,
    %swap3A_832 = arith.constant 12 : i32
    %swap3A_833 = arith.index_cast %swap3A_832 : i32 to index
    %swap3A_834 = arith.constant 112 : index
    %swap3A_835 = tpu.vector_load %arg8[%swap3A_833, %swap3A_834] {strides = array<i32>} : memref<16x256xf32, #tpu.memory_space<vmem>>, vector<16xf32>,
    tpu.vector_store %arg8[%swap3A_833, %swap3A_834], %broadcast_in_dim3A_36 {strides = array<i32>} : memref<16x256xf32, #tpu.memory_space<vmem>>, vector<16xf32>,
    %swap3A_836 = arith.constant 12 : i32
    %swap3A_837 = arith.index_cast %swap3A_836 : i32 to index
    %swap3A_838 = arith.constant 128 : index
    %swap3A_839 = tpu.vector_load %arg8[%swap3A_837, %swap3A_838] {strides = array<i32>} : memref<16x256xf32, #tpu.memory_space<vmem>>, vector<16xf32>,
    tpu.vector_store %arg8[%swap3A_837, %swap3A_838], %broadcast_in_dim3A_36 {strides = array<i32>} : memref<16x256xf32, #tpu.memory_space<vmem>>, vector<16xf32>,
    %swap3A_840 = arith.constant 12 : i32
    %swap3A_841 = arith.index_cast %swap3A_840 : i32 to index
    %swap3A_842 = arith.constant 144 : index
    %swap3A_843 = tpu.vector_load %arg8[%swap3A_841, %swap3A_842] {strides = array<i32>} : memref<16x256xf32, #tpu.memory_space<vmem>>, vector<16xf32>,
    tpu.vector_store %arg8[%swap3A_841, %swap3A_842], %broadcast_in_dim3A_36 {strides = array<i32>} : memref<16x256xf32, #tpu.memory_space<vmem>>, vector<16xf32>,
    %swap3A_844 = arith.constant 12 : i32
    %swap3A_845 = arith.index_cast %swap3A_844 : i32 to index
    %swap3A_846 = arith.constant 160 : index
    %swap3A_847 = tpu.vector_load %arg8[%swap3A_845, %swap3A_846] {strides = array<i32>} : memref<16x256xf32, #tpu.memory_space<vmem>>, vector<16xf32>,
    tpu.vector_store %arg8[%swap3A_845, %swap3A_846], %broadcast_in_dim3A_36 {strides = array<i32>} : memref<16x256xf32, #tpu.memory_space<vmem>>, vector<16xf32>,
    %swap3A_848 = arith.constant 12 : i32
    %swap3A_849 = arith.index_cast %swap3A_848 : i32 to index
    %swap3A_850 = arith.constant 176 : index
    %swap3A_851 = tpu.vector_load %arg8[%swap3A_849, %swap3A_850] {strides = array<i32>} : memref<16x256xf32, #tpu.memory_space<vmem>>, vector<16xf32>,
    tpu.vector_store %arg8[%swap3A_849, %swap3A_850], %broadcast_in_dim3A_36 {strides = array<i32>} : memref<16x256xf32, #tpu.memory_space<vmem>>, vector<16xf32>,
    %swap3A_852 = arith.constant 12 : i32
    %swap3A_853 = arith.index_cast %swap3A_852 : i32 to index
    %swap3A_854 = arith.constant 192 : index
    %swap3A_855 = tpu.vector_load %arg8[%swap3A_853, %swap3A_854] {strides = array<i32>} : memref<16x256xf32, #tpu.memory_space<vmem>>, vector<16xf32>,
    tpu.vector_store %arg8[%swap3A_853, %swap3A_854], %broadcast_in_dim3A_36 {strides = array<i32>} : memref<16x256xf32, #tpu.memory_space<vmem>>, vector<16xf32>,
    %swap3A_856 = arith.constant 12 : i32
    %swap3A_857 = arith.index_cast %swap3A_856 : i32 to index
    %swap3A_858 = arith.constant 208 : index
    %swap3A_859 = tpu.vector_load %arg8[%swap3A_857, %swap3A_858] {strides = array<i32>} : memref<16x256xf32, #tpu.memory_space<vmem>>, vector<16xf32>,
    tpu.vector_store %arg8[%swap3A_857, %swap3A_858], %broadcast_in_dim3A_36 {strides = array<i32>} : memref<16x256xf32, #tpu.memory_space<vmem>>, vector<16xf32>,
    %swap3A_860 = arith.constant 12 : i32
    %swap3A_861 = arith.index_cast %swap3A_860 : i32 to index
    %swap3A_862 = arith.constant 224 : index
    %swap3A_863 = tpu.vector_load %arg8[%swap3A_861, %swap3A_862] {strides = array<i32>} : memref<16x256xf32, #tpu.memory_space<vmem>>, vector<16xf32>,
    tpu.vector_store %arg8[%swap3A_861, %swap3A_862], %broadcast_in_dim3A_36 {strides = array<i32>} : memref<16x256xf32, #tpu.memory_space<vmem>>, vector<16xf32>,
    %swap3A_864 = arith.constant 12 : i32
    %swap3A_865 = arith.index_cast %swap3A_864 : i32 to index
    %swap3A_866 = arith.constant 240 : index
    %swap3A_867 = tpu.vector_load %arg8[%swap3A_865, %swap3A_866] {strides = array<i32>} : memref<16x256xf32, #tpu.memory_space<vmem>>, vector<16xf32>,
    tpu.vector_store %arg8[%swap3A_865, %swap3A_866], %broadcast_in_dim3A_36 {strides = array<i32>} : memref<16x256xf32, #tpu.memory_space<vmem>>, vector<16xf32>,
    %swap3A_868 = arith.constant 13 : i32
    %swap3A_869 = arith.index_cast %swap3A_868 : i32 to index
    %swap3A_870 = arith.constant 0 : index
    %swap3A_871 = tpu.vector_load %arg8[%swap3A_869, %swap3A_870] {strides = array<i32>} : memref<16x256xf32, #tpu.memory_space<vmem>>, vector<16xf32>,
    tpu.vector_store %arg8[%swap3A_869, %swap3A_870], %broadcast_in_dim3A_36 {strides = array<i32>} : memref<16x256xf32, #tpu.memory_space<vmem>>, vector<16xf32>,
    %swap3A_872 = arith.constant 13 : i32
    %swap3A_873 = arith.index_cast %swap3A_872 : i32 to index
    %swap3A_874 = arith.constant 16 : index
    %swap3A_875 = tpu.vector_load %arg8[%swap3A_873, %swap3A_874] {strides = array<i32>} : memref<16x256xf32, #tpu.memory_space<vmem>>, vector<16xf32>,
    tpu.vector_store %arg8[%swap3A_873, %swap3A_874], %broadcast_in_dim3A_36 {strides = array<i32>} : memref<16x256xf32, #tpu.memory_space<vmem>>, vector<16xf32>,
    %swap3A_876 = arith.constant 13 : i32
    %swap3A_877 = arith.index_cast %swap3A_876 : i32 to index
    %swap3A_878 = arith.constant 32 : index
    %swap3A_879 = tpu.vector_load %arg8[%swap3A_877, %swap3A_878] {strides = array<i32>} : memref<16x256xf32, #tpu.memory_space<vmem>>, vector<16xf32>,
    tpu.vector_store %arg8[%swap3A_877, %swap3A_878], %broadcast_in_dim3A_36 {strides = array<i32>} : memref<16x256xf32, #tpu.memory_space<vmem>>, vector<16xf32>,
    %swap3A_880 = arith.constant 13 : i32
    %swap3A_881 = arith.index_cast %swap3A_880 : i32 to index
    %swap3A_882 = arith.constant 48 : index
    %swap3A_883 = tpu.vector_load %arg8[%swap3A_881, %swap3A_882] {strides = array<i32>} : memref<16x256xf32, #tpu.memory_space<vmem>>, vector<16xf32>,
    tpu.vector_store %arg8[%swap3A_881, %swap3A_882], %broadcast_in_dim3A_36 {strides = array<i32>} : memref<16x256xf32, #tpu.memory_space<vmem>>, vector<16xf32>,
    %swap3A_884 = arith.constant 13 : i32
    %swap3A_885 = arith.index_cast %swap3A_884 : i32 to index
    %swap3A_886 = arith.constant 64 : index
    %swap3A_887 = tpu.vector_load %arg8[%swap3A_885, %swap3A_886] {strides = array<i32>} : memref<16x256xf32, #tpu.memory_space<vmem>>, vector<16xf32>,
    tpu.vector_store %arg8[%swap3A_885, %swap3A_886], %broadcast_in_dim3A_36 {strides = array<i32>} : memref<16x256xf32, #tpu.memory_space<vmem>>, vector<16xf32>,
    %swap3A_888 = arith.constant 13 : i32
    %swap3A_889 = arith.index_cast %swap3A_888 : i32 to index
    %swap3A_890 = arith.constant 80 : index
    %swap3A_891 = tpu.vector_load %arg8[%swap3A_889, %swap3A_890] {strides = array<i32>} : memref<16x256xf32, #tpu.memory_space<vmem>>, vector<16xf32>,
    tpu.vector_store %arg8[%swap3A_889, %swap3A_890], %broadcast_in_dim3A_36 {strides = array<i32>} : memref<16x256xf32, #tpu.memory_space<vmem>>, vector<16xf32>,
    %swap3A_892 = arith.constant 13 : i32
    %swap3A_893 = arith.index_cast %swap3A_892 : i32 to index
    %swap3A_894 = arith.constant 96 : index
    %swap3A_895 = tpu.vector_load %arg8[%swap3A_893, %swap3A_894] {strides = array<i32>} : memref<16x256xf32, #tpu.memory_space<vmem>>, vector<16xf32>,
    tpu.vector_store %arg8[%swap3A_893, %swap3A_894], %broadcast_in_dim3A_36 {strides = array<i32>} : memref<16x256xf32, #tpu.memory_space<vmem>>, vector<16xf32>,
    %swap3A_896 = arith.constant 13 : i32
    %swap3A_897 = arith.index_cast %swap3A_896 : i32 to index
    %swap3A_898 = arith.constant 112 : index
    %swap3A_899 = tpu.vector_load %arg8[%swap3A_897, %swap3A_898] {strides = array<i32>} : memref<16x256xf32, #tpu.memory_space<vmem>>, vector<16xf32>,
    tpu.vector_store %arg8[%swap3A_897, %swap3A_898], %broadcast_in_dim3A_36 {strides = array<i32>} : memref<16x256xf32, #tpu.memory_space<vmem>>, vector<16xf32>,
    %swap3A_900 = arith.constant 13 : i32
    %swap3A_901 = arith.index_cast %swap3A_900 : i32 to index
    %swap3A_902 = arith.constant 128 : index
    %swap3A_903 = tpu.vector_load %arg8[%swap3A_901, %swap3A_902] {strides = array<i32>} : memref<16x256xf32, #tpu.memory_space<vmem>>, vector<16xf32>,
    tpu.vector_store %arg8[%swap3A_901, %swap3A_902], %broadcast_in_dim3A_36 {strides = array<i32>} : memref<16x256xf32, #tpu.memory_space<vmem>>, vector<16xf32>,
    %swap3A_904 = arith.constant 13 : i32
    %swap3A_905 = arith.index_cast %swap3A_904 : i32 to index
    %swap3A_906 = arith.constant 144 : index
    %swap3A_907 = tpu.vector_load %arg8[%swap3A_905, %swap3A_906] {strides = array<i32>} : memref<16x256xf32, #tpu.memory_space<vmem>>, vector<16xf32>,
    tpu.vector_store %arg8[%swap3A_905, %swap3A_906], %broadcast_in_dim3A_36 {strides = array<i32>} : memref<16x256xf32, #tpu.memory_space<vmem>>, vector<16xf32>,
    %swap3A_908 = arith.constant 13 : i32
    %swap3A_909 = arith.index_cast %swap3A_908 : i32 to index
    %swap3A_910 = arith.constant 160 : index
    %swap3A_911 = tpu.vector_load %arg8[%swap3A_909, %swap3A_910] {strides = array<i32>} : memref<16x256xf32, #tpu.memory_space<vmem>>, vector<16xf32>,
    tpu.vector_store %arg8[%swap3A_909, %swap3A_910], %broadcast_in_dim3A_36 {strides = array<i32>} : memref<16x256xf32, #tpu.memory_space<vmem>>, vector<16xf32>,
    %swap3A_912 = arith.constant 13 : i32
    %swap3A_913 = arith.index_cast %swap3A_912 : i32 to index
    %swap3A_914 = arith.constant 176 : index
    %swap3A_915 = tpu.vector_load %arg8[%swap3A_913, %swap3A_914] {strides = array<i32>} : memref<16x256xf32, #tpu.memory_space<vmem>>, vector<16xf32>,
    tpu.vector_store %arg8[%swap3A_913, %swap3A_914], %broadcast_in_dim3A_36 {strides = array<i32>} : memref<16x256xf32, #tpu.memory_space<vmem>>, vector<16xf32>,
    %swap3A_916 = arith.constant 13 : i32
    %swap3A_917 = arith.index_cast %swap3A_916 : i32 to index
    %swap3A_918 = arith.constant 192 : index
    %swap3A_919 = tpu.vector_load %arg8[%swap3A_917, %swap3A_918] {strides = array<i32>} : memref<16x256xf32, #tpu.memory_space<vmem>>, vector<16xf32>,
    tpu.vector_store %arg8[%swap3A_917, %swap3A_918], %broadcast_in_dim3A_36 {strides = array<i32>} : memref<16x256xf32, #tpu.memory_space<vmem>>, vector<16xf32>,
    %swap3A_920 = arith.constant 13 : i32
    %swap3A_921 = arith.index_cast %swap3A_920 : i32 to index
    %swap3A_922 = arith.constant 208 : index
    %swap3A_923 = tpu.vector_load %arg8[%swap3A_921, %swap3A_922] {strides = array<i32>} : memref<16x256xf32, #tpu.memory_space<vmem>>, vector<16xf32>,
    tpu.vector_store %arg8[%swap3A_921, %swap3A_922], %broadcast_in_dim3A_36 {strides = array<i32>} : memref<16x256xf32, #tpu.memory_space<vmem>>, vector<16xf32>,
    %swap3A_924 = arith.constant 13 : i32
    %swap3A_925 = arith.index_cast %swap3A_924 : i32 to index
    %swap3A_926 = arith.constant 224 : index
    %swap3A_927 = tpu.vector_load %arg8[%swap3A_925, %swap3A_926] {strides = array<i32>} : memref<16x256xf32, #tpu.memory_space<vmem>>, vector<16xf32>,
    tpu.vector_store %arg8[%swap3A_925, %swap3A_926], %broadcast_in_dim3A_36 {strides = array<i32>} : memref<16x256xf32, #tpu.memory_space<vmem>>, vector<16xf32>,
    %swap3A_928 = arith.constant 13 : i32
    %swap3A_929 = arith.index_cast %swap3A_928 : i32 to index
    %swap3A_930 = arith.constant 240 : index
    %swap3A_931 = tpu.vector_load %arg8[%swap3A_929, %swap3A_930] {strides = array<i32>} : memref<16x256xf32, #tpu.memory_space<vmem>>, vector<16xf32>,
    tpu.vector_store %arg8[%swap3A_929, %swap3A_930], %broadcast_in_dim3A_36 {strides = array<i32>} : memref<16x256xf32, #tpu.memory_space<vmem>>, vector<16xf32>,
    %swap3A_932 = arith.constant 14 : i32
    %swap3A_933 = arith.index_cast %swap3A_932 : i32 to index
    %swap3A_934 = arith.constant 0 : index
    %swap3A_935 = tpu.vector_load %arg8[%swap3A_933, %swap3A_934] {strides = array<i32>} : memref<16x256xf32, #tpu.memory_space<vmem>>, vector<16xf32>,
    tpu.vector_store %arg8[%swap3A_933, %swap3A_934], %broadcast_in_dim3A_36 {strides = array<i32>} : memref<16x256xf32, #tpu.memory_space<vmem>>, vector<16xf32>,
    %swap3A_936 = arith.constant 14 : i32
    %swap3A_937 = arith.index_cast %swap3A_936 : i32 to index
    %swap3A_938 = arith.constant 16 : index
    %swap3A_939 = tpu.vector_load %arg8[%swap3A_937, %swap3A_938] {strides = array<i32>} : memref<16x256xf32, #tpu.memory_space<vmem>>, vector<16xf32>,
    tpu.vector_store %arg8[%swap3A_937, %swap3A_938], %broadcast_in_dim3A_36 {strides = array<i32>} : memref<16x256xf32, #tpu.memory_space<vmem>>, vector<16xf32>,
    %swap3A_940 = arith.constant 14 : i32
    %swap3A_941 = arith.index_cast %swap3A_940 : i32 to index
    %swap3A_942 = arith.constant 32 : index
    %swap3A_943 = tpu.vector_load %arg8[%swap3A_941, %swap3A_942] {strides = array<i32>} : memref<16x256xf32, #tpu.memory_space<vmem>>, vector<16xf32>,
    tpu.vector_store %arg8[%swap3A_941, %swap3A_942], %broadcast_in_dim3A_36 {strides = array<i32>} : memref<16x256xf32, #tpu.memory_space<vmem>>, vector<16xf32>,
    %swap3A_944 = arith.constant 14 : i32
    %swap3A_945 = arith.index_cast %swap3A_944 : i32 to index
    %swap3A_946 = arith.constant 48 : index
    %swap3A_947 = tpu.vector_load %arg8[%swap3A_945, %swap3A_946] {strides = array<i32>} : memref<16x256xf32, #tpu.memory_space<vmem>>, vector<16xf32>,
    tpu.vector_store %arg8[%swap3A_945, %swap3A_946], %broadcast_in_dim3A_36 {strides = array<i32>} : memref<16x256xf32, #tpu.memory_space<vmem>>, vector<16xf32>,
    %swap3A_948 = arith.constant 14 : i32
    %swap3A_949 = arith.index_cast %swap3A_948 : i32 to index
    %swap3A_950 = arith.constant 64 : index
    %swap3A_951 = tpu.vector_load %arg8[%swap3A_949, %swap3A_950] {strides = array<i32>} : memref<16x256xf32, #tpu.memory_space<vmem>>, vector<16xf32>,
    tpu.vector_store %arg8[%swap3A_949, %swap3A_950], %broadcast_in_dim3A_36 {strides = array<i32>} : memref<16x256xf32, #tpu.memory_space<vmem>>, vector<16xf32>,
    %swap3A_952 = arith.constant 14 : i32
    %swap3A_953 = arith.index_cast %swap3A_952 : i32 to index
    %swap3A_954 = arith.constant 80 : index
    %swap3A_955 = tpu.vector_load %arg8[%swap3A_953, %swap3A_954] {strides = array<i32>} : memref<16x256xf32, #tpu.memory_space<vmem>>, vector<16xf32>,
    tpu.vector_store %arg8[%swap3A_953, %swap3A_954], %broadcast_in_dim3A_36 {strides = array<i32>} : memref<16x256xf32, #tpu.memory_space<vmem>>, vector<16xf32>,
    %swap3A_956 = arith.constant 14 : i32
    %swap3A_957 = arith.index_cast %swap3A_956 : i32 to index
    %swap3A_958 = arith.constant 96 : index
    %swap3A_959 = tpu.vector_load %arg8[%swap3A_957, %swap3A_958] {strides = array<i32>} : memref<16x256xf32, #tpu.memory_space<vmem>>, vector<16xf32>,
    tpu.vector_store %arg8[%swap3A_957, %swap3A_958], %broadcast_in_dim3A_36 {strides = array<i32>} : memref<16x256xf32, #tpu.memory_space<vmem>>, vector<16xf32>,
    %swap3A_960 = arith.constant 14 : i32
    %swap3A_961 = arith.index_cast %swap3A_960 : i32 to index
    %swap3A_962 = arith.constant 112 : index
    %swap3A_963 = tpu.vector_load %arg8[%swap3A_961, %swap3A_962] {strides = array<i32>} : memref<16x256xf32, #tpu.memory_space<vmem>>, vector<16xf32>,
    tpu.vector_store %arg8[%swap3A_961, %swap3A_962], %broadcast_in_dim3A_36 {strides = array<i32>} : memref<16x256xf32, #tpu.memory_space<vmem>>, vector<16xf32>,
    %swap3A_964 = arith.constant 14 : i32
    %swap3A_965 = arith.index_cast %swap3A_964 : i32 to index
    %swap3A_966 = arith.constant 128 : index
    %swap3A_967 = tpu.vector_load %arg8[%swap3A_965, %swap3A_966] {strides = array<i32>} : memref<16x256xf32, #tpu.memory_space<vmem>>, vector<16xf32>,
    tpu.vector_store %arg8[%swap3A_965, %swap3A_966], %broadcast_in_dim3A_36 {strides = array<i32>} : memref<16x256xf32, #tpu.memory_space<vmem>>, vector<16xf32>,
    %swap3A_968 = arith.constant 14 : i32
    %swap3A_969 = arith.index_cast %swap3A_968 : i32 to index
    %swap3A_970 = arith.constant 144 : index
    %swap3A_971 = tpu.vector_load %arg8[%swap3A_969, %swap3A_970] {strides = array<i32>} : memref<16x256xf32, #tpu.memory_space<vmem>>, vector<16xf32>,
    tpu.vector_store %arg8[%swap3A_969, %swap3A_970], %broadcast_in_dim3A_36 {strides = array<i32>} : memref<16x256xf32, #tpu.memory_space<vmem>>, vector<16xf32>,
    %swap3A_972 = arith.constant 14 : i32
    %swap3A_973 = arith.index_cast %swap3A_972 : i32 to index
    %swap3A_974 = arith.constant 160 : index
    %swap3A_975 = tpu.vector_load %arg8[%swap3A_973, %swap3A_974] {strides = array<i32>} : memref<16x256xf32, #tpu.memory_space<vmem>>, vector<16xf32>,
    tpu.vector_store %arg8[%swap3A_973, %swap3A_974], %broadcast_in_dim3A_36 {strides = array<i32>} : memref<16x256xf32, #tpu.memory_space<vmem>>, vector<16xf32>,
    %swap3A_976 = arith.constant 14 : i32
    %swap3A_977 = arith.index_cast %swap3A_976 : i32 to index
    %swap3A_978 = arith.constant 176 : index
    %swap3A_979 = tpu.vector_load %arg8[%swap3A_977, %swap3A_978] {strides = array<i32>} : memref<16x256xf32, #tpu.memory_space<vmem>>, vector<16xf32>,
    tpu.vector_store %arg8[%swap3A_977, %swap3A_978], %broadcast_in_dim3A_36 {strides = array<i32>} : memref<16x256xf32, #tpu.memory_space<vmem>>, vector<16xf32>,
    %swap3A_980 = arith.constant 14 : i32
    %swap3A_981 = arith.index_cast %swap3A_980 : i32 to index
    %swap3A_982 = arith.constant 192 : index
    %swap3A_983 = tpu.vector_load %arg8[%swap3A_981, %swap3A_982] {strides = array<i32>} : memref<16x256xf32, #tpu.memory_space<vmem>>, vector<16xf32>,
    tpu.vector_store %arg8[%swap3A_981, %swap3A_982], %broadcast_in_dim3A_36 {strides = array<i32>} : memref<16x256xf32, #tpu.memory_space<vmem>>, vector<16xf32>,
    %swap3A_984 = arith.constant 14 : i32
    %swap3A_985 = arith.index_cast %swap3A_984 : i32 to index
    %swap3A_986 = arith.constant 208 : index
    %swap3A_987 = tpu.vector_load %arg8[%swap3A_985, %swap3A_986] {strides = array<i32>} : memref<16x256xf32, #tpu.memory_space<vmem>>, vector<16xf32>,
    tpu.vector_store %arg8[%swap3A_985, %swap3A_986], %broadcast_in_dim3A_36 {strides = array<i32>} : memref<16x256xf32, #tpu.memory_space<vmem>>, vector<16xf32>,
    %swap3A_988 = arith.constant 14 : i32
    %swap3A_989 = arith.index_cast %swap3A_988 : i32 to index
    %swap3A_990 = arith.constant 224 : index
    %swap3A_991 = tpu.vector_load %arg8[%swap3A_989, %swap3A_990] {strides = array<i32>} : memref<16x256xf32, #tpu.memory_space<vmem>>, vector<16xf32>,
    tpu.vector_store %arg8[%swap3A_989, %swap3A_990], %broadcast_in_dim3A_36 {strides = array<i32>} : memref<16x256xf32, #tpu.memory_space<vmem>>, vector<16xf32>,
    %swap3A_992 = arith.constant 14 : i32
    %swap3A_993 = arith.index_cast %swap3A_992 : i32 to index
    %swap3A_994 = arith.constant 240 : index
    %swap3A_995 = tpu.vector_load %arg8[%swap3A_993, %swap3A_994] {strides = array<i32>} : memref<16x256xf32, #tpu.memory_space<vmem>>, vector<16xf32>,
    tpu.vector_store %arg8[%swap3A_993, %swap3A_994], %broadcast_in_dim3A_36 {strides = array<i32>} : memref<16x256xf32, #tpu.memory_space<vmem>>, vector<16xf32>,
    %swap3A_996 = arith.constant 15 : i32
    %swap3A_997 = arith.index_cast %swap3A_996 : i32 to index
    %swap3A_998 = arith.constant 0 : index
    %swap3A_999 = tpu.vector_load %arg8[%swap3A_997, %swap3A_998] {strides = array<i32>} : memref<16x256xf32, #tpu.memory_space<vmem>>, vector<16xf32>,
    tpu.vector_store %arg8[%swap3A_997, %swap3A_998], %broadcast_in_dim3A_36 {strides = array<i32>} : memref<16x256xf32, #tpu.memory_space<vmem>>, vector<16xf32>,
    %swap3A_1000 = arith.constant 15 : i32
    %swap3A_1001 = arith.index_cast %swap3A_1000 : i32 to index
    %swap3A_1002 = arith.constant 16 : index
    %swap3A_1003 = tpu.vector_load %arg8[%swap3A_1001, %swap3A_1002] {strides = array<i32>} : memref<16x256xf32, #tpu.memory_space<vmem>>, vector<16xf32>,
    tpu.vector_store %arg8[%swap3A_1001, %swap3A_1002], %broadcast_in_dim3A_36 {strides = array<i32>} : memref<16x256xf32, #tpu.memory_space<vmem>>, vector<16xf32>,
    %swap3A_1004 = arith.constant 15 : i32
    %swap3A_1005 = arith.index_cast %swap3A_1004 : i32 to index
    %swap3A_1006 = arith.constant 32 : index
    %swap3A_1007 = tpu.vector_load %arg8[%swap3A_1005, %swap3A_1006] {strides = array<i32>} : memref<16x256xf32, #tpu.memory_space<vmem>>, vector<16xf32>,
    tpu.vector_store %arg8[%swap3A_1005, %swap3A_1006], %broadcast_in_dim3A_36 {strides = array<i32>} : memref<16x256xf32, #tpu.memory_space<vmem>>, vector<16xf32>,
    %swap3A_1008 = arith.constant 15 : i32
    %swap3A_1009 = arith.index_cast %swap3A_1008 : i32 to index
    %swap3A_1010 = arith.constant 48 : index
    %swap3A_1011 = tpu.vector_load %arg8[%swap3A_1009, %swap3A_1010] {strides = array<i32>} : memref<16x256xf32, #tpu.memory_space<vmem>>, vector<16xf32>,
    tpu.vector_store %arg8[%swap3A_1009, %swap3A_1010], %broadcast_in_dim3A_36 {strides = array<i32>} : memref<16x256xf32, #tpu.memory_space<vmem>>, vector<16xf32>,
    %swap3A_1012 = arith.constant 15 : i32
    %swap3A_1013 = arith.index_cast %swap3A_1012 : i32 to index
    %swap3A_1014 = arith.constant 64 : index
    %swap3A_1015 = tpu.vector_load %arg8[%swap3A_1013, %swap3A_1014] {strides = array<i32>} : memref<16x256xf32, #tpu.memory_space<vmem>>, vector<16xf32>,
    tpu.vector_store %arg8[%swap3A_1013, %swap3A_1014], %broadcast_in_dim3A_36 {strides = array<i32>} : memref<16x256xf32, #tpu.memory_space<vmem>>, vector<16xf32>,
    %swap3A_1016 = arith.constant 15 : i32
    %swap3A_1017 = arith.index_cast %swap3A_1016 : i32 to index
    %swap3A_1018 = arith.constant 80 : index
    %swap3A_1019 = tpu.vector_load %arg8[%swap3A_1017, %swap3A_1018] {strides = array<i32>} : memref<16x256xf32, #tpu.memory_space<vmem>>, vector<16xf32>,
    tpu.vector_store %arg8[%swap3A_1017, %swap3A_1018], %broadcast_in_dim3A_36 {strides = array<i32>} : memref<16x256xf32, #tpu.memory_space<vmem>>, vector<16xf32>,
    %swap3A_1020 = arith.constant 15 : i32
    %swap3A_1021 = arith.index_cast %swap3A_1020 : i32 to index
    %swap3A_1022 = arith.constant 96 : index
    %swap3A_1023 = tpu.vector_load %arg8[%swap3A_1021, %swap3A_1022] {strides = array<i32>} : memref<16x256xf32, #tpu.memory_space<vmem>>, vector<16xf32>,
    tpu.vector_store %arg8[%swap3A_1021, %swap3A_1022], %broadcast_in_dim3A_36 {strides = array<i32>} : memref<16x256xf32, #tpu.memory_space<vmem>>, vector<16xf32>,
    %swap3A_1024 = arith.constant 15 : i32
    %swap3A_1025 = arith.index_cast %swap3A_1024 : i32 to index
    %swap3A_1026 = arith.constant 112 : index
    %swap3A_1027 = tpu.vector_load %arg8[%swap3A_1025, %swap3A_1026] {strides = array<i32>} : memref<16x256xf32, #tpu.memory_space<vmem>>, vector<16xf32>,
    tpu.vector_store %arg8[%swap3A_1025, %swap3A_1026], %broadcast_in_dim3A_36 {strides = array<i32>} : memref<16x256xf32, #tpu.memory_space<vmem>>, vector<16xf32>,
    %swap3A_1028 = arith.constant 15 : i32
    %swap3A_1029 = arith.index_cast %swap3A_1028 : i32 to index
    %swap3A_1030 = arith.constant 128 : index
    %swap3A_1031 = tpu.vector_load %arg8[%swap3A_1029, %swap3A_1030] {strides = array<i32>} : memref<16x256xf32, #tpu.memory_space<vmem>>, vector<16xf32>,
    tpu.vector_store %arg8[%swap3A_1029, %swap3A_1030], %broadcast_in_dim3A_36 {strides = array<i32>} : memref<16x256xf32, #tpu.memory_space<vmem>>, vector<16xf32>,
    %swap3A_1032 = arith.constant 15 : i32
    %swap3A_1033 = arith.index_cast %swap3A_1032 : i32 to index
    %swap3A_1034 = arith.constant 144 : index
    %swap3A_1035 = tpu.vector_load %arg8[%swap3A_1033, %swap3A_1034] {strides = array<i32>} : memref<16x256xf32, #tpu.memory_space<vmem>>, vector<16xf32>,
    tpu.vector_store %arg8[%swap3A_1033, %swap3A_1034], %broadcast_in_dim3A_36 {strides = array<i32>} : memref<16x256xf32, #tpu.memory_space<vmem>>, vector<16xf32>,
    %swap3A_1036 = arith.constant 15 : i32
    %swap3A_1037 = arith.index_cast %swap3A_1036 : i32 to index
    %swap3A_1038 = arith.constant 160 : index
    %swap3A_1039 = tpu.vector_load %arg8[%swap3A_1037, %swap3A_1038] {strides = array<i32>} : memref<16x256xf32, #tpu.memory_space<vmem>>, vector<16xf32>,
    tpu.vector_store %arg8[%swap3A_1037, %swap3A_1038], %broadcast_in_dim3A_36 {strides = array<i32>} : memref<16x256xf32, #tpu.memory_space<vmem>>, vector<16xf32>,
    %swap3A_1040 = arith.constant 15 : i32
    %swap3A_1041 = arith.index_cast %swap3A_1040 : i32 to index
    %swap3A_1042 = arith.constant 176 : index
    %swap3A_1043 = tpu.vector_load %arg8[%swap3A_1041, %swap3A_1042] {strides = array<i32>} : memref<16x256xf32, #tpu.memory_space<vmem>>, vector<16xf32>,
    tpu.vector_store %arg8[%swap3A_1041, %swap3A_1042], %broadcast_in_dim3A_36 {strides = array<i32>} : memref<16x256xf32, #tpu.memory_space<vmem>>, vector<16xf32>,
    %swap3A_1044 = arith.constant 15 : i32
    %swap3A_1045 = arith.index_cast %swap3A_1044 : i32 to index
    %swap3A_1046 = arith.constant 192 : index
    %swap3A_1047 = tpu.vector_load %arg8[%swap3A_1045, %swap3A_1046] {strides = array<i32>} : memref<16x256xf32, #tpu.memory_space<vmem>>, vector<16xf32>,
    tpu.vector_store %arg8[%swap3A_1045, %swap3A_1046], %broadcast_in_dim3A_36 {strides = array<i32>} : memref<16x256xf32, #tpu.memory_space<vmem>>, vector<16xf32>,
    %swap3A_1048 = arith.constant 15 : i32
    %swap3A_1049 = arith.index_cast %swap3A_1048 : i32 to index
    %swap3A_1050 = arith.constant 208 : index
    %swap3A_1051 = tpu.vector_load %arg8[%swap3A_1049, %swap3A_1050] {strides = array<i32>} : memref<16x256xf32, #tpu.memory_space<vmem>>, vector<16xf32>,
    tpu.vector_store %arg8[%swap3A_1049, %swap3A_1050], %broadcast_in_dim3A_36 {strides = array<i32>} : memref<16x256xf32, #tpu.memory_space<vmem>>, vector<16xf32>,
    %swap3A_1052 = arith.constant 15 : i32
    %swap3A_1053 = arith.index_cast %swap3A_1052 : i32 to index
    %swap3A_1054 = arith.constant 224 : index
    %swap3A_1055 = tpu.vector_load %arg8[%swap3A_1053, %swap3A_1054] {strides = array<i32>} : memref<16x256xf32, #tpu.memory_space<vmem>>, vector<16xf32>,
    tpu.vector_store %arg8[%swap3A_1053, %swap3A_1054], %broadcast_in_dim3A_36 {strides = array<i32>} : memref<16x256xf32, #tpu.memory_space<vmem>>, vector<16xf32>,
    %swap3A_1056 = arith.constant 15 : i32
    %swap3A_1057 = arith.index_cast %swap3A_1056 : i32 to index
    %swap3A_1058 = arith.constant 240 : index
    %swap3A_1059 = tpu.vector_load %arg8[%swap3A_1057, %swap3A_1058] {strides = array<i32>} : memref<16x256xf32, #tpu.memory_space<vmem>>, vector<16xf32>,
    tpu.vector_store %arg8[%swap3A_1057, %swap3A_1058], %broadcast_in_dim3A_36 {strides = array<i32>} : memref<16x256xf32, #tpu.memory_space<vmem>>, vector<16xf32>,
    %iota3A = tpu.iota {dimensions = array<i32: 0>} : vector<16xi32>
    %broadcast_in_dim3A_1060 = arith.constant 3.125000e-02 : f32
    %broadcast_in_dim3A_1061 = vector.broadcast %broadcast_in_dim3A_1060 : f32 to vector<16xf32>
    %get3A = arith.constant 0 : i32
    %get3A_1062 = arith.index_cast %get3A : i32 to index
    %get3A_1063 = arith.index_cast %multiple_of3A : i32 to index
    %get3A_1064 = tpu.vector_load %arg6[%get3A_1062, %get3A_1063] {strides = array<i32>} : memref<32x64xi32, #tpu.memory_space<vmem>>, vector<16xi32>,
    tpu.vector_store_idx %arg8[%iota3A, %get3A_1064], %broadcast_in_dim3A_1061 {add = true} : memref<16x256xf32, #tpu.memory_space<vmem>>[vector<16xi32>, vector<16xi32>], vector<16xf32>,
    %get3A_1065 = arith.constant 1 : i32
    %get3A_1066 = arith.index_cast %get3A_1065 : i32 to index
    %get3A_1067 = arith.index_cast %multiple_of3A : i32 to index
    %get3A_1068 = tpu.vector_load %arg6[%get3A_1066, %get3A_1067] {strides = array<i32>} : memref<32x64xi32, #tpu.memory_space<vmem>>, vector<16xi32>,
    tpu.vector_store_idx %arg8[%iota3A, %get3A_1068], %broadcast_in_dim3A_1061 {add = true} : memref<16x256xf32, #tpu.memory_space<vmem>>[vector<16xi32>, vector<16xi32>], vector<16xf32>,
    %get3A_1069 = arith.constant 2 : i32
    %get3A_1070 = arith.index_cast %get3A_1069 : i32 to index
    %get3A_1071 = arith.index_cast %multiple_of3A : i32 to index
    %get3A_1072 = tpu.vector_load %arg6[%get3A_1070, %get3A_1071] {strides = array<i32>} : memref<32x64xi32, #tpu.memory_space<vmem>>, vector<16xi32>,
    tpu.vector_store_idx %arg8[%iota3A, %get3A_1072], %broadcast_in_dim3A_1061 {add = true} : memref<16x256xf32, #tpu.memory_space<vmem>>[vector<16xi32>, vector<16xi32>], vector<16xf32>,
    %get3A_1073 = arith.constant 3 : i32
    %get3A_1074 = arith.index_cast %get3A_1073 : i32 to index
    %get3A_1075 = arith.index_cast %multiple_of3A : i32 to index
    %get3A_1076 = tpu.vector_load %arg6[%get3A_1074, %get3A_1075] {strides = array<i32>} : memref<32x64xi32, #tpu.memory_space<vmem>>, vector<16xi32>,
    tpu.vector_store_idx %arg8[%iota3A, %get3A_1076], %broadcast_in_dim3A_1061 {add = true} : memref<16x256xf32, #tpu.memory_space<vmem>>[vector<16xi32>, vector<16xi32>], vector<16xf32>,
    %get3A_1077 = arith.constant 4 : i32
    %get3A_1078 = arith.index_cast %get3A_1077 : i32 to index
    %get3A_1079 = arith.index_cast %multiple_of3A : i32 to index
    %get3A_1080 = tpu.vector_load %arg6[%get3A_1078, %get3A_1079] {strides = array<i32>} : memref<32x64xi32, #tpu.memory_space<vmem>>, vector<16xi32>,
    tpu.vector_store_idx %arg8[%iota3A, %get3A_1080], %broadcast_in_dim3A_1061 {add = true} : memref<16x256xf32, #tpu.memory_space<vmem>>[vector<16xi32>, vector<16xi32>], vector<16xf32>,
    %get3A_1081 = arith.constant 5 : i32
    %get3A_1082 = arith.index_cast %get3A_1081 : i32 to index
    %get3A_1083 = arith.index_cast %multiple_of3A : i32 to index
    %get3A_1084 = tpu.vector_load %arg6[%get3A_1082, %get3A_1083] {strides = array<i32>} : memref<32x64xi32, #tpu.memory_space<vmem>>, vector<16xi32>,
    tpu.vector_store_idx %arg8[%iota3A, %get3A_1084], %broadcast_in_dim3A_1061 {add = true} : memref<16x256xf32, #tpu.memory_space<vmem>>[vector<16xi32>, vector<16xi32>], vector<16xf32>,
    %get3A_1085 = arith.constant 6 : i32
    %get3A_1086 = arith.index_cast %get3A_1085 : i32 to index
    %get3A_1087 = arith.index_cast %multiple_of3A : i32 to index
    %get3A_1088 = tpu.vector_load %arg6[%get3A_1086, %get3A_1087] {strides = array<i32>} : memref<32x64xi32, #tpu.memory_space<vmem>>, vector<16xi32>,
    tpu.vector_store_idx %arg8[%iota3A, %get3A_1088], %broadcast_in_dim3A_1061 {add = true} : memref<16x256xf32, #tpu.memory_space<vmem>>[vector<16xi32>, vector<16xi32>], vector<16xf32>,
    %get3A_1089 = arith.constant 7 : i32
    %get3A_1090 = arith.index_cast %get3A_1089 : i32 to index
    %get3A_1091 = arith.index_cast %multiple_of3A : i32 to index
    %get3A_1092 = tpu.vector_load %arg6[%get3A_1090, %get3A_1091] {strides = array<i32>} : memref<32x64xi32, #tpu.memory_space<vmem>>, vector<16xi32>,
    tpu.vector_store_idx %arg8[%iota3A, %get3A_1092], %broadcast_in_dim3A_1061 {add = true} : memref<16x256xf32, #tpu.memory_space<vmem>>[vector<16xi32>, vector<16xi32>], vector<16xf32>,
    %get3A_1093 = arith.constant 8 : i32
    %get3A_1094 = arith.index_cast %get3A_1093 : i32 to index
    %get3A_1095 = arith.index_cast %multiple_of3A : i32 to index
    %get3A_1096 = tpu.vector_load %arg6[%get3A_1094, %get3A_1095] {strides = array<i32>} : memref<32x64xi32, #tpu.memory_space<vmem>>, vector<16xi32>,
    tpu.vector_store_idx %arg8[%iota3A, %get3A_1096], %broadcast_in_dim3A_1061 {add = true} : memref<16x256xf32, #tpu.memory_space<vmem>>[vector<16xi32>, vector<16xi32>], vector<16xf32>,
    %get3A_1097 = arith.constant 9 : i32
    %get3A_1098 = arith.index_cast %get3A_1097 : i32 to index
    %get3A_1099 = arith.index_cast %multiple_of3A : i32 to index
    %get3A_1100 = tpu.vector_load %arg6[%get3A_1098, %get3A_1099] {strides = array<i32>} : memref<32x64xi32, #tpu.memory_space<vmem>>, vector<16xi32>,
    tpu.vector_store_idx %arg8[%iota3A, %get3A_1100], %broadcast_in_dim3A_1061 {add = true} : memref<16x256xf32, #tpu.memory_space<vmem>>[vector<16xi32>, vector<16xi32>], vector<16xf32>,
    %get3A_1101 = arith.constant 10 : i32
    %get3A_1102 = arith.index_cast %get3A_1101 : i32 to index
    %get3A_1103 = arith.index_cast %multiple_of3A : i32 to index
    %get3A_1104 = tpu.vector_load %arg6[%get3A_1102, %get3A_1103] {strides = array<i32>} : memref<32x64xi32, #tpu.memory_space<vmem>>, vector<16xi32>,
    tpu.vector_store_idx %arg8[%iota3A, %get3A_1104], %broadcast_in_dim3A_1061 {add = true} : memref<16x256xf32, #tpu.memory_space<vmem>>[vector<16xi32>, vector<16xi32>], vector<16xf32>,
    %get3A_1105 = arith.constant 11 : i32
    %get3A_1106 = arith.index_cast %get3A_1105 : i32 to index
    %get3A_1107 = arith.index_cast %multiple_of3A : i32 to index
    %get3A_1108 = tpu.vector_load %arg6[%get3A_1106, %get3A_1107] {strides = array<i32>} : memref<32x64xi32, #tpu.memory_space<vmem>>, vector<16xi32>,
    tpu.vector_store_idx %arg8[%iota3A, %get3A_1108], %broadcast_in_dim3A_1061 {add = true} : memref<16x256xf32, #tpu.memory_space<vmem>>[vector<16xi32>, vector<16xi32>], vector<16xf32>,
    %get3A_1109 = arith.constant 12 : i32
    %get3A_1110 = arith.index_cast %get3A_1109 : i32 to index
    %get3A_1111 = arith.index_cast %multiple_of3A : i32 to index
    %get3A_1112 = tpu.vector_load %arg6[%get3A_1110, %get3A_1111] {strides = array<i32>} : memref<32x64xi32, #tpu.memory_space<vmem>>, vector<16xi32>,
    tpu.vector_store_idx %arg8[%iota3A, %get3A_1112], %broadcast_in_dim3A_1061 {add = true} : memref<16x256xf32, #tpu.memory_space<vmem>>[vector<16xi32>, vector<16xi32>], vector<16xf32>,
    %get3A_1113 = arith.constant 13 : i32
    %get3A_1114 = arith.index_cast %get3A_1113 : i32 to index
    %get3A_1115 = arith.index_cast %multiple_of3A : i32 to index
    %get3A_1116 = tpu.vector_load %arg6[%get3A_1114, %get3A_1115] {strides = array<i32>} : memref<32x64xi32, #tpu.memory_space<vmem>>, vector<16xi32>,
    tpu.vector_store_idx %arg8[%iota3A, %get3A_1116], %broadcast_in_dim3A_1061 {add = true} : memref<16x256xf32, #tpu.memory_space<vmem>>[vector<16xi32>, vector<16xi32>], vector<16xf32>,
    %get3A_1117 = arith.constant 14 : i32
    %get3A_1118 = arith.index_cast %get3A_1117 : i32 to index
    %get3A_1119 = arith.index_cast %multiple_of3A : i32 to index
    %get3A_1120 = tpu.vector_load %arg6[%get3A_1118, %get3A_1119] {strides = array<i32>} : memref<32x64xi32, #tpu.memory_space<vmem>>, vector<16xi32>,
    tpu.vector_store_idx %arg8[%iota3A, %get3A_1120], %broadcast_in_dim3A_1061 {add = true} : memref<16x256xf32, #tpu.memory_space<vmem>>[vector<16xi32>, vector<16xi32>], vector<16xf32>,
    %get3A_1121 = arith.constant 15 : i32
    %get3A_1122 = arith.index_cast %get3A_1121 : i32 to index
    %get3A_1123 = arith.index_cast %multiple_of3A : i32 to index
    %get3A_1124 = tpu.vector_load %arg6[%get3A_1122, %get3A_1123] {strides = array<i32>} : memref<32x64xi32, #tpu.memory_space<vmem>>, vector<16xi32>,
    tpu.vector_store_idx %arg8[%iota3A, %get3A_1124], %broadcast_in_dim3A_1061 {add = true} : memref<16x256xf32, #tpu.memory_space<vmem>>[vector<16xi32>, vector<16xi32>], vector<16xf32>,
    %get3A_1125 = arith.constant 16 : i32
    %get3A_1126 = arith.index_cast %get3A_1125 : i32 to index
    %get3A_1127 = arith.index_cast %multiple_of3A : i32 to index
    %get3A_1128 = tpu.vector_load %arg6[%get3A_1126, %get3A_1127] {strides = array<i32>} : memref<32x64xi32, #tpu.memory_space<vmem>>, vector<16xi32>,
    tpu.vector_store_idx %arg8[%iota3A, %get3A_1128], %broadcast_in_dim3A_1061 {add = true} : memref<16x256xf32, #tpu.memory_space<vmem>>[vector<16xi32>, vector<16xi32>], vector<16xf32>,
    %get3A_1129 = arith.constant 17 : i32
    %get3A_1130 = arith.index_cast %get3A_1129 : i32 to index
    %get3A_1131 = arith.index_cast %multiple_of3A : i32 to index
    %get3A_1132 = tpu.vector_load %arg6[%get3A_1130, %get3A_1131] {strides = array<i32>} : memref<32x64xi32, #tpu.memory_space<vmem>>, vector<16xi32>,
    tpu.vector_store_idx %arg8[%iota3A, %get3A_1132], %broadcast_in_dim3A_1061 {add = true} : memref<16x256xf32, #tpu.memory_space<vmem>>[vector<16xi32>, vector<16xi32>], vector<16xf32>,
    %get3A_1133 = arith.constant 18 : i32
    %get3A_1134 = arith.index_cast %get3A_1133 : i32 to index
    %get3A_1135 = arith.index_cast %multiple_of3A : i32 to index
    %get3A_1136 = tpu.vector_load %arg6[%get3A_1134, %get3A_1135] {strides = array<i32>} : memref<32x64xi32, #tpu.memory_space<vmem>>, vector<16xi32>,
    tpu.vector_store_idx %arg8[%iota3A, %get3A_1136], %broadcast_in_dim3A_1061 {add = true} : memref<16x256xf32, #tpu.memory_space<vmem>>[vector<16xi32>, vector<16xi32>], vector<16xf32>,
    %get3A_1137 = arith.constant 19 : i32
    %get3A_1138 = arith.index_cast %get3A_1137 : i32 to index
    %get3A_1139 = arith.index_cast %multiple_of3A : i32 to index
    %get3A_1140 = tpu.vector_load %arg6[%get3A_1138, %get3A_1139] {strides = array<i32>} : memref<32x64xi32, #tpu.memory_space<vmem>>, vector<16xi32>,
    tpu.vector_store_idx %arg8[%iota3A, %get3A_1140], %broadcast_in_dim3A_1061 {add = true} : memref<16x256xf32, #tpu.memory_space<vmem>>[vector<16xi32>, vector<16xi32>], vector<16xf32>,
    %get3A_1141 = arith.constant 20 : i32
    %get3A_1142 = arith.index_cast %get3A_1141 : i32 to index
    %get3A_1143 = arith.index_cast %multiple_of3A : i32 to index
    %get3A_1144 = tpu.vector_load %arg6[%get3A_1142, %get3A_1143] {strides = array<i32>} : memref<32x64xi32, #tpu.memory_space<vmem>>, vector<16xi32>,
    tpu.vector_store_idx %arg8[%iota3A, %get3A_1144], %broadcast_in_dim3A_1061 {add = true} : memref<16x256xf32, #tpu.memory_space<vmem>>[vector<16xi32>, vector<16xi32>], vector<16xf32>,
    %get3A_1145 = arith.constant 21 : i32
    %get3A_1146 = arith.index_cast %get3A_1145 : i32 to index
    %get3A_1147 = arith.index_cast %multiple_of3A : i32 to index
    %get3A_1148 = tpu.vector_load %arg6[%get3A_1146, %get3A_1147] {strides = array<i32>} : memref<32x64xi32, #tpu.memory_space<vmem>>, vector<16xi32>,
    tpu.vector_store_idx %arg8[%iota3A, %get3A_1148], %broadcast_in_dim3A_1061 {add = true} : memref<16x256xf32, #tpu.memory_space<vmem>>[vector<16xi32>, vector<16xi32>], vector<16xf32>,
    %get3A_1149 = arith.constant 22 : i32
    %get3A_1150 = arith.index_cast %get3A_1149 : i32 to index
    %get3A_1151 = arith.index_cast %multiple_of3A : i32 to index
    %get3A_1152 = tpu.vector_load %arg6[%get3A_1150, %get3A_1151] {strides = array<i32>} : memref<32x64xi32, #tpu.memory_space<vmem>>, vector<16xi32>,
    tpu.vector_store_idx %arg8[%iota3A, %get3A_1152], %broadcast_in_dim3A_1061 {add = true} : memref<16x256xf32, #tpu.memory_space<vmem>>[vector<16xi32>, vector<16xi32>], vector<16xf32>,
    %get3A_1153 = arith.constant 23 : i32
    %get3A_1154 = arith.index_cast %get3A_1153 : i32 to index
    %get3A_1155 = arith.index_cast %multiple_of3A : i32 to index
    %get3A_1156 = tpu.vector_load %arg6[%get3A_1154, %get3A_1155] {strides = array<i32>} : memref<32x64xi32, #tpu.memory_space<vmem>>, vector<16xi32>,
    tpu.vector_store_idx %arg8[%iota3A, %get3A_1156], %broadcast_in_dim3A_1061 {add = true} : memref<16x256xf32, #tpu.memory_space<vmem>>[vector<16xi32>, vector<16xi32>], vector<16xf32>,
    %get3A_1157 = arith.constant 24 : i32
    %get3A_1158 = arith.index_cast %get3A_1157 : i32 to index
    %get3A_1159 = arith.index_cast %multiple_of3A : i32 to index
    %get3A_1160 = tpu.vector_load %arg6[%get3A_1158, %get3A_1159] {strides = array<i32>} : memref<32x64xi32, #tpu.memory_space<vmem>>, vector<16xi32>,
    tpu.vector_store_idx %arg8[%iota3A, %get3A_1160], %broadcast_in_dim3A_1061 {add = true} : memref<16x256xf32, #tpu.memory_space<vmem>>[vector<16xi32>, vector<16xi32>], vector<16xf32>,
    %get3A_1161 = arith.constant 25 : i32
    %get3A_1162 = arith.index_cast %get3A_1161 : i32 to index
    %get3A_1163 = arith.index_cast %multiple_of3A : i32 to index
    %get3A_1164 = tpu.vector_load %arg6[%get3A_1162, %get3A_1163] {strides = array<i32>} : memref<32x64xi32, #tpu.memory_space<vmem>>, vector<16xi32>,
    tpu.vector_store_idx %arg8[%iota3A, %get3A_1164], %broadcast_in_dim3A_1061 {add = true} : memref<16x256xf32, #tpu.memory_space<vmem>>[vector<16xi32>, vector<16xi32>], vector<16xf32>,
    %get3A_1165 = arith.constant 26 : i32
    %get3A_1166 = arith.index_cast %get3A_1165 : i32 to index
    %get3A_1167 = arith.index_cast %multiple_of3A : i32 to index
    %get3A_1168 = tpu.vector_load %arg6[%get3A_1166, %get3A_1167] {strides = array<i32>} : memref<32x64xi32, #tpu.memory_space<vmem>>, vector<16xi32>,
    tpu.vector_store_idx %arg8[%iota3A, %get3A_1168], %broadcast_in_dim3A_1061 {add = true} : memref<16x256xf32, #tpu.memory_space<vmem>>[vector<16xi32>, vector<16xi32>], vector<16xf32>,
    %get3A_1169 = arith.constant 27 : i32
    %get3A_1170 = arith.index_cast %get3A_1169 : i32 to index
    %get3A_1171 = arith.index_cast %multiple_of3A : i32 to index
    %get3A_1172 = tpu.vector_load %arg6[%get3A_1170, %get3A_1171] {strides = array<i32>} : memref<32x64xi32, #tpu.memory_space<vmem>>, vector<16xi32>,
    tpu.vector_store_idx %arg8[%iota3A, %get3A_1172], %broadcast_in_dim3A_1061 {add = true} : memref<16x256xf32, #tpu.memory_space<vmem>>[vector<16xi32>, vector<16xi32>], vector<16xf32>,
    %get3A_1173 = arith.constant 28 : i32
    %get3A_1174 = arith.index_cast %get3A_1173 : i32 to index
    %get3A_1175 = arith.index_cast %multiple_of3A : i32 to index
    %get3A_1176 = tpu.vector_load %arg6[%get3A_1174, %get3A_1175] {strides = array<i32>} : memref<32x64xi32, #tpu.memory_space<vmem>>, vector<16xi32>,
    tpu.vector_store_idx %arg8[%iota3A, %get3A_1176], %broadcast_in_dim3A_1061 {add = true} : memref<16x256xf32, #tpu.memory_space<vmem>>[vector<16xi32>, vector<16xi32>], vector<16xf32>,
    %get3A_1177 = arith.constant 29 : i32
    %get3A_1178 = arith.index_cast %get3A_1177 : i32 to index
    %get3A_1179 = arith.index_cast %multiple_of3A : i32 to index
    %get3A_1180 = tpu.vector_load %arg6[%get3A_1178, %get3A_1179] {strides = array<i32>} : memref<32x64xi32, #tpu.memory_space<vmem>>, vector<16xi32>,
    tpu.vector_store_idx %arg8[%iota3A, %get3A_1180], %broadcast_in_dim3A_1061 {add = true} : memref<16x256xf32, #tpu.memory_space<vmem>>[vector<16xi32>, vector<16xi32>], vector<16xf32>,
    %get3A_1181 = arith.constant 30 : i32
    %get3A_1182 = arith.index_cast %get3A_1181 : i32 to index
    %get3A_1183 = arith.index_cast %multiple_of3A : i32 to index
    %get3A_1184 = tpu.vector_load %arg6[%get3A_1182, %get3A_1183] {strides = array<i32>} : memref<32x64xi32, #tpu.memory_space<vmem>>, vector<16xi32>,
    tpu.vector_store_idx %arg8[%iota3A, %get3A_1184], %broadcast_in_dim3A_1061 {add = true} : memref<16x256xf32, #tpu.memory_space<vmem>>[vector<16xi32>, vector<16xi32>], vector<16xf32>,
    %get3A_1185 = arith.constant 31 : i32
    %get3A_1186 = arith.index_cast %get3A_1185 : i32 to index
    %get3A_1187 = arith.index_cast %multiple_of3A : i32 to index
    %get3A_1188 = tpu.vector_load %arg6[%get3A_1186, %get3A_1187] {strides = array<i32>} : memref<32x64xi32, #tpu.memory_space<vmem>>, vector<16xi32>,
    tpu.vector_store_idx %arg8[%iota3A, %get3A_1188], %broadcast_in_dim3A_1061 {add = true} : memref<16x256xf32, #tpu.memory_space<vmem>>[vector<16xi32>, vector<16xi32>], vector<16xf32>,
    "tpu.region"() ({
      %run_scoped3A = tpu.sem_alloc : memref<!tpu.dma_semaphore, #tpu.memory_space<semaphore_mem>>
      %dma_start3A = arith.constant 0 : i32
      %dma_start3A_1192 = tpu.memref_slice %arg4[%select_n3A, %multiple_of3A, %dma_start3A] : memref<8x64x256xf32, #tpu.memory_space<hbm>> -> memref<1x16x256xf32, #tpu.memory_space<hbm>>
      %dma_start3A_1193 = tpu.memref_squeeze %dma_start3A_1192 : memref<1x16x256xf32, #tpu.memory_space<hbm>> -> memref<16x256xf32, #tpu.memory_space<hbm>>
      %dma_start3A_1194 = arith.constant 0 : i32
      %dma_start3A_1195 = tpu.memref_slice %arg4[%select_n3A, %multiple_of3A, %dma_start3A_1194] : memref<8x64x256xf32, #tpu.memory_space<hbm>> -> memref<1x16x256xf32, #tpu.memory_space<hbm>>
      %dma_start3A_1196 = tpu.memref_squeeze %dma_start3A_1195 : memref<1x16x256xf32, #tpu.memory_space<hbm>> -> memref<16x256xf32, #tpu.memory_space<hbm>>
      tpu.enqueue_dma source(%arg8 : memref<16x256xf32, #tpu.memory_space<vmem>>) target(%dma_start3A_1196 : memref<16x256xf32, #tpu.memory_space<hbm>>) target_semaphore(%run_scoped3A : memref<!tpu.dma_semaphore, #tpu.memory_space<semaphore_mem>>)
      %dma_wait3A = arith.constant 0 : i32
      %dma_wait3A_1197 = tpu.memref_slice %arg4[%select_n3A, %multiple_of3A, %dma_wait3A] : memref<8x64x256xf32, #tpu.memory_space<hbm>> -> memref<1x16x256xf32, #tpu.memory_space<hbm>>
      %dma_wait3A_1198 = tpu.memref_squeeze %dma_wait3A_1197 : memref<1x16x256xf32, #tpu.memory_space<hbm>> -> memref<16x256xf32, #tpu.memory_space<hbm>>
      %dma_wait3A_1199 = arith.constant 0 : i32
      %dma_wait3A_1200 = tpu.memref_slice %arg4[%select_n3A, %multiple_of3A, %dma_wait3A_1199] : memref<8x64x256xf32, #tpu.memory_space<hbm>> -> memref<1x16x256xf32, #tpu.memory_space<hbm>>
      %dma_wait3A_1201 = tpu.memref_squeeze %dma_wait3A_1200 : memref<1x16x256xf32, #tpu.memory_space<hbm>> -> memref<16x256xf32, #tpu.memory_space<hbm>>
      tpu.wait_dma2 semaphore(%run_scoped3A : memref<!tpu.dma_semaphore, #tpu.memory_space<semaphore_mem>>) src(%arg8 : memref<16x256xf32, #tpu.memory_space<vmem>>) dst(%dma_wait3A_1201 : memref<16x256xf32, #tpu.memory_space<hbm>>)
      tpu.yield
    }) : () -> ()
    %lt3A_1189 = arith.constant 2 : i32
    %lt3A_1190 = arith.cmpi slt, %select_n3A_30, %lt3A_1189 : i32
    %convert_element_type3A = arith.extui %lt3A_1190 : i1 to i32
    %cond3A = arith.constant 0 : i32
    %cond3A_1191 = arith.cmpi ne, %convert_element_type3A, %cond3A : i32
    scf.if %cond3A_1191 {
      "tpu.region"() ({
        %run_scoped3A = tpu.sem_alloc : memref<!tpu.dma_semaphore, #tpu.memory_space<semaphore_mem>>
        %dma_start3A = arith.constant 0 : i32
        %dma_start3A_3458 = arith.constant 0 : i32
        %dma_start3A_3459 = tpu.memref_slice %arg3[%select_n3A, %dma_start3A, %dma_start3A_3458] : memref<8x3x256xi32, #tpu.memory_space<hbm>> -> memref<1x3x256xi32, #tpu.memory_space<hbm>>
        %dma_start3A_3460 = tpu.memref_squeeze %dma_start3A_3459 : memref<1x3x256xi32, #tpu.memory_space<hbm>> -> memref<3x256xi32, #tpu.memory_space<hbm>>
        %dma_start3A_3461 = arith.constant 0 : i32
        %dma_start3A_3462 = arith.constant 0 : i32
        %dma_start3A_3463 = tpu.memref_slice %arg3[%select_n3A, %dma_start3A_3461, %dma_start3A_3462] : memref<8x3x256xi32, #tpu.memory_space<hbm>> -> memref<1x3x256xi32, #tpu.memory_space<hbm>>
        %dma_start3A_3464 = tpu.memref_squeeze %dma_start3A_3463 : memref<1x3x256xi32, #tpu.memory_space<hbm>> -> memref<3x256xi32, #tpu.memory_space<hbm>>
        tpu.enqueue_dma source(%dma_start3A_3464 : memref<3x256xi32, #tpu.memory_space<hbm>>) target(%arg7 : memref<3x256xi32, #tpu.memory_space<vmem>>) target_semaphore(%run_scoped3A : memref<!tpu.dma_semaphore, #tpu.memory_space<semaphore_mem>>)
        %dma_wait3A = arith.constant 0 : i32
        %dma_wait3A_3465 = arith.constant 0 : i32
        %dma_wait3A_3466 = tpu.memref_slice %arg3[%select_n3A, %dma_wait3A, %dma_wait3A_3465] : memref<8x3x256xi32, #tpu.memory_space<hbm>> -> memref<1x3x256xi32, #tpu.memory_space<hbm>>
        %dma_wait3A_3467 = tpu.memref_squeeze %dma_wait3A_3466 : memref<1x3x256xi32, #tpu.memory_space<hbm>> -> memref<3x256xi32, #tpu.memory_space<hbm>>
        %dma_wait3A_3468 = arith.constant 0 : i32
        %dma_wait3A_3469 = arith.constant 0 : i32
        %dma_wait3A_3470 = tpu.memref_slice %arg3[%select_n3A, %dma_wait3A_3468, %dma_wait3A_3469] : memref<8x3x256xi32, #tpu.memory_space<hbm>> -> memref<1x3x256xi32, #tpu.memory_space<hbm>>
        %dma_wait3A_3471 = tpu.memref_squeeze %dma_wait3A_3470 : memref<1x3x256xi32, #tpu.memory_space<hbm>> -> memref<3x256xi32, #tpu.memory_space<hbm>>
        tpu.wait_dma2 semaphore(%run_scoped3A : memref<!tpu.dma_semaphore, #tpu.memory_space<semaphore_mem>>) src(%dma_wait3A_3471 : memref<3x256xi32, #tpu.memory_space<hbm>>) dst(%arg7 : memref<3x256xi32, #tpu.memory_space<vmem>>)
        tpu.yield
      }) : () -> ()
      %swap3A_1192 = arith.constant 0 : i32
      %swap3A_1193 = arith.index_cast %swap3A_1192 : i32 to index
      %swap3A_1194 = arith.constant 0 : index
      %swap3A_1195 = tpu.vector_load %arg9[%swap3A_1193, %swap3A_1194] {strides = array<i32>} : memref<64x128xf32, #tpu.memory_space<vmem>>, vector<16xf32>,
      tpu.vector_store %arg9[%swap3A_1193, %swap3A_1194], %broadcast_in_dim3A_36 {strides = array<i32>} : memref<64x128xf32, #tpu.memory_space<vmem>>, vector<16xf32>,
      %swap3A_1196 = arith.constant 0 : i32
      %swap3A_1197 = arith.index_cast %swap3A_1196 : i32 to index
      %swap3A_1198 = arith.constant 16 : index
      %swap3A_1199 = tpu.vector_load %arg9[%swap3A_1197, %swap3A_1198] {strides = array<i32>} : memref<64x128xf32, #tpu.memory_space<vmem>>, vector<16xf32>,
      tpu.vector_store %arg9[%swap3A_1197, %swap3A_1198], %broadcast_in_dim3A_36 {strides = array<i32>} : memref<64x128xf32, #tpu.memory_space<vmem>>, vector<16xf32>,
      %swap3A_1200 = arith.constant 0 : i32
      %swap3A_1201 = arith.index_cast %swap3A_1200 : i32 to index
      %swap3A_1202 = arith.constant 32 : index
      %swap3A_1203 = tpu.vector_load %arg9[%swap3A_1201, %swap3A_1202] {strides = array<i32>} : memref<64x128xf32, #tpu.memory_space<vmem>>, vector<16xf32>,
      tpu.vector_store %arg9[%swap3A_1201, %swap3A_1202], %broadcast_in_dim3A_36 {strides = array<i32>} : memref<64x128xf32, #tpu.memory_space<vmem>>, vector<16xf32>,
      %swap3A_1204 = arith.constant 0 : i32
      %swap3A_1205 = arith.index_cast %swap3A_1204 : i32 to index
      %swap3A_1206 = arith.constant 48 : index
      %swap3A_1207 = tpu.vector_load %arg9[%swap3A_1205, %swap3A_1206] {strides = array<i32>} : memref<64x128xf32, #tpu.memory_space<vmem>>, vector<16xf32>,
      tpu.vector_store %arg9[%swap3A_1205, %swap3A_1206], %broadcast_in_dim3A_36 {strides = array<i32>} : memref<64x128xf32, #tpu.memory_space<vmem>>, vector<16xf32>,
      %swap3A_1208 = arith.constant 0 : i32
      %swap3A_1209 = arith.index_cast %swap3A_1208 : i32 to index
      %swap3A_1210 = arith.constant 64 : index
      %swap3A_1211 = tpu.vector_load %arg9[%swap3A_1209, %swap3A_1210] {strides = array<i32>} : memref<64x128xf32, #tpu.memory_space<vmem>>, vector<16xf32>,
      tpu.vector_store %arg9[%swap3A_1209, %swap3A_1210], %broadcast_in_dim3A_36 {strides = array<i32>} : memref<64x128xf32, #tpu.memory_space<vmem>>, vector<16xf32>,
      %swap3A_1212 = arith.constant 0 : i32
      %swap3A_1213 = arith.index_cast %swap3A_1212 : i32 to index
      %swap3A_1214 = arith.constant 80 : index
      %swap3A_1215 = tpu.vector_load %arg9[%swap3A_1213, %swap3A_1214] {strides = array<i32>} : memref<64x128xf32, #tpu.memory_space<vmem>>, vector<16xf32>,
      tpu.vector_store %arg9[%swap3A_1213, %swap3A_1214], %broadcast_in_dim3A_36 {strides = array<i32>} : memref<64x128xf32, #tpu.memory_space<vmem>>, vector<16xf32>,
      %swap3A_1216 = arith.constant 0 : i32
      %swap3A_1217 = arith.index_cast %swap3A_1216 : i32 to index
      %swap3A_1218 = arith.constant 96 : index
      %swap3A_1219 = tpu.vector_load %arg9[%swap3A_1217, %swap3A_1218] {strides = array<i32>} : memref<64x128xf32, #tpu.memory_space<vmem>>, vector<16xf32>,
      tpu.vector_store %arg9[%swap3A_1217, %swap3A_1218], %broadcast_in_dim3A_36 {strides = array<i32>} : memref<64x128xf32, #tpu.memory_space<vmem>>, vector<16xf32>,
      %swap3A_1220 = arith.constant 0 : i32
      %swap3A_1221 = arith.index_cast %swap3A_1220 : i32 to index
      %swap3A_1222 = arith.constant 112 : index
      %swap3A_1223 = tpu.vector_load %arg9[%swap3A_1221, %swap3A_1222] {strides = array<i32>} : memref<64x128xf32, #tpu.memory_space<vmem>>, vector<16xf32>,
      tpu.vector_store %arg9[%swap3A_1221, %swap3A_1222], %broadcast_in_dim3A_36 {strides = array<i32>} : memref<64x128xf32, #tpu.memory_space<vmem>>, vector<16xf32>,
      %swap3A_1224 = arith.constant 1 : i32
      %swap3A_1225 = arith.index_cast %swap3A_1224 : i32 to index
      %swap3A_1226 = arith.constant 0 : index
      %swap3A_1227 = tpu.vector_load %arg9[%swap3A_1225, %swap3A_1226] {strides = array<i32>} : memref<64x128xf32, #tpu.memory_space<vmem>>, vector<16xf32>,
      tpu.vector_store %arg9[%swap3A_1225, %swap3A_1226], %broadcast_in_dim3A_36 {strides = array<i32>} : memref<64x128xf32, #tpu.memory_space<vmem>>, vector<16xf32>,
      %swap3A_1228 = arith.constant 1 : i32
      %swap3A_1229 = arith.index_cast %swap3A_1228 : i32 to index
      %swap3A_1230 = arith.constant 16 : index
      %swap3A_1231 = tpu.vector_load %arg9[%swap3A_1229, %swap3A_1230] {strides = array<i32>} : memref<64x128xf32, #tpu.memory_space<vmem>>, vector<16xf32>,
      tpu.vector_store %arg9[%swap3A_1229, %swap3A_1230], %broadcast_in_dim3A_36 {strides = array<i32>} : memref<64x128xf32, #tpu.memory_space<vmem>>, vector<16xf32>,
      %swap3A_1232 = arith.constant 1 : i32
      %swap3A_1233 = arith.index_cast %swap3A_1232 : i32 to index
      %swap3A_1234 = arith.constant 32 : index
      %swap3A_1235 = tpu.vector_load %arg9[%swap3A_1233, %swap3A_1234] {strides = array<i32>} : memref<64x128xf32, #tpu.memory_space<vmem>>, vector<16xf32>,
      tpu.vector_store %arg9[%swap3A_1233, %swap3A_1234], %broadcast_in_dim3A_36 {strides = array<i32>} : memref<64x128xf32, #tpu.memory_space<vmem>>, vector<16xf32>,
      %swap3A_1236 = arith.constant 1 : i32
      %swap3A_1237 = arith.index_cast %swap3A_1236 : i32 to index
      %swap3A_1238 = arith.constant 48 : index
      %swap3A_1239 = tpu.vector_load %arg9[%swap3A_1237, %swap3A_1238] {strides = array<i32>} : memref<64x128xf32, #tpu.memory_space<vmem>>, vector<16xf32>,
      tpu.vector_store %arg9[%swap3A_1237, %swap3A_1238], %broadcast_in_dim3A_36 {strides = array<i32>} : memref<64x128xf32, #tpu.memory_space<vmem>>, vector<16xf32>,
      %swap3A_1240 = arith.constant 1 : i32
      %swap3A_1241 = arith.index_cast %swap3A_1240 : i32 to index
      %swap3A_1242 = arith.constant 64 : index
      %swap3A_1243 = tpu.vector_load %arg9[%swap3A_1241, %swap3A_1242] {strides = array<i32>} : memref<64x128xf32, #tpu.memory_space<vmem>>, vector<16xf32>,
      tpu.vector_store %arg9[%swap3A_1241, %swap3A_1242], %broadcast_in_dim3A_36 {strides = array<i32>} : memref<64x128xf32, #tpu.memory_space<vmem>>, vector<16xf32>,
      %swap3A_1244 = arith.constant 1 : i32
      %swap3A_1245 = arith.index_cast %swap3A_1244 : i32 to index
      %swap3A_1246 = arith.constant 80 : index
      %swap3A_1247 = tpu.vector_load %arg9[%swap3A_1245, %swap3A_1246] {strides = array<i32>} : memref<64x128xf32, #tpu.memory_space<vmem>>, vector<16xf32>,
      tpu.vector_store %arg9[%swap3A_1245, %swap3A_1246], %broadcast_in_dim3A_36 {strides = array<i32>} : memref<64x128xf32, #tpu.memory_space<vmem>>, vector<16xf32>,
      %swap3A_1248 = arith.constant 1 : i32
      %swap3A_1249 = arith.index_cast %swap3A_1248 : i32 to index
      %swap3A_1250 = arith.constant 96 : index
      %swap3A_1251 = tpu.vector_load %arg9[%swap3A_1249, %swap3A_1250] {strides = array<i32>} : memref<64x128xf32, #tpu.memory_space<vmem>>, vector<16xf32>,
      tpu.vector_store %arg9[%swap3A_1249, %swap3A_1250], %broadcast_in_dim3A_36 {strides = array<i32>} : memref<64x128xf32, #tpu.memory_space<vmem>>, vector<16xf32>,
      %swap3A_1252 = arith.constant 1 : i32
      %swap3A_1253 = arith.index_cast %swap3A_1252 : i32 to index
      %swap3A_1254 = arith.constant 112 : index
      %swap3A_1255 = tpu.vector_load %arg9[%swap3A_1253, %swap3A_1254] {strides = array<i32>} : memref<64x128xf32, #tpu.memory_space<vmem>>, vector<16xf32>,
      tpu.vector_store %arg9[%swap3A_1253, %swap3A_1254], %broadcast_in_dim3A_36 {strides = array<i32>} : memref<64x128xf32, #tpu.memory_space<vmem>>, vector<16xf32>,
      %swap3A_1256 = arith.constant 2 : i32
      %swap3A_1257 = arith.index_cast %swap3A_1256 : i32 to index
      %swap3A_1258 = arith.constant 0 : index
      %swap3A_1259 = tpu.vector_load %arg9[%swap3A_1257, %swap3A_1258] {strides = array<i32>} : memref<64x128xf32, #tpu.memory_space<vmem>>, vector<16xf32>,
      tpu.vector_store %arg9[%swap3A_1257, %swap3A_1258], %broadcast_in_dim3A_36 {strides = array<i32>} : memref<64x128xf32, #tpu.memory_space<vmem>>, vector<16xf32>,
      %swap3A_1260 = arith.constant 2 : i32
      %swap3A_1261 = arith.index_cast %swap3A_1260 : i32 to index
      %swap3A_1262 = arith.constant 16 : index
      %swap3A_1263 = tpu.vector_load %arg9[%swap3A_1261, %swap3A_1262] {strides = array<i32>} : memref<64x128xf32, #tpu.memory_space<vmem>>, vector<16xf32>,
      tpu.vector_store %arg9[%swap3A_1261, %swap3A_1262], %broadcast_in_dim3A_36 {strides = array<i32>} : memref<64x128xf32, #tpu.memory_space<vmem>>, vector<16xf32>,
      %swap3A_1264 = arith.constant 2 : i32
      %swap3A_1265 = arith.index_cast %swap3A_1264 : i32 to index
      %swap3A_1266 = arith.constant 32 : index
      %swap3A_1267 = tpu.vector_load %arg9[%swap3A_1265, %swap3A_1266] {strides = array<i32>} : memref<64x128xf32, #tpu.memory_space<vmem>>, vector<16xf32>,
      tpu.vector_store %arg9[%swap3A_1265, %swap3A_1266], %broadcast_in_dim3A_36 {strides = array<i32>} : memref<64x128xf32, #tpu.memory_space<vmem>>, vector<16xf32>,
      %swap3A_1268 = arith.constant 2 : i32
      %swap3A_1269 = arith.index_cast %swap3A_1268 : i32 to index
      %swap3A_1270 = arith.constant 48 : index
      %swap3A_1271 = tpu.vector_load %arg9[%swap3A_1269, %swap3A_1270] {strides = array<i32>} : memref<64x128xf32, #tpu.memory_space<vmem>>, vector<16xf32>,
      tpu.vector_store %arg9[%swap3A_1269, %swap3A_1270], %broadcast_in_dim3A_36 {strides = array<i32>} : memref<64x128xf32, #tpu.memory_space<vmem>>, vector<16xf32>,
      %swap3A_1272 = arith.constant 2 : i32
      %swap3A_1273 = arith.index_cast %swap3A_1272 : i32 to index
      %swap3A_1274 = arith.constant 64 : index
      %swap3A_1275 = tpu.vector_load %arg9[%swap3A_1273, %swap3A_1274] {strides = array<i32>} : memref<64x128xf32, #tpu.memory_space<vmem>>, vector<16xf32>,
      tpu.vector_store %arg9[%swap3A_1273, %swap3A_1274], %broadcast_in_dim3A_36 {strides = array<i32>} : memref<64x128xf32, #tpu.memory_space<vmem>>, vector<16xf32>,
      %swap3A_1276 = arith.constant 2 : i32
      %swap3A_1277 = arith.index_cast %swap3A_1276 : i32 to index
      %swap3A_1278 = arith.constant 80 : index
      %swap3A_1279 = tpu.vector_load %arg9[%swap3A_1277, %swap3A_1278] {strides = array<i32>} : memref<64x128xf32, #tpu.memory_space<vmem>>, vector<16xf32>,
      tpu.vector_store %arg9[%swap3A_1277, %swap3A_1278], %broadcast_in_dim3A_36 {strides = array<i32>} : memref<64x128xf32, #tpu.memory_space<vmem>>, vector<16xf32>,
      %swap3A_1280 = arith.constant 2 : i32
      %swap3A_1281 = arith.index_cast %swap3A_1280 : i32 to index
      %swap3A_1282 = arith.constant 96 : index
      %swap3A_1283 = tpu.vector_load %arg9[%swap3A_1281, %swap3A_1282] {strides = array<i32>} : memref<64x128xf32, #tpu.memory_space<vmem>>, vector<16xf32>,
      tpu.vector_store %arg9[%swap3A_1281, %swap3A_1282], %broadcast_in_dim3A_36 {strides = array<i32>} : memref<64x128xf32, #tpu.memory_space<vmem>>, vector<16xf32>,
      %swap3A_1284 = arith.constant 2 : i32
      %swap3A_1285 = arith.index_cast %swap3A_1284 : i32 to index
      %swap3A_1286 = arith.constant 112 : index
      %swap3A_1287 = tpu.vector_load %arg9[%swap3A_1285, %swap3A_1286] {strides = array<i32>} : memref<64x128xf32, #tpu.memory_space<vmem>>, vector<16xf32>,
      tpu.vector_store %arg9[%swap3A_1285, %swap3A_1286], %broadcast_in_dim3A_36 {strides = array<i32>} : memref<64x128xf32, #tpu.memory_space<vmem>>, vector<16xf32>,
      %swap3A_1288 = arith.constant 3 : i32
      %swap3A_1289 = arith.index_cast %swap3A_1288 : i32 to index
      %swap3A_1290 = arith.constant 0 : index
      %swap3A_1291 = tpu.vector_load %arg9[%swap3A_1289, %swap3A_1290] {strides = array<i32>} : memref<64x128xf32, #tpu.memory_space<vmem>>, vector<16xf32>,
      tpu.vector_store %arg9[%swap3A_1289, %swap3A_1290], %broadcast_in_dim3A_36 {strides = array<i32>} : memref<64x128xf32, #tpu.memory_space<vmem>>, vector<16xf32>,
      %swap3A_1292 = arith.constant 3 : i32
      %swap3A_1293 = arith.index_cast %swap3A_1292 : i32 to index
      %swap3A_1294 = arith.constant 16 : index
      %swap3A_1295 = tpu.vector_load %arg9[%swap3A_1293, %swap3A_1294] {strides = array<i32>} : memref<64x128xf32, #tpu.memory_space<vmem>>, vector<16xf32>,
      tpu.vector_store %arg9[%swap3A_1293, %swap3A_1294], %broadcast_in_dim3A_36 {strides = array<i32>} : memref<64x128xf32, #tpu.memory_space<vmem>>, vector<16xf32>,
      %swap3A_1296 = arith.constant 3 : i32
      %swap3A_1297 = arith.index_cast %swap3A_1296 : i32 to index
      %swap3A_1298 = arith.constant 32 : index
      %swap3A_1299 = tpu.vector_load %arg9[%swap3A_1297, %swap3A_1298] {strides = array<i32>} : memref<64x128xf32, #tpu.memory_space<vmem>>, vector<16xf32>,
      tpu.vector_store %arg9[%swap3A_1297, %swap3A_1298], %broadcast_in_dim3A_36 {strides = array<i32>} : memref<64x128xf32, #tpu.memory_space<vmem>>, vector<16xf32>,
      %swap3A_1300 = arith.constant 3 : i32
      %swap3A_1301 = arith.index_cast %swap3A_1300 : i32 to index
      %swap3A_1302 = arith.constant 48 : index
      %swap3A_1303 = tpu.vector_load %arg9[%swap3A_1301, %swap3A_1302] {strides = array<i32>} : memref<64x128xf32, #tpu.memory_space<vmem>>, vector<16xf32>,
      tpu.vector_store %arg9[%swap3A_1301, %swap3A_1302], %broadcast_in_dim3A_36 {strides = array<i32>} : memref<64x128xf32, #tpu.memory_space<vmem>>, vector<16xf32>,
      %swap3A_1304 = arith.constant 3 : i32
      %swap3A_1305 = arith.index_cast %swap3A_1304 : i32 to index
      %swap3A_1306 = arith.constant 64 : index
      %swap3A_1307 = tpu.vector_load %arg9[%swap3A_1305, %swap3A_1306] {strides = array<i32>} : memref<64x128xf32, #tpu.memory_space<vmem>>, vector<16xf32>,
      tpu.vector_store %arg9[%swap3A_1305, %swap3A_1306], %broadcast_in_dim3A_36 {strides = array<i32>} : memref<64x128xf32, #tpu.memory_space<vmem>>, vector<16xf32>,
      %swap3A_1308 = arith.constant 3 : i32
      %swap3A_1309 = arith.index_cast %swap3A_1308 : i32 to index
      %swap3A_1310 = arith.constant 80 : index
      %swap3A_1311 = tpu.vector_load %arg9[%swap3A_1309, %swap3A_1310] {strides = array<i32>} : memref<64x128xf32, #tpu.memory_space<vmem>>, vector<16xf32>,
      tpu.vector_store %arg9[%swap3A_1309, %swap3A_1310], %broadcast_in_dim3A_36 {strides = array<i32>} : memref<64x128xf32, #tpu.memory_space<vmem>>, vector<16xf32>,
      %swap3A_1312 = arith.constant 3 : i32
      %swap3A_1313 = arith.index_cast %swap3A_1312 : i32 to index
      %swap3A_1314 = arith.constant 96 : index
      %swap3A_1315 = tpu.vector_load %arg9[%swap3A_1313, %swap3A_1314] {strides = array<i32>} : memref<64x128xf32, #tpu.memory_space<vmem>>, vector<16xf32>,
      tpu.vector_store %arg9[%swap3A_1313, %swap3A_1314], %broadcast_in_dim3A_36 {strides = array<i32>} : memref<64x128xf32, #tpu.memory_space<vmem>>, vector<16xf32>,
      %swap3A_1316 = arith.constant 3 : i32
      %swap3A_1317 = arith.index_cast %swap3A_1316 : i32 to index
      %swap3A_1318 = arith.constant 112 : index
      %swap3A_1319 = tpu.vector_load %arg9[%swap3A_1317, %swap3A_1318] {strides = array<i32>} : memref<64x128xf32, #tpu.memory_space<vmem>>, vector<16xf32>,
      tpu.vector_store %arg9[%swap3A_1317, %swap3A_1318], %broadcast_in_dim3A_36 {strides = array<i32>} : memref<64x128xf32, #tpu.memory_space<vmem>>, vector<16xf32>,
      %swap3A_1320 = arith.constant 4 : i32
      %swap3A_1321 = arith.index_cast %swap3A_1320 : i32 to index
      %swap3A_1322 = arith.constant 0 : index
      %swap3A_1323 = tpu.vector_load %arg9[%swap3A_1321, %swap3A_1322] {strides = array<i32>} : memref<64x128xf32, #tpu.memory_space<vmem>>, vector<16xf32>,
      tpu.vector_store %arg9[%swap3A_1321, %swap3A_1322], %broadcast_in_dim3A_36 {strides = array<i32>} : memref<64x128xf32, #tpu.memory_space<vmem>>, vector<16xf32>,
      %swap3A_1324 = arith.constant 4 : i32
      %swap3A_1325 = arith.index_cast %swap3A_1324 : i32 to index
      %swap3A_1326 = arith.constant 16 : index
      %swap3A_1327 = tpu.vector_load %arg9[%swap3A_1325, %swap3A_1326] {strides = array<i32>} : memref<64x128xf32, #tpu.memory_space<vmem>>, vector<16xf32>,
      tpu.vector_store %arg9[%swap3A_1325, %swap3A_1326], %broadcast_in_dim3A_36 {strides = array<i32>} : memref<64x128xf32, #tpu.memory_space<vmem>>, vector<16xf32>,
      %swap3A_1328 = arith.constant 4 : i32
      %swap3A_1329 = arith.index_cast %swap3A_1328 : i32 to index
      %swap3A_1330 = arith.constant 32 : index
      %swap3A_1331 = tpu.vector_load %arg9[%swap3A_1329, %swap3A_1330] {strides = array<i32>} : memref<64x128xf32, #tpu.memory_space<vmem>>, vector<16xf32>,
      tpu.vector_store %arg9[%swap3A_1329, %swap3A_1330], %broadcast_in_dim3A_36 {strides = array<i32>} : memref<64x128xf32, #tpu.memory_space<vmem>>, vector<16xf32>,
      %swap3A_1332 = arith.constant 4 : i32
      %swap3A_1333 = arith.index_cast %swap3A_1332 : i32 to index
      %swap3A_1334 = arith.constant 48 : index
      %swap3A_1335 = tpu.vector_load %arg9[%swap3A_1333, %swap3A_1334] {strides = array<i32>} : memref<64x128xf32, #tpu.memory_space<vmem>>, vector<16xf32>,
      tpu.vector_store %arg9[%swap3A_1333, %swap3A_1334], %broadcast_in_dim3A_36 {strides = array<i32>} : memref<64x128xf32, #tpu.memory_space<vmem>>, vector<16xf32>,
      %swap3A_1336 = arith.constant 4 : i32
      %swap3A_1337 = arith.index_cast %swap3A_1336 : i32 to index
      %swap3A_1338 = arith.constant 64 : index
      %swap3A_1339 = tpu.vector_load %arg9[%swap3A_1337, %swap3A_1338] {strides = array<i32>} : memref<64x128xf32, #tpu.memory_space<vmem>>, vector<16xf32>,
      tpu.vector_store %arg9[%swap3A_1337, %swap3A_1338], %broadcast_in_dim3A_36 {strides = array<i32>} : memref<64x128xf32, #tpu.memory_space<vmem>>, vector<16xf32>,
      %swap3A_1340 = arith.constant 4 : i32
      %swap3A_1341 = arith.index_cast %swap3A_1340 : i32 to index
      %swap3A_1342 = arith.constant 80 : index
      %swap3A_1343 = tpu.vector_load %arg9[%swap3A_1341, %swap3A_1342] {strides = array<i32>} : memref<64x128xf32, #tpu.memory_space<vmem>>, vector<16xf32>,
      tpu.vector_store %arg9[%swap3A_1341, %swap3A_1342], %broadcast_in_dim3A_36 {strides = array<i32>} : memref<64x128xf32, #tpu.memory_space<vmem>>, vector<16xf32>,
      %swap3A_1344 = arith.constant 4 : i32
      %swap3A_1345 = arith.index_cast %swap3A_1344 : i32 to index
      %swap3A_1346 = arith.constant 96 : index
      %swap3A_1347 = tpu.vector_load %arg9[%swap3A_1345, %swap3A_1346] {strides = array<i32>} : memref<64x128xf32, #tpu.memory_space<vmem>>, vector<16xf32>,
      tpu.vector_store %arg9[%swap3A_1345, %swap3A_1346], %broadcast_in_dim3A_36 {strides = array<i32>} : memref<64x128xf32, #tpu.memory_space<vmem>>, vector<16xf32>,
      %swap3A_1348 = arith.constant 4 : i32
      %swap3A_1349 = arith.index_cast %swap3A_1348 : i32 to index
      %swap3A_1350 = arith.constant 112 : index
      %swap3A_1351 = tpu.vector_load %arg9[%swap3A_1349, %swap3A_1350] {strides = array<i32>} : memref<64x128xf32, #tpu.memory_space<vmem>>, vector<16xf32>,
      tpu.vector_store %arg9[%swap3A_1349, %swap3A_1350], %broadcast_in_dim3A_36 {strides = array<i32>} : memref<64x128xf32, #tpu.memory_space<vmem>>, vector<16xf32>,
      %swap3A_1352 = arith.constant 5 : i32
      %swap3A_1353 = arith.index_cast %swap3A_1352 : i32 to index
      %swap3A_1354 = arith.constant 0 : index
      %swap3A_1355 = tpu.vector_load %arg9[%swap3A_1353, %swap3A_1354] {strides = array<i32>} : memref<64x128xf32, #tpu.memory_space<vmem>>, vector<16xf32>,
      tpu.vector_store %arg9[%swap3A_1353, %swap3A_1354], %broadcast_in_dim3A_36 {strides = array<i32>} : memref<64x128xf32, #tpu.memory_space<vmem>>, vector<16xf32>,
      %swap3A_1356 = arith.constant 5 : i32
      %swap3A_1357 = arith.index_cast %swap3A_1356 : i32 to index
      %swap3A_1358 = arith.constant 16 : index
      %swap3A_1359 = tpu.vector_load %arg9[%swap3A_1357, %swap3A_1358] {strides = array<i32>} : memref<64x128xf32, #tpu.memory_space<vmem>>, vector<16xf32>,
      tpu.vector_store %arg9[%swap3A_1357, %swap3A_1358], %broadcast_in_dim3A_36 {strides = array<i32>} : memref<64x128xf32, #tpu.memory_space<vmem>>, vector<16xf32>,
      %swap3A_1360 = arith.constant 5 : i32
      %swap3A_1361 = arith.index_cast %swap3A_1360 : i32 to index
      %swap3A_1362 = arith.constant 32 : index
      %swap3A_1363 = tpu.vector_load %arg9[%swap3A_1361, %swap3A_1362] {strides = array<i32>} : memref<64x128xf32, #tpu.memory_space<vmem>>, vector<16xf32>,
      tpu.vector_store %arg9[%swap3A_1361, %swap3A_1362], %broadcast_in_dim3A_36 {strides = array<i32>} : memref<64x128xf32, #tpu.memory_space<vmem>>, vector<16xf32>,
      %swap3A_1364 = arith.constant 5 : i32
      %swap3A_1365 = arith.index_cast %swap3A_1364 : i32 to index
      %swap3A_1366 = arith.constant 48 : index
      %swap3A_1367 = tpu.vector_load %arg9[%swap3A_1365, %swap3A_1366] {strides = array<i32>} : memref<64x128xf32, #tpu.memory_space<vmem>>, vector<16xf32>,
      tpu.vector_store %arg9[%swap3A_1365, %swap3A_1366], %broadcast_in_dim3A_36 {strides = array<i32>} : memref<64x128xf32, #tpu.memory_space<vmem>>, vector<16xf32>,
      %swap3A_1368 = arith.constant 5 : i32
      %swap3A_1369 = arith.index_cast %swap3A_1368 : i32 to index
      %swap3A_1370 = arith.constant 64 : index
      %swap3A_1371 = tpu.vector_load %arg9[%swap3A_1369, %swap3A_1370] {strides = array<i32>} : memref<64x128xf32, #tpu.memory_space<vmem>>, vector<16xf32>,
      tpu.vector_store %arg9[%swap3A_1369, %swap3A_1370], %broadcast_in_dim3A_36 {strides = array<i32>} : memref<64x128xf32, #tpu.memory_space<vmem>>, vector<16xf32>,
      %swap3A_1372 = arith.constant 5 : i32
      %swap3A_1373 = arith.index_cast %swap3A_1372 : i32 to index
      %swap3A_1374 = arith.constant 80 : index
      %swap3A_1375 = tpu.vector_load %arg9[%swap3A_1373, %swap3A_1374] {strides = array<i32>} : memref<64x128xf32, #tpu.memory_space<vmem>>, vector<16xf32>,
      tpu.vector_store %arg9[%swap3A_1373, %swap3A_1374], %broadcast_in_dim3A_36 {strides = array<i32>} : memref<64x128xf32, #tpu.memory_space<vmem>>, vector<16xf32>,
      %swap3A_1376 = arith.constant 5 : i32
      %swap3A_1377 = arith.index_cast %swap3A_1376 : i32 to index
      %swap3A_1378 = arith.constant 96 : index
      %swap3A_1379 = tpu.vector_load %arg9[%swap3A_1377, %swap3A_1378] {strides = array<i32>} : memref<64x128xf32, #tpu.memory_space<vmem>>, vector<16xf32>,
      tpu.vector_store %arg9[%swap3A_1377, %swap3A_1378], %broadcast_in_dim3A_36 {strides = array<i32>} : memref<64x128xf32, #tpu.memory_space<vmem>>, vector<16xf32>,
      %swap3A_1380 = arith.constant 5 : i32
      %swap3A_1381 = arith.index_cast %swap3A_1380 : i32 to index
      %swap3A_1382 = arith.constant 112 : index
      %swap3A_1383 = tpu.vector_load %arg9[%swap3A_1381, %swap3A_1382] {strides = array<i32>} : memref<64x128xf32, #tpu.memory_space<vmem>>, vector<16xf32>,
      tpu.vector_store %arg9[%swap3A_1381, %swap3A_1382], %broadcast_in_dim3A_36 {strides = array<i32>} : memref<64x128xf32, #tpu.memory_space<vmem>>, vector<16xf32>,
      %swap3A_1384 = arith.constant 6 : i32
      %swap3A_1385 = arith.index_cast %swap3A_1384 : i32 to index
      %swap3A_1386 = arith.constant 0 : index
      %swap3A_1387 = tpu.vector_load %arg9[%swap3A_1385, %swap3A_1386] {strides = array<i32>} : memref<64x128xf32, #tpu.memory_space<vmem>>, vector<16xf32>,
      tpu.vector_store %arg9[%swap3A_1385, %swap3A_1386], %broadcast_in_dim3A_36 {strides = array<i32>} : memref<64x128xf32, #tpu.memory_space<vmem>>, vector<16xf32>,
      %swap3A_1388 = arith.constant 6 : i32
      %swap3A_1389 = arith.index_cast %swap3A_1388 : i32 to index
      %swap3A_1390 = arith.constant 16 : index
      %swap3A_1391 = tpu.vector_load %arg9[%swap3A_1389, %swap3A_1390] {strides = array<i32>} : memref<64x128xf32, #tpu.memory_space<vmem>>, vector<16xf32>,
      tpu.vector_store %arg9[%swap3A_1389, %swap3A_1390], %broadcast_in_dim3A_36 {strides = array<i32>} : memref<64x128xf32, #tpu.memory_space<vmem>>, vector<16xf32>,
      %swap3A_1392 = arith.constant 6 : i32
      %swap3A_1393 = arith.index_cast %swap3A_1392 : i32 to index
      %swap3A_1394 = arith.constant 32 : index
      %swap3A_1395 = tpu.vector_load %arg9[%swap3A_1393, %swap3A_1394] {strides = array<i32>} : memref<64x128xf32, #tpu.memory_space<vmem>>, vector<16xf32>,
      tpu.vector_store %arg9[%swap3A_1393, %swap3A_1394], %broadcast_in_dim3A_36 {strides = array<i32>} : memref<64x128xf32, #tpu.memory_space<vmem>>, vector<16xf32>,
      %swap3A_1396 = arith.constant 6 : i32
      %swap3A_1397 = arith.index_cast %swap3A_1396 : i32 to index
      %swap3A_1398 = arith.constant 48 : index
      %swap3A_1399 = tpu.vector_load %arg9[%swap3A_1397, %swap3A_1398] {strides = array<i32>} : memref<64x128xf32, #tpu.memory_space<vmem>>, vector<16xf32>,
      tpu.vector_store %arg9[%swap3A_1397, %swap3A_1398], %broadcast_in_dim3A_36 {strides = array<i32>} : memref<64x128xf32, #tpu.memory_space<vmem>>, vector<16xf32>,
      %swap3A_1400 = arith.constant 6 : i32
      %swap3A_1401 = arith.index_cast %swap3A_1400 : i32 to index
      %swap3A_1402 = arith.constant 64 : index
      %swap3A_1403 = tpu.vector_load %arg9[%swap3A_1401, %swap3A_1402] {strides = array<i32>} : memref<64x128xf32, #tpu.memory_space<vmem>>, vector<16xf32>,
      tpu.vector_store %arg9[%swap3A_1401, %swap3A_1402], %broadcast_in_dim3A_36 {strides = array<i32>} : memref<64x128xf32, #tpu.memory_space<vmem>>, vector<16xf32>,
      %swap3A_1404 = arith.constant 6 : i32
      %swap3A_1405 = arith.index_cast %swap3A_1404 : i32 to index
      %swap3A_1406 = arith.constant 80 : index
      %swap3A_1407 = tpu.vector_load %arg9[%swap3A_1405, %swap3A_1406] {strides = array<i32>} : memref<64x128xf32, #tpu.memory_space<vmem>>, vector<16xf32>,
      tpu.vector_store %arg9[%swap3A_1405, %swap3A_1406], %broadcast_in_dim3A_36 {strides = array<i32>} : memref<64x128xf32, #tpu.memory_space<vmem>>, vector<16xf32>,
      %swap3A_1408 = arith.constant 6 : i32
      %swap3A_1409 = arith.index_cast %swap3A_1408 : i32 to index
      %swap3A_1410 = arith.constant 96 : index
      %swap3A_1411 = tpu.vector_load %arg9[%swap3A_1409, %swap3A_1410] {strides = array<i32>} : memref<64x128xf32, #tpu.memory_space<vmem>>, vector<16xf32>,
      tpu.vector_store %arg9[%swap3A_1409, %swap3A_1410], %broadcast_in_dim3A_36 {strides = array<i32>} : memref<64x128xf32, #tpu.memory_space<vmem>>, vector<16xf32>,
      %swap3A_1412 = arith.constant 6 : i32
      %swap3A_1413 = arith.index_cast %swap3A_1412 : i32 to index
      %swap3A_1414 = arith.constant 112 : index
      %swap3A_1415 = tpu.vector_load %arg9[%swap3A_1413, %swap3A_1414] {strides = array<i32>} : memref<64x128xf32, #tpu.memory_space<vmem>>, vector<16xf32>,
      tpu.vector_store %arg9[%swap3A_1413, %swap3A_1414], %broadcast_in_dim3A_36 {strides = array<i32>} : memref<64x128xf32, #tpu.memory_space<vmem>>, vector<16xf32>,
      %swap3A_1416 = arith.constant 7 : i32
      %swap3A_1417 = arith.index_cast %swap3A_1416 : i32 to index
      %swap3A_1418 = arith.constant 0 : index
      %swap3A_1419 = tpu.vector_load %arg9[%swap3A_1417, %swap3A_1418] {strides = array<i32>} : memref<64x128xf32, #tpu.memory_space<vmem>>, vector<16xf32>,
      tpu.vector_store %arg9[%swap3A_1417, %swap3A_1418], %broadcast_in_dim3A_36 {strides = array<i32>} : memref<64x128xf32, #tpu.memory_space<vmem>>, vector<16xf32>,
      %swap3A_1420 = arith.constant 7 : i32
      %swap3A_1421 = arith.index_cast %swap3A_1420 : i32 to index
      %swap3A_1422 = arith.constant 16 : index
      %swap3A_1423 = tpu.vector_load %arg9[%swap3A_1421, %swap3A_1422] {strides = array<i32>} : memref<64x128xf32, #tpu.memory_space<vmem>>, vector<16xf32>,
      tpu.vector_store %arg9[%swap3A_1421, %swap3A_1422], %broadcast_in_dim3A_36 {strides = array<i32>} : memref<64x128xf32, #tpu.memory_space<vmem>>, vector<16xf32>,
      %swap3A_1424 = arith.constant 7 : i32
      %swap3A_1425 = arith.index_cast %swap3A_1424 : i32 to index
      %swap3A_1426 = arith.constant 32 : index
      %swap3A_1427 = tpu.vector_load %arg9[%swap3A_1425, %swap3A_1426] {strides = array<i32>} : memref<64x128xf32, #tpu.memory_space<vmem>>, vector<16xf32>,
      tpu.vector_store %arg9[%swap3A_1425, %swap3A_1426], %broadcast_in_dim3A_36 {strides = array<i32>} : memref<64x128xf32, #tpu.memory_space<vmem>>, vector<16xf32>,
      %swap3A_1428 = arith.constant 7 : i32
      %swap3A_1429 = arith.index_cast %swap3A_1428 : i32 to index
      %swap3A_1430 = arith.constant 48 : index
      %swap3A_1431 = tpu.vector_load %arg9[%swap3A_1429, %swap3A_1430] {strides = array<i32>} : memref<64x128xf32, #tpu.memory_space<vmem>>, vector<16xf32>,
      tpu.vector_store %arg9[%swap3A_1429, %swap3A_1430], %broadcast_in_dim3A_36 {strides = array<i32>} : memref<64x128xf32, #tpu.memory_space<vmem>>, vector<16xf32>,
      %swap3A_1432 = arith.constant 7 : i32
      %swap3A_1433 = arith.index_cast %swap3A_1432 : i32 to index
      %swap3A_1434 = arith.constant 64 : index
      %swap3A_1435 = tpu.vector_load %arg9[%swap3A_1433, %swap3A_1434] {strides = array<i32>} : memref<64x128xf32, #tpu.memory_space<vmem>>, vector<16xf32>,
      tpu.vector_store %arg9[%swap3A_1433, %swap3A_1434], %broadcast_in_dim3A_36 {strides = array<i32>} : memref<64x128xf32, #tpu.memory_space<vmem>>, vector<16xf32>,
      %swap3A_1436 = arith.constant 7 : i32
      %swap3A_1437 = arith.index_cast %swap3A_1436 : i32 to index
      %swap3A_1438 = arith.constant 80 : index
      %swap3A_1439 = tpu.vector_load %arg9[%swap3A_1437, %swap3A_1438] {strides = array<i32>} : memref<64x128xf32, #tpu.memory_space<vmem>>, vector<16xf32>,
      tpu.vector_store %arg9[%swap3A_1437, %swap3A_1438], %broadcast_in_dim3A_36 {strides = array<i32>} : memref<64x128xf32, #tpu.memory_space<vmem>>, vector<16xf32>,
      %swap3A_1440 = arith.constant 7 : i32
      %swap3A_1441 = arith.index_cast %swap3A_1440 : i32 to index
      %swap3A_1442 = arith.constant 96 : index
      %swap3A_1443 = tpu.vector_load %arg9[%swap3A_1441, %swap3A_1442] {strides = array<i32>} : memref<64x128xf32, #tpu.memory_space<vmem>>, vector<16xf32>,
      tpu.vector_store %arg9[%swap3A_1441, %swap3A_1442], %broadcast_in_dim3A_36 {strides = array<i32>} : memref<64x128xf32, #tpu.memory_space<vmem>>, vector<16xf32>,
      %swap3A_1444 = arith.constant 7 : i32
      %swap3A_1445 = arith.index_cast %swap3A_1444 : i32 to index
      %swap3A_1446 = arith.constant 112 : index
      %swap3A_1447 = tpu.vector_load %arg9[%swap3A_1445, %swap3A_1446] {strides = array<i32>} : memref<64x128xf32, #tpu.memory_space<vmem>>, vector<16xf32>,
      tpu.vector_store %arg9[%swap3A_1445, %swap3A_1446], %broadcast_in_dim3A_36 {strides = array<i32>} : memref<64x128xf32, #tpu.memory_space<vmem>>, vector<16xf32>,
      %swap3A_1448 = arith.constant 8 : i32
      %swap3A_1449 = arith.index_cast %swap3A_1448 : i32 to index
      %swap3A_1450 = arith.constant 0 : index
      %swap3A_1451 = tpu.vector_load %arg9[%swap3A_1449, %swap3A_1450] {strides = array<i32>} : memref<64x128xf32, #tpu.memory_space<vmem>>, vector<16xf32>,
      tpu.vector_store %arg9[%swap3A_1449, %swap3A_1450], %broadcast_in_dim3A_36 {strides = array<i32>} : memref<64x128xf32, #tpu.memory_space<vmem>>, vector<16xf32>,
      %swap3A_1452 = arith.constant 8 : i32
      %swap3A_1453 = arith.index_cast %swap3A_1452 : i32 to index
      %swap3A_1454 = arith.constant 16 : index
      %swap3A_1455 = tpu.vector_load %arg9[%swap3A_1453, %swap3A_1454] {strides = array<i32>} : memref<64x128xf32, #tpu.memory_space<vmem>>, vector<16xf32>,
      tpu.vector_store %arg9[%swap3A_1453, %swap3A_1454], %broadcast_in_dim3A_36 {strides = array<i32>} : memref<64x128xf32, #tpu.memory_space<vmem>>, vector<16xf32>,
      %swap3A_1456 = arith.constant 8 : i32
      %swap3A_1457 = arith.index_cast %swap3A_1456 : i32 to index
      %swap3A_1458 = arith.constant 32 : index
      %swap3A_1459 = tpu.vector_load %arg9[%swap3A_1457, %swap3A_1458] {strides = array<i32>} : memref<64x128xf32, #tpu.memory_space<vmem>>, vector<16xf32>,
      tpu.vector_store %arg9[%swap3A_1457, %swap3A_1458], %broadcast_in_dim3A_36 {strides = array<i32>} : memref<64x128xf32, #tpu.memory_space<vmem>>, vector<16xf32>,
      %swap3A_1460 = arith.constant 8 : i32
      %swap3A_1461 = arith.index_cast %swap3A_1460 : i32 to index
      %swap3A_1462 = arith.constant 48 : index
      %swap3A_1463 = tpu.vector_load %arg9[%swap3A_1461, %swap3A_1462] {strides = array<i32>} : memref<64x128xf32, #tpu.memory_space<vmem>>, vector<16xf32>,
      tpu.vector_store %arg9[%swap3A_1461, %swap3A_1462], %broadcast_in_dim3A_36 {strides = array<i32>} : memref<64x128xf32, #tpu.memory_space<vmem>>, vector<16xf32>,
      %swap3A_1464 = arith.constant 8 : i32
      %swap3A_1465 = arith.index_cast %swap3A_1464 : i32 to index
      %swap3A_1466 = arith.constant 64 : index
      %swap3A_1467 = tpu.vector_load %arg9[%swap3A_1465, %swap3A_1466] {strides = array<i32>} : memref<64x128xf32, #tpu.memory_space<vmem>>, vector<16xf32>,
      tpu.vector_store %arg9[%swap3A_1465, %swap3A_1466], %broadcast_in_dim3A_36 {strides = array<i32>} : memref<64x128xf32, #tpu.memory_space<vmem>>, vector<16xf32>,
      %swap3A_1468 = arith.constant 8 : i32
      %swap3A_1469 = arith.index_cast %swap3A_1468 : i32 to index
      %swap3A_1470 = arith.constant 80 : index
      %swap3A_1471 = tpu.vector_load %arg9[%swap3A_1469, %swap3A_1470] {strides = array<i32>} : memref<64x128xf32, #tpu.memory_space<vmem>>, vector<16xf32>,
      tpu.vector_store %arg9[%swap3A_1469, %swap3A_1470], %broadcast_in_dim3A_36 {strides = array<i32>} : memref<64x128xf32, #tpu.memory_space<vmem>>, vector<16xf32>,
      %swap3A_1472 = arith.constant 8 : i32
      %swap3A_1473 = arith.index_cast %swap3A_1472 : i32 to index
      %swap3A_1474 = arith.constant 96 : index
      %swap3A_1475 = tpu.vector_load %arg9[%swap3A_1473, %swap3A_1474] {strides = array<i32>} : memref<64x128xf32, #tpu.memory_space<vmem>>, vector<16xf32>,
      tpu.vector_store %arg9[%swap3A_1473, %swap3A_1474], %broadcast_in_dim3A_36 {strides = array<i32>} : memref<64x128xf32, #tpu.memory_space<vmem>>, vector<16xf32>,
      %swap3A_1476 = arith.constant 8 : i32
      %swap3A_1477 = arith.index_cast %swap3A_1476 : i32 to index
      %swap3A_1478 = arith.constant 112 : index
      %swap3A_1479 = tpu.vector_load %arg9[%swap3A_1477, %swap3A_1478] {strides = array<i32>} : memref<64x128xf32, #tpu.memory_space<vmem>>, vector<16xf32>,
      tpu.vector_store %arg9[%swap3A_1477, %swap3A_1478], %broadcast_in_dim3A_36 {strides = array<i32>} : memref<64x128xf32, #tpu.memory_space<vmem>>, vector<16xf32>,
      %swap3A_1480 = arith.constant 9 : i32
      %swap3A_1481 = arith.index_cast %swap3A_1480 : i32 to index
      %swap3A_1482 = arith.constant 0 : index
      %swap3A_1483 = tpu.vector_load %arg9[%swap3A_1481, %swap3A_1482] {strides = array<i32>} : memref<64x128xf32, #tpu.memory_space<vmem>>, vector<16xf32>,
      tpu.vector_store %arg9[%swap3A_1481, %swap3A_1482], %broadcast_in_dim3A_36 {strides = array<i32>} : memref<64x128xf32, #tpu.memory_space<vmem>>, vector<16xf32>,
      %swap3A_1484 = arith.constant 9 : i32
      %swap3A_1485 = arith.index_cast %swap3A_1484 : i32 to index
      %swap3A_1486 = arith.constant 16 : index
      %swap3A_1487 = tpu.vector_load %arg9[%swap3A_1485, %swap3A_1486] {strides = array<i32>} : memref<64x128xf32, #tpu.memory_space<vmem>>, vector<16xf32>,
      tpu.vector_store %arg9[%swap3A_1485, %swap3A_1486], %broadcast_in_dim3A_36 {strides = array<i32>} : memref<64x128xf32, #tpu.memory_space<vmem>>, vector<16xf32>,
      %swap3A_1488 = arith.constant 9 : i32
      %swap3A_1489 = arith.index_cast %swap3A_1488 : i32 to index
      %swap3A_1490 = arith.constant 32 : index
      %swap3A_1491 = tpu.vector_load %arg9[%swap3A_1489, %swap3A_1490] {strides = array<i32>} : memref<64x128xf32, #tpu.memory_space<vmem>>, vector<16xf32>,
      tpu.vector_store %arg9[%swap3A_1489, %swap3A_1490], %broadcast_in_dim3A_36 {strides = array<i32>} : memref<64x128xf32, #tpu.memory_space<vmem>>, vector<16xf32>,
      %swap3A_1492 = arith.constant 9 : i32
      %swap3A_1493 = arith.index_cast %swap3A_1492 : i32 to index
      %swap3A_1494 = arith.constant 48 : index
      %swap3A_1495 = tpu.vector_load %arg9[%swap3A_1493, %swap3A_1494] {strides = array<i32>} : memref<64x128xf32, #tpu.memory_space<vmem>>, vector<16xf32>,
      tpu.vector_store %arg9[%swap3A_1493, %swap3A_1494], %broadcast_in_dim3A_36 {strides = array<i32>} : memref<64x128xf32, #tpu.memory_space<vmem>>, vector<16xf32>,
      %swap3A_1496 = arith.constant 9 : i32
      %swap3A_1497 = arith.index_cast %swap3A_1496 : i32 to index
      %swap3A_1498 = arith.constant 64 : index
      %swap3A_1499 = tpu.vector_load %arg9[%swap3A_1497, %swap3A_1498] {strides = array<i32>} : memref<64x128xf32, #tpu.memory_space<vmem>>, vector<16xf32>,
      tpu.vector_store %arg9[%swap3A_1497, %swap3A_1498], %broadcast_in_dim3A_36 {strides = array<i32>} : memref<64x128xf32, #tpu.memory_space<vmem>>, vector<16xf32>,
      %swap3A_1500 = arith.constant 9 : i32
      %swap3A_1501 = arith.index_cast %swap3A_1500 : i32 to index
      %swap3A_1502 = arith.constant 80 : index
      %swap3A_1503 = tpu.vector_load %arg9[%swap3A_1501, %swap3A_1502] {strides = array<i32>} : memref<64x128xf32, #tpu.memory_space<vmem>>, vector<16xf32>,
      tpu.vector_store %arg9[%swap3A_1501, %swap3A_1502], %broadcast_in_dim3A_36 {strides = array<i32>} : memref<64x128xf32, #tpu.memory_space<vmem>>, vector<16xf32>,
      %swap3A_1504 = arith.constant 9 : i32
      %swap3A_1505 = arith.index_cast %swap3A_1504 : i32 to index
      %swap3A_1506 = arith.constant 96 : index
      %swap3A_1507 = tpu.vector_load %arg9[%swap3A_1505, %swap3A_1506] {strides = array<i32>} : memref<64x128xf32, #tpu.memory_space<vmem>>, vector<16xf32>,
      tpu.vector_store %arg9[%swap3A_1505, %swap3A_1506], %broadcast_in_dim3A_36 {strides = array<i32>} : memref<64x128xf32, #tpu.memory_space<vmem>>, vector<16xf32>,
      %swap3A_1508 = arith.constant 9 : i32
      %swap3A_1509 = arith.index_cast %swap3A_1508 : i32 to index
      %swap3A_1510 = arith.constant 112 : index
      %swap3A_1511 = tpu.vector_load %arg9[%swap3A_1509, %swap3A_1510] {strides = array<i32>} : memref<64x128xf32, #tpu.memory_space<vmem>>, vector<16xf32>,
      tpu.vector_store %arg9[%swap3A_1509, %swap3A_1510], %broadcast_in_dim3A_36 {strides = array<i32>} : memref<64x128xf32, #tpu.memory_space<vmem>>, vector<16xf32>,
      %swap3A_1512 = arith.constant 10 : i32
      %swap3A_1513 = arith.index_cast %swap3A_1512 : i32 to index
      %swap3A_1514 = arith.constant 0 : index
      %swap3A_1515 = tpu.vector_load %arg9[%swap3A_1513, %swap3A_1514] {strides = array<i32>} : memref<64x128xf32, #tpu.memory_space<vmem>>, vector<16xf32>,
      tpu.vector_store %arg9[%swap3A_1513, %swap3A_1514], %broadcast_in_dim3A_36 {strides = array<i32>} : memref<64x128xf32, #tpu.memory_space<vmem>>, vector<16xf32>,
      %swap3A_1516 = arith.constant 10 : i32
      %swap3A_1517 = arith.index_cast %swap3A_1516 : i32 to index
      %swap3A_1518 = arith.constant 16 : index
      %swap3A_1519 = tpu.vector_load %arg9[%swap3A_1517, %swap3A_1518] {strides = array<i32>} : memref<64x128xf32, #tpu.memory_space<vmem>>, vector<16xf32>,
      tpu.vector_store %arg9[%swap3A_1517, %swap3A_1518], %broadcast_in_dim3A_36 {strides = array<i32>} : memref<64x128xf32, #tpu.memory_space<vmem>>, vector<16xf32>,
      %swap3A_1520 = arith.constant 10 : i32
      %swap3A_1521 = arith.index_cast %swap3A_1520 : i32 to index
      %swap3A_1522 = arith.constant 32 : index
      %swap3A_1523 = tpu.vector_load %arg9[%swap3A_1521, %swap3A_1522] {strides = array<i32>} : memref<64x128xf32, #tpu.memory_space<vmem>>, vector<16xf32>,
      tpu.vector_store %arg9[%swap3A_1521, %swap3A_1522], %broadcast_in_dim3A_36 {strides = array<i32>} : memref<64x128xf32, #tpu.memory_space<vmem>>, vector<16xf32>,
      %swap3A_1524 = arith.constant 10 : i32
      %swap3A_1525 = arith.index_cast %swap3A_1524 : i32 to index
      %swap3A_1526 = arith.constant 48 : index
      %swap3A_1527 = tpu.vector_load %arg9[%swap3A_1525, %swap3A_1526] {strides = array<i32>} : memref<64x128xf32, #tpu.memory_space<vmem>>, vector<16xf32>,
      tpu.vector_store %arg9[%swap3A_1525, %swap3A_1526], %broadcast_in_dim3A_36 {strides = array<i32>} : memref<64x128xf32, #tpu.memory_space<vmem>>, vector<16xf32>,
      %swap3A_1528 = arith.constant 10 : i32
      %swap3A_1529 = arith.index_cast %swap3A_1528 : i32 to index
      %swap3A_1530 = arith.constant 64 : index
      %swap3A_1531 = tpu.vector_load %arg9[%swap3A_1529, %swap3A_1530] {strides = array<i32>} : memref<64x128xf32, #tpu.memory_space<vmem>>, vector<16xf32>,
      tpu.vector_store %arg9[%swap3A_1529, %swap3A_1530], %broadcast_in_dim3A_36 {strides = array<i32>} : memref<64x128xf32, #tpu.memory_space<vmem>>, vector<16xf32>,
      %swap3A_1532 = arith.constant 10 : i32
      %swap3A_1533 = arith.index_cast %swap3A_1532 : i32 to index
      %swap3A_1534 = arith.constant 80 : index
      %swap3A_1535 = tpu.vector_load %arg9[%swap3A_1533, %swap3A_1534] {strides = array<i32>} : memref<64x128xf32, #tpu.memory_space<vmem>>, vector<16xf32>,
      tpu.vector_store %arg9[%swap3A_1533, %swap3A_1534], %broadcast_in_dim3A_36 {strides = array<i32>} : memref<64x128xf32, #tpu.memory_space<vmem>>, vector<16xf32>,
      %swap3A_1536 = arith.constant 10 : i32
      %swap3A_1537 = arith.index_cast %swap3A_1536 : i32 to index
      %swap3A_1538 = arith.constant 96 : index
      %swap3A_1539 = tpu.vector_load %arg9[%swap3A_1537, %swap3A_1538] {strides = array<i32>} : memref<64x128xf32, #tpu.memory_space<vmem>>, vector<16xf32>,
      tpu.vector_store %arg9[%swap3A_1537, %swap3A_1538], %broadcast_in_dim3A_36 {strides = array<i32>} : memref<64x128xf32, #tpu.memory_space<vmem>>, vector<16xf32>,
      %swap3A_1540 = arith.constant 10 : i32
      %swap3A_1541 = arith.index_cast %swap3A_1540 : i32 to index
      %swap3A_1542 = arith.constant 112 : index
      %swap3A_1543 = tpu.vector_load %arg9[%swap3A_1541, %swap3A_1542] {strides = array<i32>} : memref<64x128xf32, #tpu.memory_space<vmem>>, vector<16xf32>,
      tpu.vector_store %arg9[%swap3A_1541, %swap3A_1542], %broadcast_in_dim3A_36 {strides = array<i32>} : memref<64x128xf32, #tpu.memory_space<vmem>>, vector<16xf32>,
      %swap3A_1544 = arith.constant 11 : i32
      %swap3A_1545 = arith.index_cast %swap3A_1544 : i32 to index
      %swap3A_1546 = arith.constant 0 : index
      %swap3A_1547 = tpu.vector_load %arg9[%swap3A_1545, %swap3A_1546] {strides = array<i32>} : memref<64x128xf32, #tpu.memory_space<vmem>>, vector<16xf32>,
      tpu.vector_store %arg9[%swap3A_1545, %swap3A_1546], %broadcast_in_dim3A_36 {strides = array<i32>} : memref<64x128xf32, #tpu.memory_space<vmem>>, vector<16xf32>,
      %swap3A_1548 = arith.constant 11 : i32
      %swap3A_1549 = arith.index_cast %swap3A_1548 : i32 to index
      %swap3A_1550 = arith.constant 16 : index
      %swap3A_1551 = tpu.vector_load %arg9[%swap3A_1549, %swap3A_1550] {strides = array<i32>} : memref<64x128xf32, #tpu.memory_space<vmem>>, vector<16xf32>,
      tpu.vector_store %arg9[%swap3A_1549, %swap3A_1550], %broadcast_in_dim3A_36 {strides = array<i32>} : memref<64x128xf32, #tpu.memory_space<vmem>>, vector<16xf32>,
      %swap3A_1552 = arith.constant 11 : i32
      %swap3A_1553 = arith.index_cast %swap3A_1552 : i32 to index
      %swap3A_1554 = arith.constant 32 : index
      %swap3A_1555 = tpu.vector_load %arg9[%swap3A_1553, %swap3A_1554] {strides = array<i32>} : memref<64x128xf32, #tpu.memory_space<vmem>>, vector<16xf32>,
      tpu.vector_store %arg9[%swap3A_1553, %swap3A_1554], %broadcast_in_dim3A_36 {strides = array<i32>} : memref<64x128xf32, #tpu.memory_space<vmem>>, vector<16xf32>,
      %swap3A_1556 = arith.constant 11 : i32
      %swap3A_1557 = arith.index_cast %swap3A_1556 : i32 to index
      %swap3A_1558 = arith.constant 48 : index
      %swap3A_1559 = tpu.vector_load %arg9[%swap3A_1557, %swap3A_1558] {strides = array<i32>} : memref<64x128xf32, #tpu.memory_space<vmem>>, vector<16xf32>,
      tpu.vector_store %arg9[%swap3A_1557, %swap3A_1558], %broadcast_in_dim3A_36 {strides = array<i32>} : memref<64x128xf32, #tpu.memory_space<vmem>>, vector<16xf32>,
      %swap3A_1560 = arith.constant 11 : i32
      %swap3A_1561 = arith.index_cast %swap3A_1560 : i32 to index
      %swap3A_1562 = arith.constant 64 : index
      %swap3A_1563 = tpu.vector_load %arg9[%swap3A_1561, %swap3A_1562] {strides = array<i32>} : memref<64x128xf32, #tpu.memory_space<vmem>>, vector<16xf32>,
      tpu.vector_store %arg9[%swap3A_1561, %swap3A_1562], %broadcast_in_dim3A_36 {strides = array<i32>} : memref<64x128xf32, #tpu.memory_space<vmem>>, vector<16xf32>,
      %swap3A_1564 = arith.constant 11 : i32
      %swap3A_1565 = arith.index_cast %swap3A_1564 : i32 to index
      %swap3A_1566 = arith.constant 80 : index
      %swap3A_1567 = tpu.vector_load %arg9[%swap3A_1565, %swap3A_1566] {strides = array<i32>} : memref<64x128xf32, #tpu.memory_space<vmem>>, vector<16xf32>,
      tpu.vector_store %arg9[%swap3A_1565, %swap3A_1566], %broadcast_in_dim3A_36 {strides = array<i32>} : memref<64x128xf32, #tpu.memory_space<vmem>>, vector<16xf32>,
      %swap3A_1568 = arith.constant 11 : i32
      %swap3A_1569 = arith.index_cast %swap3A_1568 : i32 to index
      %swap3A_1570 = arith.constant 96 : index
      %swap3A_1571 = tpu.vector_load %arg9[%swap3A_1569, %swap3A_1570] {strides = array<i32>} : memref<64x128xf32, #tpu.memory_space<vmem>>, vector<16xf32>,
      tpu.vector_store %arg9[%swap3A_1569, %swap3A_1570], %broadcast_in_dim3A_36 {strides = array<i32>} : memref<64x128xf32, #tpu.memory_space<vmem>>, vector<16xf32>,
      %swap3A_1572 = arith.constant 11 : i32
      %swap3A_1573 = arith.index_cast %swap3A_1572 : i32 to index
      %swap3A_1574 = arith.constant 112 : index
      %swap3A_1575 = tpu.vector_load %arg9[%swap3A_1573, %swap3A_1574] {strides = array<i32>} : memref<64x128xf32, #tpu.memory_space<vmem>>, vector<16xf32>,
      tpu.vector_store %arg9[%swap3A_1573, %swap3A_1574], %broadcast_in_dim3A_36 {strides = array<i32>} : memref<64x128xf32, #tpu.memory_space<vmem>>, vector<16xf32>,
      %swap3A_1576 = arith.constant 12 : i32
      %swap3A_1577 = arith.index_cast %swap3A_1576 : i32 to index
      %swap3A_1578 = arith.constant 0 : index
      %swap3A_1579 = tpu.vector_load %arg9[%swap3A_1577, %swap3A_1578] {strides = array<i32>} : memref<64x128xf32, #tpu.memory_space<vmem>>, vector<16xf32>,
      tpu.vector_store %arg9[%swap3A_1577, %swap3A_1578], %broadcast_in_dim3A_36 {strides = array<i32>} : memref<64x128xf32, #tpu.memory_space<vmem>>, vector<16xf32>,
      %swap3A_1580 = arith.constant 12 : i32
      %swap3A_1581 = arith.index_cast %swap3A_1580 : i32 to index
      %swap3A_1582 = arith.constant 16 : index
      %swap3A_1583 = tpu.vector_load %arg9[%swap3A_1581, %swap3A_1582] {strides = array<i32>} : memref<64x128xf32, #tpu.memory_space<vmem>>, vector<16xf32>,
      tpu.vector_store %arg9[%swap3A_1581, %swap3A_1582], %broadcast_in_dim3A_36 {strides = array<i32>} : memref<64x128xf32, #tpu.memory_space<vmem>>, vector<16xf32>,
      %swap3A_1584 = arith.constant 12 : i32
      %swap3A_1585 = arith.index_cast %swap3A_1584 : i32 to index
      %swap3A_1586 = arith.constant 32 : index
      %swap3A_1587 = tpu.vector_load %arg9[%swap3A_1585, %swap3A_1586] {strides = array<i32>} : memref<64x128xf32, #tpu.memory_space<vmem>>, vector<16xf32>,
      tpu.vector_store %arg9[%swap3A_1585, %swap3A_1586], %broadcast_in_dim3A_36 {strides = array<i32>} : memref<64x128xf32, #tpu.memory_space<vmem>>, vector<16xf32>,
      %swap3A_1588 = arith.constant 12 : i32
      %swap3A_1589 = arith.index_cast %swap3A_1588 : i32 to index
      %swap3A_1590 = arith.constant 48 : index
      %swap3A_1591 = tpu.vector_load %arg9[%swap3A_1589, %swap3A_1590] {strides = array<i32>} : memref<64x128xf32, #tpu.memory_space<vmem>>, vector<16xf32>,
      tpu.vector_store %arg9[%swap3A_1589, %swap3A_1590], %broadcast_in_dim3A_36 {strides = array<i32>} : memref<64x128xf32, #tpu.memory_space<vmem>>, vector<16xf32>,
      %swap3A_1592 = arith.constant 12 : i32
      %swap3A_1593 = arith.index_cast %swap3A_1592 : i32 to index
      %swap3A_1594 = arith.constant 64 : index
      %swap3A_1595 = tpu.vector_load %arg9[%swap3A_1593, %swap3A_1594] {strides = array<i32>} : memref<64x128xf32, #tpu.memory_space<vmem>>, vector<16xf32>,
      tpu.vector_store %arg9[%swap3A_1593, %swap3A_1594], %broadcast_in_dim3A_36 {strides = array<i32>} : memref<64x128xf32, #tpu.memory_space<vmem>>, vector<16xf32>,
      %swap3A_1596 = arith.constant 12 : i32
      %swap3A_1597 = arith.index_cast %swap3A_1596 : i32 to index
      %swap3A_1598 = arith.constant 80 : index
      %swap3A_1599 = tpu.vector_load %arg9[%swap3A_1597, %swap3A_1598] {strides = array<i32>} : memref<64x128xf32, #tpu.memory_space<vmem>>, vector<16xf32>,
      tpu.vector_store %arg9[%swap3A_1597, %swap3A_1598], %broadcast_in_dim3A_36 {strides = array<i32>} : memref<64x128xf32, #tpu.memory_space<vmem>>, vector<16xf32>,
      %swap3A_1600 = arith.constant 12 : i32
      %swap3A_1601 = arith.index_cast %swap3A_1600 : i32 to index
      %swap3A_1602 = arith.constant 96 : index
      %swap3A_1603 = tpu.vector_load %arg9[%swap3A_1601, %swap3A_1602] {strides = array<i32>} : memref<64x128xf32, #tpu.memory_space<vmem>>, vector<16xf32>,
      tpu.vector_store %arg9[%swap3A_1601, %swap3A_1602], %broadcast_in_dim3A_36 {strides = array<i32>} : memref<64x128xf32, #tpu.memory_space<vmem>>, vector<16xf32>,
      %swap3A_1604 = arith.constant 12 : i32
      %swap3A_1605 = arith.index_cast %swap3A_1604 : i32 to index
      %swap3A_1606 = arith.constant 112 : index
      %swap3A_1607 = tpu.vector_load %arg9[%swap3A_1605, %swap3A_1606] {strides = array<i32>} : memref<64x128xf32, #tpu.memory_space<vmem>>, vector<16xf32>,
      tpu.vector_store %arg9[%swap3A_1605, %swap3A_1606], %broadcast_in_dim3A_36 {strides = array<i32>} : memref<64x128xf32, #tpu.memory_space<vmem>>, vector<16xf32>,
      %swap3A_1608 = arith.constant 13 : i32
      %swap3A_1609 = arith.index_cast %swap3A_1608 : i32 to index
      %swap3A_1610 = arith.constant 0 : index
      %swap3A_1611 = tpu.vector_load %arg9[%swap3A_1609, %swap3A_1610] {strides = array<i32>} : memref<64x128xf32, #tpu.memory_space<vmem>>, vector<16xf32>,
      tpu.vector_store %arg9[%swap3A_1609, %swap3A_1610], %broadcast_in_dim3A_36 {strides = array<i32>} : memref<64x128xf32, #tpu.memory_space<vmem>>, vector<16xf32>,
      %swap3A_1612 = arith.constant 13 : i32
      %swap3A_1613 = arith.index_cast %swap3A_1612 : i32 to index
      %swap3A_1614 = arith.constant 16 : index
      %swap3A_1615 = tpu.vector_load %arg9[%swap3A_1613, %swap3A_1614] {strides = array<i32>} : memref<64x128xf32, #tpu.memory_space<vmem>>, vector<16xf32>,
      tpu.vector_store %arg9[%swap3A_1613, %swap3A_1614], %broadcast_in_dim3A_36 {strides = array<i32>} : memref<64x128xf32, #tpu.memory_space<vmem>>, vector<16xf32>,
      %swap3A_1616 = arith.constant 13 : i32
      %swap3A_1617 = arith.index_cast %swap3A_1616 : i32 to index
      %swap3A_1618 = arith.constant 32 : index
      %swap3A_1619 = tpu.vector_load %arg9[%swap3A_1617, %swap3A_1618] {strides = array<i32>} : memref<64x128xf32, #tpu.memory_space<vmem>>, vector<16xf32>,
      tpu.vector_store %arg9[%swap3A_1617, %swap3A_1618], %broadcast_in_dim3A_36 {strides = array<i32>} : memref<64x128xf32, #tpu.memory_space<vmem>>, vector<16xf32>,
      %swap3A_1620 = arith.constant 13 : i32
      %swap3A_1621 = arith.index_cast %swap3A_1620 : i32 to index
      %swap3A_1622 = arith.constant 48 : index
      %swap3A_1623 = tpu.vector_load %arg9[%swap3A_1621, %swap3A_1622] {strides = array<i32>} : memref<64x128xf32, #tpu.memory_space<vmem>>, vector<16xf32>,
      tpu.vector_store %arg9[%swap3A_1621, %swap3A_1622], %broadcast_in_dim3A_36 {strides = array<i32>} : memref<64x128xf32, #tpu.memory_space<vmem>>, vector<16xf32>,
      %swap3A_1624 = arith.constant 13 : i32
      %swap3A_1625 = arith.index_cast %swap3A_1624 : i32 to index
      %swap3A_1626 = arith.constant 64 : index
      %swap3A_1627 = tpu.vector_load %arg9[%swap3A_1625, %swap3A_1626] {strides = array<i32>} : memref<64x128xf32, #tpu.memory_space<vmem>>, vector<16xf32>,
      tpu.vector_store %arg9[%swap3A_1625, %swap3A_1626], %broadcast_in_dim3A_36 {strides = array<i32>} : memref<64x128xf32, #tpu.memory_space<vmem>>, vector<16xf32>,
      %swap3A_1628 = arith.constant 13 : i32
      %swap3A_1629 = arith.index_cast %swap3A_1628 : i32 to index
      %swap3A_1630 = arith.constant 80 : index
      %swap3A_1631 = tpu.vector_load %arg9[%swap3A_1629, %swap3A_1630] {strides = array<i32>} : memref<64x128xf32, #tpu.memory_space<vmem>>, vector<16xf32>,
      tpu.vector_store %arg9[%swap3A_1629, %swap3A_1630], %broadcast_in_dim3A_36 {strides = array<i32>} : memref<64x128xf32, #tpu.memory_space<vmem>>, vector<16xf32>,
      %swap3A_1632 = arith.constant 13 : i32
      %swap3A_1633 = arith.index_cast %swap3A_1632 : i32 to index
      %swap3A_1634 = arith.constant 96 : index
      %swap3A_1635 = tpu.vector_load %arg9[%swap3A_1633, %swap3A_1634] {strides = array<i32>} : memref<64x128xf32, #tpu.memory_space<vmem>>, vector<16xf32>,
      tpu.vector_store %arg9[%swap3A_1633, %swap3A_1634], %broadcast_in_dim3A_36 {strides = array<i32>} : memref<64x128xf32, #tpu.memory_space<vmem>>, vector<16xf32>,
      %swap3A_1636 = arith.constant 13 : i32
      %swap3A_1637 = arith.index_cast %swap3A_1636 : i32 to index
      %swap3A_1638 = arith.constant 112 : index
      %swap3A_1639 = tpu.vector_load %arg9[%swap3A_1637, %swap3A_1638] {strides = array<i32>} : memref<64x128xf32, #tpu.memory_space<vmem>>, vector<16xf32>,
      tpu.vector_store %arg9[%swap3A_1637, %swap3A_1638], %broadcast_in_dim3A_36 {strides = array<i32>} : memref<64x128xf32, #tpu.memory_space<vmem>>, vector<16xf32>,
      %swap3A_1640 = arith.constant 14 : i32
      %swap3A_1641 = arith.index_cast %swap3A_1640 : i32 to index
      %swap3A_1642 = arith.constant 0 : index
      %swap3A_1643 = tpu.vector_load %arg9[%swap3A_1641, %swap3A_1642] {strides = array<i32>} : memref<64x128xf32, #tpu.memory_space<vmem>>, vector<16xf32>,
      tpu.vector_store %arg9[%swap3A_1641, %swap3A_1642], %broadcast_in_dim3A_36 {strides = array<i32>} : memref<64x128xf32, #tpu.memory_space<vmem>>, vector<16xf32>,
      %swap3A_1644 = arith.constant 14 : i32
      %swap3A_1645 = arith.index_cast %swap3A_1644 : i32 to index
      %swap3A_1646 = arith.constant 16 : index
      %swap3A_1647 = tpu.vector_load %arg9[%swap3A_1645, %swap3A_1646] {strides = array<i32>} : memref<64x128xf32, #tpu.memory_space<vmem>>, vector<16xf32>,
      tpu.vector_store %arg9[%swap3A_1645, %swap3A_1646], %broadcast_in_dim3A_36 {strides = array<i32>} : memref<64x128xf32, #tpu.memory_space<vmem>>, vector<16xf32>,
      %swap3A_1648 = arith.constant 14 : i32
      %swap3A_1649 = arith.index_cast %swap3A_1648 : i32 to index
      %swap3A_1650 = arith.constant 32 : index
      %swap3A_1651 = tpu.vector_load %arg9[%swap3A_1649, %swap3A_1650] {strides = array<i32>} : memref<64x128xf32, #tpu.memory_space<vmem>>, vector<16xf32>,
      tpu.vector_store %arg9[%swap3A_1649, %swap3A_1650], %broadcast_in_dim3A_36 {strides = array<i32>} : memref<64x128xf32, #tpu.memory_space<vmem>>, vector<16xf32>,
      %swap3A_1652 = arith.constant 14 : i32
      %swap3A_1653 = arith.index_cast %swap3A_1652 : i32 to index
      %swap3A_1654 = arith.constant 48 : index
      %swap3A_1655 = tpu.vector_load %arg9[%swap3A_1653, %swap3A_1654] {strides = array<i32>} : memref<64x128xf32, #tpu.memory_space<vmem>>, vector<16xf32>,
      tpu.vector_store %arg9[%swap3A_1653, %swap3A_1654], %broadcast_in_dim3A_36 {strides = array<i32>} : memref<64x128xf32, #tpu.memory_space<vmem>>, vector<16xf32>,
      %swap3A_1656 = arith.constant 14 : i32
      %swap3A_1657 = arith.index_cast %swap3A_1656 : i32 to index
      %swap3A_1658 = arith.constant 64 : index
      %swap3A_1659 = tpu.vector_load %arg9[%swap3A_1657, %swap3A_1658] {strides = array<i32>} : memref<64x128xf32, #tpu.memory_space<vmem>>, vector<16xf32>,
      tpu.vector_store %arg9[%swap3A_1657, %swap3A_1658], %broadcast_in_dim3A_36 {strides = array<i32>} : memref<64x128xf32, #tpu.memory_space<vmem>>, vector<16xf32>,
      %swap3A_1660 = arith.constant 14 : i32
      %swap3A_1661 = arith.index_cast %swap3A_1660 : i32 to index
      %swap3A_1662 = arith.constant 80 : index
      %swap3A_1663 = tpu.vector_load %arg9[%swap3A_1661, %swap3A_1662] {strides = array<i32>} : memref<64x128xf32, #tpu.memory_space<vmem>>, vector<16xf32>,
      tpu.vector_store %arg9[%swap3A_1661, %swap3A_1662], %broadcast_in_dim3A_36 {strides = array<i32>} : memref<64x128xf32, #tpu.memory_space<vmem>>, vector<16xf32>,
      %swap3A_1664 = arith.constant 14 : i32
      %swap3A_1665 = arith.index_cast %swap3A_1664 : i32 to index
      %swap3A_1666 = arith.constant 96 : index
      %swap3A_1667 = tpu.vector_load %arg9[%swap3A_1665, %swap3A_1666] {strides = array<i32>} : memref<64x128xf32, #tpu.memory_space<vmem>>, vector<16xf32>,
      tpu.vector_store %arg9[%swap3A_1665, %swap3A_1666], %broadcast_in_dim3A_36 {strides = array<i32>} : memref<64x128xf32, #tpu.memory_space<vmem>>, vector<16xf32>,
      %swap3A_1668 = arith.constant 14 : i32
      %swap3A_1669 = arith.index_cast %swap3A_1668 : i32 to index
      %swap3A_1670 = arith.constant 112 : index
      %swap3A_1671 = tpu.vector_load %arg9[%swap3A_1669, %swap3A_1670] {strides = array<i32>} : memref<64x128xf32, #tpu.memory_space<vmem>>, vector<16xf32>,
      tpu.vector_store %arg9[%swap3A_1669, %swap3A_1670], %broadcast_in_dim3A_36 {strides = array<i32>} : memref<64x128xf32, #tpu.memory_space<vmem>>, vector<16xf32>,
      %swap3A_1672 = arith.constant 15 : i32
      %swap3A_1673 = arith.index_cast %swap3A_1672 : i32 to index
      %swap3A_1674 = arith.constant 0 : index
      %swap3A_1675 = tpu.vector_load %arg9[%swap3A_1673, %swap3A_1674] {strides = array<i32>} : memref<64x128xf32, #tpu.memory_space<vmem>>, vector<16xf32>,
      tpu.vector_store %arg9[%swap3A_1673, %swap3A_1674], %broadcast_in_dim3A_36 {strides = array<i32>} : memref<64x128xf32, #tpu.memory_space<vmem>>, vector<16xf32>,
      %swap3A_1676 = arith.constant 15 : i32
      %swap3A_1677 = arith.index_cast %swap3A_1676 : i32 to index
      %swap3A_1678 = arith.constant 16 : index
      %swap3A_1679 = tpu.vector_load %arg9[%swap3A_1677, %swap3A_1678] {strides = array<i32>} : memref<64x128xf32, #tpu.memory_space<vmem>>, vector<16xf32>,
      tpu.vector_store %arg9[%swap3A_1677, %swap3A_1678], %broadcast_in_dim3A_36 {strides = array<i32>} : memref<64x128xf32, #tpu.memory_space<vmem>>, vector<16xf32>,
      %swap3A_1680 = arith.constant 15 : i32
      %swap3A_1681 = arith.index_cast %swap3A_1680 : i32 to index
      %swap3A_1682 = arith.constant 32 : index
      %swap3A_1683 = tpu.vector_load %arg9[%swap3A_1681, %swap3A_1682] {strides = array<i32>} : memref<64x128xf32, #tpu.memory_space<vmem>>, vector<16xf32>,
      tpu.vector_store %arg9[%swap3A_1681, %swap3A_1682], %broadcast_in_dim3A_36 {strides = array<i32>} : memref<64x128xf32, #tpu.memory_space<vmem>>, vector<16xf32>,
      %swap3A_1684 = arith.constant 15 : i32
      %swap3A_1685 = arith.index_cast %swap3A_1684 : i32 to index
      %swap3A_1686 = arith.constant 48 : index
      %swap3A_1687 = tpu.vector_load %arg9[%swap3A_1685, %swap3A_1686] {strides = array<i32>} : memref<64x128xf32, #tpu.memory_space<vmem>>, vector<16xf32>,
      tpu.vector_store %arg9[%swap3A_1685, %swap3A_1686], %broadcast_in_dim3A_36 {strides = array<i32>} : memref<64x128xf32, #tpu.memory_space<vmem>>, vector<16xf32>,
      %swap3A_1688 = arith.constant 15 : i32
      %swap3A_1689 = arith.index_cast %swap3A_1688 : i32 to index
      %swap3A_1690 = arith.constant 64 : index
      %swap3A_1691 = tpu.vector_load %arg9[%swap3A_1689, %swap3A_1690] {strides = array<i32>} : memref<64x128xf32, #tpu.memory_space<vmem>>, vector<16xf32>,
      tpu.vector_store %arg9[%swap3A_1689, %swap3A_1690], %broadcast_in_dim3A_36 {strides = array<i32>} : memref<64x128xf32, #tpu.memory_space<vmem>>, vector<16xf32>,
      %swap3A_1692 = arith.constant 15 : i32
      %swap3A_1693 = arith.index_cast %swap3A_1692 : i32 to index
      %swap3A_1694 = arith.constant 80 : index
      %swap3A_1695 = tpu.vector_load %arg9[%swap3A_1693, %swap3A_1694] {strides = array<i32>} : memref<64x128xf32, #tpu.memory_space<vmem>>, vector<16xf32>,
      tpu.vector_store %arg9[%swap3A_1693, %swap3A_1694], %broadcast_in_dim3A_36 {strides = array<i32>} : memref<64x128xf32, #tpu.memory_space<vmem>>, vector<16xf32>,
      %swap3A_1696 = arith.constant 15 : i32
      %swap3A_1697 = arith.index_cast %swap3A_1696 : i32 to index
      %swap3A_1698 = arith.constant 96 : index
      %swap3A_1699 = tpu.vector_load %arg9[%swap3A_1697, %swap3A_1698] {strides = array<i32>} : memref<64x128xf32, #tpu.memory_space<vmem>>, vector<16xf32>,
      tpu.vector_store %arg9[%swap3A_1697, %swap3A_1698], %broadcast_in_dim3A_36 {strides = array<i32>} : memref<64x128xf32, #tpu.memory_space<vmem>>, vector<16xf32>,
      %swap3A_1700 = arith.constant 15 : i32
      %swap3A_1701 = arith.index_cast %swap3A_1700 : i32 to index
      %swap3A_1702 = arith.constant 112 : index
      %swap3A_1703 = tpu.vector_load %arg9[%swap3A_1701, %swap3A_1702] {strides = array<i32>} : memref<64x128xf32, #tpu.memory_space<vmem>>, vector<16xf32>,
      tpu.vector_store %arg9[%swap3A_1701, %swap3A_1702], %broadcast_in_dim3A_36 {strides = array<i32>} : memref<64x128xf32, #tpu.memory_space<vmem>>, vector<16xf32>,
      %swap3A_1704 = arith.constant 16 : i32
      %swap3A_1705 = arith.index_cast %swap3A_1704 : i32 to index
      %swap3A_1706 = arith.constant 0 : index
      %swap3A_1707 = tpu.vector_load %arg9[%swap3A_1705, %swap3A_1706] {strides = array<i32>} : memref<64x128xf32, #tpu.memory_space<vmem>>, vector<16xf32>,
      tpu.vector_store %arg9[%swap3A_1705, %swap3A_1706], %broadcast_in_dim3A_36 {strides = array<i32>} : memref<64x128xf32, #tpu.memory_space<vmem>>, vector<16xf32>,
      %swap3A_1708 = arith.constant 16 : i32
      %swap3A_1709 = arith.index_cast %swap3A_1708 : i32 to index
      %swap3A_1710 = arith.constant 16 : index
      %swap3A_1711 = tpu.vector_load %arg9[%swap3A_1709, %swap3A_1710] {strides = array<i32>} : memref<64x128xf32, #tpu.memory_space<vmem>>, vector<16xf32>,
      tpu.vector_store %arg9[%swap3A_1709, %swap3A_1710], %broadcast_in_dim3A_36 {strides = array<i32>} : memref<64x128xf32, #tpu.memory_space<vmem>>, vector<16xf32>,
      %swap3A_1712 = arith.constant 16 : i32
      %swap3A_1713 = arith.index_cast %swap3A_1712 : i32 to index
      %swap3A_1714 = arith.constant 32 : index
      %swap3A_1715 = tpu.vector_load %arg9[%swap3A_1713, %swap3A_1714] {strides = array<i32>} : memref<64x128xf32, #tpu.memory_space<vmem>>, vector<16xf32>,
      tpu.vector_store %arg9[%swap3A_1713, %swap3A_1714], %broadcast_in_dim3A_36 {strides = array<i32>} : memref<64x128xf32, #tpu.memory_space<vmem>>, vector<16xf32>,
      %swap3A_1716 = arith.constant 16 : i32
      %swap3A_1717 = arith.index_cast %swap3A_1716 : i32 to index
      %swap3A_1718 = arith.constant 48 : index
      %swap3A_1719 = tpu.vector_load %arg9[%swap3A_1717, %swap3A_1718] {strides = array<i32>} : memref<64x128xf32, #tpu.memory_space<vmem>>, vector<16xf32>,
      tpu.vector_store %arg9[%swap3A_1717, %swap3A_1718], %broadcast_in_dim3A_36 {strides = array<i32>} : memref<64x128xf32, #tpu.memory_space<vmem>>, vector<16xf32>,
      %swap3A_1720 = arith.constant 16 : i32
      %swap3A_1721 = arith.index_cast %swap3A_1720 : i32 to index
      %swap3A_1722 = arith.constant 64 : index
      %swap3A_1723 = tpu.vector_load %arg9[%swap3A_1721, %swap3A_1722] {strides = array<i32>} : memref<64x128xf32, #tpu.memory_space<vmem>>, vector<16xf32>,
      tpu.vector_store %arg9[%swap3A_1721, %swap3A_1722], %broadcast_in_dim3A_36 {strides = array<i32>} : memref<64x128xf32, #tpu.memory_space<vmem>>, vector<16xf32>,
      %swap3A_1724 = arith.constant 16 : i32
      %swap3A_1725 = arith.index_cast %swap3A_1724 : i32 to index
      %swap3A_1726 = arith.constant 80 : index
      %swap3A_1727 = tpu.vector_load %arg9[%swap3A_1725, %swap3A_1726] {strides = array<i32>} : memref<64x128xf32, #tpu.memory_space<vmem>>, vector<16xf32>,
      tpu.vector_store %arg9[%swap3A_1725, %swap3A_1726], %broadcast_in_dim3A_36 {strides = array<i32>} : memref<64x128xf32, #tpu.memory_space<vmem>>, vector<16xf32>,
      %swap3A_1728 = arith.constant 16 : i32
      %swap3A_1729 = arith.index_cast %swap3A_1728 : i32 to index
      %swap3A_1730 = arith.constant 96 : index
      %swap3A_1731 = tpu.vector_load %arg9[%swap3A_1729, %swap3A_1730] {strides = array<i32>} : memref<64x128xf32, #tpu.memory_space<vmem>>, vector<16xf32>,
      tpu.vector_store %arg9[%swap3A_1729, %swap3A_1730], %broadcast_in_dim3A_36 {strides = array<i32>} : memref<64x128xf32, #tpu.memory_space<vmem>>, vector<16xf32>,
      %swap3A_1732 = arith.constant 16 : i32
      %swap3A_1733 = arith.index_cast %swap3A_1732 : i32 to index
      %swap3A_1734 = arith.constant 112 : index
      %swap3A_1735 = tpu.vector_load %arg9[%swap3A_1733, %swap3A_1734] {strides = array<i32>} : memref<64x128xf32, #tpu.memory_space<vmem>>, vector<16xf32>,
      tpu.vector_store %arg9[%swap3A_1733, %swap3A_1734], %broadcast_in_dim3A_36 {strides = array<i32>} : memref<64x128xf32, #tpu.memory_space<vmem>>, vector<16xf32>,
      %swap3A_1736 = arith.constant 17 : i32
      %swap3A_1737 = arith.index_cast %swap3A_1736 : i32 to index
      %swap3A_1738 = arith.constant 0 : index
      %swap3A_1739 = tpu.vector_load %arg9[%swap3A_1737, %swap3A_1738] {strides = array<i32>} : memref<64x128xf32, #tpu.memory_space<vmem>>, vector<16xf32>,
      tpu.vector_store %arg9[%swap3A_1737, %swap3A_1738], %broadcast_in_dim3A_36 {strides = array<i32>} : memref<64x128xf32, #tpu.memory_space<vmem>>, vector<16xf32>,
      %swap3A_1740 = arith.constant 17 : i32
      %swap3A_1741 = arith.index_cast %swap3A_1740 : i32 to index
      %swap3A_1742 = arith.constant 16 : index
      %swap3A_1743 = tpu.vector_load %arg9[%swap3A_1741, %swap3A_1742] {strides = array<i32>} : memref<64x128xf32, #tpu.memory_space<vmem>>, vector<16xf32>,
      tpu.vector_store %arg9[%swap3A_1741, %swap3A_1742], %broadcast_in_dim3A_36 {strides = array<i32>} : memref<64x128xf32, #tpu.memory_space<vmem>>, vector<16xf32>,
      %swap3A_1744 = arith.constant 17 : i32
      %swap3A_1745 = arith.index_cast %swap3A_1744 : i32 to index
      %swap3A_1746 = arith.constant 32 : index
      %swap3A_1747 = tpu.vector_load %arg9[%swap3A_1745, %swap3A_1746] {strides = array<i32>} : memref<64x128xf32, #tpu.memory_space<vmem>>, vector<16xf32>,
      tpu.vector_store %arg9[%swap3A_1745, %swap3A_1746], %broadcast_in_dim3A_36 {strides = array<i32>} : memref<64x128xf32, #tpu.memory_space<vmem>>, vector<16xf32>,
      %swap3A_1748 = arith.constant 17 : i32
      %swap3A_1749 = arith.index_cast %swap3A_1748 : i32 to index
      %swap3A_1750 = arith.constant 48 : index
      %swap3A_1751 = tpu.vector_load %arg9[%swap3A_1749, %swap3A_1750] {strides = array<i32>} : memref<64x128xf32, #tpu.memory_space<vmem>>, vector<16xf32>,
      tpu.vector_store %arg9[%swap3A_1749, %swap3A_1750], %broadcast_in_dim3A_36 {strides = array<i32>} : memref<64x128xf32, #tpu.memory_space<vmem>>, vector<16xf32>,
      %swap3A_1752 = arith.constant 17 : i32
      %swap3A_1753 = arith.index_cast %swap3A_1752 : i32 to index
      %swap3A_1754 = arith.constant 64 : index
      %swap3A_1755 = tpu.vector_load %arg9[%swap3A_1753, %swap3A_1754] {strides = array<i32>} : memref<64x128xf32, #tpu.memory_space<vmem>>, vector<16xf32>,
      tpu.vector_store %arg9[%swap3A_1753, %swap3A_1754], %broadcast_in_dim3A_36 {strides = array<i32>} : memref<64x128xf32, #tpu.memory_space<vmem>>, vector<16xf32>,
      %swap3A_1756 = arith.constant 17 : i32
      %swap3A_1757 = arith.index_cast %swap3A_1756 : i32 to index
      %swap3A_1758 = arith.constant 80 : index
      %swap3A_1759 = tpu.vector_load %arg9[%swap3A_1757, %swap3A_1758] {strides = array<i32>} : memref<64x128xf32, #tpu.memory_space<vmem>>, vector<16xf32>,
      tpu.vector_store %arg9[%swap3A_1757, %swap3A_1758], %broadcast_in_dim3A_36 {strides = array<i32>} : memref<64x128xf32, #tpu.memory_space<vmem>>, vector<16xf32>,
      %swap3A_1760 = arith.constant 17 : i32
      %swap3A_1761 = arith.index_cast %swap3A_1760 : i32 to index
      %swap3A_1762 = arith.constant 96 : index
      %swap3A_1763 = tpu.vector_load %arg9[%swap3A_1761, %swap3A_1762] {strides = array<i32>} : memref<64x128xf32, #tpu.memory_space<vmem>>, vector<16xf32>,
      tpu.vector_store %arg9[%swap3A_1761, %swap3A_1762], %broadcast_in_dim3A_36 {strides = array<i32>} : memref<64x128xf32, #tpu.memory_space<vmem>>, vector<16xf32>,
      %swap3A_1764 = arith.constant 17 : i32
      %swap3A_1765 = arith.index_cast %swap3A_1764 : i32 to index
      %swap3A_1766 = arith.constant 112 : index
      %swap3A_1767 = tpu.vector_load %arg9[%swap3A_1765, %swap3A_1766] {strides = array<i32>} : memref<64x128xf32, #tpu.memory_space<vmem>>, vector<16xf32>,
      tpu.vector_store %arg9[%swap3A_1765, %swap3A_1766], %broadcast_in_dim3A_36 {strides = array<i32>} : memref<64x128xf32, #tpu.memory_space<vmem>>, vector<16xf32>,
      %swap3A_1768 = arith.constant 18 : i32
      %swap3A_1769 = arith.index_cast %swap3A_1768 : i32 to index
      %swap3A_1770 = arith.constant 0 : index
      %swap3A_1771 = tpu.vector_load %arg9[%swap3A_1769, %swap3A_1770] {strides = array<i32>} : memref<64x128xf32, #tpu.memory_space<vmem>>, vector<16xf32>,
      tpu.vector_store %arg9[%swap3A_1769, %swap3A_1770], %broadcast_in_dim3A_36 {strides = array<i32>} : memref<64x128xf32, #tpu.memory_space<vmem>>, vector<16xf32>,
      %swap3A_1772 = arith.constant 18 : i32
      %swap3A_1773 = arith.index_cast %swap3A_1772 : i32 to index
      %swap3A_1774 = arith.constant 16 : index
      %swap3A_1775 = tpu.vector_load %arg9[%swap3A_1773, %swap3A_1774] {strides = array<i32>} : memref<64x128xf32, #tpu.memory_space<vmem>>, vector<16xf32>,
      tpu.vector_store %arg9[%swap3A_1773, %swap3A_1774], %broadcast_in_dim3A_36 {strides = array<i32>} : memref<64x128xf32, #tpu.memory_space<vmem>>, vector<16xf32>,
      %swap3A_1776 = arith.constant 18 : i32
      %swap3A_1777 = arith.index_cast %swap3A_1776 : i32 to index
      %swap3A_1778 = arith.constant 32 : index
      %swap3A_1779 = tpu.vector_load %arg9[%swap3A_1777, %swap3A_1778] {strides = array<i32>} : memref<64x128xf32, #tpu.memory_space<vmem>>, vector<16xf32>,
      tpu.vector_store %arg9[%swap3A_1777, %swap3A_1778], %broadcast_in_dim3A_36 {strides = array<i32>} : memref<64x128xf32, #tpu.memory_space<vmem>>, vector<16xf32>,
      %swap3A_1780 = arith.constant 18 : i32
      %swap3A_1781 = arith.index_cast %swap3A_1780 : i32 to index
      %swap3A_1782 = arith.constant 48 : index
      %swap3A_1783 = tpu.vector_load %arg9[%swap3A_1781, %swap3A_1782] {strides = array<i32>} : memref<64x128xf32, #tpu.memory_space<vmem>>, vector<16xf32>,
      tpu.vector_store %arg9[%swap3A_1781, %swap3A_1782], %broadcast_in_dim3A_36 {strides = array<i32>} : memref<64x128xf32, #tpu.memory_space<vmem>>, vector<16xf32>,
      %swap3A_1784 = arith.constant 18 : i32
      %swap3A_1785 = arith.index_cast %swap3A_1784 : i32 to index
      %swap3A_1786 = arith.constant 64 : index
      %swap3A_1787 = tpu.vector_load %arg9[%swap3A_1785, %swap3A_1786] {strides = array<i32>} : memref<64x128xf32, #tpu.memory_space<vmem>>, vector<16xf32>,
      tpu.vector_store %arg9[%swap3A_1785, %swap3A_1786], %broadcast_in_dim3A_36 {strides = array<i32>} : memref<64x128xf32, #tpu.memory_space<vmem>>, vector<16xf32>,
      %swap3A_1788 = arith.constant 18 : i32
      %swap3A_1789 = arith.index_cast %swap3A_1788 : i32 to index
      %swap3A_1790 = arith.constant 80 : index
      %swap3A_1791 = tpu.vector_load %arg9[%swap3A_1789, %swap3A_1790] {strides = array<i32>} : memref<64x128xf32, #tpu.memory_space<vmem>>, vector<16xf32>,
      tpu.vector_store %arg9[%swap3A_1789, %swap3A_1790], %broadcast_in_dim3A_36 {strides = array<i32>} : memref<64x128xf32, #tpu.memory_space<vmem>>, vector<16xf32>,
      %swap3A_1792 = arith.constant 18 : i32
      %swap3A_1793 = arith.index_cast %swap3A_1792 : i32 to index
      %swap3A_1794 = arith.constant 96 : index
      %swap3A_1795 = tpu.vector_load %arg9[%swap3A_1793, %swap3A_1794] {strides = array<i32>} : memref<64x128xf32, #tpu.memory_space<vmem>>, vector<16xf32>,
      tpu.vector_store %arg9[%swap3A_1793, %swap3A_1794], %broadcast_in_dim3A_36 {strides = array<i32>} : memref<64x128xf32, #tpu.memory_space<vmem>>, vector<16xf32>,
      %swap3A_1796 = arith.constant 18 : i32
      %swap3A_1797 = arith.index_cast %swap3A_1796 : i32 to index
      %swap3A_1798 = arith.constant 112 : index
      %swap3A_1799 = tpu.vector_load %arg9[%swap3A_1797, %swap3A_1798] {strides = array<i32>} : memref<64x128xf32, #tpu.memory_space<vmem>>, vector<16xf32>,
      tpu.vector_store %arg9[%swap3A_1797, %swap3A_1798], %broadcast_in_dim3A_36 {strides = array<i32>} : memref<64x128xf32, #tpu.memory_space<vmem>>, vector<16xf32>,
      %swap3A_1800 = arith.constant 19 : i32
      %swap3A_1801 = arith.index_cast %swap3A_1800 : i32 to index
      %swap3A_1802 = arith.constant 0 : index
      %swap3A_1803 = tpu.vector_load %arg9[%swap3A_1801, %swap3A_1802] {strides = array<i32>} : memref<64x128xf32, #tpu.memory_space<vmem>>, vector<16xf32>,
      tpu.vector_store %arg9[%swap3A_1801, %swap3A_1802], %broadcast_in_dim3A_36 {strides = array<i32>} : memref<64x128xf32, #tpu.memory_space<vmem>>, vector<16xf32>,
      %swap3A_1804 = arith.constant 19 : i32
      %swap3A_1805 = arith.index_cast %swap3A_1804 : i32 to index
      %swap3A_1806 = arith.constant 16 : index
      %swap3A_1807 = tpu.vector_load %arg9[%swap3A_1805, %swap3A_1806] {strides = array<i32>} : memref<64x128xf32, #tpu.memory_space<vmem>>, vector<16xf32>,
      tpu.vector_store %arg9[%swap3A_1805, %swap3A_1806], %broadcast_in_dim3A_36 {strides = array<i32>} : memref<64x128xf32, #tpu.memory_space<vmem>>, vector<16xf32>,
      %swap3A_1808 = arith.constant 19 : i32
      %swap3A_1809 = arith.index_cast %swap3A_1808 : i32 to index
      %swap3A_1810 = arith.constant 32 : index
      %swap3A_1811 = tpu.vector_load %arg9[%swap3A_1809, %swap3A_1810] {strides = array<i32>} : memref<64x128xf32, #tpu.memory_space<vmem>>, vector<16xf32>,
      tpu.vector_store %arg9[%swap3A_1809, %swap3A_1810], %broadcast_in_dim3A_36 {strides = array<i32>} : memref<64x128xf32, #tpu.memory_space<vmem>>, vector<16xf32>,
      %swap3A_1812 = arith.constant 19 : i32
      %swap3A_1813 = arith.index_cast %swap3A_1812 : i32 to index
      %swap3A_1814 = arith.constant 48 : index
      %swap3A_1815 = tpu.vector_load %arg9[%swap3A_1813, %swap3A_1814] {strides = array<i32>} : memref<64x128xf32, #tpu.memory_space<vmem>>, vector<16xf32>,
      tpu.vector_store %arg9[%swap3A_1813, %swap3A_1814], %broadcast_in_dim3A_36 {strides = array<i32>} : memref<64x128xf32, #tpu.memory_space<vmem>>, vector<16xf32>,
      %swap3A_1816 = arith.constant 19 : i32
      %swap3A_1817 = arith.index_cast %swap3A_1816 : i32 to index
      %swap3A_1818 = arith.constant 64 : index
      %swap3A_1819 = tpu.vector_load %arg9[%swap3A_1817, %swap3A_1818] {strides = array<i32>} : memref<64x128xf32, #tpu.memory_space<vmem>>, vector<16xf32>,
      tpu.vector_store %arg9[%swap3A_1817, %swap3A_1818], %broadcast_in_dim3A_36 {strides = array<i32>} : memref<64x128xf32, #tpu.memory_space<vmem>>, vector<16xf32>,
      %swap3A_1820 = arith.constant 19 : i32
      %swap3A_1821 = arith.index_cast %swap3A_1820 : i32 to index
      %swap3A_1822 = arith.constant 80 : index
      %swap3A_1823 = tpu.vector_load %arg9[%swap3A_1821, %swap3A_1822] {strides = array<i32>} : memref<64x128xf32, #tpu.memory_space<vmem>>, vector<16xf32>,
      tpu.vector_store %arg9[%swap3A_1821, %swap3A_1822], %broadcast_in_dim3A_36 {strides = array<i32>} : memref<64x128xf32, #tpu.memory_space<vmem>>, vector<16xf32>,
      %swap3A_1824 = arith.constant 19 : i32
      %swap3A_1825 = arith.index_cast %swap3A_1824 : i32 to index
      %swap3A_1826 = arith.constant 96 : index
      %swap3A_1827 = tpu.vector_load %arg9[%swap3A_1825, %swap3A_1826] {strides = array<i32>} : memref<64x128xf32, #tpu.memory_space<vmem>>, vector<16xf32>,
      tpu.vector_store %arg9[%swap3A_1825, %swap3A_1826], %broadcast_in_dim3A_36 {strides = array<i32>} : memref<64x128xf32, #tpu.memory_space<vmem>>, vector<16xf32>,
      %swap3A_1828 = arith.constant 19 : i32
      %swap3A_1829 = arith.index_cast %swap3A_1828 : i32 to index
      %swap3A_1830 = arith.constant 112 : index
      %swap3A_1831 = tpu.vector_load %arg9[%swap3A_1829, %swap3A_1830] {strides = array<i32>} : memref<64x128xf32, #tpu.memory_space<vmem>>, vector<16xf32>,
      tpu.vector_store %arg9[%swap3A_1829, %swap3A_1830], %broadcast_in_dim3A_36 {strides = array<i32>} : memref<64x128xf32, #tpu.memory_space<vmem>>, vector<16xf32>,
      %swap3A_1832 = arith.constant 20 : i32
      %swap3A_1833 = arith.index_cast %swap3A_1832 : i32 to index
      %swap3A_1834 = arith.constant 0 : index
      %swap3A_1835 = tpu.vector_load %arg9[%swap3A_1833, %swap3A_1834] {strides = array<i32>} : memref<64x128xf32, #tpu.memory_space<vmem>>, vector<16xf32>,
      tpu.vector_store %arg9[%swap3A_1833, %swap3A_1834], %broadcast_in_dim3A_36 {strides = array<i32>} : memref<64x128xf32, #tpu.memory_space<vmem>>, vector<16xf32>,
      %swap3A_1836 = arith.constant 20 : i32
      %swap3A_1837 = arith.index_cast %swap3A_1836 : i32 to index
      %swap3A_1838 = arith.constant 16 : index
      %swap3A_1839 = tpu.vector_load %arg9[%swap3A_1837, %swap3A_1838] {strides = array<i32>} : memref<64x128xf32, #tpu.memory_space<vmem>>, vector<16xf32>,
      tpu.vector_store %arg9[%swap3A_1837, %swap3A_1838], %broadcast_in_dim3A_36 {strides = array<i32>} : memref<64x128xf32, #tpu.memory_space<vmem>>, vector<16xf32>,
      %swap3A_1840 = arith.constant 20 : i32
      %swap3A_1841 = arith.index_cast %swap3A_1840 : i32 to index
      %swap3A_1842 = arith.constant 32 : index
      %swap3A_1843 = tpu.vector_load %arg9[%swap3A_1841, %swap3A_1842] {strides = array<i32>} : memref<64x128xf32, #tpu.memory_space<vmem>>, vector<16xf32>,
      tpu.vector_store %arg9[%swap3A_1841, %swap3A_1842], %broadcast_in_dim3A_36 {strides = array<i32>} : memref<64x128xf32, #tpu.memory_space<vmem>>, vector<16xf32>,
      %swap3A_1844 = arith.constant 20 : i32
      %swap3A_1845 = arith.index_cast %swap3A_1844 : i32 to index
      %swap3A_1846 = arith.constant 48 : index
      %swap3A_1847 = tpu.vector_load %arg9[%swap3A_1845, %swap3A_1846] {strides = array<i32>} : memref<64x128xf32, #tpu.memory_space<vmem>>, vector<16xf32>,
      tpu.vector_store %arg9[%swap3A_1845, %swap3A_1846], %broadcast_in_dim3A_36 {strides = array<i32>} : memref<64x128xf32, #tpu.memory_space<vmem>>, vector<16xf32>,
      %swap3A_1848 = arith.constant 20 : i32
      %swap3A_1849 = arith.index_cast %swap3A_1848 : i32 to index
      %swap3A_1850 = arith.constant 64 : index
      %swap3A_1851 = tpu.vector_load %arg9[%swap3A_1849, %swap3A_1850] {strides = array<i32>} : memref<64x128xf32, #tpu.memory_space<vmem>>, vector<16xf32>,
      tpu.vector_store %arg9[%swap3A_1849, %swap3A_1850], %broadcast_in_dim3A_36 {strides = array<i32>} : memref<64x128xf32, #tpu.memory_space<vmem>>, vector<16xf32>,
      %swap3A_1852 = arith.constant 20 : i32
      %swap3A_1853 = arith.index_cast %swap3A_1852 : i32 to index
      %swap3A_1854 = arith.constant 80 : index
      %swap3A_1855 = tpu.vector_load %arg9[%swap3A_1853, %swap3A_1854] {strides = array<i32>} : memref<64x128xf32, #tpu.memory_space<vmem>>, vector<16xf32>,
      tpu.vector_store %arg9[%swap3A_1853, %swap3A_1854], %broadcast_in_dim3A_36 {strides = array<i32>} : memref<64x128xf32, #tpu.memory_space<vmem>>, vector<16xf32>,
      %swap3A_1856 = arith.constant 20 : i32
      %swap3A_1857 = arith.index_cast %swap3A_1856 : i32 to index
      %swap3A_1858 = arith.constant 96 : index
      %swap3A_1859 = tpu.vector_load %arg9[%swap3A_1857, %swap3A_1858] {strides = array<i32>} : memref<64x128xf32, #tpu.memory_space<vmem>>, vector<16xf32>,
      tpu.vector_store %arg9[%swap3A_1857, %swap3A_1858], %broadcast_in_dim3A_36 {strides = array<i32>} : memref<64x128xf32, #tpu.memory_space<vmem>>, vector<16xf32>,
      %swap3A_1860 = arith.constant 20 : i32
      %swap3A_1861 = arith.index_cast %swap3A_1860 : i32 to index
      %swap3A_1862 = arith.constant 112 : index
      %swap3A_1863 = tpu.vector_load %arg9[%swap3A_1861, %swap3A_1862] {strides = array<i32>} : memref<64x128xf32, #tpu.memory_space<vmem>>, vector<16xf32>,
      tpu.vector_store %arg9[%swap3A_1861, %swap3A_1862], %broadcast_in_dim3A_36 {strides = array<i32>} : memref<64x128xf32, #tpu.memory_space<vmem>>, vector<16xf32>,
      %swap3A_1864 = arith.constant 21 : i32
      %swap3A_1865 = arith.index_cast %swap3A_1864 : i32 to index
      %swap3A_1866 = arith.constant 0 : index
      %swap3A_1867 = tpu.vector_load %arg9[%swap3A_1865, %swap3A_1866] {strides = array<i32>} : memref<64x128xf32, #tpu.memory_space<vmem>>, vector<16xf32>,
      tpu.vector_store %arg9[%swap3A_1865, %swap3A_1866], %broadcast_in_dim3A_36 {strides = array<i32>} : memref<64x128xf32, #tpu.memory_space<vmem>>, vector<16xf32>,
      %swap3A_1868 = arith.constant 21 : i32
      %swap3A_1869 = arith.index_cast %swap3A_1868 : i32 to index
      %swap3A_1870 = arith.constant 16 : index
      %swap3A_1871 = tpu.vector_load %arg9[%swap3A_1869, %swap3A_1870] {strides = array<i32>} : memref<64x128xf32, #tpu.memory_space<vmem>>, vector<16xf32>,
      tpu.vector_store %arg9[%swap3A_1869, %swap3A_1870], %broadcast_in_dim3A_36 {strides = array<i32>} : memref<64x128xf32, #tpu.memory_space<vmem>>, vector<16xf32>,
      %swap3A_1872 = arith.constant 21 : i32
      %swap3A_1873 = arith.index_cast %swap3A_1872 : i32 to index
      %swap3A_1874 = arith.constant 32 : index
      %swap3A_1875 = tpu.vector_load %arg9[%swap3A_1873, %swap3A_1874] {strides = array<i32>} : memref<64x128xf32, #tpu.memory_space<vmem>>, vector<16xf32>,
      tpu.vector_store %arg9[%swap3A_1873, %swap3A_1874], %broadcast_in_dim3A_36 {strides = array<i32>} : memref<64x128xf32, #tpu.memory_space<vmem>>, vector<16xf32>,
      %swap3A_1876 = arith.constant 21 : i32
      %swap3A_1877 = arith.index_cast %swap3A_1876 : i32 to index
      %swap3A_1878 = arith.constant 48 : index
      %swap3A_1879 = tpu.vector_load %arg9[%swap3A_1877, %swap3A_1878] {strides = array<i32>} : memref<64x128xf32, #tpu.memory_space<vmem>>, vector<16xf32>,
      tpu.vector_store %arg9[%swap3A_1877, %swap3A_1878], %broadcast_in_dim3A_36 {strides = array<i32>} : memref<64x128xf32, #tpu.memory_space<vmem>>, vector<16xf32>,
      %swap3A_1880 = arith.constant 21 : i32
      %swap3A_1881 = arith.index_cast %swap3A_1880 : i32 to index
      %swap3A_1882 = arith.constant 64 : index
      %swap3A_1883 = tpu.vector_load %arg9[%swap3A_1881, %swap3A_1882] {strides = array<i32>} : memref<64x128xf32, #tpu.memory_space<vmem>>, vector<16xf32>,
      tpu.vector_store %arg9[%swap3A_1881, %swap3A_1882], %broadcast_in_dim3A_36 {strides = array<i32>} : memref<64x128xf32, #tpu.memory_space<vmem>>, vector<16xf32>,
      %swap3A_1884 = arith.constant 21 : i32
      %swap3A_1885 = arith.index_cast %swap3A_1884 : i32 to index
      %swap3A_1886 = arith.constant 80 : index
      %swap3A_1887 = tpu.vector_load %arg9[%swap3A_1885, %swap3A_1886] {strides = array<i32>} : memref<64x128xf32, #tpu.memory_space<vmem>>, vector<16xf32>,
      tpu.vector_store %arg9[%swap3A_1885, %swap3A_1886], %broadcast_in_dim3A_36 {strides = array<i32>} : memref<64x128xf32, #tpu.memory_space<vmem>>, vector<16xf32>,
      %swap3A_1888 = arith.constant 21 : i32
      %swap3A_1889 = arith.index_cast %swap3A_1888 : i32 to index
      %swap3A_1890 = arith.constant 96 : index
      %swap3A_1891 = tpu.vector_load %arg9[%swap3A_1889, %swap3A_1890] {strides = array<i32>} : memref<64x128xf32, #tpu.memory_space<vmem>>, vector<16xf32>,
      tpu.vector_store %arg9[%swap3A_1889, %swap3A_1890], %broadcast_in_dim3A_36 {strides = array<i32>} : memref<64x128xf32, #tpu.memory_space<vmem>>, vector<16xf32>,
      %swap3A_1892 = arith.constant 21 : i32
      %swap3A_1893 = arith.index_cast %swap3A_1892 : i32 to index
      %swap3A_1894 = arith.constant 112 : index
      %swap3A_1895 = tpu.vector_load %arg9[%swap3A_1893, %swap3A_1894] {strides = array<i32>} : memref<64x128xf32, #tpu.memory_space<vmem>>, vector<16xf32>,
      tpu.vector_store %arg9[%swap3A_1893, %swap3A_1894], %broadcast_in_dim3A_36 {strides = array<i32>} : memref<64x128xf32, #tpu.memory_space<vmem>>, vector<16xf32>,
      %swap3A_1896 = arith.constant 22 : i32
      %swap3A_1897 = arith.index_cast %swap3A_1896 : i32 to index
      %swap3A_1898 = arith.constant 0 : index
      %swap3A_1899 = tpu.vector_load %arg9[%swap3A_1897, %swap3A_1898] {strides = array<i32>} : memref<64x128xf32, #tpu.memory_space<vmem>>, vector<16xf32>,
      tpu.vector_store %arg9[%swap3A_1897, %swap3A_1898], %broadcast_in_dim3A_36 {strides = array<i32>} : memref<64x128xf32, #tpu.memory_space<vmem>>, vector<16xf32>,
      %swap3A_1900 = arith.constant 22 : i32
      %swap3A_1901 = arith.index_cast %swap3A_1900 : i32 to index
      %swap3A_1902 = arith.constant 16 : index
      %swap3A_1903 = tpu.vector_load %arg9[%swap3A_1901, %swap3A_1902] {strides = array<i32>} : memref<64x128xf32, #tpu.memory_space<vmem>>, vector<16xf32>,
      tpu.vector_store %arg9[%swap3A_1901, %swap3A_1902], %broadcast_in_dim3A_36 {strides = array<i32>} : memref<64x128xf32, #tpu.memory_space<vmem>>, vector<16xf32>,
      %swap3A_1904 = arith.constant 22 : i32
      %swap3A_1905 = arith.index_cast %swap3A_1904 : i32 to index
      %swap3A_1906 = arith.constant 32 : index
      %swap3A_1907 = tpu.vector_load %arg9[%swap3A_1905, %swap3A_1906] {strides = array<i32>} : memref<64x128xf32, #tpu.memory_space<vmem>>, vector<16xf32>,
      tpu.vector_store %arg9[%swap3A_1905, %swap3A_1906], %broadcast_in_dim3A_36 {strides = array<i32>} : memref<64x128xf32, #tpu.memory_space<vmem>>, vector<16xf32>,
      %swap3A_1908 = arith.constant 22 : i32
      %swap3A_1909 = arith.index_cast %swap3A_1908 : i32 to index
      %swap3A_1910 = arith.constant 48 : index
      %swap3A_1911 = tpu.vector_load %arg9[%swap3A_1909, %swap3A_1910] {strides = array<i32>} : memref<64x128xf32, #tpu.memory_space<vmem>>, vector<16xf32>,
      tpu.vector_store %arg9[%swap3A_1909, %swap3A_1910], %broadcast_in_dim3A_36 {strides = array<i32>} : memref<64x128xf32, #tpu.memory_space<vmem>>, vector<16xf32>,
      %swap3A_1912 = arith.constant 22 : i32
      %swap3A_1913 = arith.index_cast %swap3A_1912 : i32 to index
      %swap3A_1914 = arith.constant 64 : index
      %swap3A_1915 = tpu.vector_load %arg9[%swap3A_1913, %swap3A_1914] {strides = array<i32>} : memref<64x128xf32, #tpu.memory_space<vmem>>, vector<16xf32>,
      tpu.vector_store %arg9[%swap3A_1913, %swap3A_1914], %broadcast_in_dim3A_36 {strides = array<i32>} : memref<64x128xf32, #tpu.memory_space<vmem>>, vector<16xf32>,
      %swap3A_1916 = arith.constant 22 : i32
      %swap3A_1917 = arith.index_cast %swap3A_1916 : i32 to index
      %swap3A_1918 = arith.constant 80 : index
      %swap3A_1919 = tpu.vector_load %arg9[%swap3A_1917, %swap3A_1918] {strides = array<i32>} : memref<64x128xf32, #tpu.memory_space<vmem>>, vector<16xf32>,
      tpu.vector_store %arg9[%swap3A_1917, %swap3A_1918], %broadcast_in_dim3A_36 {strides = array<i32>} : memref<64x128xf32, #tpu.memory_space<vmem>>, vector<16xf32>,
      %swap3A_1920 = arith.constant 22 : i32
      %swap3A_1921 = arith.index_cast %swap3A_1920 : i32 to index
      %swap3A_1922 = arith.constant 96 : index
      %swap3A_1923 = tpu.vector_load %arg9[%swap3A_1921, %swap3A_1922] {strides = array<i32>} : memref<64x128xf32, #tpu.memory_space<vmem>>, vector<16xf32>,
      tpu.vector_store %arg9[%swap3A_1921, %swap3A_1922], %broadcast_in_dim3A_36 {strides = array<i32>} : memref<64x128xf32, #tpu.memory_space<vmem>>, vector<16xf32>,
      %swap3A_1924 = arith.constant 22 : i32
      %swap3A_1925 = arith.index_cast %swap3A_1924 : i32 to index
      %swap3A_1926 = arith.constant 112 : index
      %swap3A_1927 = tpu.vector_load %arg9[%swap3A_1925, %swap3A_1926] {strides = array<i32>} : memref<64x128xf32, #tpu.memory_space<vmem>>, vector<16xf32>,
      tpu.vector_store %arg9[%swap3A_1925, %swap3A_1926], %broadcast_in_dim3A_36 {strides = array<i32>} : memref<64x128xf32, #tpu.memory_space<vmem>>, vector<16xf32>,
      %swap3A_1928 = arith.constant 23 : i32
      %swap3A_1929 = arith.index_cast %swap3A_1928 : i32 to index
      %swap3A_1930 = arith.constant 0 : index
      %swap3A_1931 = tpu.vector_load %arg9[%swap3A_1929, %swap3A_1930] {strides = array<i32>} : memref<64x128xf32, #tpu.memory_space<vmem>>, vector<16xf32>,
      tpu.vector_store %arg9[%swap3A_1929, %swap3A_1930], %broadcast_in_dim3A_36 {strides = array<i32>} : memref<64x128xf32, #tpu.memory_space<vmem>>, vector<16xf32>,
      %swap3A_1932 = arith.constant 23 : i32
      %swap3A_1933 = arith.index_cast %swap3A_1932 : i32 to index
      %swap3A_1934 = arith.constant 16 : index
      %swap3A_1935 = tpu.vector_load %arg9[%swap3A_1933, %swap3A_1934] {strides = array<i32>} : memref<64x128xf32, #tpu.memory_space<vmem>>, vector<16xf32>,
      tpu.vector_store %arg9[%swap3A_1933, %swap3A_1934], %broadcast_in_dim3A_36 {strides = array<i32>} : memref<64x128xf32, #tpu.memory_space<vmem>>, vector<16xf32>,
      %swap3A_1936 = arith.constant 23 : i32
      %swap3A_1937 = arith.index_cast %swap3A_1936 : i32 to index
      %swap3A_1938 = arith.constant 32 : index
      %swap3A_1939 = tpu.vector_load %arg9[%swap3A_1937, %swap3A_1938] {strides = array<i32>} : memref<64x128xf32, #tpu.memory_space<vmem>>, vector<16xf32>,
      tpu.vector_store %arg9[%swap3A_1937, %swap3A_1938], %broadcast_in_dim3A_36 {strides = array<i32>} : memref<64x128xf32, #tpu.memory_space<vmem>>, vector<16xf32>,
      %swap3A_1940 = arith.constant 23 : i32
      %swap3A_1941 = arith.index_cast %swap3A_1940 : i32 to index
      %swap3A_1942 = arith.constant 48 : index
      %swap3A_1943 = tpu.vector_load %arg9[%swap3A_1941, %swap3A_1942] {strides = array<i32>} : memref<64x128xf32, #tpu.memory_space<vmem>>, vector<16xf32>,
      tpu.vector_store %arg9[%swap3A_1941, %swap3A_1942], %broadcast_in_dim3A_36 {strides = array<i32>} : memref<64x128xf32, #tpu.memory_space<vmem>>, vector<16xf32>,
      %swap3A_1944 = arith.constant 23 : i32
      %swap3A_1945 = arith.index_cast %swap3A_1944 : i32 to index
      %swap3A_1946 = arith.constant 64 : index
      %swap3A_1947 = tpu.vector_load %arg9[%swap3A_1945, %swap3A_1946] {strides = array<i32>} : memref<64x128xf32, #tpu.memory_space<vmem>>, vector<16xf32>,
      tpu.vector_store %arg9[%swap3A_1945, %swap3A_1946], %broadcast_in_dim3A_36 {strides = array<i32>} : memref<64x128xf32, #tpu.memory_space<vmem>>, vector<16xf32>,
      %swap3A_1948 = arith.constant 23 : i32
      %swap3A_1949 = arith.index_cast %swap3A_1948 : i32 to index
      %swap3A_1950 = arith.constant 80 : index
      %swap3A_1951 = tpu.vector_load %arg9[%swap3A_1949, %swap3A_1950] {strides = array<i32>} : memref<64x128xf32, #tpu.memory_space<vmem>>, vector<16xf32>,
      tpu.vector_store %arg9[%swap3A_1949, %swap3A_1950], %broadcast_in_dim3A_36 {strides = array<i32>} : memref<64x128xf32, #tpu.memory_space<vmem>>, vector<16xf32>,
      %swap3A_1952 = arith.constant 23 : i32
      %swap3A_1953 = arith.index_cast %swap3A_1952 : i32 to index
      %swap3A_1954 = arith.constant 96 : index
      %swap3A_1955 = tpu.vector_load %arg9[%swap3A_1953, %swap3A_1954] {strides = array<i32>} : memref<64x128xf32, #tpu.memory_space<vmem>>, vector<16xf32>,
      tpu.vector_store %arg9[%swap3A_1953, %swap3A_1954], %broadcast_in_dim3A_36 {strides = array<i32>} : memref<64x128xf32, #tpu.memory_space<vmem>>, vector<16xf32>,
      %swap3A_1956 = arith.constant 23 : i32
      %swap3A_1957 = arith.index_cast %swap3A_1956 : i32 to index
      %swap3A_1958 = arith.constant 112 : index
      %swap3A_1959 = tpu.vector_load %arg9[%swap3A_1957, %swap3A_1958] {strides = array<i32>} : memref<64x128xf32, #tpu.memory_space<vmem>>, vector<16xf32>,
      tpu.vector_store %arg9[%swap3A_1957, %swap3A_1958], %broadcast_in_dim3A_36 {strides = array<i32>} : memref<64x128xf32, #tpu.memory_space<vmem>>, vector<16xf32>,
      %swap3A_1960 = arith.constant 24 : i32
      %swap3A_1961 = arith.index_cast %swap3A_1960 : i32 to index
      %swap3A_1962 = arith.constant 0 : index
      %swap3A_1963 = tpu.vector_load %arg9[%swap3A_1961, %swap3A_1962] {strides = array<i32>} : memref<64x128xf32, #tpu.memory_space<vmem>>, vector<16xf32>,
      tpu.vector_store %arg9[%swap3A_1961, %swap3A_1962], %broadcast_in_dim3A_36 {strides = array<i32>} : memref<64x128xf32, #tpu.memory_space<vmem>>, vector<16xf32>,
      %swap3A_1964 = arith.constant 24 : i32
      %swap3A_1965 = arith.index_cast %swap3A_1964 : i32 to index
      %swap3A_1966 = arith.constant 16 : index
      %swap3A_1967 = tpu.vector_load %arg9[%swap3A_1965, %swap3A_1966] {strides = array<i32>} : memref<64x128xf32, #tpu.memory_space<vmem>>, vector<16xf32>,
      tpu.vector_store %arg9[%swap3A_1965, %swap3A_1966], %broadcast_in_dim3A_36 {strides = array<i32>} : memref<64x128xf32, #tpu.memory_space<vmem>>, vector<16xf32>,
      %swap3A_1968 = arith.constant 24 : i32
      %swap3A_1969 = arith.index_cast %swap3A_1968 : i32 to index
      %swap3A_1970 = arith.constant 32 : index
      %swap3A_1971 = tpu.vector_load %arg9[%swap3A_1969, %swap3A_1970] {strides = array<i32>} : memref<64x128xf32, #tpu.memory_space<vmem>>, vector<16xf32>,
      tpu.vector_store %arg9[%swap3A_1969, %swap3A_1970], %broadcast_in_dim3A_36 {strides = array<i32>} : memref<64x128xf32, #tpu.memory_space<vmem>>, vector<16xf32>,
      %swap3A_1972 = arith.constant 24 : i32
      %swap3A_1973 = arith.index_cast %swap3A_1972 : i32 to index
      %swap3A_1974 = arith.constant 48 : index
      %swap3A_1975 = tpu.vector_load %arg9[%swap3A_1973, %swap3A_1974] {strides = array<i32>} : memref<64x128xf32, #tpu.memory_space<vmem>>, vector<16xf32>,
      tpu.vector_store %arg9[%swap3A_1973, %swap3A_1974], %broadcast_in_dim3A_36 {strides = array<i32>} : memref<64x128xf32, #tpu.memory_space<vmem>>, vector<16xf32>,
      %swap3A_1976 = arith.constant 24 : i32
      %swap3A_1977 = arith.index_cast %swap3A_1976 : i32 to index
      %swap3A_1978 = arith.constant 64 : index
      %swap3A_1979 = tpu.vector_load %arg9[%swap3A_1977, %swap3A_1978] {strides = array<i32>} : memref<64x128xf32, #tpu.memory_space<vmem>>, vector<16xf32>,
      tpu.vector_store %arg9[%swap3A_1977, %swap3A_1978], %broadcast_in_dim3A_36 {strides = array<i32>} : memref<64x128xf32, #tpu.memory_space<vmem>>, vector<16xf32>,
      %swap3A_1980 = arith.constant 24 : i32
      %swap3A_1981 = arith.index_cast %swap3A_1980 : i32 to index
      %swap3A_1982 = arith.constant 80 : index
      %swap3A_1983 = tpu.vector_load %arg9[%swap3A_1981, %swap3A_1982] {strides = array<i32>} : memref<64x128xf32, #tpu.memory_space<vmem>>, vector<16xf32>,
      tpu.vector_store %arg9[%swap3A_1981, %swap3A_1982], %broadcast_in_dim3A_36 {strides = array<i32>} : memref<64x128xf32, #tpu.memory_space<vmem>>, vector<16xf32>,
      %swap3A_1984 = arith.constant 24 : i32
      %swap3A_1985 = arith.index_cast %swap3A_1984 : i32 to index
      %swap3A_1986 = arith.constant 96 : index
      %swap3A_1987 = tpu.vector_load %arg9[%swap3A_1985, %swap3A_1986] {strides = array<i32>} : memref<64x128xf32, #tpu.memory_space<vmem>>, vector<16xf32>,
      tpu.vector_store %arg9[%swap3A_1985, %swap3A_1986], %broadcast_in_dim3A_36 {strides = array<i32>} : memref<64x128xf32, #tpu.memory_space<vmem>>, vector<16xf32>,
      %swap3A_1988 = arith.constant 24 : i32
      %swap3A_1989 = arith.index_cast %swap3A_1988 : i32 to index
      %swap3A_1990 = arith.constant 112 : index
      %swap3A_1991 = tpu.vector_load %arg9[%swap3A_1989, %swap3A_1990] {strides = array<i32>} : memref<64x128xf32, #tpu.memory_space<vmem>>, vector<16xf32>,
      tpu.vector_store %arg9[%swap3A_1989, %swap3A_1990], %broadcast_in_dim3A_36 {strides = array<i32>} : memref<64x128xf32, #tpu.memory_space<vmem>>, vector<16xf32>,
      %swap3A_1992 = arith.constant 25 : i32
      %swap3A_1993 = arith.index_cast %swap3A_1992 : i32 to index
      %swap3A_1994 = arith.constant 0 : index
      %swap3A_1995 = tpu.vector_load %arg9[%swap3A_1993, %swap3A_1994] {strides = array<i32>} : memref<64x128xf32, #tpu.memory_space<vmem>>, vector<16xf32>,
      tpu.vector_store %arg9[%swap3A_1993, %swap3A_1994], %broadcast_in_dim3A_36 {strides = array<i32>} : memref<64x128xf32, #tpu.memory_space<vmem>>, vector<16xf32>,
      %swap3A_1996 = arith.constant 25 : i32
      %swap3A_1997 = arith.index_cast %swap3A_1996 : i32 to index
      %swap3A_1998 = arith.constant 16 : index
      %swap3A_1999 = tpu.vector_load %arg9[%swap3A_1997, %swap3A_1998] {strides = array<i32>} : memref<64x128xf32, #tpu.memory_space<vmem>>, vector<16xf32>,
      tpu.vector_store %arg9[%swap3A_1997, %swap3A_1998], %broadcast_in_dim3A_36 {strides = array<i32>} : memref<64x128xf32, #tpu.memory_space<vmem>>, vector<16xf32>,
      %swap3A_2000 = arith.constant 25 : i32
      %swap3A_2001 = arith.index_cast %swap3A_2000 : i32 to index
      %swap3A_2002 = arith.constant 32 : index
      %swap3A_2003 = tpu.vector_load %arg9[%swap3A_2001, %swap3A_2002] {strides = array<i32>} : memref<64x128xf32, #tpu.memory_space<vmem>>, vector<16xf32>,
      tpu.vector_store %arg9[%swap3A_2001, %swap3A_2002], %broadcast_in_dim3A_36 {strides = array<i32>} : memref<64x128xf32, #tpu.memory_space<vmem>>, vector<16xf32>,
      %swap3A_2004 = arith.constant 25 : i32
      %swap3A_2005 = arith.index_cast %swap3A_2004 : i32 to index
      %swap3A_2006 = arith.constant 48 : index
      %swap3A_2007 = tpu.vector_load %arg9[%swap3A_2005, %swap3A_2006] {strides = array<i32>} : memref<64x128xf32, #tpu.memory_space<vmem>>, vector<16xf32>,
      tpu.vector_store %arg9[%swap3A_2005, %swap3A_2006], %broadcast_in_dim3A_36 {strides = array<i32>} : memref<64x128xf32, #tpu.memory_space<vmem>>, vector<16xf32>,
      %swap3A_2008 = arith.constant 25 : i32
      %swap3A_2009 = arith.index_cast %swap3A_2008 : i32 to index
      %swap3A_2010 = arith.constant 64 : index
      %swap3A_2011 = tpu.vector_load %arg9[%swap3A_2009, %swap3A_2010] {strides = array<i32>} : memref<64x128xf32, #tpu.memory_space<vmem>>, vector<16xf32>,
      tpu.vector_store %arg9[%swap3A_2009, %swap3A_2010], %broadcast_in_dim3A_36 {strides = array<i32>} : memref<64x128xf32, #tpu.memory_space<vmem>>, vector<16xf32>,
      %swap3A_2012 = arith.constant 25 : i32
      %swap3A_2013 = arith.index_cast %swap3A_2012 : i32 to index
      %swap3A_2014 = arith.constant 80 : index
      %swap3A_2015 = tpu.vector_load %arg9[%swap3A_2013, %swap3A_2014] {strides = array<i32>} : memref<64x128xf32, #tpu.memory_space<vmem>>, vector<16xf32>,
      tpu.vector_store %arg9[%swap3A_2013, %swap3A_2014], %broadcast_in_dim3A_36 {strides = array<i32>} : memref<64x128xf32, #tpu.memory_space<vmem>>, vector<16xf32>,
      %swap3A_2016 = arith.constant 25 : i32
      %swap3A_2017 = arith.index_cast %swap3A_2016 : i32 to index
      %swap3A_2018 = arith.constant 96 : index
      %swap3A_2019 = tpu.vector_load %arg9[%swap3A_2017, %swap3A_2018] {strides = array<i32>} : memref<64x128xf32, #tpu.memory_space<vmem>>, vector<16xf32>,
      tpu.vector_store %arg9[%swap3A_2017, %swap3A_2018], %broadcast_in_dim3A_36 {strides = array<i32>} : memref<64x128xf32, #tpu.memory_space<vmem>>, vector<16xf32>,
      %swap3A_2020 = arith.constant 25 : i32
      %swap3A_2021 = arith.index_cast %swap3A_2020 : i32 to index
      %swap3A_2022 = arith.constant 112 : index
      %swap3A_2023 = tpu.vector_load %arg9[%swap3A_2021, %swap3A_2022] {strides = array<i32>} : memref<64x128xf32, #tpu.memory_space<vmem>>, vector<16xf32>,
      tpu.vector_store %arg9[%swap3A_2021, %swap3A_2022], %broadcast_in_dim3A_36 {strides = array<i32>} : memref<64x128xf32, #tpu.memory_space<vmem>>, vector<16xf32>,
      %swap3A_2024 = arith.constant 26 : i32
      %swap3A_2025 = arith.index_cast %swap3A_2024 : i32 to index
      %swap3A_2026 = arith.constant 0 : index
      %swap3A_2027 = tpu.vector_load %arg9[%swap3A_2025, %swap3A_2026] {strides = array<i32>} : memref<64x128xf32, #tpu.memory_space<vmem>>, vector<16xf32>,
      tpu.vector_store %arg9[%swap3A_2025, %swap3A_2026], %broadcast_in_dim3A_36 {strides = array<i32>} : memref<64x128xf32, #tpu.memory_space<vmem>>, vector<16xf32>,
      %swap3A_2028 = arith.constant 26 : i32
      %swap3A_2029 = arith.index_cast %swap3A_2028 : i32 to index
      %swap3A_2030 = arith.constant 16 : index
      %swap3A_2031 = tpu.vector_load %arg9[%swap3A_2029, %swap3A_2030] {strides = array<i32>} : memref<64x128xf32, #tpu.memory_space<vmem>>, vector<16xf32>,
      tpu.vector_store %arg9[%swap3A_2029, %swap3A_2030], %broadcast_in_dim3A_36 {strides = array<i32>} : memref<64x128xf32, #tpu.memory_space<vmem>>, vector<16xf32>,
      %swap3A_2032 = arith.constant 26 : i32
      %swap3A_2033 = arith.index_cast %swap3A_2032 : i32 to index
      %swap3A_2034 = arith.constant 32 : index
      %swap3A_2035 = tpu.vector_load %arg9[%swap3A_2033, %swap3A_2034] {strides = array<i32>} : memref<64x128xf32, #tpu.memory_space<vmem>>, vector<16xf32>,
      tpu.vector_store %arg9[%swap3A_2033, %swap3A_2034], %broadcast_in_dim3A_36 {strides = array<i32>} : memref<64x128xf32, #tpu.memory_space<vmem>>, vector<16xf32>,
      %swap3A_2036 = arith.constant 26 : i32
      %swap3A_2037 = arith.index_cast %swap3A_2036 : i32 to index
      %swap3A_2038 = arith.constant 48 : index
      %swap3A_2039 = tpu.vector_load %arg9[%swap3A_2037, %swap3A_2038] {strides = array<i32>} : memref<64x128xf32, #tpu.memory_space<vmem>>, vector<16xf32>,
      tpu.vector_store %arg9[%swap3A_2037, %swap3A_2038], %broadcast_in_dim3A_36 {strides = array<i32>} : memref<64x128xf32, #tpu.memory_space<vmem>>, vector<16xf32>,
      %swap3A_2040 = arith.constant 26 : i32
      %swap3A_2041 = arith.index_cast %swap3A_2040 : i32 to index
      %swap3A_2042 = arith.constant 64 : index
      %swap3A_2043 = tpu.vector_load %arg9[%swap3A_2041, %swap3A_2042] {strides = array<i32>} : memref<64x128xf32, #tpu.memory_space<vmem>>, vector<16xf32>,
      tpu.vector_store %arg9[%swap3A_2041, %swap3A_2042], %broadcast_in_dim3A_36 {strides = array<i32>} : memref<64x128xf32, #tpu.memory_space<vmem>>, vector<16xf32>,
      %swap3A_2044 = arith.constant 26 : i32
      %swap3A_2045 = arith.index_cast %swap3A_2044 : i32 to index
      %swap3A_2046 = arith.constant 80 : index
      %swap3A_2047 = tpu.vector_load %arg9[%swap3A_2045, %swap3A_2046] {strides = array<i32>} : memref<64x128xf32, #tpu.memory_space<vmem>>, vector<16xf32>,
      tpu.vector_store %arg9[%swap3A_2045, %swap3A_2046], %broadcast_in_dim3A_36 {strides = array<i32>} : memref<64x128xf32, #tpu.memory_space<vmem>>, vector<16xf32>,
      %swap3A_2048 = arith.constant 26 : i32
      %swap3A_2049 = arith.index_cast %swap3A_2048 : i32 to index
      %swap3A_2050 = arith.constant 96 : index
      %swap3A_2051 = tpu.vector_load %arg9[%swap3A_2049, %swap3A_2050] {strides = array<i32>} : memref<64x128xf32, #tpu.memory_space<vmem>>, vector<16xf32>,
      tpu.vector_store %arg9[%swap3A_2049, %swap3A_2050], %broadcast_in_dim3A_36 {strides = array<i32>} : memref<64x128xf32, #tpu.memory_space<vmem>>, vector<16xf32>,
      %swap3A_2052 = arith.constant 26 : i32
      %swap3A_2053 = arith.index_cast %swap3A_2052 : i32 to index
      %swap3A_2054 = arith.constant 112 : index
      %swap3A_2055 = tpu.vector_load %arg9[%swap3A_2053, %swap3A_2054] {strides = array<i32>} : memref<64x128xf32, #tpu.memory_space<vmem>>, vector<16xf32>,
      tpu.vector_store %arg9[%swap3A_2053, %swap3A_2054], %broadcast_in_dim3A_36 {strides = array<i32>} : memref<64x128xf32, #tpu.memory_space<vmem>>, vector<16xf32>,
      %swap3A_2056 = arith.constant 27 : i32
      %swap3A_2057 = arith.index_cast %swap3A_2056 : i32 to index
      %swap3A_2058 = arith.constant 0 : index
      %swap3A_2059 = tpu.vector_load %arg9[%swap3A_2057, %swap3A_2058] {strides = array<i32>} : memref<64x128xf32, #tpu.memory_space<vmem>>, vector<16xf32>,
      tpu.vector_store %arg9[%swap3A_2057, %swap3A_2058], %broadcast_in_dim3A_36 {strides = array<i32>} : memref<64x128xf32, #tpu.memory_space<vmem>>, vector<16xf32>,
      %swap3A_2060 = arith.constant 27 : i32
      %swap3A_2061 = arith.index_cast %swap3A_2060 : i32 to index
      %swap3A_2062 = arith.constant 16 : index
      %swap3A_2063 = tpu.vector_load %arg9[%swap3A_2061, %swap3A_2062] {strides = array<i32>} : memref<64x128xf32, #tpu.memory_space<vmem>>, vector<16xf32>,
      tpu.vector_store %arg9[%swap3A_2061, %swap3A_2062], %broadcast_in_dim3A_36 {strides = array<i32>} : memref<64x128xf32, #tpu.memory_space<vmem>>, vector<16xf32>,
      %swap3A_2064 = arith.constant 27 : i32
      %swap3A_2065 = arith.index_cast %swap3A_2064 : i32 to index
      %swap3A_2066 = arith.constant 32 : index
      %swap3A_2067 = tpu.vector_load %arg9[%swap3A_2065, %swap3A_2066] {strides = array<i32>} : memref<64x128xf32, #tpu.memory_space<vmem>>, vector<16xf32>,
      tpu.vector_store %arg9[%swap3A_2065, %swap3A_2066], %broadcast_in_dim3A_36 {strides = array<i32>} : memref<64x128xf32, #tpu.memory_space<vmem>>, vector<16xf32>,
      %swap3A_2068 = arith.constant 27 : i32
      %swap3A_2069 = arith.index_cast %swap3A_2068 : i32 to index
      %swap3A_2070 = arith.constant 48 : index
      %swap3A_2071 = tpu.vector_load %arg9[%swap3A_2069, %swap3A_2070] {strides = array<i32>} : memref<64x128xf32, #tpu.memory_space<vmem>>, vector<16xf32>,
      tpu.vector_store %arg9[%swap3A_2069, %swap3A_2070], %broadcast_in_dim3A_36 {strides = array<i32>} : memref<64x128xf32, #tpu.memory_space<vmem>>, vector<16xf32>,
      %swap3A_2072 = arith.constant 27 : i32
      %swap3A_2073 = arith.index_cast %swap3A_2072 : i32 to index
      %swap3A_2074 = arith.constant 64 : index
      %swap3A_2075 = tpu.vector_load %arg9[%swap3A_2073, %swap3A_2074] {strides = array<i32>} : memref<64x128xf32, #tpu.memory_space<vmem>>, vector<16xf32>,
      tpu.vector_store %arg9[%swap3A_2073, %swap3A_2074], %broadcast_in_dim3A_36 {strides = array<i32>} : memref<64x128xf32, #tpu.memory_space<vmem>>, vector<16xf32>,
      %swap3A_2076 = arith.constant 27 : i32
      %swap3A_2077 = arith.index_cast %swap3A_2076 : i32 to index
      %swap3A_2078 = arith.constant 80 : index
      %swap3A_2079 = tpu.vector_load %arg9[%swap3A_2077, %swap3A_2078] {strides = array<i32>} : memref<64x128xf32, #tpu.memory_space<vmem>>, vector<16xf32>,
      tpu.vector_store %arg9[%swap3A_2077, %swap3A_2078], %broadcast_in_dim3A_36 {strides = array<i32>} : memref<64x128xf32, #tpu.memory_space<vmem>>, vector<16xf32>,
      %swap3A_2080 = arith.constant 27 : i32
      %swap3A_2081 = arith.index_cast %swap3A_2080 : i32 to index
      %swap3A_2082 = arith.constant 96 : index
      %swap3A_2083 = tpu.vector_load %arg9[%swap3A_2081, %swap3A_2082] {strides = array<i32>} : memref<64x128xf32, #tpu.memory_space<vmem>>, vector<16xf32>,
      tpu.vector_store %arg9[%swap3A_2081, %swap3A_2082], %broadcast_in_dim3A_36 {strides = array<i32>} : memref<64x128xf32, #tpu.memory_space<vmem>>, vector<16xf32>,
      %swap3A_2084 = arith.constant 27 : i32
      %swap3A_2085 = arith.index_cast %swap3A_2084 : i32 to index
      %swap3A_2086 = arith.constant 112 : index
      %swap3A_2087 = tpu.vector_load %arg9[%swap3A_2085, %swap3A_2086] {strides = array<i32>} : memref<64x128xf32, #tpu.memory_space<vmem>>, vector<16xf32>,
      tpu.vector_store %arg9[%swap3A_2085, %swap3A_2086], %broadcast_in_dim3A_36 {strides = array<i32>} : memref<64x128xf32, #tpu.memory_space<vmem>>, vector<16xf32>,
      %swap3A_2088 = arith.constant 28 : i32
      %swap3A_2089 = arith.index_cast %swap3A_2088 : i32 to index
      %swap3A_2090 = arith.constant 0 : index
      %swap3A_2091 = tpu.vector_load %arg9[%swap3A_2089, %swap3A_2090] {strides = array<i32>} : memref<64x128xf32, #tpu.memory_space<vmem>>, vector<16xf32>,
      tpu.vector_store %arg9[%swap3A_2089, %swap3A_2090], %broadcast_in_dim3A_36 {strides = array<i32>} : memref<64x128xf32, #tpu.memory_space<vmem>>, vector<16xf32>,
      %swap3A_2092 = arith.constant 28 : i32
      %swap3A_2093 = arith.index_cast %swap3A_2092 : i32 to index
      %swap3A_2094 = arith.constant 16 : index
      %swap3A_2095 = tpu.vector_load %arg9[%swap3A_2093, %swap3A_2094] {strides = array<i32>} : memref<64x128xf32, #tpu.memory_space<vmem>>, vector<16xf32>,
      tpu.vector_store %arg9[%swap3A_2093, %swap3A_2094], %broadcast_in_dim3A_36 {strides = array<i32>} : memref<64x128xf32, #tpu.memory_space<vmem>>, vector<16xf32>,
      %swap3A_2096 = arith.constant 28 : i32
      %swap3A_2097 = arith.index_cast %swap3A_2096 : i32 to index
      %swap3A_2098 = arith.constant 32 : index
      %swap3A_2099 = tpu.vector_load %arg9[%swap3A_2097, %swap3A_2098] {strides = array<i32>} : memref<64x128xf32, #tpu.memory_space<vmem>>, vector<16xf32>,
      tpu.vector_store %arg9[%swap3A_2097, %swap3A_2098], %broadcast_in_dim3A_36 {strides = array<i32>} : memref<64x128xf32, #tpu.memory_space<vmem>>, vector<16xf32>,
      %swap3A_2100 = arith.constant 28 : i32
      %swap3A_2101 = arith.index_cast %swap3A_2100 : i32 to index
      %swap3A_2102 = arith.constant 48 : index
      %swap3A_2103 = tpu.vector_load %arg9[%swap3A_2101, %swap3A_2102] {strides = array<i32>} : memref<64x128xf32, #tpu.memory_space<vmem>>, vector<16xf32>,
      tpu.vector_store %arg9[%swap3A_2101, %swap3A_2102], %broadcast_in_dim3A_36 {strides = array<i32>} : memref<64x128xf32, #tpu.memory_space<vmem>>, vector<16xf32>,
      %swap3A_2104 = arith.constant 28 : i32
      %swap3A_2105 = arith.index_cast %swap3A_2104 : i32 to index
      %swap3A_2106 = arith.constant 64 : index
      %swap3A_2107 = tpu.vector_load %arg9[%swap3A_2105, %swap3A_2106] {strides = array<i32>} : memref<64x128xf32, #tpu.memory_space<vmem>>, vector<16xf32>,
      tpu.vector_store %arg9[%swap3A_2105, %swap3A_2106], %broadcast_in_dim3A_36 {strides = array<i32>} : memref<64x128xf32, #tpu.memory_space<vmem>>, vector<16xf32>,
      %swap3A_2108 = arith.constant 28 : i32
      %swap3A_2109 = arith.index_cast %swap3A_2108 : i32 to index
      %swap3A_2110 = arith.constant 80 : index
      %swap3A_2111 = tpu.vector_load %arg9[%swap3A_2109, %swap3A_2110] {strides = array<i32>} : memref<64x128xf32, #tpu.memory_space<vmem>>, vector<16xf32>,
      tpu.vector_store %arg9[%swap3A_2109, %swap3A_2110], %broadcast_in_dim3A_36 {strides = array<i32>} : memref<64x128xf32, #tpu.memory_space<vmem>>, vector<16xf32>,
      %swap3A_2112 = arith.constant 28 : i32
      %swap3A_2113 = arith.index_cast %swap3A_2112 : i32 to index
      %swap3A_2114 = arith.constant 96 : index
      %swap3A_2115 = tpu.vector_load %arg9[%swap3A_2113, %swap3A_2114] {strides = array<i32>} : memref<64x128xf32, #tpu.memory_space<vmem>>, vector<16xf32>,
      tpu.vector_store %arg9[%swap3A_2113, %swap3A_2114], %broadcast_in_dim3A_36 {strides = array<i32>} : memref<64x128xf32, #tpu.memory_space<vmem>>, vector<16xf32>,
      %swap3A_2116 = arith.constant 28 : i32
      %swap3A_2117 = arith.index_cast %swap3A_2116 : i32 to index
      %swap3A_2118 = arith.constant 112 : index
      %swap3A_2119 = tpu.vector_load %arg9[%swap3A_2117, %swap3A_2118] {strides = array<i32>} : memref<64x128xf32, #tpu.memory_space<vmem>>, vector<16xf32>,
      tpu.vector_store %arg9[%swap3A_2117, %swap3A_2118], %broadcast_in_dim3A_36 {strides = array<i32>} : memref<64x128xf32, #tpu.memory_space<vmem>>, vector<16xf32>,
      %swap3A_2120 = arith.constant 29 : i32
      %swap3A_2121 = arith.index_cast %swap3A_2120 : i32 to index
      %swap3A_2122 = arith.constant 0 : index
      %swap3A_2123 = tpu.vector_load %arg9[%swap3A_2121, %swap3A_2122] {strides = array<i32>} : memref<64x128xf32, #tpu.memory_space<vmem>>, vector<16xf32>,
      tpu.vector_store %arg9[%swap3A_2121, %swap3A_2122], %broadcast_in_dim3A_36 {strides = array<i32>} : memref<64x128xf32, #tpu.memory_space<vmem>>, vector<16xf32>,
      %swap3A_2124 = arith.constant 29 : i32
      %swap3A_2125 = arith.index_cast %swap3A_2124 : i32 to index
      %swap3A_2126 = arith.constant 16 : index
      %swap3A_2127 = tpu.vector_load %arg9[%swap3A_2125, %swap3A_2126] {strides = array<i32>} : memref<64x128xf32, #tpu.memory_space<vmem>>, vector<16xf32>,
      tpu.vector_store %arg9[%swap3A_2125, %swap3A_2126], %broadcast_in_dim3A_36 {strides = array<i32>} : memref<64x128xf32, #tpu.memory_space<vmem>>, vector<16xf32>,
      %swap3A_2128 = arith.constant 29 : i32
      %swap3A_2129 = arith.index_cast %swap3A_2128 : i32 to index
      %swap3A_2130 = arith.constant 32 : index
      %swap3A_2131 = tpu.vector_load %arg9[%swap3A_2129, %swap3A_2130] {strides = array<i32>} : memref<64x128xf32, #tpu.memory_space<vmem>>, vector<16xf32>,
      tpu.vector_store %arg9[%swap3A_2129, %swap3A_2130], %broadcast_in_dim3A_36 {strides = array<i32>} : memref<64x128xf32, #tpu.memory_space<vmem>>, vector<16xf32>,
      %swap3A_2132 = arith.constant 29 : i32
      %swap3A_2133 = arith.index_cast %swap3A_2132 : i32 to index
      %swap3A_2134 = arith.constant 48 : index
      %swap3A_2135 = tpu.vector_load %arg9[%swap3A_2133, %swap3A_2134] {strides = array<i32>} : memref<64x128xf32, #tpu.memory_space<vmem>>, vector<16xf32>,
      tpu.vector_store %arg9[%swap3A_2133, %swap3A_2134], %broadcast_in_dim3A_36 {strides = array<i32>} : memref<64x128xf32, #tpu.memory_space<vmem>>, vector<16xf32>,
      %swap3A_2136 = arith.constant 29 : i32
      %swap3A_2137 = arith.index_cast %swap3A_2136 : i32 to index
      %swap3A_2138 = arith.constant 64 : index
      %swap3A_2139 = tpu.vector_load %arg9[%swap3A_2137, %swap3A_2138] {strides = array<i32>} : memref<64x128xf32, #tpu.memory_space<vmem>>, vector<16xf32>,
      tpu.vector_store %arg9[%swap3A_2137, %swap3A_2138], %broadcast_in_dim3A_36 {strides = array<i32>} : memref<64x128xf32, #tpu.memory_space<vmem>>, vector<16xf32>,
      %swap3A_2140 = arith.constant 29 : i32
      %swap3A_2141 = arith.index_cast %swap3A_2140 : i32 to index
      %swap3A_2142 = arith.constant 80 : index
      %swap3A_2143 = tpu.vector_load %arg9[%swap3A_2141, %swap3A_2142] {strides = array<i32>} : memref<64x128xf32, #tpu.memory_space<vmem>>, vector<16xf32>,
      tpu.vector_store %arg9[%swap3A_2141, %swap3A_2142], %broadcast_in_dim3A_36 {strides = array<i32>} : memref<64x128xf32, #tpu.memory_space<vmem>>, vector<16xf32>,
      %swap3A_2144 = arith.constant 29 : i32
      %swap3A_2145 = arith.index_cast %swap3A_2144 : i32 to index
      %swap3A_2146 = arith.constant 96 : index
      %swap3A_2147 = tpu.vector_load %arg9[%swap3A_2145, %swap3A_2146] {strides = array<i32>} : memref<64x128xf32, #tpu.memory_space<vmem>>, vector<16xf32>,
      tpu.vector_store %arg9[%swap3A_2145, %swap3A_2146], %broadcast_in_dim3A_36 {strides = array<i32>} : memref<64x128xf32, #tpu.memory_space<vmem>>, vector<16xf32>,
      %swap3A_2148 = arith.constant 29 : i32
      %swap3A_2149 = arith.index_cast %swap3A_2148 : i32 to index
      %swap3A_2150 = arith.constant 112 : index
      %swap3A_2151 = tpu.vector_load %arg9[%swap3A_2149, %swap3A_2150] {strides = array<i32>} : memref<64x128xf32, #tpu.memory_space<vmem>>, vector<16xf32>,
      tpu.vector_store %arg9[%swap3A_2149, %swap3A_2150], %broadcast_in_dim3A_36 {strides = array<i32>} : memref<64x128xf32, #tpu.memory_space<vmem>>, vector<16xf32>,
      %swap3A_2152 = arith.constant 30 : i32
      %swap3A_2153 = arith.index_cast %swap3A_2152 : i32 to index
      %swap3A_2154 = arith.constant 0 : index
      %swap3A_2155 = tpu.vector_load %arg9[%swap3A_2153, %swap3A_2154] {strides = array<i32>} : memref<64x128xf32, #tpu.memory_space<vmem>>, vector<16xf32>,
      tpu.vector_store %arg9[%swap3A_2153, %swap3A_2154], %broadcast_in_dim3A_36 {strides = array<i32>} : memref<64x128xf32, #tpu.memory_space<vmem>>, vector<16xf32>,
      %swap3A_2156 = arith.constant 30 : i32
      %swap3A_2157 = arith.index_cast %swap3A_2156 : i32 to index
      %swap3A_2158 = arith.constant 16 : index
      %swap3A_2159 = tpu.vector_load %arg9[%swap3A_2157, %swap3A_2158] {strides = array<i32>} : memref<64x128xf32, #tpu.memory_space<vmem>>, vector<16xf32>,
      tpu.vector_store %arg9[%swap3A_2157, %swap3A_2158], %broadcast_in_dim3A_36 {strides = array<i32>} : memref<64x128xf32, #tpu.memory_space<vmem>>, vector<16xf32>,
      %swap3A_2160 = arith.constant 30 : i32
      %swap3A_2161 = arith.index_cast %swap3A_2160 : i32 to index
      %swap3A_2162 = arith.constant 32 : index
      %swap3A_2163 = tpu.vector_load %arg9[%swap3A_2161, %swap3A_2162] {strides = array<i32>} : memref<64x128xf32, #tpu.memory_space<vmem>>, vector<16xf32>,
      tpu.vector_store %arg9[%swap3A_2161, %swap3A_2162], %broadcast_in_dim3A_36 {strides = array<i32>} : memref<64x128xf32, #tpu.memory_space<vmem>>, vector<16xf32>,
      %swap3A_2164 = arith.constant 30 : i32
      %swap3A_2165 = arith.index_cast %swap3A_2164 : i32 to index
      %swap3A_2166 = arith.constant 48 : index
      %swap3A_2167 = tpu.vector_load %arg9[%swap3A_2165, %swap3A_2166] {strides = array<i32>} : memref<64x128xf32, #tpu.memory_space<vmem>>, vector<16xf32>,
      tpu.vector_store %arg9[%swap3A_2165, %swap3A_2166], %broadcast_in_dim3A_36 {strides = array<i32>} : memref<64x128xf32, #tpu.memory_space<vmem>>, vector<16xf32>,
      %swap3A_2168 = arith.constant 30 : i32
      %swap3A_2169 = arith.index_cast %swap3A_2168 : i32 to index
      %swap3A_2170 = arith.constant 64 : index
      %swap3A_2171 = tpu.vector_load %arg9[%swap3A_2169, %swap3A_2170] {strides = array<i32>} : memref<64x128xf32, #tpu.memory_space<vmem>>, vector<16xf32>,
      tpu.vector_store %arg9[%swap3A_2169, %swap3A_2170], %broadcast_in_dim3A_36 {strides = array<i32>} : memref<64x128xf32, #tpu.memory_space<vmem>>, vector<16xf32>,
      %swap3A_2172 = arith.constant 30 : i32
      %swap3A_2173 = arith.index_cast %swap3A_2172 : i32 to index
      %swap3A_2174 = arith.constant 80 : index
      %swap3A_2175 = tpu.vector_load %arg9[%swap3A_2173, %swap3A_2174] {strides = array<i32>} : memref<64x128xf32, #tpu.memory_space<vmem>>, vector<16xf32>,
      tpu.vector_store %arg9[%swap3A_2173, %swap3A_2174], %broadcast_in_dim3A_36 {strides = array<i32>} : memref<64x128xf32, #tpu.memory_space<vmem>>, vector<16xf32>,
      %swap3A_2176 = arith.constant 30 : i32
      %swap3A_2177 = arith.index_cast %swap3A_2176 : i32 to index
      %swap3A_2178 = arith.constant 96 : index
      %swap3A_2179 = tpu.vector_load %arg9[%swap3A_2177, %swap3A_2178] {strides = array<i32>} : memref<64x128xf32, #tpu.memory_space<vmem>>, vector<16xf32>,
      tpu.vector_store %arg9[%swap3A_2177, %swap3A_2178], %broadcast_in_dim3A_36 {strides = array<i32>} : memref<64x128xf32, #tpu.memory_space<vmem>>, vector<16xf32>,
      %swap3A_2180 = arith.constant 30 : i32
      %swap3A_2181 = arith.index_cast %swap3A_2180 : i32 to index
      %swap3A_2182 = arith.constant 112 : index
      %swap3A_2183 = tpu.vector_load %arg9[%swap3A_2181, %swap3A_2182] {strides = array<i32>} : memref<64x128xf32, #tpu.memory_space<vmem>>, vector<16xf32>,
      tpu.vector_store %arg9[%swap3A_2181, %swap3A_2182], %broadcast_in_dim3A_36 {strides = array<i32>} : memref<64x128xf32, #tpu.memory_space<vmem>>, vector<16xf32>,
      %swap3A_2184 = arith.constant 31 : i32
      %swap3A_2185 = arith.index_cast %swap3A_2184 : i32 to index
      %swap3A_2186 = arith.constant 0 : index
      %swap3A_2187 = tpu.vector_load %arg9[%swap3A_2185, %swap3A_2186] {strides = array<i32>} : memref<64x128xf32, #tpu.memory_space<vmem>>, vector<16xf32>,
      tpu.vector_store %arg9[%swap3A_2185, %swap3A_2186], %broadcast_in_dim3A_36 {strides = array<i32>} : memref<64x128xf32, #tpu.memory_space<vmem>>, vector<16xf32>,
      %swap3A_2188 = arith.constant 31 : i32
      %swap3A_2189 = arith.index_cast %swap3A_2188 : i32 to index
      %swap3A_2190 = arith.constant 16 : index
      %swap3A_2191 = tpu.vector_load %arg9[%swap3A_2189, %swap3A_2190] {strides = array<i32>} : memref<64x128xf32, #tpu.memory_space<vmem>>, vector<16xf32>,
      tpu.vector_store %arg9[%swap3A_2189, %swap3A_2190], %broadcast_in_dim3A_36 {strides = array<i32>} : memref<64x128xf32, #tpu.memory_space<vmem>>, vector<16xf32>,
      %swap3A_2192 = arith.constant 31 : i32
      %swap3A_2193 = arith.index_cast %swap3A_2192 : i32 to index
      %swap3A_2194 = arith.constant 32 : index
      %swap3A_2195 = tpu.vector_load %arg9[%swap3A_2193, %swap3A_2194] {strides = array<i32>} : memref<64x128xf32, #tpu.memory_space<vmem>>, vector<16xf32>,
      tpu.vector_store %arg9[%swap3A_2193, %swap3A_2194], %broadcast_in_dim3A_36 {strides = array<i32>} : memref<64x128xf32, #tpu.memory_space<vmem>>, vector<16xf32>,
      %swap3A_2196 = arith.constant 31 : i32
      %swap3A_2197 = arith.index_cast %swap3A_2196 : i32 to index
      %swap3A_2198 = arith.constant 48 : index
      %swap3A_2199 = tpu.vector_load %arg9[%swap3A_2197, %swap3A_2198] {strides = array<i32>} : memref<64x128xf32, #tpu.memory_space<vmem>>, vector<16xf32>,
      tpu.vector_store %arg9[%swap3A_2197, %swap3A_2198], %broadcast_in_dim3A_36 {strides = array<i32>} : memref<64x128xf32, #tpu.memory_space<vmem>>, vector<16xf32>,
      %swap3A_2200 = arith.constant 31 : i32
      %swap3A_2201 = arith.index_cast %swap3A_2200 : i32 to index
      %swap3A_2202 = arith.constant 64 : index
      %swap3A_2203 = tpu.vector_load %arg9[%swap3A_2201, %swap3A_2202] {strides = array<i32>} : memref<64x128xf32, #tpu.memory_space<vmem>>, vector<16xf32>,
      tpu.vector_store %arg9[%swap3A_2201, %swap3A_2202], %broadcast_in_dim3A_36 {strides = array<i32>} : memref<64x128xf32, #tpu.memory_space<vmem>>, vector<16xf32>,
      %swap3A_2204 = arith.constant 31 : i32
      %swap3A_2205 = arith.index_cast %swap3A_2204 : i32 to index
      %swap3A_2206 = arith.constant 80 : index
      %swap3A_2207 = tpu.vector_load %arg9[%swap3A_2205, %swap3A_2206] {strides = array<i32>} : memref<64x128xf32, #tpu.memory_space<vmem>>, vector<16xf32>,
      tpu.vector_store %arg9[%swap3A_2205, %swap3A_2206], %broadcast_in_dim3A_36 {strides = array<i32>} : memref<64x128xf32, #tpu.memory_space<vmem>>, vector<16xf32>,
      %swap3A_2208 = arith.constant 31 : i32
      %swap3A_2209 = arith.index_cast %swap3A_2208 : i32 to index
      %swap3A_2210 = arith.constant 96 : index
      %swap3A_2211 = tpu.vector_load %arg9[%swap3A_2209, %swap3A_2210] {strides = array<i32>} : memref<64x128xf32, #tpu.memory_space<vmem>>, vector<16xf32>,
      tpu.vector_store %arg9[%swap3A_2209, %swap3A_2210], %broadcast_in_dim3A_36 {strides = array<i32>} : memref<64x128xf32, #tpu.memory_space<vmem>>, vector<16xf32>,
      %swap3A_2212 = arith.constant 31 : i32
      %swap3A_2213 = arith.index_cast %swap3A_2212 : i32 to index
      %swap3A_2214 = arith.constant 112 : index
      %swap3A_2215 = tpu.vector_load %arg9[%swap3A_2213, %swap3A_2214] {strides = array<i32>} : memref<64x128xf32, #tpu.memory_space<vmem>>, vector<16xf32>,
      tpu.vector_store %arg9[%swap3A_2213, %swap3A_2214], %broadcast_in_dim3A_36 {strides = array<i32>} : memref<64x128xf32, #tpu.memory_space<vmem>>, vector<16xf32>,
      %swap3A_2216 = arith.constant 32 : i32
      %swap3A_2217 = arith.index_cast %swap3A_2216 : i32 to index
      %swap3A_2218 = arith.constant 0 : index
      %swap3A_2219 = tpu.vector_load %arg9[%swap3A_2217, %swap3A_2218] {strides = array<i32>} : memref<64x128xf32, #tpu.memory_space<vmem>>, vector<16xf32>,
      tpu.vector_store %arg9[%swap3A_2217, %swap3A_2218], %broadcast_in_dim3A_36 {strides = array<i32>} : memref<64x128xf32, #tpu.memory_space<vmem>>, vector<16xf32>,
      %swap3A_2220 = arith.constant 32 : i32
      %swap3A_2221 = arith.index_cast %swap3A_2220 : i32 to index
      %swap3A_2222 = arith.constant 16 : index
      %swap3A_2223 = tpu.vector_load %arg9[%swap3A_2221, %swap3A_2222] {strides = array<i32>} : memref<64x128xf32, #tpu.memory_space<vmem>>, vector<16xf32>,
      tpu.vector_store %arg9[%swap3A_2221, %swap3A_2222], %broadcast_in_dim3A_36 {strides = array<i32>} : memref<64x128xf32, #tpu.memory_space<vmem>>, vector<16xf32>,
      %swap3A_2224 = arith.constant 32 : i32
      %swap3A_2225 = arith.index_cast %swap3A_2224 : i32 to index
      %swap3A_2226 = arith.constant 32 : index
      %swap3A_2227 = tpu.vector_load %arg9[%swap3A_2225, %swap3A_2226] {strides = array<i32>} : memref<64x128xf32, #tpu.memory_space<vmem>>, vector<16xf32>,
      tpu.vector_store %arg9[%swap3A_2225, %swap3A_2226], %broadcast_in_dim3A_36 {strides = array<i32>} : memref<64x128xf32, #tpu.memory_space<vmem>>, vector<16xf32>,
      %swap3A_2228 = arith.constant 32 : i32
      %swap3A_2229 = arith.index_cast %swap3A_2228 : i32 to index
      %swap3A_2230 = arith.constant 48 : index
      %swap3A_2231 = tpu.vector_load %arg9[%swap3A_2229, %swap3A_2230] {strides = array<i32>} : memref<64x128xf32, #tpu.memory_space<vmem>>, vector<16xf32>,
      tpu.vector_store %arg9[%swap3A_2229, %swap3A_2230], %broadcast_in_dim3A_36 {strides = array<i32>} : memref<64x128xf32, #tpu.memory_space<vmem>>, vector<16xf32>,
      %swap3A_2232 = arith.constant 32 : i32
      %swap3A_2233 = arith.index_cast %swap3A_2232 : i32 to index
      %swap3A_2234 = arith.constant 64 : index
      %swap3A_2235 = tpu.vector_load %arg9[%swap3A_2233, %swap3A_2234] {strides = array<i32>} : memref<64x128xf32, #tpu.memory_space<vmem>>, vector<16xf32>,
      tpu.vector_store %arg9[%swap3A_2233, %swap3A_2234], %broadcast_in_dim3A_36 {strides = array<i32>} : memref<64x128xf32, #tpu.memory_space<vmem>>, vector<16xf32>,
      %swap3A_2236 = arith.constant 32 : i32
      %swap3A_2237 = arith.index_cast %swap3A_2236 : i32 to index
      %swap3A_2238 = arith.constant 80 : index
      %swap3A_2239 = tpu.vector_load %arg9[%swap3A_2237, %swap3A_2238] {strides = array<i32>} : memref<64x128xf32, #tpu.memory_space<vmem>>, vector<16xf32>,
      tpu.vector_store %arg9[%swap3A_2237, %swap3A_2238], %broadcast_in_dim3A_36 {strides = array<i32>} : memref<64x128xf32, #tpu.memory_space<vmem>>, vector<16xf32>,
      %swap3A_2240 = arith.constant 32 : i32
      %swap3A_2241 = arith.index_cast %swap3A_2240 : i32 to index
      %swap3A_2242 = arith.constant 96 : index
      %swap3A_2243 = tpu.vector_load %arg9[%swap3A_2241, %swap3A_2242] {strides = array<i32>} : memref<64x128xf32, #tpu.memory_space<vmem>>, vector<16xf32>,
      tpu.vector_store %arg9[%swap3A_2241, %swap3A_2242], %broadcast_in_dim3A_36 {strides = array<i32>} : memref<64x128xf32, #tpu.memory_space<vmem>>, vector<16xf32>,
      %swap3A_2244 = arith.constant 32 : i32
      %swap3A_2245 = arith.index_cast %swap3A_2244 : i32 to index
      %swap3A_2246 = arith.constant 112 : index
      %swap3A_2247 = tpu.vector_load %arg9[%swap3A_2245, %swap3A_2246] {strides = array<i32>} : memref<64x128xf32, #tpu.memory_space<vmem>>, vector<16xf32>,
      tpu.vector_store %arg9[%swap3A_2245, %swap3A_2246], %broadcast_in_dim3A_36 {strides = array<i32>} : memref<64x128xf32, #tpu.memory_space<vmem>>, vector<16xf32>,
      %swap3A_2248 = arith.constant 33 : i32
      %swap3A_2249 = arith.index_cast %swap3A_2248 : i32 to index
      %swap3A_2250 = arith.constant 0 : index
      %swap3A_2251 = tpu.vector_load %arg9[%swap3A_2249, %swap3A_2250] {strides = array<i32>} : memref<64x128xf32, #tpu.memory_space<vmem>>, vector<16xf32>,
      tpu.vector_store %arg9[%swap3A_2249, %swap3A_2250], %broadcast_in_dim3A_36 {strides = array<i32>} : memref<64x128xf32, #tpu.memory_space<vmem>>, vector<16xf32>,
      %swap3A_2252 = arith.constant 33 : i32
      %swap3A_2253 = arith.index_cast %swap3A_2252 : i32 to index
      %swap3A_2254 = arith.constant 16 : index
      %swap3A_2255 = tpu.vector_load %arg9[%swap3A_2253, %swap3A_2254] {strides = array<i32>} : memref<64x128xf32, #tpu.memory_space<vmem>>, vector<16xf32>,
      tpu.vector_store %arg9[%swap3A_2253, %swap3A_2254], %broadcast_in_dim3A_36 {strides = array<i32>} : memref<64x128xf32, #tpu.memory_space<vmem>>, vector<16xf32>,
      %swap3A_2256 = arith.constant 33 : i32
      %swap3A_2257 = arith.index_cast %swap3A_2256 : i32 to index
      %swap3A_2258 = arith.constant 32 : index
      %swap3A_2259 = tpu.vector_load %arg9[%swap3A_2257, %swap3A_2258] {strides = array<i32>} : memref<64x128xf32, #tpu.memory_space<vmem>>, vector<16xf32>,
      tpu.vector_store %arg9[%swap3A_2257, %swap3A_2258], %broadcast_in_dim3A_36 {strides = array<i32>} : memref<64x128xf32, #tpu.memory_space<vmem>>, vector<16xf32>,
      %swap3A_2260 = arith.constant 33 : i32
      %swap3A_2261 = arith.index_cast %swap3A_2260 : i32 to index
      %swap3A_2262 = arith.constant 48 : index
      %swap3A_2263 = tpu.vector_load %arg9[%swap3A_2261, %swap3A_2262] {strides = array<i32>} : memref<64x128xf32, #tpu.memory_space<vmem>>, vector<16xf32>,
      tpu.vector_store %arg9[%swap3A_2261, %swap3A_2262], %broadcast_in_dim3A_36 {strides = array<i32>} : memref<64x128xf32, #tpu.memory_space<vmem>>, vector<16xf32>,
      %swap3A_2264 = arith.constant 33 : i32
      %swap3A_2265 = arith.index_cast %swap3A_2264 : i32 to index
      %swap3A_2266 = arith.constant 64 : index
      %swap3A_2267 = tpu.vector_load %arg9[%swap3A_2265, %swap3A_2266] {strides = array<i32>} : memref<64x128xf32, #tpu.memory_space<vmem>>, vector<16xf32>,
      tpu.vector_store %arg9[%swap3A_2265, %swap3A_2266], %broadcast_in_dim3A_36 {strides = array<i32>} : memref<64x128xf32, #tpu.memory_space<vmem>>, vector<16xf32>,
      %swap3A_2268 = arith.constant 33 : i32
      %swap3A_2269 = arith.index_cast %swap3A_2268 : i32 to index
      %swap3A_2270 = arith.constant 80 : index
      %swap3A_2271 = tpu.vector_load %arg9[%swap3A_2269, %swap3A_2270] {strides = array<i32>} : memref<64x128xf32, #tpu.memory_space<vmem>>, vector<16xf32>,
      tpu.vector_store %arg9[%swap3A_2269, %swap3A_2270], %broadcast_in_dim3A_36 {strides = array<i32>} : memref<64x128xf32, #tpu.memory_space<vmem>>, vector<16xf32>,
      %swap3A_2272 = arith.constant 33 : i32
      %swap3A_2273 = arith.index_cast %swap3A_2272 : i32 to index
      %swap3A_2274 = arith.constant 96 : index
      %swap3A_2275 = tpu.vector_load %arg9[%swap3A_2273, %swap3A_2274] {strides = array<i32>} : memref<64x128xf32, #tpu.memory_space<vmem>>, vector<16xf32>,
      tpu.vector_store %arg9[%swap3A_2273, %swap3A_2274], %broadcast_in_dim3A_36 {strides = array<i32>} : memref<64x128xf32, #tpu.memory_space<vmem>>, vector<16xf32>,
      %swap3A_2276 = arith.constant 33 : i32
      %swap3A_2277 = arith.index_cast %swap3A_2276 : i32 to index
      %swap3A_2278 = arith.constant 112 : index
      %swap3A_2279 = tpu.vector_load %arg9[%swap3A_2277, %swap3A_2278] {strides = array<i32>} : memref<64x128xf32, #tpu.memory_space<vmem>>, vector<16xf32>,
      tpu.vector_store %arg9[%swap3A_2277, %swap3A_2278], %broadcast_in_dim3A_36 {strides = array<i32>} : memref<64x128xf32, #tpu.memory_space<vmem>>, vector<16xf32>,
      %swap3A_2280 = arith.constant 34 : i32
      %swap3A_2281 = arith.index_cast %swap3A_2280 : i32 to index
      %swap3A_2282 = arith.constant 0 : index
      %swap3A_2283 = tpu.vector_load %arg9[%swap3A_2281, %swap3A_2282] {strides = array<i32>} : memref<64x128xf32, #tpu.memory_space<vmem>>, vector<16xf32>,
      tpu.vector_store %arg9[%swap3A_2281, %swap3A_2282], %broadcast_in_dim3A_36 {strides = array<i32>} : memref<64x128xf32, #tpu.memory_space<vmem>>, vector<16xf32>,
      %swap3A_2284 = arith.constant 34 : i32
      %swap3A_2285 = arith.index_cast %swap3A_2284 : i32 to index
      %swap3A_2286 = arith.constant 16 : index
      %swap3A_2287 = tpu.vector_load %arg9[%swap3A_2285, %swap3A_2286] {strides = array<i32>} : memref<64x128xf32, #tpu.memory_space<vmem>>, vector<16xf32>,
      tpu.vector_store %arg9[%swap3A_2285, %swap3A_2286], %broadcast_in_dim3A_36 {strides = array<i32>} : memref<64x128xf32, #tpu.memory_space<vmem>>, vector<16xf32>,
      %swap3A_2288 = arith.constant 34 : i32
      %swap3A_2289 = arith.index_cast %swap3A_2288 : i32 to index
      %swap3A_2290 = arith.constant 32 : index
      %swap3A_2291 = tpu.vector_load %arg9[%swap3A_2289, %swap3A_2290] {strides = array<i32>} : memref<64x128xf32, #tpu.memory_space<vmem>>, vector<16xf32>,
      tpu.vector_store %arg9[%swap3A_2289, %swap3A_2290], %broadcast_in_dim3A_36 {strides = array<i32>} : memref<64x128xf32, #tpu.memory_space<vmem>>, vector<16xf32>,
      %swap3A_2292 = arith.constant 34 : i32
      %swap3A_2293 = arith.index_cast %swap3A_2292 : i32 to index
      %swap3A_2294 = arith.constant 48 : index
      %swap3A_2295 = tpu.vector_load %arg9[%swap3A_2293, %swap3A_2294] {strides = array<i32>} : memref<64x128xf32, #tpu.memory_space<vmem>>, vector<16xf32>,
      tpu.vector_store %arg9[%swap3A_2293, %swap3A_2294], %broadcast_in_dim3A_36 {strides = array<i32>} : memref<64x128xf32, #tpu.memory_space<vmem>>, vector<16xf32>,
      %swap3A_2296 = arith.constant 34 : i32
      %swap3A_2297 = arith.index_cast %swap3A_2296 : i32 to index
      %swap3A_2298 = arith.constant 64 : index
      %swap3A_2299 = tpu.vector_load %arg9[%swap3A_2297, %swap3A_2298] {strides = array<i32>} : memref<64x128xf32, #tpu.memory_space<vmem>>, vector<16xf32>,
      tpu.vector_store %arg9[%swap3A_2297, %swap3A_2298], %broadcast_in_dim3A_36 {strides = array<i32>} : memref<64x128xf32, #tpu.memory_space<vmem>>, vector<16xf32>,
      %swap3A_2300 = arith.constant 34 : i32
      %swap3A_2301 = arith.index_cast %swap3A_2300 : i32 to index
      %swap3A_2302 = arith.constant 80 : index
      %swap3A_2303 = tpu.vector_load %arg9[%swap3A_2301, %swap3A_2302] {strides = array<i32>} : memref<64x128xf32, #tpu.memory_space<vmem>>, vector<16xf32>,
      tpu.vector_store %arg9[%swap3A_2301, %swap3A_2302], %broadcast_in_dim3A_36 {strides = array<i32>} : memref<64x128xf32, #tpu.memory_space<vmem>>, vector<16xf32>,
      %swap3A_2304 = arith.constant 34 : i32
      %swap3A_2305 = arith.index_cast %swap3A_2304 : i32 to index
      %swap3A_2306 = arith.constant 96 : index
      %swap3A_2307 = tpu.vector_load %arg9[%swap3A_2305, %swap3A_2306] {strides = array<i32>} : memref<64x128xf32, #tpu.memory_space<vmem>>, vector<16xf32>,
      tpu.vector_store %arg9[%swap3A_2305, %swap3A_2306], %broadcast_in_dim3A_36 {strides = array<i32>} : memref<64x128xf32, #tpu.memory_space<vmem>>, vector<16xf32>,
      %swap3A_2308 = arith.constant 34 : i32
      %swap3A_2309 = arith.index_cast %swap3A_2308 : i32 to index
      %swap3A_2310 = arith.constant 112 : index
      %swap3A_2311 = tpu.vector_load %arg9[%swap3A_2309, %swap3A_2310] {strides = array<i32>} : memref<64x128xf32, #tpu.memory_space<vmem>>, vector<16xf32>,
      tpu.vector_store %arg9[%swap3A_2309, %swap3A_2310], %broadcast_in_dim3A_36 {strides = array<i32>} : memref<64x128xf32, #tpu.memory_space<vmem>>, vector<16xf32>,
      %swap3A_2312 = arith.constant 35 : i32
      %swap3A_2313 = arith.index_cast %swap3A_2312 : i32 to index
      %swap3A_2314 = arith.constant 0 : index
      %swap3A_2315 = tpu.vector_load %arg9[%swap3A_2313, %swap3A_2314] {strides = array<i32>} : memref<64x128xf32, #tpu.memory_space<vmem>>, vector<16xf32>,
      tpu.vector_store %arg9[%swap3A_2313, %swap3A_2314], %broadcast_in_dim3A_36 {strides = array<i32>} : memref<64x128xf32, #tpu.memory_space<vmem>>, vector<16xf32>,
      %swap3A_2316 = arith.constant 35 : i32
      %swap3A_2317 = arith.index_cast %swap3A_2316 : i32 to index
      %swap3A_2318 = arith.constant 16 : index
      %swap3A_2319 = tpu.vector_load %arg9[%swap3A_2317, %swap3A_2318] {strides = array<i32>} : memref<64x128xf32, #tpu.memory_space<vmem>>, vector<16xf32>,
      tpu.vector_store %arg9[%swap3A_2317, %swap3A_2318], %broadcast_in_dim3A_36 {strides = array<i32>} : memref<64x128xf32, #tpu.memory_space<vmem>>, vector<16xf32>,
      %swap3A_2320 = arith.constant 35 : i32
      %swap3A_2321 = arith.index_cast %swap3A_2320 : i32 to index
      %swap3A_2322 = arith.constant 32 : index
      %swap3A_2323 = tpu.vector_load %arg9[%swap3A_2321, %swap3A_2322] {strides = array<i32>} : memref<64x128xf32, #tpu.memory_space<vmem>>, vector<16xf32>,
      tpu.vector_store %arg9[%swap3A_2321, %swap3A_2322], %broadcast_in_dim3A_36 {strides = array<i32>} : memref<64x128xf32, #tpu.memory_space<vmem>>, vector<16xf32>,
      %swap3A_2324 = arith.constant 35 : i32
      %swap3A_2325 = arith.index_cast %swap3A_2324 : i32 to index
      %swap3A_2326 = arith.constant 48 : index
      %swap3A_2327 = tpu.vector_load %arg9[%swap3A_2325, %swap3A_2326] {strides = array<i32>} : memref<64x128xf32, #tpu.memory_space<vmem>>, vector<16xf32>,
      tpu.vector_store %arg9[%swap3A_2325, %swap3A_2326], %broadcast_in_dim3A_36 {strides = array<i32>} : memref<64x128xf32, #tpu.memory_space<vmem>>, vector<16xf32>,
      %swap3A_2328 = arith.constant 35 : i32
      %swap3A_2329 = arith.index_cast %swap3A_2328 : i32 to index
      %swap3A_2330 = arith.constant 64 : index
      %swap3A_2331 = tpu.vector_load %arg9[%swap3A_2329, %swap3A_2330] {strides = array<i32>} : memref<64x128xf32, #tpu.memory_space<vmem>>, vector<16xf32>,
      tpu.vector_store %arg9[%swap3A_2329, %swap3A_2330], %broadcast_in_dim3A_36 {strides = array<i32>} : memref<64x128xf32, #tpu.memory_space<vmem>>, vector<16xf32>,
      %swap3A_2332 = arith.constant 35 : i32
      %swap3A_2333 = arith.index_cast %swap3A_2332 : i32 to index
      %swap3A_2334 = arith.constant 80 : index
      %swap3A_2335 = tpu.vector_load %arg9[%swap3A_2333, %swap3A_2334] {strides = array<i32>} : memref<64x128xf32, #tpu.memory_space<vmem>>, vector<16xf32>,
      tpu.vector_store %arg9[%swap3A_2333, %swap3A_2334], %broadcast_in_dim3A_36 {strides = array<i32>} : memref<64x128xf32, #tpu.memory_space<vmem>>, vector<16xf32>,
      %swap3A_2336 = arith.constant 35 : i32
      %swap3A_2337 = arith.index_cast %swap3A_2336 : i32 to index
      %swap3A_2338 = arith.constant 96 : index
      %swap3A_2339 = tpu.vector_load %arg9[%swap3A_2337, %swap3A_2338] {strides = array<i32>} : memref<64x128xf32, #tpu.memory_space<vmem>>, vector<16xf32>,
      tpu.vector_store %arg9[%swap3A_2337, %swap3A_2338], %broadcast_in_dim3A_36 {strides = array<i32>} : memref<64x128xf32, #tpu.memory_space<vmem>>, vector<16xf32>,
      %swap3A_2340 = arith.constant 35 : i32
      %swap3A_2341 = arith.index_cast %swap3A_2340 : i32 to index
      %swap3A_2342 = arith.constant 112 : index
      %swap3A_2343 = tpu.vector_load %arg9[%swap3A_2341, %swap3A_2342] {strides = array<i32>} : memref<64x128xf32, #tpu.memory_space<vmem>>, vector<16xf32>,
      tpu.vector_store %arg9[%swap3A_2341, %swap3A_2342], %broadcast_in_dim3A_36 {strides = array<i32>} : memref<64x128xf32, #tpu.memory_space<vmem>>, vector<16xf32>,
      %swap3A_2344 = arith.constant 36 : i32
      %swap3A_2345 = arith.index_cast %swap3A_2344 : i32 to index
      %swap3A_2346 = arith.constant 0 : index
      %swap3A_2347 = tpu.vector_load %arg9[%swap3A_2345, %swap3A_2346] {strides = array<i32>} : memref<64x128xf32, #tpu.memory_space<vmem>>, vector<16xf32>,
      tpu.vector_store %arg9[%swap3A_2345, %swap3A_2346], %broadcast_in_dim3A_36 {strides = array<i32>} : memref<64x128xf32, #tpu.memory_space<vmem>>, vector<16xf32>,
      %swap3A_2348 = arith.constant 36 : i32
      %swap3A_2349 = arith.index_cast %swap3A_2348 : i32 to index
      %swap3A_2350 = arith.constant 16 : index
      %swap3A_2351 = tpu.vector_load %arg9[%swap3A_2349, %swap3A_2350] {strides = array<i32>} : memref<64x128xf32, #tpu.memory_space<vmem>>, vector<16xf32>,
      tpu.vector_store %arg9[%swap3A_2349, %swap3A_2350], %broadcast_in_dim3A_36 {strides = array<i32>} : memref<64x128xf32, #tpu.memory_space<vmem>>, vector<16xf32>,
      %swap3A_2352 = arith.constant 36 : i32
      %swap3A_2353 = arith.index_cast %swap3A_2352 : i32 to index
      %swap3A_2354 = arith.constant 32 : index
      %swap3A_2355 = tpu.vector_load %arg9[%swap3A_2353, %swap3A_2354] {strides = array<i32>} : memref<64x128xf32, #tpu.memory_space<vmem>>, vector<16xf32>,
      tpu.vector_store %arg9[%swap3A_2353, %swap3A_2354], %broadcast_in_dim3A_36 {strides = array<i32>} : memref<64x128xf32, #tpu.memory_space<vmem>>, vector<16xf32>,
      %swap3A_2356 = arith.constant 36 : i32
      %swap3A_2357 = arith.index_cast %swap3A_2356 : i32 to index
      %swap3A_2358 = arith.constant 48 : index
      %swap3A_2359 = tpu.vector_load %arg9[%swap3A_2357, %swap3A_2358] {strides = array<i32>} : memref<64x128xf32, #tpu.memory_space<vmem>>, vector<16xf32>,
      tpu.vector_store %arg9[%swap3A_2357, %swap3A_2358], %broadcast_in_dim3A_36 {strides = array<i32>} : memref<64x128xf32, #tpu.memory_space<vmem>>, vector<16xf32>,
      %swap3A_2360 = arith.constant 36 : i32
      %swap3A_2361 = arith.index_cast %swap3A_2360 : i32 to index
      %swap3A_2362 = arith.constant 64 : index
      %swap3A_2363 = tpu.vector_load %arg9[%swap3A_2361, %swap3A_2362] {strides = array<i32>} : memref<64x128xf32, #tpu.memory_space<vmem>>, vector<16xf32>,
      tpu.vector_store %arg9[%swap3A_2361, %swap3A_2362], %broadcast_in_dim3A_36 {strides = array<i32>} : memref<64x128xf32, #tpu.memory_space<vmem>>, vector<16xf32>,
      %swap3A_2364 = arith.constant 36 : i32
      %swap3A_2365 = arith.index_cast %swap3A_2364 : i32 to index
      %swap3A_2366 = arith.constant 80 : index
      %swap3A_2367 = tpu.vector_load %arg9[%swap3A_2365, %swap3A_2366] {strides = array<i32>} : memref<64x128xf32, #tpu.memory_space<vmem>>, vector<16xf32>,
      tpu.vector_store %arg9[%swap3A_2365, %swap3A_2366], %broadcast_in_dim3A_36 {strides = array<i32>} : memref<64x128xf32, #tpu.memory_space<vmem>>, vector<16xf32>,
      %swap3A_2368 = arith.constant 36 : i32
      %swap3A_2369 = arith.index_cast %swap3A_2368 : i32 to index
      %swap3A_2370 = arith.constant 96 : index
      %swap3A_2371 = tpu.vector_load %arg9[%swap3A_2369, %swap3A_2370] {strides = array<i32>} : memref<64x128xf32, #tpu.memory_space<vmem>>, vector<16xf32>,
      tpu.vector_store %arg9[%swap3A_2369, %swap3A_2370], %broadcast_in_dim3A_36 {strides = array<i32>} : memref<64x128xf32, #tpu.memory_space<vmem>>, vector<16xf32>,
      %swap3A_2372 = arith.constant 36 : i32
      %swap3A_2373 = arith.index_cast %swap3A_2372 : i32 to index
      %swap3A_2374 = arith.constant 112 : index
      %swap3A_2375 = tpu.vector_load %arg9[%swap3A_2373, %swap3A_2374] {strides = array<i32>} : memref<64x128xf32, #tpu.memory_space<vmem>>, vector<16xf32>,
      tpu.vector_store %arg9[%swap3A_2373, %swap3A_2374], %broadcast_in_dim3A_36 {strides = array<i32>} : memref<64x128xf32, #tpu.memory_space<vmem>>, vector<16xf32>,
      %swap3A_2376 = arith.constant 37 : i32
      %swap3A_2377 = arith.index_cast %swap3A_2376 : i32 to index
      %swap3A_2378 = arith.constant 0 : index
      %swap3A_2379 = tpu.vector_load %arg9[%swap3A_2377, %swap3A_2378] {strides = array<i32>} : memref<64x128xf32, #tpu.memory_space<vmem>>, vector<16xf32>,
      tpu.vector_store %arg9[%swap3A_2377, %swap3A_2378], %broadcast_in_dim3A_36 {strides = array<i32>} : memref<64x128xf32, #tpu.memory_space<vmem>>, vector<16xf32>,
      %swap3A_2380 = arith.constant 37 : i32
      %swap3A_2381 = arith.index_cast %swap3A_2380 : i32 to index
      %swap3A_2382 = arith.constant 16 : index
      %swap3A_2383 = tpu.vector_load %arg9[%swap3A_2381, %swap3A_2382] {strides = array<i32>} : memref<64x128xf32, #tpu.memory_space<vmem>>, vector<16xf32>,
      tpu.vector_store %arg9[%swap3A_2381, %swap3A_2382], %broadcast_in_dim3A_36 {strides = array<i32>} : memref<64x128xf32, #tpu.memory_space<vmem>>, vector<16xf32>,
      %swap3A_2384 = arith.constant 37 : i32
      %swap3A_2385 = arith.index_cast %swap3A_2384 : i32 to index
      %swap3A_2386 = arith.constant 32 : index
      %swap3A_2387 = tpu.vector_load %arg9[%swap3A_2385, %swap3A_2386] {strides = array<i32>} : memref<64x128xf32, #tpu.memory_space<vmem>>, vector<16xf32>,
      tpu.vector_store %arg9[%swap3A_2385, %swap3A_2386], %broadcast_in_dim3A_36 {strides = array<i32>} : memref<64x128xf32, #tpu.memory_space<vmem>>, vector<16xf32>,
      %swap3A_2388 = arith.constant 37 : i32
      %swap3A_2389 = arith.index_cast %swap3A_2388 : i32 to index
      %swap3A_2390 = arith.constant 48 : index
      %swap3A_2391 = tpu.vector_load %arg9[%swap3A_2389, %swap3A_2390] {strides = array<i32>} : memref<64x128xf32, #tpu.memory_space<vmem>>, vector<16xf32>,
      tpu.vector_store %arg9[%swap3A_2389, %swap3A_2390], %broadcast_in_dim3A_36 {strides = array<i32>} : memref<64x128xf32, #tpu.memory_space<vmem>>, vector<16xf32>,
      %swap3A_2392 = arith.constant 37 : i32
      %swap3A_2393 = arith.index_cast %swap3A_2392 : i32 to index
      %swap3A_2394 = arith.constant 64 : index
      %swap3A_2395 = tpu.vector_load %arg9[%swap3A_2393, %swap3A_2394] {strides = array<i32>} : memref<64x128xf32, #tpu.memory_space<vmem>>, vector<16xf32>,
      tpu.vector_store %arg9[%swap3A_2393, %swap3A_2394], %broadcast_in_dim3A_36 {strides = array<i32>} : memref<64x128xf32, #tpu.memory_space<vmem>>, vector<16xf32>,
      %swap3A_2396 = arith.constant 37 : i32
      %swap3A_2397 = arith.index_cast %swap3A_2396 : i32 to index
      %swap3A_2398 = arith.constant 80 : index
      %swap3A_2399 = tpu.vector_load %arg9[%swap3A_2397, %swap3A_2398] {strides = array<i32>} : memref<64x128xf32, #tpu.memory_space<vmem>>, vector<16xf32>,
      tpu.vector_store %arg9[%swap3A_2397, %swap3A_2398], %broadcast_in_dim3A_36 {strides = array<i32>} : memref<64x128xf32, #tpu.memory_space<vmem>>, vector<16xf32>,
      %swap3A_2400 = arith.constant 37 : i32
      %swap3A_2401 = arith.index_cast %swap3A_2400 : i32 to index
      %swap3A_2402 = arith.constant 96 : index
      %swap3A_2403 = tpu.vector_load %arg9[%swap3A_2401, %swap3A_2402] {strides = array<i32>} : memref<64x128xf32, #tpu.memory_space<vmem>>, vector<16xf32>,
      tpu.vector_store %arg9[%swap3A_2401, %swap3A_2402], %broadcast_in_dim3A_36 {strides = array<i32>} : memref<64x128xf32, #tpu.memory_space<vmem>>, vector<16xf32>,
      %swap3A_2404 = arith.constant 37 : i32
      %swap3A_2405 = arith.index_cast %swap3A_2404 : i32 to index
      %swap3A_2406 = arith.constant 112 : index
      %swap3A_2407 = tpu.vector_load %arg9[%swap3A_2405, %swap3A_2406] {strides = array<i32>} : memref<64x128xf32, #tpu.memory_space<vmem>>, vector<16xf32>,
      tpu.vector_store %arg9[%swap3A_2405, %swap3A_2406], %broadcast_in_dim3A_36 {strides = array<i32>} : memref<64x128xf32, #tpu.memory_space<vmem>>, vector<16xf32>,
      %swap3A_2408 = arith.constant 38 : i32
      %swap3A_2409 = arith.index_cast %swap3A_2408 : i32 to index
      %swap3A_2410 = arith.constant 0 : index
      %swap3A_2411 = tpu.vector_load %arg9[%swap3A_2409, %swap3A_2410] {strides = array<i32>} : memref<64x128xf32, #tpu.memory_space<vmem>>, vector<16xf32>,
      tpu.vector_store %arg9[%swap3A_2409, %swap3A_2410], %broadcast_in_dim3A_36 {strides = array<i32>} : memref<64x128xf32, #tpu.memory_space<vmem>>, vector<16xf32>,
      %swap3A_2412 = arith.constant 38 : i32
      %swap3A_2413 = arith.index_cast %swap3A_2412 : i32 to index
      %swap3A_2414 = arith.constant 16 : index
      %swap3A_2415 = tpu.vector_load %arg9[%swap3A_2413, %swap3A_2414] {strides = array<i32>} : memref<64x128xf32, #tpu.memory_space<vmem>>, vector<16xf32>,
      tpu.vector_store %arg9[%swap3A_2413, %swap3A_2414], %broadcast_in_dim3A_36 {strides = array<i32>} : memref<64x128xf32, #tpu.memory_space<vmem>>, vector<16xf32>,
      %swap3A_2416 = arith.constant 38 : i32
      %swap3A_2417 = arith.index_cast %swap3A_2416 : i32 to index
      %swap3A_2418 = arith.constant 32 : index
      %swap3A_2419 = tpu.vector_load %arg9[%swap3A_2417, %swap3A_2418] {strides = array<i32>} : memref<64x128xf32, #tpu.memory_space<vmem>>, vector<16xf32>,
      tpu.vector_store %arg9[%swap3A_2417, %swap3A_2418], %broadcast_in_dim3A_36 {strides = array<i32>} : memref<64x128xf32, #tpu.memory_space<vmem>>, vector<16xf32>,
      %swap3A_2420 = arith.constant 38 : i32
      %swap3A_2421 = arith.index_cast %swap3A_2420 : i32 to index
      %swap3A_2422 = arith.constant 48 : index
      %swap3A_2423 = tpu.vector_load %arg9[%swap3A_2421, %swap3A_2422] {strides = array<i32>} : memref<64x128xf32, #tpu.memory_space<vmem>>, vector<16xf32>,
      tpu.vector_store %arg9[%swap3A_2421, %swap3A_2422], %broadcast_in_dim3A_36 {strides = array<i32>} : memref<64x128xf32, #tpu.memory_space<vmem>>, vector<16xf32>,
      %swap3A_2424 = arith.constant 38 : i32
      %swap3A_2425 = arith.index_cast %swap3A_2424 : i32 to index
      %swap3A_2426 = arith.constant 64 : index
      %swap3A_2427 = tpu.vector_load %arg9[%swap3A_2425, %swap3A_2426] {strides = array<i32>} : memref<64x128xf32, #tpu.memory_space<vmem>>, vector<16xf32>,
      tpu.vector_store %arg9[%swap3A_2425, %swap3A_2426], %broadcast_in_dim3A_36 {strides = array<i32>} : memref<64x128xf32, #tpu.memory_space<vmem>>, vector<16xf32>,
      %swap3A_2428 = arith.constant 38 : i32
      %swap3A_2429 = arith.index_cast %swap3A_2428 : i32 to index
      %swap3A_2430 = arith.constant 80 : index
      %swap3A_2431 = tpu.vector_load %arg9[%swap3A_2429, %swap3A_2430] {strides = array<i32>} : memref<64x128xf32, #tpu.memory_space<vmem>>, vector<16xf32>,
      tpu.vector_store %arg9[%swap3A_2429, %swap3A_2430], %broadcast_in_dim3A_36 {strides = array<i32>} : memref<64x128xf32, #tpu.memory_space<vmem>>, vector<16xf32>,
      %swap3A_2432 = arith.constant 38 : i32
      %swap3A_2433 = arith.index_cast %swap3A_2432 : i32 to index
      %swap3A_2434 = arith.constant 96 : index
      %swap3A_2435 = tpu.vector_load %arg9[%swap3A_2433, %swap3A_2434] {strides = array<i32>} : memref<64x128xf32, #tpu.memory_space<vmem>>, vector<16xf32>,
      tpu.vector_store %arg9[%swap3A_2433, %swap3A_2434], %broadcast_in_dim3A_36 {strides = array<i32>} : memref<64x128xf32, #tpu.memory_space<vmem>>, vector<16xf32>,
      %swap3A_2436 = arith.constant 38 : i32
      %swap3A_2437 = arith.index_cast %swap3A_2436 : i32 to index
      %swap3A_2438 = arith.constant 112 : index
      %swap3A_2439 = tpu.vector_load %arg9[%swap3A_2437, %swap3A_2438] {strides = array<i32>} : memref<64x128xf32, #tpu.memory_space<vmem>>, vector<16xf32>,
      tpu.vector_store %arg9[%swap3A_2437, %swap3A_2438], %broadcast_in_dim3A_36 {strides = array<i32>} : memref<64x128xf32, #tpu.memory_space<vmem>>, vector<16xf32>,
      %swap3A_2440 = arith.constant 39 : i32
      %swap3A_2441 = arith.index_cast %swap3A_2440 : i32 to index
      %swap3A_2442 = arith.constant 0 : index
      %swap3A_2443 = tpu.vector_load %arg9[%swap3A_2441, %swap3A_2442] {strides = array<i32>} : memref<64x128xf32, #tpu.memory_space<vmem>>, vector<16xf32>,
      tpu.vector_store %arg9[%swap3A_2441, %swap3A_2442], %broadcast_in_dim3A_36 {strides = array<i32>} : memref<64x128xf32, #tpu.memory_space<vmem>>, vector<16xf32>,
      %swap3A_2444 = arith.constant 39 : i32
      %swap3A_2445 = arith.index_cast %swap3A_2444 : i32 to index
      %swap3A_2446 = arith.constant 16 : index
      %swap3A_2447 = tpu.vector_load %arg9[%swap3A_2445, %swap3A_2446] {strides = array<i32>} : memref<64x128xf32, #tpu.memory_space<vmem>>, vector<16xf32>,
      tpu.vector_store %arg9[%swap3A_2445, %swap3A_2446], %broadcast_in_dim3A_36 {strides = array<i32>} : memref<64x128xf32, #tpu.memory_space<vmem>>, vector<16xf32>,
      %swap3A_2448 = arith.constant 39 : i32
      %swap3A_2449 = arith.index_cast %swap3A_2448 : i32 to index
      %swap3A_2450 = arith.constant 32 : index
      %swap3A_2451 = tpu.vector_load %arg9[%swap3A_2449, %swap3A_2450] {strides = array<i32>} : memref<64x128xf32, #tpu.memory_space<vmem>>, vector<16xf32>,
      tpu.vector_store %arg9[%swap3A_2449, %swap3A_2450], %broadcast_in_dim3A_36 {strides = array<i32>} : memref<64x128xf32, #tpu.memory_space<vmem>>, vector<16xf32>,
      %swap3A_2452 = arith.constant 39 : i32
      %swap3A_2453 = arith.index_cast %swap3A_2452 : i32 to index
      %swap3A_2454 = arith.constant 48 : index
      %swap3A_2455 = tpu.vector_load %arg9[%swap3A_2453, %swap3A_2454] {strides = array<i32>} : memref<64x128xf32, #tpu.memory_space<vmem>>, vector<16xf32>,
      tpu.vector_store %arg9[%swap3A_2453, %swap3A_2454], %broadcast_in_dim3A_36 {strides = array<i32>} : memref<64x128xf32, #tpu.memory_space<vmem>>, vector<16xf32>,
      %swap3A_2456 = arith.constant 39 : i32
      %swap3A_2457 = arith.index_cast %swap3A_2456 : i32 to index
      %swap3A_2458 = arith.constant 64 : index
      %swap3A_2459 = tpu.vector_load %arg9[%swap3A_2457, %swap3A_2458] {strides = array<i32>} : memref<64x128xf32, #tpu.memory_space<vmem>>, vector<16xf32>,
      tpu.vector_store %arg9[%swap3A_2457, %swap3A_2458], %broadcast_in_dim3A_36 {strides = array<i32>} : memref<64x128xf32, #tpu.memory_space<vmem>>, vector<16xf32>,
      %swap3A_2460 = arith.constant 39 : i32
      %swap3A_2461 = arith.index_cast %swap3A_2460 : i32 to index
      %swap3A_2462 = arith.constant 80 : index
      %swap3A_2463 = tpu.vector_load %arg9[%swap3A_2461, %swap3A_2462] {strides = array<i32>} : memref<64x128xf32, #tpu.memory_space<vmem>>, vector<16xf32>,
      tpu.vector_store %arg9[%swap3A_2461, %swap3A_2462], %broadcast_in_dim3A_36 {strides = array<i32>} : memref<64x128xf32, #tpu.memory_space<vmem>>, vector<16xf32>,
      %swap3A_2464 = arith.constant 39 : i32
      %swap3A_2465 = arith.index_cast %swap3A_2464 : i32 to index
      %swap3A_2466 = arith.constant 96 : index
      %swap3A_2467 = tpu.vector_load %arg9[%swap3A_2465, %swap3A_2466] {strides = array<i32>} : memref<64x128xf32, #tpu.memory_space<vmem>>, vector<16xf32>,
      tpu.vector_store %arg9[%swap3A_2465, %swap3A_2466], %broadcast_in_dim3A_36 {strides = array<i32>} : memref<64x128xf32, #tpu.memory_space<vmem>>, vector<16xf32>,
      %swap3A_2468 = arith.constant 39 : i32
      %swap3A_2469 = arith.index_cast %swap3A_2468 : i32 to index
      %swap3A_2470 = arith.constant 112 : index
      %swap3A_2471 = tpu.vector_load %arg9[%swap3A_2469, %swap3A_2470] {strides = array<i32>} : memref<64x128xf32, #tpu.memory_space<vmem>>, vector<16xf32>,
      tpu.vector_store %arg9[%swap3A_2469, %swap3A_2470], %broadcast_in_dim3A_36 {strides = array<i32>} : memref<64x128xf32, #tpu.memory_space<vmem>>, vector<16xf32>,
      %swap3A_2472 = arith.constant 40 : i32
      %swap3A_2473 = arith.index_cast %swap3A_2472 : i32 to index
      %swap3A_2474 = arith.constant 0 : index
      %swap3A_2475 = tpu.vector_load %arg9[%swap3A_2473, %swap3A_2474] {strides = array<i32>} : memref<64x128xf32, #tpu.memory_space<vmem>>, vector<16xf32>,
      tpu.vector_store %arg9[%swap3A_2473, %swap3A_2474], %broadcast_in_dim3A_36 {strides = array<i32>} : memref<64x128xf32, #tpu.memory_space<vmem>>, vector<16xf32>,
      %swap3A_2476 = arith.constant 40 : i32
      %swap3A_2477 = arith.index_cast %swap3A_2476 : i32 to index
      %swap3A_2478 = arith.constant 16 : index
      %swap3A_2479 = tpu.vector_load %arg9[%swap3A_2477, %swap3A_2478] {strides = array<i32>} : memref<64x128xf32, #tpu.memory_space<vmem>>, vector<16xf32>,
      tpu.vector_store %arg9[%swap3A_2477, %swap3A_2478], %broadcast_in_dim3A_36 {strides = array<i32>} : memref<64x128xf32, #tpu.memory_space<vmem>>, vector<16xf32>,
      %swap3A_2480 = arith.constant 40 : i32
      %swap3A_2481 = arith.index_cast %swap3A_2480 : i32 to index
      %swap3A_2482 = arith.constant 32 : index
      %swap3A_2483 = tpu.vector_load %arg9[%swap3A_2481, %swap3A_2482] {strides = array<i32>} : memref<64x128xf32, #tpu.memory_space<vmem>>, vector<16xf32>,
      tpu.vector_store %arg9[%swap3A_2481, %swap3A_2482], %broadcast_in_dim3A_36 {strides = array<i32>} : memref<64x128xf32, #tpu.memory_space<vmem>>, vector<16xf32>,
      %swap3A_2484 = arith.constant 40 : i32
      %swap3A_2485 = arith.index_cast %swap3A_2484 : i32 to index
      %swap3A_2486 = arith.constant 48 : index
      %swap3A_2487 = tpu.vector_load %arg9[%swap3A_2485, %swap3A_2486] {strides = array<i32>} : memref<64x128xf32, #tpu.memory_space<vmem>>, vector<16xf32>,
      tpu.vector_store %arg9[%swap3A_2485, %swap3A_2486], %broadcast_in_dim3A_36 {strides = array<i32>} : memref<64x128xf32, #tpu.memory_space<vmem>>, vector<16xf32>,
      %swap3A_2488 = arith.constant 40 : i32
      %swap3A_2489 = arith.index_cast %swap3A_2488 : i32 to index
      %swap3A_2490 = arith.constant 64 : index
      %swap3A_2491 = tpu.vector_load %arg9[%swap3A_2489, %swap3A_2490] {strides = array<i32>} : memref<64x128xf32, #tpu.memory_space<vmem>>, vector<16xf32>,
      tpu.vector_store %arg9[%swap3A_2489, %swap3A_2490], %broadcast_in_dim3A_36 {strides = array<i32>} : memref<64x128xf32, #tpu.memory_space<vmem>>, vector<16xf32>,
      %swap3A_2492 = arith.constant 40 : i32
      %swap3A_2493 = arith.index_cast %swap3A_2492 : i32 to index
      %swap3A_2494 = arith.constant 80 : index
      %swap3A_2495 = tpu.vector_load %arg9[%swap3A_2493, %swap3A_2494] {strides = array<i32>} : memref<64x128xf32, #tpu.memory_space<vmem>>, vector<16xf32>,
      tpu.vector_store %arg9[%swap3A_2493, %swap3A_2494], %broadcast_in_dim3A_36 {strides = array<i32>} : memref<64x128xf32, #tpu.memory_space<vmem>>, vector<16xf32>,
      %swap3A_2496 = arith.constant 40 : i32
      %swap3A_2497 = arith.index_cast %swap3A_2496 : i32 to index
      %swap3A_2498 = arith.constant 96 : index
      %swap3A_2499 = tpu.vector_load %arg9[%swap3A_2497, %swap3A_2498] {strides = array<i32>} : memref<64x128xf32, #tpu.memory_space<vmem>>, vector<16xf32>,
      tpu.vector_store %arg9[%swap3A_2497, %swap3A_2498], %broadcast_in_dim3A_36 {strides = array<i32>} : memref<64x128xf32, #tpu.memory_space<vmem>>, vector<16xf32>,
      %swap3A_2500 = arith.constant 40 : i32
      %swap3A_2501 = arith.index_cast %swap3A_2500 : i32 to index
      %swap3A_2502 = arith.constant 112 : index
      %swap3A_2503 = tpu.vector_load %arg9[%swap3A_2501, %swap3A_2502] {strides = array<i32>} : memref<64x128xf32, #tpu.memory_space<vmem>>, vector<16xf32>,
      tpu.vector_store %arg9[%swap3A_2501, %swap3A_2502], %broadcast_in_dim3A_36 {strides = array<i32>} : memref<64x128xf32, #tpu.memory_space<vmem>>, vector<16xf32>,
      %swap3A_2504 = arith.constant 41 : i32
      %swap3A_2505 = arith.index_cast %swap3A_2504 : i32 to index
      %swap3A_2506 = arith.constant 0 : index
      %swap3A_2507 = tpu.vector_load %arg9[%swap3A_2505, %swap3A_2506] {strides = array<i32>} : memref<64x128xf32, #tpu.memory_space<vmem>>, vector<16xf32>,
      tpu.vector_store %arg9[%swap3A_2505, %swap3A_2506], %broadcast_in_dim3A_36 {strides = array<i32>} : memref<64x128xf32, #tpu.memory_space<vmem>>, vector<16xf32>,
      %swap3A_2508 = arith.constant 41 : i32
      %swap3A_2509 = arith.index_cast %swap3A_2508 : i32 to index
      %swap3A_2510 = arith.constant 16 : index
      %swap3A_2511 = tpu.vector_load %arg9[%swap3A_2509, %swap3A_2510] {strides = array<i32>} : memref<64x128xf32, #tpu.memory_space<vmem>>, vector<16xf32>,
      tpu.vector_store %arg9[%swap3A_2509, %swap3A_2510], %broadcast_in_dim3A_36 {strides = array<i32>} : memref<64x128xf32, #tpu.memory_space<vmem>>, vector<16xf32>,
      %swap3A_2512 = arith.constant 41 : i32
      %swap3A_2513 = arith.index_cast %swap3A_2512 : i32 to index
      %swap3A_2514 = arith.constant 32 : index
      %swap3A_2515 = tpu.vector_load %arg9[%swap3A_2513, %swap3A_2514] {strides = array<i32>} : memref<64x128xf32, #tpu.memory_space<vmem>>, vector<16xf32>,
      tpu.vector_store %arg9[%swap3A_2513, %swap3A_2514], %broadcast_in_dim3A_36 {strides = array<i32>} : memref<64x128xf32, #tpu.memory_space<vmem>>, vector<16xf32>,
      %swap3A_2516 = arith.constant 41 : i32
      %swap3A_2517 = arith.index_cast %swap3A_2516 : i32 to index
      %swap3A_2518 = arith.constant 48 : index
      %swap3A_2519 = tpu.vector_load %arg9[%swap3A_2517, %swap3A_2518] {strides = array<i32>} : memref<64x128xf32, #tpu.memory_space<vmem>>, vector<16xf32>,
      tpu.vector_store %arg9[%swap3A_2517, %swap3A_2518], %broadcast_in_dim3A_36 {strides = array<i32>} : memref<64x128xf32, #tpu.memory_space<vmem>>, vector<16xf32>,
      %swap3A_2520 = arith.constant 41 : i32
      %swap3A_2521 = arith.index_cast %swap3A_2520 : i32 to index
      %swap3A_2522 = arith.constant 64 : index
      %swap3A_2523 = tpu.vector_load %arg9[%swap3A_2521, %swap3A_2522] {strides = array<i32>} : memref<64x128xf32, #tpu.memory_space<vmem>>, vector<16xf32>,
      tpu.vector_store %arg9[%swap3A_2521, %swap3A_2522], %broadcast_in_dim3A_36 {strides = array<i32>} : memref<64x128xf32, #tpu.memory_space<vmem>>, vector<16xf32>,
      %swap3A_2524 = arith.constant 41 : i32
      %swap3A_2525 = arith.index_cast %swap3A_2524 : i32 to index
      %swap3A_2526 = arith.constant 80 : index
      %swap3A_2527 = tpu.vector_load %arg9[%swap3A_2525, %swap3A_2526] {strides = array<i32>} : memref<64x128xf32, #tpu.memory_space<vmem>>, vector<16xf32>,
      tpu.vector_store %arg9[%swap3A_2525, %swap3A_2526], %broadcast_in_dim3A_36 {strides = array<i32>} : memref<64x128xf32, #tpu.memory_space<vmem>>, vector<16xf32>,
      %swap3A_2528 = arith.constant 41 : i32
      %swap3A_2529 = arith.index_cast %swap3A_2528 : i32 to index
      %swap3A_2530 = arith.constant 96 : index
      %swap3A_2531 = tpu.vector_load %arg9[%swap3A_2529, %swap3A_2530] {strides = array<i32>} : memref<64x128xf32, #tpu.memory_space<vmem>>, vector<16xf32>,
      tpu.vector_store %arg9[%swap3A_2529, %swap3A_2530], %broadcast_in_dim3A_36 {strides = array<i32>} : memref<64x128xf32, #tpu.memory_space<vmem>>, vector<16xf32>,
      %swap3A_2532 = arith.constant 41 : i32
      %swap3A_2533 = arith.index_cast %swap3A_2532 : i32 to index
      %swap3A_2534 = arith.constant 112 : index
      %swap3A_2535 = tpu.vector_load %arg9[%swap3A_2533, %swap3A_2534] {strides = array<i32>} : memref<64x128xf32, #tpu.memory_space<vmem>>, vector<16xf32>,
      tpu.vector_store %arg9[%swap3A_2533, %swap3A_2534], %broadcast_in_dim3A_36 {strides = array<i32>} : memref<64x128xf32, #tpu.memory_space<vmem>>, vector<16xf32>,
      %swap3A_2536 = arith.constant 42 : i32
      %swap3A_2537 = arith.index_cast %swap3A_2536 : i32 to index
      %swap3A_2538 = arith.constant 0 : index
      %swap3A_2539 = tpu.vector_load %arg9[%swap3A_2537, %swap3A_2538] {strides = array<i32>} : memref<64x128xf32, #tpu.memory_space<vmem>>, vector<16xf32>,
      tpu.vector_store %arg9[%swap3A_2537, %swap3A_2538], %broadcast_in_dim3A_36 {strides = array<i32>} : memref<64x128xf32, #tpu.memory_space<vmem>>, vector<16xf32>,
      %swap3A_2540 = arith.constant 42 : i32
      %swap3A_2541 = arith.index_cast %swap3A_2540 : i32 to index
      %swap3A_2542 = arith.constant 16 : index
      %swap3A_2543 = tpu.vector_load %arg9[%swap3A_2541, %swap3A_2542] {strides = array<i32>} : memref<64x128xf32, #tpu.memory_space<vmem>>, vector<16xf32>,
      tpu.vector_store %arg9[%swap3A_2541, %swap3A_2542], %broadcast_in_dim3A_36 {strides = array<i32>} : memref<64x128xf32, #tpu.memory_space<vmem>>, vector<16xf32>,
      %swap3A_2544 = arith.constant 42 : i32
      %swap3A_2545 = arith.index_cast %swap3A_2544 : i32 to index
      %swap3A_2546 = arith.constant 32 : index
      %swap3A_2547 = tpu.vector_load %arg9[%swap3A_2545, %swap3A_2546] {strides = array<i32>} : memref<64x128xf32, #tpu.memory_space<vmem>>, vector<16xf32>,
      tpu.vector_store %arg9[%swap3A_2545, %swap3A_2546], %broadcast_in_dim3A_36 {strides = array<i32>} : memref<64x128xf32, #tpu.memory_space<vmem>>, vector<16xf32>,
      %swap3A_2548 = arith.constant 42 : i32
      %swap3A_2549 = arith.index_cast %swap3A_2548 : i32 to index
      %swap3A_2550 = arith.constant 48 : index
      %swap3A_2551 = tpu.vector_load %arg9[%swap3A_2549, %swap3A_2550] {strides = array<i32>} : memref<64x128xf32, #tpu.memory_space<vmem>>, vector<16xf32>,
      tpu.vector_store %arg9[%swap3A_2549, %swap3A_2550], %broadcast_in_dim3A_36 {strides = array<i32>} : memref<64x128xf32, #tpu.memory_space<vmem>>, vector<16xf32>,
      %swap3A_2552 = arith.constant 42 : i32
      %swap3A_2553 = arith.index_cast %swap3A_2552 : i32 to index
      %swap3A_2554 = arith.constant 64 : index
      %swap3A_2555 = tpu.vector_load %arg9[%swap3A_2553, %swap3A_2554] {strides = array<i32>} : memref<64x128xf32, #tpu.memory_space<vmem>>, vector<16xf32>,
      tpu.vector_store %arg9[%swap3A_2553, %swap3A_2554], %broadcast_in_dim3A_36 {strides = array<i32>} : memref<64x128xf32, #tpu.memory_space<vmem>>, vector<16xf32>,
      %swap3A_2556 = arith.constant 42 : i32
      %swap3A_2557 = arith.index_cast %swap3A_2556 : i32 to index
      %swap3A_2558 = arith.constant 80 : index
      %swap3A_2559 = tpu.vector_load %arg9[%swap3A_2557, %swap3A_2558] {strides = array<i32>} : memref<64x128xf32, #tpu.memory_space<vmem>>, vector<16xf32>,
      tpu.vector_store %arg9[%swap3A_2557, %swap3A_2558], %broadcast_in_dim3A_36 {strides = array<i32>} : memref<64x128xf32, #tpu.memory_space<vmem>>, vector<16xf32>,
      %swap3A_2560 = arith.constant 42 : i32
      %swap3A_2561 = arith.index_cast %swap3A_2560 : i32 to index
      %swap3A_2562 = arith.constant 96 : index
      %swap3A_2563 = tpu.vector_load %arg9[%swap3A_2561, %swap3A_2562] {strides = array<i32>} : memref<64x128xf32, #tpu.memory_space<vmem>>, vector<16xf32>,
      tpu.vector_store %arg9[%swap3A_2561, %swap3A_2562], %broadcast_in_dim3A_36 {strides = array<i32>} : memref<64x128xf32, #tpu.memory_space<vmem>>, vector<16xf32>,
      %swap3A_2564 = arith.constant 42 : i32
      %swap3A_2565 = arith.index_cast %swap3A_2564 : i32 to index
      %swap3A_2566 = arith.constant 112 : index
      %swap3A_2567 = tpu.vector_load %arg9[%swap3A_2565, %swap3A_2566] {strides = array<i32>} : memref<64x128xf32, #tpu.memory_space<vmem>>, vector<16xf32>,
      tpu.vector_store %arg9[%swap3A_2565, %swap3A_2566], %broadcast_in_dim3A_36 {strides = array<i32>} : memref<64x128xf32, #tpu.memory_space<vmem>>, vector<16xf32>,
      %swap3A_2568 = arith.constant 43 : i32
      %swap3A_2569 = arith.index_cast %swap3A_2568 : i32 to index
      %swap3A_2570 = arith.constant 0 : index
      %swap3A_2571 = tpu.vector_load %arg9[%swap3A_2569, %swap3A_2570] {strides = array<i32>} : memref<64x128xf32, #tpu.memory_space<vmem>>, vector<16xf32>,
      tpu.vector_store %arg9[%swap3A_2569, %swap3A_2570], %broadcast_in_dim3A_36 {strides = array<i32>} : memref<64x128xf32, #tpu.memory_space<vmem>>, vector<16xf32>,
      %swap3A_2572 = arith.constant 43 : i32
      %swap3A_2573 = arith.index_cast %swap3A_2572 : i32 to index
      %swap3A_2574 = arith.constant 16 : index
      %swap3A_2575 = tpu.vector_load %arg9[%swap3A_2573, %swap3A_2574] {strides = array<i32>} : memref<64x128xf32, #tpu.memory_space<vmem>>, vector<16xf32>,
      tpu.vector_store %arg9[%swap3A_2573, %swap3A_2574], %broadcast_in_dim3A_36 {strides = array<i32>} : memref<64x128xf32, #tpu.memory_space<vmem>>, vector<16xf32>,
      %swap3A_2576 = arith.constant 43 : i32
      %swap3A_2577 = arith.index_cast %swap3A_2576 : i32 to index
      %swap3A_2578 = arith.constant 32 : index
      %swap3A_2579 = tpu.vector_load %arg9[%swap3A_2577, %swap3A_2578] {strides = array<i32>} : memref<64x128xf32, #tpu.memory_space<vmem>>, vector<16xf32>,
      tpu.vector_store %arg9[%swap3A_2577, %swap3A_2578], %broadcast_in_dim3A_36 {strides = array<i32>} : memref<64x128xf32, #tpu.memory_space<vmem>>, vector<16xf32>,
      %swap3A_2580 = arith.constant 43 : i32
      %swap3A_2581 = arith.index_cast %swap3A_2580 : i32 to index
      %swap3A_2582 = arith.constant 48 : index
      %swap3A_2583 = tpu.vector_load %arg9[%swap3A_2581, %swap3A_2582] {strides = array<i32>} : memref<64x128xf32, #tpu.memory_space<vmem>>, vector<16xf32>,
      tpu.vector_store %arg9[%swap3A_2581, %swap3A_2582], %broadcast_in_dim3A_36 {strides = array<i32>} : memref<64x128xf32, #tpu.memory_space<vmem>>, vector<16xf32>,
      %swap3A_2584 = arith.constant 43 : i32
      %swap3A_2585 = arith.index_cast %swap3A_2584 : i32 to index
      %swap3A_2586 = arith.constant 64 : index
      %swap3A_2587 = tpu.vector_load %arg9[%swap3A_2585, %swap3A_2586] {strides = array<i32>} : memref<64x128xf32, #tpu.memory_space<vmem>>, vector<16xf32>,
      tpu.vector_store %arg9[%swap3A_2585, %swap3A_2586], %broadcast_in_dim3A_36 {strides = array<i32>} : memref<64x128xf32, #tpu.memory_space<vmem>>, vector<16xf32>,
      %swap3A_2588 = arith.constant 43 : i32
      %swap3A_2589 = arith.index_cast %swap3A_2588 : i32 to index
      %swap3A_2590 = arith.constant 80 : index
      %swap3A_2591 = tpu.vector_load %arg9[%swap3A_2589, %swap3A_2590] {strides = array<i32>} : memref<64x128xf32, #tpu.memory_space<vmem>>, vector<16xf32>,
      tpu.vector_store %arg9[%swap3A_2589, %swap3A_2590], %broadcast_in_dim3A_36 {strides = array<i32>} : memref<64x128xf32, #tpu.memory_space<vmem>>, vector<16xf32>,
      %swap3A_2592 = arith.constant 43 : i32
      %swap3A_2593 = arith.index_cast %swap3A_2592 : i32 to index
      %swap3A_2594 = arith.constant 96 : index
      %swap3A_2595 = tpu.vector_load %arg9[%swap3A_2593, %swap3A_2594] {strides = array<i32>} : memref<64x128xf32, #tpu.memory_space<vmem>>, vector<16xf32>,
      tpu.vector_store %arg9[%swap3A_2593, %swap3A_2594], %broadcast_in_dim3A_36 {strides = array<i32>} : memref<64x128xf32, #tpu.memory_space<vmem>>, vector<16xf32>,
      %swap3A_2596 = arith.constant 43 : i32
      %swap3A_2597 = arith.index_cast %swap3A_2596 : i32 to index
      %swap3A_2598 = arith.constant 112 : index
      %swap3A_2599 = tpu.vector_load %arg9[%swap3A_2597, %swap3A_2598] {strides = array<i32>} : memref<64x128xf32, #tpu.memory_space<vmem>>, vector<16xf32>,
      tpu.vector_store %arg9[%swap3A_2597, %swap3A_2598], %broadcast_in_dim3A_36 {strides = array<i32>} : memref<64x128xf32, #tpu.memory_space<vmem>>, vector<16xf32>,
      %swap3A_2600 = arith.constant 44 : i32
      %swap3A_2601 = arith.index_cast %swap3A_2600 : i32 to index
      %swap3A_2602 = arith.constant 0 : index
      %swap3A_2603 = tpu.vector_load %arg9[%swap3A_2601, %swap3A_2602] {strides = array<i32>} : memref<64x128xf32, #tpu.memory_space<vmem>>, vector<16xf32>,
      tpu.vector_store %arg9[%swap3A_2601, %swap3A_2602], %broadcast_in_dim3A_36 {strides = array<i32>} : memref<64x128xf32, #tpu.memory_space<vmem>>, vector<16xf32>,
      %swap3A_2604 = arith.constant 44 : i32
      %swap3A_2605 = arith.index_cast %swap3A_2604 : i32 to index
      %swap3A_2606 = arith.constant 16 : index
      %swap3A_2607 = tpu.vector_load %arg9[%swap3A_2605, %swap3A_2606] {strides = array<i32>} : memref<64x128xf32, #tpu.memory_space<vmem>>, vector<16xf32>,
      tpu.vector_store %arg9[%swap3A_2605, %swap3A_2606], %broadcast_in_dim3A_36 {strides = array<i32>} : memref<64x128xf32, #tpu.memory_space<vmem>>, vector<16xf32>,
      %swap3A_2608 = arith.constant 44 : i32
      %swap3A_2609 = arith.index_cast %swap3A_2608 : i32 to index
      %swap3A_2610 = arith.constant 32 : index
      %swap3A_2611 = tpu.vector_load %arg9[%swap3A_2609, %swap3A_2610] {strides = array<i32>} : memref<64x128xf32, #tpu.memory_space<vmem>>, vector<16xf32>,
      tpu.vector_store %arg9[%swap3A_2609, %swap3A_2610], %broadcast_in_dim3A_36 {strides = array<i32>} : memref<64x128xf32, #tpu.memory_space<vmem>>, vector<16xf32>,
      %swap3A_2612 = arith.constant 44 : i32
      %swap3A_2613 = arith.index_cast %swap3A_2612 : i32 to index
      %swap3A_2614 = arith.constant 48 : index
      %swap3A_2615 = tpu.vector_load %arg9[%swap3A_2613, %swap3A_2614] {strides = array<i32>} : memref<64x128xf32, #tpu.memory_space<vmem>>, vector<16xf32>,
      tpu.vector_store %arg9[%swap3A_2613, %swap3A_2614], %broadcast_in_dim3A_36 {strides = array<i32>} : memref<64x128xf32, #tpu.memory_space<vmem>>, vector<16xf32>,
      %swap3A_2616 = arith.constant 44 : i32
      %swap3A_2617 = arith.index_cast %swap3A_2616 : i32 to index
      %swap3A_2618 = arith.constant 64 : index
      %swap3A_2619 = tpu.vector_load %arg9[%swap3A_2617, %swap3A_2618] {strides = array<i32>} : memref<64x128xf32, #tpu.memory_space<vmem>>, vector<16xf32>,
      tpu.vector_store %arg9[%swap3A_2617, %swap3A_2618], %broadcast_in_dim3A_36 {strides = array<i32>} : memref<64x128xf32, #tpu.memory_space<vmem>>, vector<16xf32>,
      %swap3A_2620 = arith.constant 44 : i32
      %swap3A_2621 = arith.index_cast %swap3A_2620 : i32 to index
      %swap3A_2622 = arith.constant 80 : index
      %swap3A_2623 = tpu.vector_load %arg9[%swap3A_2621, %swap3A_2622] {strides = array<i32>} : memref<64x128xf32, #tpu.memory_space<vmem>>, vector<16xf32>,
      tpu.vector_store %arg9[%swap3A_2621, %swap3A_2622], %broadcast_in_dim3A_36 {strides = array<i32>} : memref<64x128xf32, #tpu.memory_space<vmem>>, vector<16xf32>,
      %swap3A_2624 = arith.constant 44 : i32
      %swap3A_2625 = arith.index_cast %swap3A_2624 : i32 to index
      %swap3A_2626 = arith.constant 96 : index
      %swap3A_2627 = tpu.vector_load %arg9[%swap3A_2625, %swap3A_2626] {strides = array<i32>} : memref<64x128xf32, #tpu.memory_space<vmem>>, vector<16xf32>,
      tpu.vector_store %arg9[%swap3A_2625, %swap3A_2626], %broadcast_in_dim3A_36 {strides = array<i32>} : memref<64x128xf32, #tpu.memory_space<vmem>>, vector<16xf32>,
      %swap3A_2628 = arith.constant 44 : i32
      %swap3A_2629 = arith.index_cast %swap3A_2628 : i32 to index
      %swap3A_2630 = arith.constant 112 : index
      %swap3A_2631 = tpu.vector_load %arg9[%swap3A_2629, %swap3A_2630] {strides = array<i32>} : memref<64x128xf32, #tpu.memory_space<vmem>>, vector<16xf32>,
      tpu.vector_store %arg9[%swap3A_2629, %swap3A_2630], %broadcast_in_dim3A_36 {strides = array<i32>} : memref<64x128xf32, #tpu.memory_space<vmem>>, vector<16xf32>,
      %swap3A_2632 = arith.constant 45 : i32
      %swap3A_2633 = arith.index_cast %swap3A_2632 : i32 to index
      %swap3A_2634 = arith.constant 0 : index
      %swap3A_2635 = tpu.vector_load %arg9[%swap3A_2633, %swap3A_2634] {strides = array<i32>} : memref<64x128xf32, #tpu.memory_space<vmem>>, vector<16xf32>,
      tpu.vector_store %arg9[%swap3A_2633, %swap3A_2634], %broadcast_in_dim3A_36 {strides = array<i32>} : memref<64x128xf32, #tpu.memory_space<vmem>>, vector<16xf32>,
      %swap3A_2636 = arith.constant 45 : i32
      %swap3A_2637 = arith.index_cast %swap3A_2636 : i32 to index
      %swap3A_2638 = arith.constant 16 : index
      %swap3A_2639 = tpu.vector_load %arg9[%swap3A_2637, %swap3A_2638] {strides = array<i32>} : memref<64x128xf32, #tpu.memory_space<vmem>>, vector<16xf32>,
      tpu.vector_store %arg9[%swap3A_2637, %swap3A_2638], %broadcast_in_dim3A_36 {strides = array<i32>} : memref<64x128xf32, #tpu.memory_space<vmem>>, vector<16xf32>,
      %swap3A_2640 = arith.constant 45 : i32
      %swap3A_2641 = arith.index_cast %swap3A_2640 : i32 to index
      %swap3A_2642 = arith.constant 32 : index
      %swap3A_2643 = tpu.vector_load %arg9[%swap3A_2641, %swap3A_2642] {strides = array<i32>} : memref<64x128xf32, #tpu.memory_space<vmem>>, vector<16xf32>,
      tpu.vector_store %arg9[%swap3A_2641, %swap3A_2642], %broadcast_in_dim3A_36 {strides = array<i32>} : memref<64x128xf32, #tpu.memory_space<vmem>>, vector<16xf32>,
      %swap3A_2644 = arith.constant 45 : i32
      %swap3A_2645 = arith.index_cast %swap3A_2644 : i32 to index
      %swap3A_2646 = arith.constant 48 : index
      %swap3A_2647 = tpu.vector_load %arg9[%swap3A_2645, %swap3A_2646] {strides = array<i32>} : memref<64x128xf32, #tpu.memory_space<vmem>>, vector<16xf32>,
      tpu.vector_store %arg9[%swap3A_2645, %swap3A_2646], %broadcast_in_dim3A_36 {strides = array<i32>} : memref<64x128xf32, #tpu.memory_space<vmem>>, vector<16xf32>,
      %swap3A_2648 = arith.constant 45 : i32
      %swap3A_2649 = arith.index_cast %swap3A_2648 : i32 to index
      %swap3A_2650 = arith.constant 64 : index
      %swap3A_2651 = tpu.vector_load %arg9[%swap3A_2649, %swap3A_2650] {strides = array<i32>} : memref<64x128xf32, #tpu.memory_space<vmem>>, vector<16xf32>,
      tpu.vector_store %arg9[%swap3A_2649, %swap3A_2650], %broadcast_in_dim3A_36 {strides = array<i32>} : memref<64x128xf32, #tpu.memory_space<vmem>>, vector<16xf32>,
      %swap3A_2652 = arith.constant 45 : i32
      %swap3A_2653 = arith.index_cast %swap3A_2652 : i32 to index
      %swap3A_2654 = arith.constant 80 : index
      %swap3A_2655 = tpu.vector_load %arg9[%swap3A_2653, %swap3A_2654] {strides = array<i32>} : memref<64x128xf32, #tpu.memory_space<vmem>>, vector<16xf32>,
      tpu.vector_store %arg9[%swap3A_2653, %swap3A_2654], %broadcast_in_dim3A_36 {strides = array<i32>} : memref<64x128xf32, #tpu.memory_space<vmem>>, vector<16xf32>,
      %swap3A_2656 = arith.constant 45 : i32
      %swap3A_2657 = arith.index_cast %swap3A_2656 : i32 to index
      %swap3A_2658 = arith.constant 96 : index
      %swap3A_2659 = tpu.vector_load %arg9[%swap3A_2657, %swap3A_2658] {strides = array<i32>} : memref<64x128xf32, #tpu.memory_space<vmem>>, vector<16xf32>,
      tpu.vector_store %arg9[%swap3A_2657, %swap3A_2658], %broadcast_in_dim3A_36 {strides = array<i32>} : memref<64x128xf32, #tpu.memory_space<vmem>>, vector<16xf32>,
      %swap3A_2660 = arith.constant 45 : i32
      %swap3A_2661 = arith.index_cast %swap3A_2660 : i32 to index
      %swap3A_2662 = arith.constant 112 : index
      %swap3A_2663 = tpu.vector_load %arg9[%swap3A_2661, %swap3A_2662] {strides = array<i32>} : memref<64x128xf32, #tpu.memory_space<vmem>>, vector<16xf32>,
      tpu.vector_store %arg9[%swap3A_2661, %swap3A_2662], %broadcast_in_dim3A_36 {strides = array<i32>} : memref<64x128xf32, #tpu.memory_space<vmem>>, vector<16xf32>,
      %swap3A_2664 = arith.constant 46 : i32
      %swap3A_2665 = arith.index_cast %swap3A_2664 : i32 to index
      %swap3A_2666 = arith.constant 0 : index
      %swap3A_2667 = tpu.vector_load %arg9[%swap3A_2665, %swap3A_2666] {strides = array<i32>} : memref<64x128xf32, #tpu.memory_space<vmem>>, vector<16xf32>,
      tpu.vector_store %arg9[%swap3A_2665, %swap3A_2666], %broadcast_in_dim3A_36 {strides = array<i32>} : memref<64x128xf32, #tpu.memory_space<vmem>>, vector<16xf32>,
      %swap3A_2668 = arith.constant 46 : i32
      %swap3A_2669 = arith.index_cast %swap3A_2668 : i32 to index
      %swap3A_2670 = arith.constant 16 : index
      %swap3A_2671 = tpu.vector_load %arg9[%swap3A_2669, %swap3A_2670] {strides = array<i32>} : memref<64x128xf32, #tpu.memory_space<vmem>>, vector<16xf32>,
      tpu.vector_store %arg9[%swap3A_2669, %swap3A_2670], %broadcast_in_dim3A_36 {strides = array<i32>} : memref<64x128xf32, #tpu.memory_space<vmem>>, vector<16xf32>,
      %swap3A_2672 = arith.constant 46 : i32
      %swap3A_2673 = arith.index_cast %swap3A_2672 : i32 to index
      %swap3A_2674 = arith.constant 32 : index
      %swap3A_2675 = tpu.vector_load %arg9[%swap3A_2673, %swap3A_2674] {strides = array<i32>} : memref<64x128xf32, #tpu.memory_space<vmem>>, vector<16xf32>,
      tpu.vector_store %arg9[%swap3A_2673, %swap3A_2674], %broadcast_in_dim3A_36 {strides = array<i32>} : memref<64x128xf32, #tpu.memory_space<vmem>>, vector<16xf32>,
      %swap3A_2676 = arith.constant 46 : i32
      %swap3A_2677 = arith.index_cast %swap3A_2676 : i32 to index
      %swap3A_2678 = arith.constant 48 : index
      %swap3A_2679 = tpu.vector_load %arg9[%swap3A_2677, %swap3A_2678] {strides = array<i32>} : memref<64x128xf32, #tpu.memory_space<vmem>>, vector<16xf32>,
      tpu.vector_store %arg9[%swap3A_2677, %swap3A_2678], %broadcast_in_dim3A_36 {strides = array<i32>} : memref<64x128xf32, #tpu.memory_space<vmem>>, vector<16xf32>,
      %swap3A_2680 = arith.constant 46 : i32
      %swap3A_2681 = arith.index_cast %swap3A_2680 : i32 to index
      %swap3A_2682 = arith.constant 64 : index
      %swap3A_2683 = tpu.vector_load %arg9[%swap3A_2681, %swap3A_2682] {strides = array<i32>} : memref<64x128xf32, #tpu.memory_space<vmem>>, vector<16xf32>,
      tpu.vector_store %arg9[%swap3A_2681, %swap3A_2682], %broadcast_in_dim3A_36 {strides = array<i32>} : memref<64x128xf32, #tpu.memory_space<vmem>>, vector<16xf32>,
      %swap3A_2684 = arith.constant 46 : i32
      %swap3A_2685 = arith.index_cast %swap3A_2684 : i32 to index
      %swap3A_2686 = arith.constant 80 : index
      %swap3A_2687 = tpu.vector_load %arg9[%swap3A_2685, %swap3A_2686] {strides = array<i32>} : memref<64x128xf32, #tpu.memory_space<vmem>>, vector<16xf32>,
      tpu.vector_store %arg9[%swap3A_2685, %swap3A_2686], %broadcast_in_dim3A_36 {strides = array<i32>} : memref<64x128xf32, #tpu.memory_space<vmem>>, vector<16xf32>,
      %swap3A_2688 = arith.constant 46 : i32
      %swap3A_2689 = arith.index_cast %swap3A_2688 : i32 to index
      %swap3A_2690 = arith.constant 96 : index
      %swap3A_2691 = tpu.vector_load %arg9[%swap3A_2689, %swap3A_2690] {strides = array<i32>} : memref<64x128xf32, #tpu.memory_space<vmem>>, vector<16xf32>,
      tpu.vector_store %arg9[%swap3A_2689, %swap3A_2690], %broadcast_in_dim3A_36 {strides = array<i32>} : memref<64x128xf32, #tpu.memory_space<vmem>>, vector<16xf32>,
      %swap3A_2692 = arith.constant 46 : i32
      %swap3A_2693 = arith.index_cast %swap3A_2692 : i32 to index
      %swap3A_2694 = arith.constant 112 : index
      %swap3A_2695 = tpu.vector_load %arg9[%swap3A_2693, %swap3A_2694] {strides = array<i32>} : memref<64x128xf32, #tpu.memory_space<vmem>>, vector<16xf32>,
      tpu.vector_store %arg9[%swap3A_2693, %swap3A_2694], %broadcast_in_dim3A_36 {strides = array<i32>} : memref<64x128xf32, #tpu.memory_space<vmem>>, vector<16xf32>,
      %swap3A_2696 = arith.constant 47 : i32
      %swap3A_2697 = arith.index_cast %swap3A_2696 : i32 to index
      %swap3A_2698 = arith.constant 0 : index
      %swap3A_2699 = tpu.vector_load %arg9[%swap3A_2697, %swap3A_2698] {strides = array<i32>} : memref<64x128xf32, #tpu.memory_space<vmem>>, vector<16xf32>,
      tpu.vector_store %arg9[%swap3A_2697, %swap3A_2698], %broadcast_in_dim3A_36 {strides = array<i32>} : memref<64x128xf32, #tpu.memory_space<vmem>>, vector<16xf32>,
      %swap3A_2700 = arith.constant 47 : i32
      %swap3A_2701 = arith.index_cast %swap3A_2700 : i32 to index
      %swap3A_2702 = arith.constant 16 : index
      %swap3A_2703 = tpu.vector_load %arg9[%swap3A_2701, %swap3A_2702] {strides = array<i32>} : memref<64x128xf32, #tpu.memory_space<vmem>>, vector<16xf32>,
      tpu.vector_store %arg9[%swap3A_2701, %swap3A_2702], %broadcast_in_dim3A_36 {strides = array<i32>} : memref<64x128xf32, #tpu.memory_space<vmem>>, vector<16xf32>,
      %swap3A_2704 = arith.constant 47 : i32
      %swap3A_2705 = arith.index_cast %swap3A_2704 : i32 to index
      %swap3A_2706 = arith.constant 32 : index
      %swap3A_2707 = tpu.vector_load %arg9[%swap3A_2705, %swap3A_2706] {strides = array<i32>} : memref<64x128xf32, #tpu.memory_space<vmem>>, vector<16xf32>,
      tpu.vector_store %arg9[%swap3A_2705, %swap3A_2706], %broadcast_in_dim3A_36 {strides = array<i32>} : memref<64x128xf32, #tpu.memory_space<vmem>>, vector<16xf32>,
      %swap3A_2708 = arith.constant 47 : i32
      %swap3A_2709 = arith.index_cast %swap3A_2708 : i32 to index
      %swap3A_2710 = arith.constant 48 : index
      %swap3A_2711 = tpu.vector_load %arg9[%swap3A_2709, %swap3A_2710] {strides = array<i32>} : memref<64x128xf32, #tpu.memory_space<vmem>>, vector<16xf32>,
      tpu.vector_store %arg9[%swap3A_2709, %swap3A_2710], %broadcast_in_dim3A_36 {strides = array<i32>} : memref<64x128xf32, #tpu.memory_space<vmem>>, vector<16xf32>,
      %swap3A_2712 = arith.constant 47 : i32
      %swap3A_2713 = arith.index_cast %swap3A_2712 : i32 to index
      %swap3A_2714 = arith.constant 64 : index
      %swap3A_2715 = tpu.vector_load %arg9[%swap3A_2713, %swap3A_2714] {strides = array<i32>} : memref<64x128xf32, #tpu.memory_space<vmem>>, vector<16xf32>,
      tpu.vector_store %arg9[%swap3A_2713, %swap3A_2714], %broadcast_in_dim3A_36 {strides = array<i32>} : memref<64x128xf32, #tpu.memory_space<vmem>>, vector<16xf32>,
      %swap3A_2716 = arith.constant 47 : i32
      %swap3A_2717 = arith.index_cast %swap3A_2716 : i32 to index
      %swap3A_2718 = arith.constant 80 : index
      %swap3A_2719 = tpu.vector_load %arg9[%swap3A_2717, %swap3A_2718] {strides = array<i32>} : memref<64x128xf32, #tpu.memory_space<vmem>>, vector<16xf32>,
      tpu.vector_store %arg9[%swap3A_2717, %swap3A_2718], %broadcast_in_dim3A_36 {strides = array<i32>} : memref<64x128xf32, #tpu.memory_space<vmem>>, vector<16xf32>,
      %swap3A_2720 = arith.constant 47 : i32
      %swap3A_2721 = arith.index_cast %swap3A_2720 : i32 to index
      %swap3A_2722 = arith.constant 96 : index
      %swap3A_2723 = tpu.vector_load %arg9[%swap3A_2721, %swap3A_2722] {strides = array<i32>} : memref<64x128xf32, #tpu.memory_space<vmem>>, vector<16xf32>,
      tpu.vector_store %arg9[%swap3A_2721, %swap3A_2722], %broadcast_in_dim3A_36 {strides = array<i32>} : memref<64x128xf32, #tpu.memory_space<vmem>>, vector<16xf32>,
      %swap3A_2724 = arith.constant 47 : i32
      %swap3A_2725 = arith.index_cast %swap3A_2724 : i32 to index
      %swap3A_2726 = arith.constant 112 : index
      %swap3A_2727 = tpu.vector_load %arg9[%swap3A_2725, %swap3A_2726] {strides = array<i32>} : memref<64x128xf32, #tpu.memory_space<vmem>>, vector<16xf32>,
      tpu.vector_store %arg9[%swap3A_2725, %swap3A_2726], %broadcast_in_dim3A_36 {strides = array<i32>} : memref<64x128xf32, #tpu.memory_space<vmem>>, vector<16xf32>,
      %swap3A_2728 = arith.constant 48 : i32
      %swap3A_2729 = arith.index_cast %swap3A_2728 : i32 to index
      %swap3A_2730 = arith.constant 0 : index
      %swap3A_2731 = tpu.vector_load %arg9[%swap3A_2729, %swap3A_2730] {strides = array<i32>} : memref<64x128xf32, #tpu.memory_space<vmem>>, vector<16xf32>,
      tpu.vector_store %arg9[%swap3A_2729, %swap3A_2730], %broadcast_in_dim3A_36 {strides = array<i32>} : memref<64x128xf32, #tpu.memory_space<vmem>>, vector<16xf32>,
      %swap3A_2732 = arith.constant 48 : i32
      %swap3A_2733 = arith.index_cast %swap3A_2732 : i32 to index
      %swap3A_2734 = arith.constant 16 : index
      %swap3A_2735 = tpu.vector_load %arg9[%swap3A_2733, %swap3A_2734] {strides = array<i32>} : memref<64x128xf32, #tpu.memory_space<vmem>>, vector<16xf32>,
      tpu.vector_store %arg9[%swap3A_2733, %swap3A_2734], %broadcast_in_dim3A_36 {strides = array<i32>} : memref<64x128xf32, #tpu.memory_space<vmem>>, vector<16xf32>,
      %swap3A_2736 = arith.constant 48 : i32
      %swap3A_2737 = arith.index_cast %swap3A_2736 : i32 to index
      %swap3A_2738 = arith.constant 32 : index
      %swap3A_2739 = tpu.vector_load %arg9[%swap3A_2737, %swap3A_2738] {strides = array<i32>} : memref<64x128xf32, #tpu.memory_space<vmem>>, vector<16xf32>,
      tpu.vector_store %arg9[%swap3A_2737, %swap3A_2738], %broadcast_in_dim3A_36 {strides = array<i32>} : memref<64x128xf32, #tpu.memory_space<vmem>>, vector<16xf32>,
      %swap3A_2740 = arith.constant 48 : i32
      %swap3A_2741 = arith.index_cast %swap3A_2740 : i32 to index
      %swap3A_2742 = arith.constant 48 : index
      %swap3A_2743 = tpu.vector_load %arg9[%swap3A_2741, %swap3A_2742] {strides = array<i32>} : memref<64x128xf32, #tpu.memory_space<vmem>>, vector<16xf32>,
      tpu.vector_store %arg9[%swap3A_2741, %swap3A_2742], %broadcast_in_dim3A_36 {strides = array<i32>} : memref<64x128xf32, #tpu.memory_space<vmem>>, vector<16xf32>,
      %swap3A_2744 = arith.constant 48 : i32
      %swap3A_2745 = arith.index_cast %swap3A_2744 : i32 to index
      %swap3A_2746 = arith.constant 64 : index
      %swap3A_2747 = tpu.vector_load %arg9[%swap3A_2745, %swap3A_2746] {strides = array<i32>} : memref<64x128xf32, #tpu.memory_space<vmem>>, vector<16xf32>,
      tpu.vector_store %arg9[%swap3A_2745, %swap3A_2746], %broadcast_in_dim3A_36 {strides = array<i32>} : memref<64x128xf32, #tpu.memory_space<vmem>>, vector<16xf32>,
      %swap3A_2748 = arith.constant 48 : i32
      %swap3A_2749 = arith.index_cast %swap3A_2748 : i32 to index
      %swap3A_2750 = arith.constant 80 : index
      %swap3A_2751 = tpu.vector_load %arg9[%swap3A_2749, %swap3A_2750] {strides = array<i32>} : memref<64x128xf32, #tpu.memory_space<vmem>>, vector<16xf32>,
      tpu.vector_store %arg9[%swap3A_2749, %swap3A_2750], %broadcast_in_dim3A_36 {strides = array<i32>} : memref<64x128xf32, #tpu.memory_space<vmem>>, vector<16xf32>,
      %swap3A_2752 = arith.constant 48 : i32
      %swap3A_2753 = arith.index_cast %swap3A_2752 : i32 to index
      %swap3A_2754 = arith.constant 96 : index
      %swap3A_2755 = tpu.vector_load %arg9[%swap3A_2753, %swap3A_2754] {strides = array<i32>} : memref<64x128xf32, #tpu.memory_space<vmem>>, vector<16xf32>,
      tpu.vector_store %arg9[%swap3A_2753, %swap3A_2754], %broadcast_in_dim3A_36 {strides = array<i32>} : memref<64x128xf32, #tpu.memory_space<vmem>>, vector<16xf32>,
      %swap3A_2756 = arith.constant 48 : i32
      %swap3A_2757 = arith.index_cast %swap3A_2756 : i32 to index
      %swap3A_2758 = arith.constant 112 : index
      %swap3A_2759 = tpu.vector_load %arg9[%swap3A_2757, %swap3A_2758] {strides = array<i32>} : memref<64x128xf32, #tpu.memory_space<vmem>>, vector<16xf32>,
      tpu.vector_store %arg9[%swap3A_2757, %swap3A_2758], %broadcast_in_dim3A_36 {strides = array<i32>} : memref<64x128xf32, #tpu.memory_space<vmem>>, vector<16xf32>,
      %swap3A_2760 = arith.constant 49 : i32
      %swap3A_2761 = arith.index_cast %swap3A_2760 : i32 to index
      %swap3A_2762 = arith.constant 0 : index
      %swap3A_2763 = tpu.vector_load %arg9[%swap3A_2761, %swap3A_2762] {strides = array<i32>} : memref<64x128xf32, #tpu.memory_space<vmem>>, vector<16xf32>,
      tpu.vector_store %arg9[%swap3A_2761, %swap3A_2762], %broadcast_in_dim3A_36 {strides = array<i32>} : memref<64x128xf32, #tpu.memory_space<vmem>>, vector<16xf32>,
      %swap3A_2764 = arith.constant 49 : i32
      %swap3A_2765 = arith.index_cast %swap3A_2764 : i32 to index
      %swap3A_2766 = arith.constant 16 : index
      %swap3A_2767 = tpu.vector_load %arg9[%swap3A_2765, %swap3A_2766] {strides = array<i32>} : memref<64x128xf32, #tpu.memory_space<vmem>>, vector<16xf32>,
      tpu.vector_store %arg9[%swap3A_2765, %swap3A_2766], %broadcast_in_dim3A_36 {strides = array<i32>} : memref<64x128xf32, #tpu.memory_space<vmem>>, vector<16xf32>,
      %swap3A_2768 = arith.constant 49 : i32
      %swap3A_2769 = arith.index_cast %swap3A_2768 : i32 to index
      %swap3A_2770 = arith.constant 32 : index
      %swap3A_2771 = tpu.vector_load %arg9[%swap3A_2769, %swap3A_2770] {strides = array<i32>} : memref<64x128xf32, #tpu.memory_space<vmem>>, vector<16xf32>,
      tpu.vector_store %arg9[%swap3A_2769, %swap3A_2770], %broadcast_in_dim3A_36 {strides = array<i32>} : memref<64x128xf32, #tpu.memory_space<vmem>>, vector<16xf32>,
      %swap3A_2772 = arith.constant 49 : i32
      %swap3A_2773 = arith.index_cast %swap3A_2772 : i32 to index
      %swap3A_2774 = arith.constant 48 : index
      %swap3A_2775 = tpu.vector_load %arg9[%swap3A_2773, %swap3A_2774] {strides = array<i32>} : memref<64x128xf32, #tpu.memory_space<vmem>>, vector<16xf32>,
      tpu.vector_store %arg9[%swap3A_2773, %swap3A_2774], %broadcast_in_dim3A_36 {strides = array<i32>} : memref<64x128xf32, #tpu.memory_space<vmem>>, vector<16xf32>,
      %swap3A_2776 = arith.constant 49 : i32
      %swap3A_2777 = arith.index_cast %swap3A_2776 : i32 to index
      %swap3A_2778 = arith.constant 64 : index
      %swap3A_2779 = tpu.vector_load %arg9[%swap3A_2777, %swap3A_2778] {strides = array<i32>} : memref<64x128xf32, #tpu.memory_space<vmem>>, vector<16xf32>,
      tpu.vector_store %arg9[%swap3A_2777, %swap3A_2778], %broadcast_in_dim3A_36 {strides = array<i32>} : memref<64x128xf32, #tpu.memory_space<vmem>>, vector<16xf32>,
      %swap3A_2780 = arith.constant 49 : i32
      %swap3A_2781 = arith.index_cast %swap3A_2780 : i32 to index
      %swap3A_2782 = arith.constant 80 : index
      %swap3A_2783 = tpu.vector_load %arg9[%swap3A_2781, %swap3A_2782] {strides = array<i32>} : memref<64x128xf32, #tpu.memory_space<vmem>>, vector<16xf32>,
      tpu.vector_store %arg9[%swap3A_2781, %swap3A_2782], %broadcast_in_dim3A_36 {strides = array<i32>} : memref<64x128xf32, #tpu.memory_space<vmem>>, vector<16xf32>,
      %swap3A_2784 = arith.constant 49 : i32
      %swap3A_2785 = arith.index_cast %swap3A_2784 : i32 to index
      %swap3A_2786 = arith.constant 96 : index
      %swap3A_2787 = tpu.vector_load %arg9[%swap3A_2785, %swap3A_2786] {strides = array<i32>} : memref<64x128xf32, #tpu.memory_space<vmem>>, vector<16xf32>,
      tpu.vector_store %arg9[%swap3A_2785, %swap3A_2786], %broadcast_in_dim3A_36 {strides = array<i32>} : memref<64x128xf32, #tpu.memory_space<vmem>>, vector<16xf32>,
      %swap3A_2788 = arith.constant 49 : i32
      %swap3A_2789 = arith.index_cast %swap3A_2788 : i32 to index
      %swap3A_2790 = arith.constant 112 : index
      %swap3A_2791 = tpu.vector_load %arg9[%swap3A_2789, %swap3A_2790] {strides = array<i32>} : memref<64x128xf32, #tpu.memory_space<vmem>>, vector<16xf32>,
      tpu.vector_store %arg9[%swap3A_2789, %swap3A_2790], %broadcast_in_dim3A_36 {strides = array<i32>} : memref<64x128xf32, #tpu.memory_space<vmem>>, vector<16xf32>,
      %swap3A_2792 = arith.constant 50 : i32
      %swap3A_2793 = arith.index_cast %swap3A_2792 : i32 to index
      %swap3A_2794 = arith.constant 0 : index
      %swap3A_2795 = tpu.vector_load %arg9[%swap3A_2793, %swap3A_2794] {strides = array<i32>} : memref<64x128xf32, #tpu.memory_space<vmem>>, vector<16xf32>,
      tpu.vector_store %arg9[%swap3A_2793, %swap3A_2794], %broadcast_in_dim3A_36 {strides = array<i32>} : memref<64x128xf32, #tpu.memory_space<vmem>>, vector<16xf32>,
      %swap3A_2796 = arith.constant 50 : i32
      %swap3A_2797 = arith.index_cast %swap3A_2796 : i32 to index
      %swap3A_2798 = arith.constant 16 : index
      %swap3A_2799 = tpu.vector_load %arg9[%swap3A_2797, %swap3A_2798] {strides = array<i32>} : memref<64x128xf32, #tpu.memory_space<vmem>>, vector<16xf32>,
      tpu.vector_store %arg9[%swap3A_2797, %swap3A_2798], %broadcast_in_dim3A_36 {strides = array<i32>} : memref<64x128xf32, #tpu.memory_space<vmem>>, vector<16xf32>,
      %swap3A_2800 = arith.constant 50 : i32
      %swap3A_2801 = arith.index_cast %swap3A_2800 : i32 to index
      %swap3A_2802 = arith.constant 32 : index
      %swap3A_2803 = tpu.vector_load %arg9[%swap3A_2801, %swap3A_2802] {strides = array<i32>} : memref<64x128xf32, #tpu.memory_space<vmem>>, vector<16xf32>,
      tpu.vector_store %arg9[%swap3A_2801, %swap3A_2802], %broadcast_in_dim3A_36 {strides = array<i32>} : memref<64x128xf32, #tpu.memory_space<vmem>>, vector<16xf32>,
      %swap3A_2804 = arith.constant 50 : i32
      %swap3A_2805 = arith.index_cast %swap3A_2804 : i32 to index
      %swap3A_2806 = arith.constant 48 : index
      %swap3A_2807 = tpu.vector_load %arg9[%swap3A_2805, %swap3A_2806] {strides = array<i32>} : memref<64x128xf32, #tpu.memory_space<vmem>>, vector<16xf32>,
      tpu.vector_store %arg9[%swap3A_2805, %swap3A_2806], %broadcast_in_dim3A_36 {strides = array<i32>} : memref<64x128xf32, #tpu.memory_space<vmem>>, vector<16xf32>,
      %swap3A_2808 = arith.constant 50 : i32
      %swap3A_2809 = arith.index_cast %swap3A_2808 : i32 to index
      %swap3A_2810 = arith.constant 64 : index
      %swap3A_2811 = tpu.vector_load %arg9[%swap3A_2809, %swap3A_2810] {strides = array<i32>} : memref<64x128xf32, #tpu.memory_space<vmem>>, vector<16xf32>,
      tpu.vector_store %arg9[%swap3A_2809, %swap3A_2810], %broadcast_in_dim3A_36 {strides = array<i32>} : memref<64x128xf32, #tpu.memory_space<vmem>>, vector<16xf32>,
      %swap3A_2812 = arith.constant 50 : i32
      %swap3A_2813 = arith.index_cast %swap3A_2812 : i32 to index
      %swap3A_2814 = arith.constant 80 : index
      %swap3A_2815 = tpu.vector_load %arg9[%swap3A_2813, %swap3A_2814] {strides = array<i32>} : memref<64x128xf32, #tpu.memory_space<vmem>>, vector<16xf32>,
      tpu.vector_store %arg9[%swap3A_2813, %swap3A_2814], %broadcast_in_dim3A_36 {strides = array<i32>} : memref<64x128xf32, #tpu.memory_space<vmem>>, vector<16xf32>,
      %swap3A_2816 = arith.constant 50 : i32
      %swap3A_2817 = arith.index_cast %swap3A_2816 : i32 to index
      %swap3A_2818 = arith.constant 96 : index
      %swap3A_2819 = tpu.vector_load %arg9[%swap3A_2817, %swap3A_2818] {strides = array<i32>} : memref<64x128xf32, #tpu.memory_space<vmem>>, vector<16xf32>,
      tpu.vector_store %arg9[%swap3A_2817, %swap3A_2818], %broadcast_in_dim3A_36 {strides = array<i32>} : memref<64x128xf32, #tpu.memory_space<vmem>>, vector<16xf32>,
      %swap3A_2820 = arith.constant 50 : i32
      %swap3A_2821 = arith.index_cast %swap3A_2820 : i32 to index
      %swap3A_2822 = arith.constant 112 : index
      %swap3A_2823 = tpu.vector_load %arg9[%swap3A_2821, %swap3A_2822] {strides = array<i32>} : memref<64x128xf32, #tpu.memory_space<vmem>>, vector<16xf32>,
      tpu.vector_store %arg9[%swap3A_2821, %swap3A_2822], %broadcast_in_dim3A_36 {strides = array<i32>} : memref<64x128xf32, #tpu.memory_space<vmem>>, vector<16xf32>,
      %swap3A_2824 = arith.constant 51 : i32
      %swap3A_2825 = arith.index_cast %swap3A_2824 : i32 to index
      %swap3A_2826 = arith.constant 0 : index
      %swap3A_2827 = tpu.vector_load %arg9[%swap3A_2825, %swap3A_2826] {strides = array<i32>} : memref<64x128xf32, #tpu.memory_space<vmem>>, vector<16xf32>,
      tpu.vector_store %arg9[%swap3A_2825, %swap3A_2826], %broadcast_in_dim3A_36 {strides = array<i32>} : memref<64x128xf32, #tpu.memory_space<vmem>>, vector<16xf32>,
      %swap3A_2828 = arith.constant 51 : i32
      %swap3A_2829 = arith.index_cast %swap3A_2828 : i32 to index
      %swap3A_2830 = arith.constant 16 : index
      %swap3A_2831 = tpu.vector_load %arg9[%swap3A_2829, %swap3A_2830] {strides = array<i32>} : memref<64x128xf32, #tpu.memory_space<vmem>>, vector<16xf32>,
      tpu.vector_store %arg9[%swap3A_2829, %swap3A_2830], %broadcast_in_dim3A_36 {strides = array<i32>} : memref<64x128xf32, #tpu.memory_space<vmem>>, vector<16xf32>,
      %swap3A_2832 = arith.constant 51 : i32
      %swap3A_2833 = arith.index_cast %swap3A_2832 : i32 to index
      %swap3A_2834 = arith.constant 32 : index
      %swap3A_2835 = tpu.vector_load %arg9[%swap3A_2833, %swap3A_2834] {strides = array<i32>} : memref<64x128xf32, #tpu.memory_space<vmem>>, vector<16xf32>,
      tpu.vector_store %arg9[%swap3A_2833, %swap3A_2834], %broadcast_in_dim3A_36 {strides = array<i32>} : memref<64x128xf32, #tpu.memory_space<vmem>>, vector<16xf32>,
      %swap3A_2836 = arith.constant 51 : i32
      %swap3A_2837 = arith.index_cast %swap3A_2836 : i32 to index
      %swap3A_2838 = arith.constant 48 : index
      %swap3A_2839 = tpu.vector_load %arg9[%swap3A_2837, %swap3A_2838] {strides = array<i32>} : memref<64x128xf32, #tpu.memory_space<vmem>>, vector<16xf32>,
      tpu.vector_store %arg9[%swap3A_2837, %swap3A_2838], %broadcast_in_dim3A_36 {strides = array<i32>} : memref<64x128xf32, #tpu.memory_space<vmem>>, vector<16xf32>,
      %swap3A_2840 = arith.constant 51 : i32
      %swap3A_2841 = arith.index_cast %swap3A_2840 : i32 to index
      %swap3A_2842 = arith.constant 64 : index
      %swap3A_2843 = tpu.vector_load %arg9[%swap3A_2841, %swap3A_2842] {strides = array<i32>} : memref<64x128xf32, #tpu.memory_space<vmem>>, vector<16xf32>,
      tpu.vector_store %arg9[%swap3A_2841, %swap3A_2842], %broadcast_in_dim3A_36 {strides = array<i32>} : memref<64x128xf32, #tpu.memory_space<vmem>>, vector<16xf32>,
      %swap3A_2844 = arith.constant 51 : i32
      %swap3A_2845 = arith.index_cast %swap3A_2844 : i32 to index
      %swap3A_2846 = arith.constant 80 : index
      %swap3A_2847 = tpu.vector_load %arg9[%swap3A_2845, %swap3A_2846] {strides = array<i32>} : memref<64x128xf32, #tpu.memory_space<vmem>>, vector<16xf32>,
      tpu.vector_store %arg9[%swap3A_2845, %swap3A_2846], %broadcast_in_dim3A_36 {strides = array<i32>} : memref<64x128xf32, #tpu.memory_space<vmem>>, vector<16xf32>,
      %swap3A_2848 = arith.constant 51 : i32
      %swap3A_2849 = arith.index_cast %swap3A_2848 : i32 to index
      %swap3A_2850 = arith.constant 96 : index
      %swap3A_2851 = tpu.vector_load %arg9[%swap3A_2849, %swap3A_2850] {strides = array<i32>} : memref<64x128xf32, #tpu.memory_space<vmem>>, vector<16xf32>,
      tpu.vector_store %arg9[%swap3A_2849, %swap3A_2850], %broadcast_in_dim3A_36 {strides = array<i32>} : memref<64x128xf32, #tpu.memory_space<vmem>>, vector<16xf32>,
      %swap3A_2852 = arith.constant 51 : i32
      %swap3A_2853 = arith.index_cast %swap3A_2852 : i32 to index
      %swap3A_2854 = arith.constant 112 : index
      %swap3A_2855 = tpu.vector_load %arg9[%swap3A_2853, %swap3A_2854] {strides = array<i32>} : memref<64x128xf32, #tpu.memory_space<vmem>>, vector<16xf32>,
      tpu.vector_store %arg9[%swap3A_2853, %swap3A_2854], %broadcast_in_dim3A_36 {strides = array<i32>} : memref<64x128xf32, #tpu.memory_space<vmem>>, vector<16xf32>,
      %swap3A_2856 = arith.constant 52 : i32
      %swap3A_2857 = arith.index_cast %swap3A_2856 : i32 to index
      %swap3A_2858 = arith.constant 0 : index
      %swap3A_2859 = tpu.vector_load %arg9[%swap3A_2857, %swap3A_2858] {strides = array<i32>} : memref<64x128xf32, #tpu.memory_space<vmem>>, vector<16xf32>,
      tpu.vector_store %arg9[%swap3A_2857, %swap3A_2858], %broadcast_in_dim3A_36 {strides = array<i32>} : memref<64x128xf32, #tpu.memory_space<vmem>>, vector<16xf32>,
      %swap3A_2860 = arith.constant 52 : i32
      %swap3A_2861 = arith.index_cast %swap3A_2860 : i32 to index
      %swap3A_2862 = arith.constant 16 : index
      %swap3A_2863 = tpu.vector_load %arg9[%swap3A_2861, %swap3A_2862] {strides = array<i32>} : memref<64x128xf32, #tpu.memory_space<vmem>>, vector<16xf32>,
      tpu.vector_store %arg9[%swap3A_2861, %swap3A_2862], %broadcast_in_dim3A_36 {strides = array<i32>} : memref<64x128xf32, #tpu.memory_space<vmem>>, vector<16xf32>,
      %swap3A_2864 = arith.constant 52 : i32
      %swap3A_2865 = arith.index_cast %swap3A_2864 : i32 to index
      %swap3A_2866 = arith.constant 32 : index
      %swap3A_2867 = tpu.vector_load %arg9[%swap3A_2865, %swap3A_2866] {strides = array<i32>} : memref<64x128xf32, #tpu.memory_space<vmem>>, vector<16xf32>,
      tpu.vector_store %arg9[%swap3A_2865, %swap3A_2866], %broadcast_in_dim3A_36 {strides = array<i32>} : memref<64x128xf32, #tpu.memory_space<vmem>>, vector<16xf32>,
      %swap3A_2868 = arith.constant 52 : i32
      %swap3A_2869 = arith.index_cast %swap3A_2868 : i32 to index
      %swap3A_2870 = arith.constant 48 : index
      %swap3A_2871 = tpu.vector_load %arg9[%swap3A_2869, %swap3A_2870] {strides = array<i32>} : memref<64x128xf32, #tpu.memory_space<vmem>>, vector<16xf32>,
      tpu.vector_store %arg9[%swap3A_2869, %swap3A_2870], %broadcast_in_dim3A_36 {strides = array<i32>} : memref<64x128xf32, #tpu.memory_space<vmem>>, vector<16xf32>,
      %swap3A_2872 = arith.constant 52 : i32
      %swap3A_2873 = arith.index_cast %swap3A_2872 : i32 to index
      %swap3A_2874 = arith.constant 64 : index
      %swap3A_2875 = tpu.vector_load %arg9[%swap3A_2873, %swap3A_2874] {strides = array<i32>} : memref<64x128xf32, #tpu.memory_space<vmem>>, vector<16xf32>,
      tpu.vector_store %arg9[%swap3A_2873, %swap3A_2874], %broadcast_in_dim3A_36 {strides = array<i32>} : memref<64x128xf32, #tpu.memory_space<vmem>>, vector<16xf32>,
      %swap3A_2876 = arith.constant 52 : i32
      %swap3A_2877 = arith.index_cast %swap3A_2876 : i32 to index
      %swap3A_2878 = arith.constant 80 : index
      %swap3A_2879 = tpu.vector_load %arg9[%swap3A_2877, %swap3A_2878] {strides = array<i32>} : memref<64x128xf32, #tpu.memory_space<vmem>>, vector<16xf32>,
      tpu.vector_store %arg9[%swap3A_2877, %swap3A_2878], %broadcast_in_dim3A_36 {strides = array<i32>} : memref<64x128xf32, #tpu.memory_space<vmem>>, vector<16xf32>,
      %swap3A_2880 = arith.constant 52 : i32
      %swap3A_2881 = arith.index_cast %swap3A_2880 : i32 to index
      %swap3A_2882 = arith.constant 96 : index
      %swap3A_2883 = tpu.vector_load %arg9[%swap3A_2881, %swap3A_2882] {strides = array<i32>} : memref<64x128xf32, #tpu.memory_space<vmem>>, vector<16xf32>,
      tpu.vector_store %arg9[%swap3A_2881, %swap3A_2882], %broadcast_in_dim3A_36 {strides = array<i32>} : memref<64x128xf32, #tpu.memory_space<vmem>>, vector<16xf32>,
      %swap3A_2884 = arith.constant 52 : i32
      %swap3A_2885 = arith.index_cast %swap3A_2884 : i32 to index
      %swap3A_2886 = arith.constant 112 : index
      %swap3A_2887 = tpu.vector_load %arg9[%swap3A_2885, %swap3A_2886] {strides = array<i32>} : memref<64x128xf32, #tpu.memory_space<vmem>>, vector<16xf32>,
      tpu.vector_store %arg9[%swap3A_2885, %swap3A_2886], %broadcast_in_dim3A_36 {strides = array<i32>} : memref<64x128xf32, #tpu.memory_space<vmem>>, vector<16xf32>,
      %swap3A_2888 = arith.constant 53 : i32
      %swap3A_2889 = arith.index_cast %swap3A_2888 : i32 to index
      %swap3A_2890 = arith.constant 0 : index
      %swap3A_2891 = tpu.vector_load %arg9[%swap3A_2889, %swap3A_2890] {strides = array<i32>} : memref<64x128xf32, #tpu.memory_space<vmem>>, vector<16xf32>,
      tpu.vector_store %arg9[%swap3A_2889, %swap3A_2890], %broadcast_in_dim3A_36 {strides = array<i32>} : memref<64x128xf32, #tpu.memory_space<vmem>>, vector<16xf32>,
      %swap3A_2892 = arith.constant 53 : i32
      %swap3A_2893 = arith.index_cast %swap3A_2892 : i32 to index
      %swap3A_2894 = arith.constant 16 : index
      %swap3A_2895 = tpu.vector_load %arg9[%swap3A_2893, %swap3A_2894] {strides = array<i32>} : memref<64x128xf32, #tpu.memory_space<vmem>>, vector<16xf32>,
      tpu.vector_store %arg9[%swap3A_2893, %swap3A_2894], %broadcast_in_dim3A_36 {strides = array<i32>} : memref<64x128xf32, #tpu.memory_space<vmem>>, vector<16xf32>,
      %swap3A_2896 = arith.constant 53 : i32
      %swap3A_2897 = arith.index_cast %swap3A_2896 : i32 to index
      %swap3A_2898 = arith.constant 32 : index
      %swap3A_2899 = tpu.vector_load %arg9[%swap3A_2897, %swap3A_2898] {strides = array<i32>} : memref<64x128xf32, #tpu.memory_space<vmem>>, vector<16xf32>,
      tpu.vector_store %arg9[%swap3A_2897, %swap3A_2898], %broadcast_in_dim3A_36 {strides = array<i32>} : memref<64x128xf32, #tpu.memory_space<vmem>>, vector<16xf32>,
      %swap3A_2900 = arith.constant 53 : i32
      %swap3A_2901 = arith.index_cast %swap3A_2900 : i32 to index
      %swap3A_2902 = arith.constant 48 : index
      %swap3A_2903 = tpu.vector_load %arg9[%swap3A_2901, %swap3A_2902] {strides = array<i32>} : memref<64x128xf32, #tpu.memory_space<vmem>>, vector<16xf32>,
      tpu.vector_store %arg9[%swap3A_2901, %swap3A_2902], %broadcast_in_dim3A_36 {strides = array<i32>} : memref<64x128xf32, #tpu.memory_space<vmem>>, vector<16xf32>,
      %swap3A_2904 = arith.constant 53 : i32
      %swap3A_2905 = arith.index_cast %swap3A_2904 : i32 to index
      %swap3A_2906 = arith.constant 64 : index
      %swap3A_2907 = tpu.vector_load %arg9[%swap3A_2905, %swap3A_2906] {strides = array<i32>} : memref<64x128xf32, #tpu.memory_space<vmem>>, vector<16xf32>,
      tpu.vector_store %arg9[%swap3A_2905, %swap3A_2906], %broadcast_in_dim3A_36 {strides = array<i32>} : memref<64x128xf32, #tpu.memory_space<vmem>>, vector<16xf32>,
      %swap3A_2908 = arith.constant 53 : i32
      %swap3A_2909 = arith.index_cast %swap3A_2908 : i32 to index
      %swap3A_2910 = arith.constant 80 : index
      %swap3A_2911 = tpu.vector_load %arg9[%swap3A_2909, %swap3A_2910] {strides = array<i32>} : memref<64x128xf32, #tpu.memory_space<vmem>>, vector<16xf32>,
      tpu.vector_store %arg9[%swap3A_2909, %swap3A_2910], %broadcast_in_dim3A_36 {strides = array<i32>} : memref<64x128xf32, #tpu.memory_space<vmem>>, vector<16xf32>,
      %swap3A_2912 = arith.constant 53 : i32
      %swap3A_2913 = arith.index_cast %swap3A_2912 : i32 to index
      %swap3A_2914 = arith.constant 96 : index
      %swap3A_2915 = tpu.vector_load %arg9[%swap3A_2913, %swap3A_2914] {strides = array<i32>} : memref<64x128xf32, #tpu.memory_space<vmem>>, vector<16xf32>,
      tpu.vector_store %arg9[%swap3A_2913, %swap3A_2914], %broadcast_in_dim3A_36 {strides = array<i32>} : memref<64x128xf32, #tpu.memory_space<vmem>>, vector<16xf32>,
      %swap3A_2916 = arith.constant 53 : i32
      %swap3A_2917 = arith.index_cast %swap3A_2916 : i32 to index
      %swap3A_2918 = arith.constant 112 : index
      %swap3A_2919 = tpu.vector_load %arg9[%swap3A_2917, %swap3A_2918] {strides = array<i32>} : memref<64x128xf32, #tpu.memory_space<vmem>>, vector<16xf32>,
      tpu.vector_store %arg9[%swap3A_2917, %swap3A_2918], %broadcast_in_dim3A_36 {strides = array<i32>} : memref<64x128xf32, #tpu.memory_space<vmem>>, vector<16xf32>,
      %swap3A_2920 = arith.constant 54 : i32
      %swap3A_2921 = arith.index_cast %swap3A_2920 : i32 to index
      %swap3A_2922 = arith.constant 0 : index
      %swap3A_2923 = tpu.vector_load %arg9[%swap3A_2921, %swap3A_2922] {strides = array<i32>} : memref<64x128xf32, #tpu.memory_space<vmem>>, vector<16xf32>,
      tpu.vector_store %arg9[%swap3A_2921, %swap3A_2922], %broadcast_in_dim3A_36 {strides = array<i32>} : memref<64x128xf32, #tpu.memory_space<vmem>>, vector<16xf32>,
      %swap3A_2924 = arith.constant 54 : i32
      %swap3A_2925 = arith.index_cast %swap3A_2924 : i32 to index
      %swap3A_2926 = arith.constant 16 : index
      %swap3A_2927 = tpu.vector_load %arg9[%swap3A_2925, %swap3A_2926] {strides = array<i32>} : memref<64x128xf32, #tpu.memory_space<vmem>>, vector<16xf32>,
      tpu.vector_store %arg9[%swap3A_2925, %swap3A_2926], %broadcast_in_dim3A_36 {strides = array<i32>} : memref<64x128xf32, #tpu.memory_space<vmem>>, vector<16xf32>,
      %swap3A_2928 = arith.constant 54 : i32
      %swap3A_2929 = arith.index_cast %swap3A_2928 : i32 to index
      %swap3A_2930 = arith.constant 32 : index
      %swap3A_2931 = tpu.vector_load %arg9[%swap3A_2929, %swap3A_2930] {strides = array<i32>} : memref<64x128xf32, #tpu.memory_space<vmem>>, vector<16xf32>,
      tpu.vector_store %arg9[%swap3A_2929, %swap3A_2930], %broadcast_in_dim3A_36 {strides = array<i32>} : memref<64x128xf32, #tpu.memory_space<vmem>>, vector<16xf32>,
      %swap3A_2932 = arith.constant 54 : i32
      %swap3A_2933 = arith.index_cast %swap3A_2932 : i32 to index
      %swap3A_2934 = arith.constant 48 : index
      %swap3A_2935 = tpu.vector_load %arg9[%swap3A_2933, %swap3A_2934] {strides = array<i32>} : memref<64x128xf32, #tpu.memory_space<vmem>>, vector<16xf32>,
      tpu.vector_store %arg9[%swap3A_2933, %swap3A_2934], %broadcast_in_dim3A_36 {strides = array<i32>} : memref<64x128xf32, #tpu.memory_space<vmem>>, vector<16xf32>,
      %swap3A_2936 = arith.constant 54 : i32
      %swap3A_2937 = arith.index_cast %swap3A_2936 : i32 to index
      %swap3A_2938 = arith.constant 64 : index
      %swap3A_2939 = tpu.vector_load %arg9[%swap3A_2937, %swap3A_2938] {strides = array<i32>} : memref<64x128xf32, #tpu.memory_space<vmem>>, vector<16xf32>,
      tpu.vector_store %arg9[%swap3A_2937, %swap3A_2938], %broadcast_in_dim3A_36 {strides = array<i32>} : memref<64x128xf32, #tpu.memory_space<vmem>>, vector<16xf32>,
      %swap3A_2940 = arith.constant 54 : i32
      %swap3A_2941 = arith.index_cast %swap3A_2940 : i32 to index
      %swap3A_2942 = arith.constant 80 : index
      %swap3A_2943 = tpu.vector_load %arg9[%swap3A_2941, %swap3A_2942] {strides = array<i32>} : memref<64x128xf32, #tpu.memory_space<vmem>>, vector<16xf32>,
      tpu.vector_store %arg9[%swap3A_2941, %swap3A_2942], %broadcast_in_dim3A_36 {strides = array<i32>} : memref<64x128xf32, #tpu.memory_space<vmem>>, vector<16xf32>,
      %swap3A_2944 = arith.constant 54 : i32
      %swap3A_2945 = arith.index_cast %swap3A_2944 : i32 to index
      %swap3A_2946 = arith.constant 96 : index
      %swap3A_2947 = tpu.vector_load %arg9[%swap3A_2945, %swap3A_2946] {strides = array<i32>} : memref<64x128xf32, #tpu.memory_space<vmem>>, vector<16xf32>,
      tpu.vector_store %arg9[%swap3A_2945, %swap3A_2946], %broadcast_in_dim3A_36 {strides = array<i32>} : memref<64x128xf32, #tpu.memory_space<vmem>>, vector<16xf32>,
      %swap3A_2948 = arith.constant 54 : i32
      %swap3A_2949 = arith.index_cast %swap3A_2948 : i32 to index
      %swap3A_2950 = arith.constant 112 : index
      %swap3A_2951 = tpu.vector_load %arg9[%swap3A_2949, %swap3A_2950] {strides = array<i32>} : memref<64x128xf32, #tpu.memory_space<vmem>>, vector<16xf32>,
      tpu.vector_store %arg9[%swap3A_2949, %swap3A_2950], %broadcast_in_dim3A_36 {strides = array<i32>} : memref<64x128xf32, #tpu.memory_space<vmem>>, vector<16xf32>,
      %swap3A_2952 = arith.constant 55 : i32
      %swap3A_2953 = arith.index_cast %swap3A_2952 : i32 to index
      %swap3A_2954 = arith.constant 0 : index
      %swap3A_2955 = tpu.vector_load %arg9[%swap3A_2953, %swap3A_2954] {strides = array<i32>} : memref<64x128xf32, #tpu.memory_space<vmem>>, vector<16xf32>,
      tpu.vector_store %arg9[%swap3A_2953, %swap3A_2954], %broadcast_in_dim3A_36 {strides = array<i32>} : memref<64x128xf32, #tpu.memory_space<vmem>>, vector<16xf32>,
      %swap3A_2956 = arith.constant 55 : i32
      %swap3A_2957 = arith.index_cast %swap3A_2956 : i32 to index
      %swap3A_2958 = arith.constant 16 : index
      %swap3A_2959 = tpu.vector_load %arg9[%swap3A_2957, %swap3A_2958] {strides = array<i32>} : memref<64x128xf32, #tpu.memory_space<vmem>>, vector<16xf32>,
      tpu.vector_store %arg9[%swap3A_2957, %swap3A_2958], %broadcast_in_dim3A_36 {strides = array<i32>} : memref<64x128xf32, #tpu.memory_space<vmem>>, vector<16xf32>,
      %swap3A_2960 = arith.constant 55 : i32
      %swap3A_2961 = arith.index_cast %swap3A_2960 : i32 to index
      %swap3A_2962 = arith.constant 32 : index
      %swap3A_2963 = tpu.vector_load %arg9[%swap3A_2961, %swap3A_2962] {strides = array<i32>} : memref<64x128xf32, #tpu.memory_space<vmem>>, vector<16xf32>,
      tpu.vector_store %arg9[%swap3A_2961, %swap3A_2962], %broadcast_in_dim3A_36 {strides = array<i32>} : memref<64x128xf32, #tpu.memory_space<vmem>>, vector<16xf32>,
      %swap3A_2964 = arith.constant 55 : i32
      %swap3A_2965 = arith.index_cast %swap3A_2964 : i32 to index
      %swap3A_2966 = arith.constant 48 : index
      %swap3A_2967 = tpu.vector_load %arg9[%swap3A_2965, %swap3A_2966] {strides = array<i32>} : memref<64x128xf32, #tpu.memory_space<vmem>>, vector<16xf32>,
      tpu.vector_store %arg9[%swap3A_2965, %swap3A_2966], %broadcast_in_dim3A_36 {strides = array<i32>} : memref<64x128xf32, #tpu.memory_space<vmem>>, vector<16xf32>,
      %swap3A_2968 = arith.constant 55 : i32
      %swap3A_2969 = arith.index_cast %swap3A_2968 : i32 to index
      %swap3A_2970 = arith.constant 64 : index
      %swap3A_2971 = tpu.vector_load %arg9[%swap3A_2969, %swap3A_2970] {strides = array<i32>} : memref<64x128xf32, #tpu.memory_space<vmem>>, vector<16xf32>,
      tpu.vector_store %arg9[%swap3A_2969, %swap3A_2970], %broadcast_in_dim3A_36 {strides = array<i32>} : memref<64x128xf32, #tpu.memory_space<vmem>>, vector<16xf32>,
      %swap3A_2972 = arith.constant 55 : i32
      %swap3A_2973 = arith.index_cast %swap3A_2972 : i32 to index
      %swap3A_2974 = arith.constant 80 : index
      %swap3A_2975 = tpu.vector_load %arg9[%swap3A_2973, %swap3A_2974] {strides = array<i32>} : memref<64x128xf32, #tpu.memory_space<vmem>>, vector<16xf32>,
      tpu.vector_store %arg9[%swap3A_2973, %swap3A_2974], %broadcast_in_dim3A_36 {strides = array<i32>} : memref<64x128xf32, #tpu.memory_space<vmem>>, vector<16xf32>,
      %swap3A_2976 = arith.constant 55 : i32
      %swap3A_2977 = arith.index_cast %swap3A_2976 : i32 to index
      %swap3A_2978 = arith.constant 96 : index
      %swap3A_2979 = tpu.vector_load %arg9[%swap3A_2977, %swap3A_2978] {strides = array<i32>} : memref<64x128xf32, #tpu.memory_space<vmem>>, vector<16xf32>,
      tpu.vector_store %arg9[%swap3A_2977, %swap3A_2978], %broadcast_in_dim3A_36 {strides = array<i32>} : memref<64x128xf32, #tpu.memory_space<vmem>>, vector<16xf32>,
      %swap3A_2980 = arith.constant 55 : i32
      %swap3A_2981 = arith.index_cast %swap3A_2980 : i32 to index
      %swap3A_2982 = arith.constant 112 : index
      %swap3A_2983 = tpu.vector_load %arg9[%swap3A_2981, %swap3A_2982] {strides = array<i32>} : memref<64x128xf32, #tpu.memory_space<vmem>>, vector<16xf32>,
      tpu.vector_store %arg9[%swap3A_2981, %swap3A_2982], %broadcast_in_dim3A_36 {strides = array<i32>} : memref<64x128xf32, #tpu.memory_space<vmem>>, vector<16xf32>,
      %swap3A_2984 = arith.constant 56 : i32
      %swap3A_2985 = arith.index_cast %swap3A_2984 : i32 to index
      %swap3A_2986 = arith.constant 0 : index
      %swap3A_2987 = tpu.vector_load %arg9[%swap3A_2985, %swap3A_2986] {strides = array<i32>} : memref<64x128xf32, #tpu.memory_space<vmem>>, vector<16xf32>,
      tpu.vector_store %arg9[%swap3A_2985, %swap3A_2986], %broadcast_in_dim3A_36 {strides = array<i32>} : memref<64x128xf32, #tpu.memory_space<vmem>>, vector<16xf32>,
      %swap3A_2988 = arith.constant 56 : i32
      %swap3A_2989 = arith.index_cast %swap3A_2988 : i32 to index
      %swap3A_2990 = arith.constant 16 : index
      %swap3A_2991 = tpu.vector_load %arg9[%swap3A_2989, %swap3A_2990] {strides = array<i32>} : memref<64x128xf32, #tpu.memory_space<vmem>>, vector<16xf32>,
      tpu.vector_store %arg9[%swap3A_2989, %swap3A_2990], %broadcast_in_dim3A_36 {strides = array<i32>} : memref<64x128xf32, #tpu.memory_space<vmem>>, vector<16xf32>,
      %swap3A_2992 = arith.constant 56 : i32
      %swap3A_2993 = arith.index_cast %swap3A_2992 : i32 to index
      %swap3A_2994 = arith.constant 32 : index
      %swap3A_2995 = tpu.vector_load %arg9[%swap3A_2993, %swap3A_2994] {strides = array<i32>} : memref<64x128xf32, #tpu.memory_space<vmem>>, vector<16xf32>,
      tpu.vector_store %arg9[%swap3A_2993, %swap3A_2994], %broadcast_in_dim3A_36 {strides = array<i32>} : memref<64x128xf32, #tpu.memory_space<vmem>>, vector<16xf32>,
      %swap3A_2996 = arith.constant 56 : i32
      %swap3A_2997 = arith.index_cast %swap3A_2996 : i32 to index
      %swap3A_2998 = arith.constant 48 : index
      %swap3A_2999 = tpu.vector_load %arg9[%swap3A_2997, %swap3A_2998] {strides = array<i32>} : memref<64x128xf32, #tpu.memory_space<vmem>>, vector<16xf32>,
      tpu.vector_store %arg9[%swap3A_2997, %swap3A_2998], %broadcast_in_dim3A_36 {strides = array<i32>} : memref<64x128xf32, #tpu.memory_space<vmem>>, vector<16xf32>,
      %swap3A_3000 = arith.constant 56 : i32
      %swap3A_3001 = arith.index_cast %swap3A_3000 : i32 to index
      %swap3A_3002 = arith.constant 64 : index
      %swap3A_3003 = tpu.vector_load %arg9[%swap3A_3001, %swap3A_3002] {strides = array<i32>} : memref<64x128xf32, #tpu.memory_space<vmem>>, vector<16xf32>,
      tpu.vector_store %arg9[%swap3A_3001, %swap3A_3002], %broadcast_in_dim3A_36 {strides = array<i32>} : memref<64x128xf32, #tpu.memory_space<vmem>>, vector<16xf32>,
      %swap3A_3004 = arith.constant 56 : i32
      %swap3A_3005 = arith.index_cast %swap3A_3004 : i32 to index
      %swap3A_3006 = arith.constant 80 : index
      %swap3A_3007 = tpu.vector_load %arg9[%swap3A_3005, %swap3A_3006] {strides = array<i32>} : memref<64x128xf32, #tpu.memory_space<vmem>>, vector<16xf32>,
      tpu.vector_store %arg9[%swap3A_3005, %swap3A_3006], %broadcast_in_dim3A_36 {strides = array<i32>} : memref<64x128xf32, #tpu.memory_space<vmem>>, vector<16xf32>,
      %swap3A_3008 = arith.constant 56 : i32
      %swap3A_3009 = arith.index_cast %swap3A_3008 : i32 to index
      %swap3A_3010 = arith.constant 96 : index
      %swap3A_3011 = tpu.vector_load %arg9[%swap3A_3009, %swap3A_3010] {strides = array<i32>} : memref<64x128xf32, #tpu.memory_space<vmem>>, vector<16xf32>,
      tpu.vector_store %arg9[%swap3A_3009, %swap3A_3010], %broadcast_in_dim3A_36 {strides = array<i32>} : memref<64x128xf32, #tpu.memory_space<vmem>>, vector<16xf32>,
      %swap3A_3012 = arith.constant 56 : i32
      %swap3A_3013 = arith.index_cast %swap3A_3012 : i32 to index
      %swap3A_3014 = arith.constant 112 : index
      %swap3A_3015 = tpu.vector_load %arg9[%swap3A_3013, %swap3A_3014] {strides = array<i32>} : memref<64x128xf32, #tpu.memory_space<vmem>>, vector<16xf32>,
      tpu.vector_store %arg9[%swap3A_3013, %swap3A_3014], %broadcast_in_dim3A_36 {strides = array<i32>} : memref<64x128xf32, #tpu.memory_space<vmem>>, vector<16xf32>,
      %swap3A_3016 = arith.constant 57 : i32
      %swap3A_3017 = arith.index_cast %swap3A_3016 : i32 to index
      %swap3A_3018 = arith.constant 0 : index
      %swap3A_3019 = tpu.vector_load %arg9[%swap3A_3017, %swap3A_3018] {strides = array<i32>} : memref<64x128xf32, #tpu.memory_space<vmem>>, vector<16xf32>,
      tpu.vector_store %arg9[%swap3A_3017, %swap3A_3018], %broadcast_in_dim3A_36 {strides = array<i32>} : memref<64x128xf32, #tpu.memory_space<vmem>>, vector<16xf32>,
      %swap3A_3020 = arith.constant 57 : i32
      %swap3A_3021 = arith.index_cast %swap3A_3020 : i32 to index
      %swap3A_3022 = arith.constant 16 : index
      %swap3A_3023 = tpu.vector_load %arg9[%swap3A_3021, %swap3A_3022] {strides = array<i32>} : memref<64x128xf32, #tpu.memory_space<vmem>>, vector<16xf32>,
      tpu.vector_store %arg9[%swap3A_3021, %swap3A_3022], %broadcast_in_dim3A_36 {strides = array<i32>} : memref<64x128xf32, #tpu.memory_space<vmem>>, vector<16xf32>,
      %swap3A_3024 = arith.constant 57 : i32
      %swap3A_3025 = arith.index_cast %swap3A_3024 : i32 to index
      %swap3A_3026 = arith.constant 32 : index
      %swap3A_3027 = tpu.vector_load %arg9[%swap3A_3025, %swap3A_3026] {strides = array<i32>} : memref<64x128xf32, #tpu.memory_space<vmem>>, vector<16xf32>,
      tpu.vector_store %arg9[%swap3A_3025, %swap3A_3026], %broadcast_in_dim3A_36 {strides = array<i32>} : memref<64x128xf32, #tpu.memory_space<vmem>>, vector<16xf32>,
      %swap3A_3028 = arith.constant 57 : i32
      %swap3A_3029 = arith.index_cast %swap3A_3028 : i32 to index
      %swap3A_3030 = arith.constant 48 : index
      %swap3A_3031 = tpu.vector_load %arg9[%swap3A_3029, %swap3A_3030] {strides = array<i32>} : memref<64x128xf32, #tpu.memory_space<vmem>>, vector<16xf32>,
      tpu.vector_store %arg9[%swap3A_3029, %swap3A_3030], %broadcast_in_dim3A_36 {strides = array<i32>} : memref<64x128xf32, #tpu.memory_space<vmem>>, vector<16xf32>,
      %swap3A_3032 = arith.constant 57 : i32
      %swap3A_3033 = arith.index_cast %swap3A_3032 : i32 to index
      %swap3A_3034 = arith.constant 64 : index
      %swap3A_3035 = tpu.vector_load %arg9[%swap3A_3033, %swap3A_3034] {strides = array<i32>} : memref<64x128xf32, #tpu.memory_space<vmem>>, vector<16xf32>,
      tpu.vector_store %arg9[%swap3A_3033, %swap3A_3034], %broadcast_in_dim3A_36 {strides = array<i32>} : memref<64x128xf32, #tpu.memory_space<vmem>>, vector<16xf32>,
      %swap3A_3036 = arith.constant 57 : i32
      %swap3A_3037 = arith.index_cast %swap3A_3036 : i32 to index
      %swap3A_3038 = arith.constant 80 : index
      %swap3A_3039 = tpu.vector_load %arg9[%swap3A_3037, %swap3A_3038] {strides = array<i32>} : memref<64x128xf32, #tpu.memory_space<vmem>>, vector<16xf32>,
      tpu.vector_store %arg9[%swap3A_3037, %swap3A_3038], %broadcast_in_dim3A_36 {strides = array<i32>} : memref<64x128xf32, #tpu.memory_space<vmem>>, vector<16xf32>,
      %swap3A_3040 = arith.constant 57 : i32
      %swap3A_3041 = arith.index_cast %swap3A_3040 : i32 to index
      %swap3A_3042 = arith.constant 96 : index
      %swap3A_3043 = tpu.vector_load %arg9[%swap3A_3041, %swap3A_3042] {strides = array<i32>} : memref<64x128xf32, #tpu.memory_space<vmem>>, vector<16xf32>,
      tpu.vector_store %arg9[%swap3A_3041, %swap3A_3042], %broadcast_in_dim3A_36 {strides = array<i32>} : memref<64x128xf32, #tpu.memory_space<vmem>>, vector<16xf32>,
      %swap3A_3044 = arith.constant 57 : i32
      %swap3A_3045 = arith.index_cast %swap3A_3044 : i32 to index
      %swap3A_3046 = arith.constant 112 : index
      %swap3A_3047 = tpu.vector_load %arg9[%swap3A_3045, %swap3A_3046] {strides = array<i32>} : memref<64x128xf32, #tpu.memory_space<vmem>>, vector<16xf32>,
      tpu.vector_store %arg9[%swap3A_3045, %swap3A_3046], %broadcast_in_dim3A_36 {strides = array<i32>} : memref<64x128xf32, #tpu.memory_space<vmem>>, vector<16xf32>,
      %swap3A_3048 = arith.constant 58 : i32
      %swap3A_3049 = arith.index_cast %swap3A_3048 : i32 to index
      %swap3A_3050 = arith.constant 0 : index
      %swap3A_3051 = tpu.vector_load %arg9[%swap3A_3049, %swap3A_3050] {strides = array<i32>} : memref<64x128xf32, #tpu.memory_space<vmem>>, vector<16xf32>,
      tpu.vector_store %arg9[%swap3A_3049, %swap3A_3050], %broadcast_in_dim3A_36 {strides = array<i32>} : memref<64x128xf32, #tpu.memory_space<vmem>>, vector<16xf32>,
      %swap3A_3052 = arith.constant 58 : i32
      %swap3A_3053 = arith.index_cast %swap3A_3052 : i32 to index
      %swap3A_3054 = arith.constant 16 : index
      %swap3A_3055 = tpu.vector_load %arg9[%swap3A_3053, %swap3A_3054] {strides = array<i32>} : memref<64x128xf32, #tpu.memory_space<vmem>>, vector<16xf32>,
      tpu.vector_store %arg9[%swap3A_3053, %swap3A_3054], %broadcast_in_dim3A_36 {strides = array<i32>} : memref<64x128xf32, #tpu.memory_space<vmem>>, vector<16xf32>,
      %swap3A_3056 = arith.constant 58 : i32
      %swap3A_3057 = arith.index_cast %swap3A_3056 : i32 to index
      %swap3A_3058 = arith.constant 32 : index
      %swap3A_3059 = tpu.vector_load %arg9[%swap3A_3057, %swap3A_3058] {strides = array<i32>} : memref<64x128xf32, #tpu.memory_space<vmem>>, vector<16xf32>,
      tpu.vector_store %arg9[%swap3A_3057, %swap3A_3058], %broadcast_in_dim3A_36 {strides = array<i32>} : memref<64x128xf32, #tpu.memory_space<vmem>>, vector<16xf32>,
      %swap3A_3060 = arith.constant 58 : i32
      %swap3A_3061 = arith.index_cast %swap3A_3060 : i32 to index
      %swap3A_3062 = arith.constant 48 : index
      %swap3A_3063 = tpu.vector_load %arg9[%swap3A_3061, %swap3A_3062] {strides = array<i32>} : memref<64x128xf32, #tpu.memory_space<vmem>>, vector<16xf32>,
      tpu.vector_store %arg9[%swap3A_3061, %swap3A_3062], %broadcast_in_dim3A_36 {strides = array<i32>} : memref<64x128xf32, #tpu.memory_space<vmem>>, vector<16xf32>,
      %swap3A_3064 = arith.constant 58 : i32
      %swap3A_3065 = arith.index_cast %swap3A_3064 : i32 to index
      %swap3A_3066 = arith.constant 64 : index
      %swap3A_3067 = tpu.vector_load %arg9[%swap3A_3065, %swap3A_3066] {strides = array<i32>} : memref<64x128xf32, #tpu.memory_space<vmem>>, vector<16xf32>,
      tpu.vector_store %arg9[%swap3A_3065, %swap3A_3066], %broadcast_in_dim3A_36 {strides = array<i32>} : memref<64x128xf32, #tpu.memory_space<vmem>>, vector<16xf32>,
      %swap3A_3068 = arith.constant 58 : i32
      %swap3A_3069 = arith.index_cast %swap3A_3068 : i32 to index
      %swap3A_3070 = arith.constant 80 : index
      %swap3A_3071 = tpu.vector_load %arg9[%swap3A_3069, %swap3A_3070] {strides = array<i32>} : memref<64x128xf32, #tpu.memory_space<vmem>>, vector<16xf32>,
      tpu.vector_store %arg9[%swap3A_3069, %swap3A_3070], %broadcast_in_dim3A_36 {strides = array<i32>} : memref<64x128xf32, #tpu.memory_space<vmem>>, vector<16xf32>,
      %swap3A_3072 = arith.constant 58 : i32
      %swap3A_3073 = arith.index_cast %swap3A_3072 : i32 to index
      %swap3A_3074 = arith.constant 96 : index
      %swap3A_3075 = tpu.vector_load %arg9[%swap3A_3073, %swap3A_3074] {strides = array<i32>} : memref<64x128xf32, #tpu.memory_space<vmem>>, vector<16xf32>,
      tpu.vector_store %arg9[%swap3A_3073, %swap3A_3074], %broadcast_in_dim3A_36 {strides = array<i32>} : memref<64x128xf32, #tpu.memory_space<vmem>>, vector<16xf32>,
      %swap3A_3076 = arith.constant 58 : i32
      %swap3A_3077 = arith.index_cast %swap3A_3076 : i32 to index
      %swap3A_3078 = arith.constant 112 : index
      %swap3A_3079 = tpu.vector_load %arg9[%swap3A_3077, %swap3A_3078] {strides = array<i32>} : memref<64x128xf32, #tpu.memory_space<vmem>>, vector<16xf32>,
      tpu.vector_store %arg9[%swap3A_3077, %swap3A_3078], %broadcast_in_dim3A_36 {strides = array<i32>} : memref<64x128xf32, #tpu.memory_space<vmem>>, vector<16xf32>,
      %swap3A_3080 = arith.constant 59 : i32
      %swap3A_3081 = arith.index_cast %swap3A_3080 : i32 to index
      %swap3A_3082 = arith.constant 0 : index
      %swap3A_3083 = tpu.vector_load %arg9[%swap3A_3081, %swap3A_3082] {strides = array<i32>} : memref<64x128xf32, #tpu.memory_space<vmem>>, vector<16xf32>,
      tpu.vector_store %arg9[%swap3A_3081, %swap3A_3082], %broadcast_in_dim3A_36 {strides = array<i32>} : memref<64x128xf32, #tpu.memory_space<vmem>>, vector<16xf32>,
      %swap3A_3084 = arith.constant 59 : i32
      %swap3A_3085 = arith.index_cast %swap3A_3084 : i32 to index
      %swap3A_3086 = arith.constant 16 : index
      %swap3A_3087 = tpu.vector_load %arg9[%swap3A_3085, %swap3A_3086] {strides = array<i32>} : memref<64x128xf32, #tpu.memory_space<vmem>>, vector<16xf32>,
      tpu.vector_store %arg9[%swap3A_3085, %swap3A_3086], %broadcast_in_dim3A_36 {strides = array<i32>} : memref<64x128xf32, #tpu.memory_space<vmem>>, vector<16xf32>,
      %swap3A_3088 = arith.constant 59 : i32
      %swap3A_3089 = arith.index_cast %swap3A_3088 : i32 to index
      %swap3A_3090 = arith.constant 32 : index
      %swap3A_3091 = tpu.vector_load %arg9[%swap3A_3089, %swap3A_3090] {strides = array<i32>} : memref<64x128xf32, #tpu.memory_space<vmem>>, vector<16xf32>,
      tpu.vector_store %arg9[%swap3A_3089, %swap3A_3090], %broadcast_in_dim3A_36 {strides = array<i32>} : memref<64x128xf32, #tpu.memory_space<vmem>>, vector<16xf32>,
      %swap3A_3092 = arith.constant 59 : i32
      %swap3A_3093 = arith.index_cast %swap3A_3092 : i32 to index
      %swap3A_3094 = arith.constant 48 : index
      %swap3A_3095 = tpu.vector_load %arg9[%swap3A_3093, %swap3A_3094] {strides = array<i32>} : memref<64x128xf32, #tpu.memory_space<vmem>>, vector<16xf32>,
      tpu.vector_store %arg9[%swap3A_3093, %swap3A_3094], %broadcast_in_dim3A_36 {strides = array<i32>} : memref<64x128xf32, #tpu.memory_space<vmem>>, vector<16xf32>,
      %swap3A_3096 = arith.constant 59 : i32
      %swap3A_3097 = arith.index_cast %swap3A_3096 : i32 to index
      %swap3A_3098 = arith.constant 64 : index
      %swap3A_3099 = tpu.vector_load %arg9[%swap3A_3097, %swap3A_3098] {strides = array<i32>} : memref<64x128xf32, #tpu.memory_space<vmem>>, vector<16xf32>,
      tpu.vector_store %arg9[%swap3A_3097, %swap3A_3098], %broadcast_in_dim3A_36 {strides = array<i32>} : memref<64x128xf32, #tpu.memory_space<vmem>>, vector<16xf32>,
      %swap3A_3100 = arith.constant 59 : i32
      %swap3A_3101 = arith.index_cast %swap3A_3100 : i32 to index
      %swap3A_3102 = arith.constant 80 : index
      %swap3A_3103 = tpu.vector_load %arg9[%swap3A_3101, %swap3A_3102] {strides = array<i32>} : memref<64x128xf32, #tpu.memory_space<vmem>>, vector<16xf32>,
      tpu.vector_store %arg9[%swap3A_3101, %swap3A_3102], %broadcast_in_dim3A_36 {strides = array<i32>} : memref<64x128xf32, #tpu.memory_space<vmem>>, vector<16xf32>,
      %swap3A_3104 = arith.constant 59 : i32
      %swap3A_3105 = arith.index_cast %swap3A_3104 : i32 to index
      %swap3A_3106 = arith.constant 96 : index
      %swap3A_3107 = tpu.vector_load %arg9[%swap3A_3105, %swap3A_3106] {strides = array<i32>} : memref<64x128xf32, #tpu.memory_space<vmem>>, vector<16xf32>,
      tpu.vector_store %arg9[%swap3A_3105, %swap3A_3106], %broadcast_in_dim3A_36 {strides = array<i32>} : memref<64x128xf32, #tpu.memory_space<vmem>>, vector<16xf32>,
      %swap3A_3108 = arith.constant 59 : i32
      %swap3A_3109 = arith.index_cast %swap3A_3108 : i32 to index
      %swap3A_3110 = arith.constant 112 : index
      %swap3A_3111 = tpu.vector_load %arg9[%swap3A_3109, %swap3A_3110] {strides = array<i32>} : memref<64x128xf32, #tpu.memory_space<vmem>>, vector<16xf32>,
      tpu.vector_store %arg9[%swap3A_3109, %swap3A_3110], %broadcast_in_dim3A_36 {strides = array<i32>} : memref<64x128xf32, #tpu.memory_space<vmem>>, vector<16xf32>,
      %swap3A_3112 = arith.constant 60 : i32
      %swap3A_3113 = arith.index_cast %swap3A_3112 : i32 to index
      %swap3A_3114 = arith.constant 0 : index
      %swap3A_3115 = tpu.vector_load %arg9[%swap3A_3113, %swap3A_3114] {strides = array<i32>} : memref<64x128xf32, #tpu.memory_space<vmem>>, vector<16xf32>,
      tpu.vector_store %arg9[%swap3A_3113, %swap3A_3114], %broadcast_in_dim3A_36 {strides = array<i32>} : memref<64x128xf32, #tpu.memory_space<vmem>>, vector<16xf32>,
      %swap3A_3116 = arith.constant 60 : i32
      %swap3A_3117 = arith.index_cast %swap3A_3116 : i32 to index
      %swap3A_3118 = arith.constant 16 : index
      %swap3A_3119 = tpu.vector_load %arg9[%swap3A_3117, %swap3A_3118] {strides = array<i32>} : memref<64x128xf32, #tpu.memory_space<vmem>>, vector<16xf32>,
      tpu.vector_store %arg9[%swap3A_3117, %swap3A_3118], %broadcast_in_dim3A_36 {strides = array<i32>} : memref<64x128xf32, #tpu.memory_space<vmem>>, vector<16xf32>,
      %swap3A_3120 = arith.constant 60 : i32
      %swap3A_3121 = arith.index_cast %swap3A_3120 : i32 to index
      %swap3A_3122 = arith.constant 32 : index
      %swap3A_3123 = tpu.vector_load %arg9[%swap3A_3121, %swap3A_3122] {strides = array<i32>} : memref<64x128xf32, #tpu.memory_space<vmem>>, vector<16xf32>,
      tpu.vector_store %arg9[%swap3A_3121, %swap3A_3122], %broadcast_in_dim3A_36 {strides = array<i32>} : memref<64x128xf32, #tpu.memory_space<vmem>>, vector<16xf32>,
      %swap3A_3124 = arith.constant 60 : i32
      %swap3A_3125 = arith.index_cast %swap3A_3124 : i32 to index
      %swap3A_3126 = arith.constant 48 : index
      %swap3A_3127 = tpu.vector_load %arg9[%swap3A_3125, %swap3A_3126] {strides = array<i32>} : memref<64x128xf32, #tpu.memory_space<vmem>>, vector<16xf32>,
      tpu.vector_store %arg9[%swap3A_3125, %swap3A_3126], %broadcast_in_dim3A_36 {strides = array<i32>} : memref<64x128xf32, #tpu.memory_space<vmem>>, vector<16xf32>,
      %swap3A_3128 = arith.constant 60 : i32
      %swap3A_3129 = arith.index_cast %swap3A_3128 : i32 to index
      %swap3A_3130 = arith.constant 64 : index
      %swap3A_3131 = tpu.vector_load %arg9[%swap3A_3129, %swap3A_3130] {strides = array<i32>} : memref<64x128xf32, #tpu.memory_space<vmem>>, vector<16xf32>,
      tpu.vector_store %arg9[%swap3A_3129, %swap3A_3130], %broadcast_in_dim3A_36 {strides = array<i32>} : memref<64x128xf32, #tpu.memory_space<vmem>>, vector<16xf32>,
      %swap3A_3132 = arith.constant 60 : i32
      %swap3A_3133 = arith.index_cast %swap3A_3132 : i32 to index
      %swap3A_3134 = arith.constant 80 : index
      %swap3A_3135 = tpu.vector_load %arg9[%swap3A_3133, %swap3A_3134] {strides = array<i32>} : memref<64x128xf32, #tpu.memory_space<vmem>>, vector<16xf32>,
      tpu.vector_store %arg9[%swap3A_3133, %swap3A_3134], %broadcast_in_dim3A_36 {strides = array<i32>} : memref<64x128xf32, #tpu.memory_space<vmem>>, vector<16xf32>,
      %swap3A_3136 = arith.constant 60 : i32
      %swap3A_3137 = arith.index_cast %swap3A_3136 : i32 to index
      %swap3A_3138 = arith.constant 96 : index
      %swap3A_3139 = tpu.vector_load %arg9[%swap3A_3137, %swap3A_3138] {strides = array<i32>} : memref<64x128xf32, #tpu.memory_space<vmem>>, vector<16xf32>,
      tpu.vector_store %arg9[%swap3A_3137, %swap3A_3138], %broadcast_in_dim3A_36 {strides = array<i32>} : memref<64x128xf32, #tpu.memory_space<vmem>>, vector<16xf32>,
      %swap3A_3140 = arith.constant 60 : i32
      %swap3A_3141 = arith.index_cast %swap3A_3140 : i32 to index
      %swap3A_3142 = arith.constant 112 : index
      %swap3A_3143 = tpu.vector_load %arg9[%swap3A_3141, %swap3A_3142] {strides = array<i32>} : memref<64x128xf32, #tpu.memory_space<vmem>>, vector<16xf32>,
      tpu.vector_store %arg9[%swap3A_3141, %swap3A_3142], %broadcast_in_dim3A_36 {strides = array<i32>} : memref<64x128xf32, #tpu.memory_space<vmem>>, vector<16xf32>,
      %swap3A_3144 = arith.constant 61 : i32
      %swap3A_3145 = arith.index_cast %swap3A_3144 : i32 to index
      %swap3A_3146 = arith.constant 0 : index
      %swap3A_3147 = tpu.vector_load %arg9[%swap3A_3145, %swap3A_3146] {strides = array<i32>} : memref<64x128xf32, #tpu.memory_space<vmem>>, vector<16xf32>,
      tpu.vector_store %arg9[%swap3A_3145, %swap3A_3146], %broadcast_in_dim3A_36 {strides = array<i32>} : memref<64x128xf32, #tpu.memory_space<vmem>>, vector<16xf32>,
      %swap3A_3148 = arith.constant 61 : i32
      %swap3A_3149 = arith.index_cast %swap3A_3148 : i32 to index
      %swap3A_3150 = arith.constant 16 : index
      %swap3A_3151 = tpu.vector_load %arg9[%swap3A_3149, %swap3A_3150] {strides = array<i32>} : memref<64x128xf32, #tpu.memory_space<vmem>>, vector<16xf32>,
      tpu.vector_store %arg9[%swap3A_3149, %swap3A_3150], %broadcast_in_dim3A_36 {strides = array<i32>} : memref<64x128xf32, #tpu.memory_space<vmem>>, vector<16xf32>,
      %swap3A_3152 = arith.constant 61 : i32
      %swap3A_3153 = arith.index_cast %swap3A_3152 : i32 to index
      %swap3A_3154 = arith.constant 32 : index
      %swap3A_3155 = tpu.vector_load %arg9[%swap3A_3153, %swap3A_3154] {strides = array<i32>} : memref<64x128xf32, #tpu.memory_space<vmem>>, vector<16xf32>,
      tpu.vector_store %arg9[%swap3A_3153, %swap3A_3154], %broadcast_in_dim3A_36 {strides = array<i32>} : memref<64x128xf32, #tpu.memory_space<vmem>>, vector<16xf32>,
      %swap3A_3156 = arith.constant 61 : i32
      %swap3A_3157 = arith.index_cast %swap3A_3156 : i32 to index
      %swap3A_3158 = arith.constant 48 : index
      %swap3A_3159 = tpu.vector_load %arg9[%swap3A_3157, %swap3A_3158] {strides = array<i32>} : memref<64x128xf32, #tpu.memory_space<vmem>>, vector<16xf32>,
      tpu.vector_store %arg9[%swap3A_3157, %swap3A_3158], %broadcast_in_dim3A_36 {strides = array<i32>} : memref<64x128xf32, #tpu.memory_space<vmem>>, vector<16xf32>,
      %swap3A_3160 = arith.constant 61 : i32
      %swap3A_3161 = arith.index_cast %swap3A_3160 : i32 to index
      %swap3A_3162 = arith.constant 64 : index
      %swap3A_3163 = tpu.vector_load %arg9[%swap3A_3161, %swap3A_3162] {strides = array<i32>} : memref<64x128xf32, #tpu.memory_space<vmem>>, vector<16xf32>,
      tpu.vector_store %arg9[%swap3A_3161, %swap3A_3162], %broadcast_in_dim3A_36 {strides = array<i32>} : memref<64x128xf32, #tpu.memory_space<vmem>>, vector<16xf32>,
      %swap3A_3164 = arith.constant 61 : i32
      %swap3A_3165 = arith.index_cast %swap3A_3164 : i32 to index
      %swap3A_3166 = arith.constant 80 : index
      %swap3A_3167 = tpu.vector_load %arg9[%swap3A_3165, %swap3A_3166] {strides = array<i32>} : memref<64x128xf32, #tpu.memory_space<vmem>>, vector<16xf32>,
      tpu.vector_store %arg9[%swap3A_3165, %swap3A_3166], %broadcast_in_dim3A_36 {strides = array<i32>} : memref<64x128xf32, #tpu.memory_space<vmem>>, vector<16xf32>,
      %swap3A_3168 = arith.constant 61 : i32
      %swap3A_3169 = arith.index_cast %swap3A_3168 : i32 to index
      %swap3A_3170 = arith.constant 96 : index
      %swap3A_3171 = tpu.vector_load %arg9[%swap3A_3169, %swap3A_3170] {strides = array<i32>} : memref<64x128xf32, #tpu.memory_space<vmem>>, vector<16xf32>,
      tpu.vector_store %arg9[%swap3A_3169, %swap3A_3170], %broadcast_in_dim3A_36 {strides = array<i32>} : memref<64x128xf32, #tpu.memory_space<vmem>>, vector<16xf32>,
      %swap3A_3172 = arith.constant 61 : i32
      %swap3A_3173 = arith.index_cast %swap3A_3172 : i32 to index
      %swap3A_3174 = arith.constant 112 : index
      %swap3A_3175 = tpu.vector_load %arg9[%swap3A_3173, %swap3A_3174] {strides = array<i32>} : memref<64x128xf32, #tpu.memory_space<vmem>>, vector<16xf32>,
      tpu.vector_store %arg9[%swap3A_3173, %swap3A_3174], %broadcast_in_dim3A_36 {strides = array<i32>} : memref<64x128xf32, #tpu.memory_space<vmem>>, vector<16xf32>,
      %swap3A_3176 = arith.constant 62 : i32
      %swap3A_3177 = arith.index_cast %swap3A_3176 : i32 to index
      %swap3A_3178 = arith.constant 0 : index
      %swap3A_3179 = tpu.vector_load %arg9[%swap3A_3177, %swap3A_3178] {strides = array<i32>} : memref<64x128xf32, #tpu.memory_space<vmem>>, vector<16xf32>,
      tpu.vector_store %arg9[%swap3A_3177, %swap3A_3178], %broadcast_in_dim3A_36 {strides = array<i32>} : memref<64x128xf32, #tpu.memory_space<vmem>>, vector<16xf32>,
      %swap3A_3180 = arith.constant 62 : i32
      %swap3A_3181 = arith.index_cast %swap3A_3180 : i32 to index
      %swap3A_3182 = arith.constant 16 : index
      %swap3A_3183 = tpu.vector_load %arg9[%swap3A_3181, %swap3A_3182] {strides = array<i32>} : memref<64x128xf32, #tpu.memory_space<vmem>>, vector<16xf32>,
      tpu.vector_store %arg9[%swap3A_3181, %swap3A_3182], %broadcast_in_dim3A_36 {strides = array<i32>} : memref<64x128xf32, #tpu.memory_space<vmem>>, vector<16xf32>,
      %swap3A_3184 = arith.constant 62 : i32
      %swap3A_3185 = arith.index_cast %swap3A_3184 : i32 to index
      %swap3A_3186 = arith.constant 32 : index
      %swap3A_3187 = tpu.vector_load %arg9[%swap3A_3185, %swap3A_3186] {strides = array<i32>} : memref<64x128xf32, #tpu.memory_space<vmem>>, vector<16xf32>,
      tpu.vector_store %arg9[%swap3A_3185, %swap3A_3186], %broadcast_in_dim3A_36 {strides = array<i32>} : memref<64x128xf32, #tpu.memory_space<vmem>>, vector<16xf32>,
      %swap3A_3188 = arith.constant 62 : i32
      %swap3A_3189 = arith.index_cast %swap3A_3188 : i32 to index
      %swap3A_3190 = arith.constant 48 : index
      %swap3A_3191 = tpu.vector_load %arg9[%swap3A_3189, %swap3A_3190] {strides = array<i32>} : memref<64x128xf32, #tpu.memory_space<vmem>>, vector<16xf32>,
      tpu.vector_store %arg9[%swap3A_3189, %swap3A_3190], %broadcast_in_dim3A_36 {strides = array<i32>} : memref<64x128xf32, #tpu.memory_space<vmem>>, vector<16xf32>,
      %swap3A_3192 = arith.constant 62 : i32
      %swap3A_3193 = arith.index_cast %swap3A_3192 : i32 to index
      %swap3A_3194 = arith.constant 64 : index
      %swap3A_3195 = tpu.vector_load %arg9[%swap3A_3193, %swap3A_3194] {strides = array<i32>} : memref<64x128xf32, #tpu.memory_space<vmem>>, vector<16xf32>,
      tpu.vector_store %arg9[%swap3A_3193, %swap3A_3194], %broadcast_in_dim3A_36 {strides = array<i32>} : memref<64x128xf32, #tpu.memory_space<vmem>>, vector<16xf32>,
      %swap3A_3196 = arith.constant 62 : i32
      %swap3A_3197 = arith.index_cast %swap3A_3196 : i32 to index
      %swap3A_3198 = arith.constant 80 : index
      %swap3A_3199 = tpu.vector_load %arg9[%swap3A_3197, %swap3A_3198] {strides = array<i32>} : memref<64x128xf32, #tpu.memory_space<vmem>>, vector<16xf32>,
      tpu.vector_store %arg9[%swap3A_3197, %swap3A_3198], %broadcast_in_dim3A_36 {strides = array<i32>} : memref<64x128xf32, #tpu.memory_space<vmem>>, vector<16xf32>,
      %swap3A_3200 = arith.constant 62 : i32
      %swap3A_3201 = arith.index_cast %swap3A_3200 : i32 to index
      %swap3A_3202 = arith.constant 96 : index
      %swap3A_3203 = tpu.vector_load %arg9[%swap3A_3201, %swap3A_3202] {strides = array<i32>} : memref<64x128xf32, #tpu.memory_space<vmem>>, vector<16xf32>,
      tpu.vector_store %arg9[%swap3A_3201, %swap3A_3202], %broadcast_in_dim3A_36 {strides = array<i32>} : memref<64x128xf32, #tpu.memory_space<vmem>>, vector<16xf32>,
      %swap3A_3204 = arith.constant 62 : i32
      %swap3A_3205 = arith.index_cast %swap3A_3204 : i32 to index
      %swap3A_3206 = arith.constant 112 : index
      %swap3A_3207 = tpu.vector_load %arg9[%swap3A_3205, %swap3A_3206] {strides = array<i32>} : memref<64x128xf32, #tpu.memory_space<vmem>>, vector<16xf32>,
      tpu.vector_store %arg9[%swap3A_3205, %swap3A_3206], %broadcast_in_dim3A_36 {strides = array<i32>} : memref<64x128xf32, #tpu.memory_space<vmem>>, vector<16xf32>,
      %swap3A_3208 = arith.constant 63 : i32
      %swap3A_3209 = arith.index_cast %swap3A_3208 : i32 to index
      %swap3A_3210 = arith.constant 0 : index
      %swap3A_3211 = tpu.vector_load %arg9[%swap3A_3209, %swap3A_3210] {strides = array<i32>} : memref<64x128xf32, #tpu.memory_space<vmem>>, vector<16xf32>,
      tpu.vector_store %arg9[%swap3A_3209, %swap3A_3210], %broadcast_in_dim3A_36 {strides = array<i32>} : memref<64x128xf32, #tpu.memory_space<vmem>>, vector<16xf32>,
      %swap3A_3212 = arith.constant 63 : i32
      %swap3A_3213 = arith.index_cast %swap3A_3212 : i32 to index
      %swap3A_3214 = arith.constant 16 : index
      %swap3A_3215 = tpu.vector_load %arg9[%swap3A_3213, %swap3A_3214] {strides = array<i32>} : memref<64x128xf32, #tpu.memory_space<vmem>>, vector<16xf32>,
      tpu.vector_store %arg9[%swap3A_3213, %swap3A_3214], %broadcast_in_dim3A_36 {strides = array<i32>} : memref<64x128xf32, #tpu.memory_space<vmem>>, vector<16xf32>,
      %swap3A_3216 = arith.constant 63 : i32
      %swap3A_3217 = arith.index_cast %swap3A_3216 : i32 to index
      %swap3A_3218 = arith.constant 32 : index
      %swap3A_3219 = tpu.vector_load %arg9[%swap3A_3217, %swap3A_3218] {strides = array<i32>} : memref<64x128xf32, #tpu.memory_space<vmem>>, vector<16xf32>,
      tpu.vector_store %arg9[%swap3A_3217, %swap3A_3218], %broadcast_in_dim3A_36 {strides = array<i32>} : memref<64x128xf32, #tpu.memory_space<vmem>>, vector<16xf32>,
      %swap3A_3220 = arith.constant 63 : i32
      %swap3A_3221 = arith.index_cast %swap3A_3220 : i32 to index
      %swap3A_3222 = arith.constant 48 : index
      %swap3A_3223 = tpu.vector_load %arg9[%swap3A_3221, %swap3A_3222] {strides = array<i32>} : memref<64x128xf32, #tpu.memory_space<vmem>>, vector<16xf32>,
      tpu.vector_store %arg9[%swap3A_3221, %swap3A_3222], %broadcast_in_dim3A_36 {strides = array<i32>} : memref<64x128xf32, #tpu.memory_space<vmem>>, vector<16xf32>,
      %swap3A_3224 = arith.constant 63 : i32
      %swap3A_3225 = arith.index_cast %swap3A_3224 : i32 to index
      %swap3A_3226 = arith.constant 64 : index
      %swap3A_3227 = tpu.vector_load %arg9[%swap3A_3225, %swap3A_3226] {strides = array<i32>} : memref<64x128xf32, #tpu.memory_space<vmem>>, vector<16xf32>,
      tpu.vector_store %arg9[%swap3A_3225, %swap3A_3226], %broadcast_in_dim3A_36 {strides = array<i32>} : memref<64x128xf32, #tpu.memory_space<vmem>>, vector<16xf32>,
      %swap3A_3228 = arith.constant 63 : i32
      %swap3A_3229 = arith.index_cast %swap3A_3228 : i32 to index
      %swap3A_3230 = arith.constant 80 : index
      %swap3A_3231 = tpu.vector_load %arg9[%swap3A_3229, %swap3A_3230] {strides = array<i32>} : memref<64x128xf32, #tpu.memory_space<vmem>>, vector<16xf32>,
      tpu.vector_store %arg9[%swap3A_3229, %swap3A_3230], %broadcast_in_dim3A_36 {strides = array<i32>} : memref<64x128xf32, #tpu.memory_space<vmem>>, vector<16xf32>,
      %swap3A_3232 = arith.constant 63 : i32
      %swap3A_3233 = arith.index_cast %swap3A_3232 : i32 to index
      %swap3A_3234 = arith.constant 96 : index
      %swap3A_3235 = tpu.vector_load %arg9[%swap3A_3233, %swap3A_3234] {strides = array<i32>} : memref<64x128xf32, #tpu.memory_space<vmem>>, vector<16xf32>,
      tpu.vector_store %arg9[%swap3A_3233, %swap3A_3234], %broadcast_in_dim3A_36 {strides = array<i32>} : memref<64x128xf32, #tpu.memory_space<vmem>>, vector<16xf32>,
      %swap3A_3236 = arith.constant 63 : i32
      %swap3A_3237 = arith.index_cast %swap3A_3236 : i32 to index
      %swap3A_3238 = arith.constant 112 : index
      %swap3A_3239 = tpu.vector_load %arg9[%swap3A_3237, %swap3A_3238] {strides = array<i32>} : memref<64x128xf32, #tpu.memory_space<vmem>>, vector<16xf32>,
      tpu.vector_store %arg9[%swap3A_3237, %swap3A_3238], %broadcast_in_dim3A_36 {strides = array<i32>} : memref<64x128xf32, #tpu.memory_space<vmem>>, vector<16xf32>,
      %broadcast_in_dim3A_3240 = arith.constant 0.333333343 : f32
      %broadcast_in_dim3A_3241 = vector.broadcast %broadcast_in_dim3A_3240 : f32 to vector<16xf32>
      %add3A_3242 = arith.constant 0 : i32
      %add3A_3243 = arith.addi %multiple_of3A_35, %add3A_3242 : i32
      %get3A_3244 = arith.constant 0 : i32
      %get3A_3245 = arith.index_cast %get3A_3244 : i32 to index
      %get3A_3246 = arith.index_cast %add3A_3243 : i32 to index
      %get3A_3247 = tpu.vector_load %arg7[%get3A_3245, %get3A_3246] {strides = array<i32>} : memref<3x256xi32, #tpu.memory_space<vmem>>, vector<16xi32>,
      %add3A_3248 = arith.constant 0 : i32
      %add3A_3249 = vector.broadcast %add3A_3248 : i32 to vector<16xi32>
      %add3A_3250 = arith.addi %iota3A, %add3A_3249 : vector<16xi32>
      tpu.vector_store_idx %arg9[%get3A_3247, %add3A_3250], %broadcast_in_dim3A_3241 {add = true} : memref<64x128xf32, #tpu.memory_space<vmem>>[vector<16xi32>, vector<16xi32>], vector<16xf32>,
      %add3A_3251 = arith.constant 16 : i32
      %add3A_3252 = arith.addi %multiple_of3A_35, %add3A_3251 : i32
      %get3A_3253 = arith.constant 0 : i32
      %get3A_3254 = arith.index_cast %get3A_3253 : i32 to index
      %get3A_3255 = arith.index_cast %add3A_3252 : i32 to index
      %get3A_3256 = tpu.vector_load %arg7[%get3A_3254, %get3A_3255] {strides = array<i32>} : memref<3x256xi32, #tpu.memory_space<vmem>>, vector<16xi32>,
      %add3A_3257 = arith.constant 16 : i32
      %add3A_3258 = vector.broadcast %add3A_3257 : i32 to vector<16xi32>
      %add3A_3259 = arith.addi %iota3A, %add3A_3258 : vector<16xi32>
      tpu.vector_store_idx %arg9[%get3A_3256, %add3A_3259], %broadcast_in_dim3A_3241 {add = true} : memref<64x128xf32, #tpu.memory_space<vmem>>[vector<16xi32>, vector<16xi32>], vector<16xf32>,
      %add3A_3260 = arith.constant 32 : i32
      %add3A_3261 = arith.addi %multiple_of3A_35, %add3A_3260 : i32
      %get3A_3262 = arith.constant 0 : i32
      %get3A_3263 = arith.index_cast %get3A_3262 : i32 to index
      %get3A_3264 = arith.index_cast %add3A_3261 : i32 to index
      %get3A_3265 = tpu.vector_load %arg7[%get3A_3263, %get3A_3264] {strides = array<i32>} : memref<3x256xi32, #tpu.memory_space<vmem>>, vector<16xi32>,
      %add3A_3266 = arith.constant 32 : i32
      %add3A_3267 = vector.broadcast %add3A_3266 : i32 to vector<16xi32>
      %add3A_3268 = arith.addi %iota3A, %add3A_3267 : vector<16xi32>
      tpu.vector_store_idx %arg9[%get3A_3265, %add3A_3268], %broadcast_in_dim3A_3241 {add = true} : memref<64x128xf32, #tpu.memory_space<vmem>>[vector<16xi32>, vector<16xi32>], vector<16xf32>,
      %add3A_3269 = arith.constant 48 : i32
      %add3A_3270 = arith.addi %multiple_of3A_35, %add3A_3269 : i32
      %get3A_3271 = arith.constant 0 : i32
      %get3A_3272 = arith.index_cast %get3A_3271 : i32 to index
      %get3A_3273 = arith.index_cast %add3A_3270 : i32 to index
      %get3A_3274 = tpu.vector_load %arg7[%get3A_3272, %get3A_3273] {strides = array<i32>} : memref<3x256xi32, #tpu.memory_space<vmem>>, vector<16xi32>,
      %add3A_3275 = arith.constant 48 : i32
      %add3A_3276 = vector.broadcast %add3A_3275 : i32 to vector<16xi32>
      %add3A_3277 = arith.addi %iota3A, %add3A_3276 : vector<16xi32>
      tpu.vector_store_idx %arg9[%get3A_3274, %add3A_3277], %broadcast_in_dim3A_3241 {add = true} : memref<64x128xf32, #tpu.memory_space<vmem>>[vector<16xi32>, vector<16xi32>], vector<16xf32>,
      %add3A_3278 = arith.constant 64 : i32
      %add3A_3279 = arith.addi %multiple_of3A_35, %add3A_3278 : i32
      %get3A_3280 = arith.constant 0 : i32
      %get3A_3281 = arith.index_cast %get3A_3280 : i32 to index
      %get3A_3282 = arith.index_cast %add3A_3279 : i32 to index
      %get3A_3283 = tpu.vector_load %arg7[%get3A_3281, %get3A_3282] {strides = array<i32>} : memref<3x256xi32, #tpu.memory_space<vmem>>, vector<16xi32>,
      %add3A_3284 = arith.constant 64 : i32
      %add3A_3285 = vector.broadcast %add3A_3284 : i32 to vector<16xi32>
      %add3A_3286 = arith.addi %iota3A, %add3A_3285 : vector<16xi32>
      tpu.vector_store_idx %arg9[%get3A_3283, %add3A_3286], %broadcast_in_dim3A_3241 {add = true} : memref<64x128xf32, #tpu.memory_space<vmem>>[vector<16xi32>, vector<16xi32>], vector<16xf32>,
      %add3A_3287 = arith.constant 80 : i32
      %add3A_3288 = arith.addi %multiple_of3A_35, %add3A_3287 : i32
      %get3A_3289 = arith.constant 0 : i32
      %get3A_3290 = arith.index_cast %get3A_3289 : i32 to index
      %get3A_3291 = arith.index_cast %add3A_3288 : i32 to index
      %get3A_3292 = tpu.vector_load %arg7[%get3A_3290, %get3A_3291] {strides = array<i32>} : memref<3x256xi32, #tpu.memory_space<vmem>>, vector<16xi32>,
      %add3A_3293 = arith.constant 80 : i32
      %add3A_3294 = vector.broadcast %add3A_3293 : i32 to vector<16xi32>
      %add3A_3295 = arith.addi %iota3A, %add3A_3294 : vector<16xi32>
      tpu.vector_store_idx %arg9[%get3A_3292, %add3A_3295], %broadcast_in_dim3A_3241 {add = true} : memref<64x128xf32, #tpu.memory_space<vmem>>[vector<16xi32>, vector<16xi32>], vector<16xf32>,
      %add3A_3296 = arith.constant 96 : i32
      %add3A_3297 = arith.addi %multiple_of3A_35, %add3A_3296 : i32
      %get3A_3298 = arith.constant 0 : i32
      %get3A_3299 = arith.index_cast %get3A_3298 : i32 to index
      %get3A_3300 = arith.index_cast %add3A_3297 : i32 to index
      %get3A_3301 = tpu.vector_load %arg7[%get3A_3299, %get3A_3300] {strides = array<i32>} : memref<3x256xi32, #tpu.memory_space<vmem>>, vector<16xi32>,
      %add3A_3302 = arith.constant 96 : i32
      %add3A_3303 = vector.broadcast %add3A_3302 : i32 to vector<16xi32>
      %add3A_3304 = arith.addi %iota3A, %add3A_3303 : vector<16xi32>
      tpu.vector_store_idx %arg9[%get3A_3301, %add3A_3304], %broadcast_in_dim3A_3241 {add = true} : memref<64x128xf32, #tpu.memory_space<vmem>>[vector<16xi32>, vector<16xi32>], vector<16xf32>,
      %add3A_3305 = arith.constant 112 : i32
      %add3A_3306 = arith.addi %multiple_of3A_35, %add3A_3305 : i32
      %get3A_3307 = arith.constant 0 : i32
      %get3A_3308 = arith.index_cast %get3A_3307 : i32 to index
      %get3A_3309 = arith.index_cast %add3A_3306 : i32 to index
      %get3A_3310 = tpu.vector_load %arg7[%get3A_3308, %get3A_3309] {strides = array<i32>} : memref<3x256xi32, #tpu.memory_space<vmem>>, vector<16xi32>,
      %add3A_3311 = arith.constant 112 : i32
      %add3A_3312 = vector.broadcast %add3A_3311 : i32 to vector<16xi32>
      %add3A_3313 = arith.addi %iota3A, %add3A_3312 : vector<16xi32>
      tpu.vector_store_idx %arg9[%get3A_3310, %add3A_3313], %broadcast_in_dim3A_3241 {add = true} : memref<64x128xf32, #tpu.memory_space<vmem>>[vector<16xi32>, vector<16xi32>], vector<16xf32>,
      %add3A_3314 = arith.constant 0 : i32
      %add3A_3315 = arith.addi %multiple_of3A_35, %add3A_3314 : i32
      %get3A_3316 = arith.constant 1 : i32
      %get3A_3317 = arith.index_cast %get3A_3316 : i32 to index
      %get3A_3318 = arith.index_cast %add3A_3315 : i32 to index
      %get3A_3319 = tpu.vector_load %arg7[%get3A_3317, %get3A_3318] {strides = array<i32>} : memref<3x256xi32, #tpu.memory_space<vmem>>, vector<16xi32>,
      %add3A_3320 = arith.constant 0 : i32
      %add3A_3321 = vector.broadcast %add3A_3320 : i32 to vector<16xi32>
      %add3A_3322 = arith.addi %iota3A, %add3A_3321 : vector<16xi32>
      tpu.vector_store_idx %arg9[%get3A_3319, %add3A_3322], %broadcast_in_dim3A_3241 {add = true} : memref<64x128xf32, #tpu.memory_space<vmem>>[vector<16xi32>, vector<16xi32>], vector<16xf32>,
      %add3A_3323 = arith.constant 16 : i32
      %add3A_3324 = arith.addi %multiple_of3A_35, %add3A_3323 : i32
      %get3A_3325 = arith.constant 1 : i32
      %get3A_3326 = arith.index_cast %get3A_3325 : i32 to index
      %get3A_3327 = arith.index_cast %add3A_3324 : i32 to index
      %get3A_3328 = tpu.vector_load %arg7[%get3A_3326, %get3A_3327] {strides = array<i32>} : memref<3x256xi32, #tpu.memory_space<vmem>>, vector<16xi32>,
      %add3A_3329 = arith.constant 16 : i32
      %add3A_3330 = vector.broadcast %add3A_3329 : i32 to vector<16xi32>
      %add3A_3331 = arith.addi %iota3A, %add3A_3330 : vector<16xi32>
      tpu.vector_store_idx %arg9[%get3A_3328, %add3A_3331], %broadcast_in_dim3A_3241 {add = true} : memref<64x128xf32, #tpu.memory_space<vmem>>[vector<16xi32>, vector<16xi32>], vector<16xf32>,
      %add3A_3332 = arith.constant 32 : i32
      %add3A_3333 = arith.addi %multiple_of3A_35, %add3A_3332 : i32
      %get3A_3334 = arith.constant 1 : i32
      %get3A_3335 = arith.index_cast %get3A_3334 : i32 to index
      %get3A_3336 = arith.index_cast %add3A_3333 : i32 to index
      %get3A_3337 = tpu.vector_load %arg7[%get3A_3335, %get3A_3336] {strides = array<i32>} : memref<3x256xi32, #tpu.memory_space<vmem>>, vector<16xi32>,
      %add3A_3338 = arith.constant 32 : i32
      %add3A_3339 = vector.broadcast %add3A_3338 : i32 to vector<16xi32>
      %add3A_3340 = arith.addi %iota3A, %add3A_3339 : vector<16xi32>
      tpu.vector_store_idx %arg9[%get3A_3337, %add3A_3340], %broadcast_in_dim3A_3241 {add = true} : memref<64x128xf32, #tpu.memory_space<vmem>>[vector<16xi32>, vector<16xi32>], vector<16xf32>,
      %add3A_3341 = arith.constant 48 : i32
      %add3A_3342 = arith.addi %multiple_of3A_35, %add3A_3341 : i32
      %get3A_3343 = arith.constant 1 : i32
      %get3A_3344 = arith.index_cast %get3A_3343 : i32 to index
      %get3A_3345 = arith.index_cast %add3A_3342 : i32 to index
      %get3A_3346 = tpu.vector_load %arg7[%get3A_3344, %get3A_3345] {strides = array<i32>} : memref<3x256xi32, #tpu.memory_space<vmem>>, vector<16xi32>,
      %add3A_3347 = arith.constant 48 : i32
      %add3A_3348 = vector.broadcast %add3A_3347 : i32 to vector<16xi32>
      %add3A_3349 = arith.addi %iota3A, %add3A_3348 : vector<16xi32>
      tpu.vector_store_idx %arg9[%get3A_3346, %add3A_3349], %broadcast_in_dim3A_3241 {add = true} : memref<64x128xf32, #tpu.memory_space<vmem>>[vector<16xi32>, vector<16xi32>], vector<16xf32>,
      %add3A_3350 = arith.constant 64 : i32
      %add3A_3351 = arith.addi %multiple_of3A_35, %add3A_3350 : i32
      %get3A_3352 = arith.constant 1 : i32
      %get3A_3353 = arith.index_cast %get3A_3352 : i32 to index
      %get3A_3354 = arith.index_cast %add3A_3351 : i32 to index
      %get3A_3355 = tpu.vector_load %arg7[%get3A_3353, %get3A_3354] {strides = array<i32>} : memref<3x256xi32, #tpu.memory_space<vmem>>, vector<16xi32>,
      %add3A_3356 = arith.constant 64 : i32
      %add3A_3357 = vector.broadcast %add3A_3356 : i32 to vector<16xi32>
      %add3A_3358 = arith.addi %iota3A, %add3A_3357 : vector<16xi32>
      tpu.vector_store_idx %arg9[%get3A_3355, %add3A_3358], %broadcast_in_dim3A_3241 {add = true} : memref<64x128xf32, #tpu.memory_space<vmem>>[vector<16xi32>, vector<16xi32>], vector<16xf32>,
      %add3A_3359 = arith.constant 80 : i32
      %add3A_3360 = arith.addi %multiple_of3A_35, %add3A_3359 : i32
      %get3A_3361 = arith.constant 1 : i32
      %get3A_3362 = arith.index_cast %get3A_3361 : i32 to index
      %get3A_3363 = arith.index_cast %add3A_3360 : i32 to index
      %get3A_3364 = tpu.vector_load %arg7[%get3A_3362, %get3A_3363] {strides = array<i32>} : memref<3x256xi32, #tpu.memory_space<vmem>>, vector<16xi32>,
      %add3A_3365 = arith.constant 80 : i32
      %add3A_3366 = vector.broadcast %add3A_3365 : i32 to vector<16xi32>
      %add3A_3367 = arith.addi %iota3A, %add3A_3366 : vector<16xi32>
      tpu.vector_store_idx %arg9[%get3A_3364, %add3A_3367], %broadcast_in_dim3A_3241 {add = true} : memref<64x128xf32, #tpu.memory_space<vmem>>[vector<16xi32>, vector<16xi32>], vector<16xf32>,
      %add3A_3368 = arith.constant 96 : i32
      %add3A_3369 = arith.addi %multiple_of3A_35, %add3A_3368 : i32
      %get3A_3370 = arith.constant 1 : i32
      %get3A_3371 = arith.index_cast %get3A_3370 : i32 to index
      %get3A_3372 = arith.index_cast %add3A_3369 : i32 to index
      %get3A_3373 = tpu.vector_load %arg7[%get3A_3371, %get3A_3372] {strides = array<i32>} : memref<3x256xi32, #tpu.memory_space<vmem>>, vector<16xi32>,
      %add3A_3374 = arith.constant 96 : i32
      %add3A_3375 = vector.broadcast %add3A_3374 : i32 to vector<16xi32>
      %add3A_3376 = arith.addi %iota3A, %add3A_3375 : vector<16xi32>
      tpu.vector_store_idx %arg9[%get3A_3373, %add3A_3376], %broadcast_in_dim3A_3241 {add = true} : memref<64x128xf32, #tpu.memory_space<vmem>>[vector<16xi32>, vector<16xi32>], vector<16xf32>,
      %add3A_3377 = arith.constant 112 : i32
      %add3A_3378 = arith.addi %multiple_of3A_35, %add3A_3377 : i32
      %get3A_3379 = arith.constant 1 : i32
      %get3A_3380 = arith.index_cast %get3A_3379 : i32 to index
      %get3A_3381 = arith.index_cast %add3A_3378 : i32 to index
      %get3A_3382 = tpu.vector_load %arg7[%get3A_3380, %get3A_3381] {strides = array<i32>} : memref<3x256xi32, #tpu.memory_space<vmem>>, vector<16xi32>,
      %add3A_3383 = arith.constant 112 : i32
      %add3A_3384 = vector.broadcast %add3A_3383 : i32 to vector<16xi32>
      %add3A_3385 = arith.addi %iota3A, %add3A_3384 : vector<16xi32>
      tpu.vector_store_idx %arg9[%get3A_3382, %add3A_3385], %broadcast_in_dim3A_3241 {add = true} : memref<64x128xf32, #tpu.memory_space<vmem>>[vector<16xi32>, vector<16xi32>], vector<16xf32>,
      %add3A_3386 = arith.constant 0 : i32
      %add3A_3387 = arith.addi %multiple_of3A_35, %add3A_3386 : i32
      %get3A_3388 = arith.constant 2 : i32
      %get3A_3389 = arith.index_cast %get3A_3388 : i32 to index
      %get3A_3390 = arith.index_cast %add3A_3387 : i32 to index
      %get3A_3391 = tpu.vector_load %arg7[%get3A_3389, %get3A_3390] {strides = array<i32>} : memref<3x256xi32, #tpu.memory_space<vmem>>, vector<16xi32>,
      %add3A_3392 = arith.constant 0 : i32
      %add3A_3393 = vector.broadcast %add3A_3392 : i32 to vector<16xi32>
      %add3A_3394 = arith.addi %iota3A, %add3A_3393 : vector<16xi32>
      tpu.vector_store_idx %arg9[%get3A_3391, %add3A_3394], %broadcast_in_dim3A_3241 {add = true} : memref<64x128xf32, #tpu.memory_space<vmem>>[vector<16xi32>, vector<16xi32>], vector<16xf32>,
      %add3A_3395 = arith.constant 16 : i32
      %add3A_3396 = arith.addi %multiple_of3A_35, %add3A_3395 : i32
      %get3A_3397 = arith.constant 2 : i32
      %get3A_3398 = arith.index_cast %get3A_3397 : i32 to index
      %get3A_3399 = arith.index_cast %add3A_3396 : i32 to index
      %get3A_3400 = tpu.vector_load %arg7[%get3A_3398, %get3A_3399] {strides = array<i32>} : memref<3x256xi32, #tpu.memory_space<vmem>>, vector<16xi32>,
      %add3A_3401 = arith.constant 16 : i32
      %add3A_3402 = vector.broadcast %add3A_3401 : i32 to vector<16xi32>
      %add3A_3403 = arith.addi %iota3A, %add3A_3402 : vector<16xi32>
      tpu.vector_store_idx %arg9[%get3A_3400, %add3A_3403], %broadcast_in_dim3A_3241 {add = true} : memref<64x128xf32, #tpu.memory_space<vmem>>[vector<16xi32>, vector<16xi32>], vector<16xf32>,
      %add3A_3404 = arith.constant 32 : i32
      %add3A_3405 = arith.addi %multiple_of3A_35, %add3A_3404 : i32
      %get3A_3406 = arith.constant 2 : i32
      %get3A_3407 = arith.index_cast %get3A_3406 : i32 to index
      %get3A_3408 = arith.index_cast %add3A_3405 : i32 to index
      %get3A_3409 = tpu.vector_load %arg7[%get3A_3407, %get3A_3408] {strides = array<i32>} : memref<3x256xi32, #tpu.memory_space<vmem>>, vector<16xi32>,
      %add3A_3410 = arith.constant 32 : i32
      %add3A_3411 = vector.broadcast %add3A_3410 : i32 to vector<16xi32>
      %add3A_3412 = arith.addi %iota3A, %add3A_3411 : vector<16xi32>
      tpu.vector_store_idx %arg9[%get3A_3409, %add3A_3412], %broadcast_in_dim3A_3241 {add = true} : memref<64x128xf32, #tpu.memory_space<vmem>>[vector<16xi32>, vector<16xi32>], vector<16xf32>,
      %add3A_3413 = arith.constant 48 : i32
      %add3A_3414 = arith.addi %multiple_of3A_35, %add3A_3413 : i32
      %get3A_3415 = arith.constant 2 : i32
      %get3A_3416 = arith.index_cast %get3A_3415 : i32 to index
      %get3A_3417 = arith.index_cast %add3A_3414 : i32 to index
      %get3A_3418 = tpu.vector_load %arg7[%get3A_3416, %get3A_3417] {strides = array<i32>} : memref<3x256xi32, #tpu.memory_space<vmem>>, vector<16xi32>,
      %add3A_3419 = arith.constant 48 : i32
      %add3A_3420 = vector.broadcast %add3A_3419 : i32 to vector<16xi32>
      %add3A_3421 = arith.addi %iota3A, %add3A_3420 : vector<16xi32>
      tpu.vector_store_idx %arg9[%get3A_3418, %add3A_3421], %broadcast_in_dim3A_3241 {add = true} : memref<64x128xf32, #tpu.memory_space<vmem>>[vector<16xi32>, vector<16xi32>], vector<16xf32>,
      %add3A_3422 = arith.constant 64 : i32
      %add3A_3423 = arith.addi %multiple_of3A_35, %add3A_3422 : i32
      %get3A_3424 = arith.constant 2 : i32
      %get3A_3425 = arith.index_cast %get3A_3424 : i32 to index
      %get3A_3426 = arith.index_cast %add3A_3423 : i32 to index
      %get3A_3427 = tpu.vector_load %arg7[%get3A_3425, %get3A_3426] {strides = array<i32>} : memref<3x256xi32, #tpu.memory_space<vmem>>, vector<16xi32>,
      %add3A_3428 = arith.constant 64 : i32
      %add3A_3429 = vector.broadcast %add3A_3428 : i32 to vector<16xi32>
      %add3A_3430 = arith.addi %iota3A, %add3A_3429 : vector<16xi32>
      tpu.vector_store_idx %arg9[%get3A_3427, %add3A_3430], %broadcast_in_dim3A_3241 {add = true} : memref<64x128xf32, #tpu.memory_space<vmem>>[vector<16xi32>, vector<16xi32>], vector<16xf32>,
      %add3A_3431 = arith.constant 80 : i32
      %add3A_3432 = arith.addi %multiple_of3A_35, %add3A_3431 : i32
      %get3A_3433 = arith.constant 2 : i32
      %get3A_3434 = arith.index_cast %get3A_3433 : i32 to index
      %get3A_3435 = arith.index_cast %add3A_3432 : i32 to index
      %get3A_3436 = tpu.vector_load %arg7[%get3A_3434, %get3A_3435] {strides = array<i32>} : memref<3x256xi32, #tpu.memory_space<vmem>>, vector<16xi32>,
      %add3A_3437 = arith.constant 80 : i32
      %add3A_3438 = vector.broadcast %add3A_3437 : i32 to vector<16xi32>
      %add3A_3439 = arith.addi %iota3A, %add3A_3438 : vector<16xi32>
      tpu.vector_store_idx %arg9[%get3A_3436, %add3A_3439], %broadcast_in_dim3A_3241 {add = true} : memref<64x128xf32, #tpu.memory_space<vmem>>[vector<16xi32>, vector<16xi32>], vector<16xf32>,
      %add3A_3440 = arith.constant 96 : i32
      %add3A_3441 = arith.addi %multiple_of3A_35, %add3A_3440 : i32
      %get3A_3442 = arith.constant 2 : i32
      %get3A_3443 = arith.index_cast %get3A_3442 : i32 to index
      %get3A_3444 = arith.index_cast %add3A_3441 : i32 to index
      %get3A_3445 = tpu.vector_load %arg7[%get3A_3443, %get3A_3444] {strides = array<i32>} : memref<3x256xi32, #tpu.memory_space<vmem>>, vector<16xi32>,
      %add3A_3446 = arith.constant 96 : i32
      %add3A_3447 = vector.broadcast %add3A_3446 : i32 to vector<16xi32>
      %add3A_3448 = arith.addi %iota3A, %add3A_3447 : vector<16xi32>
      tpu.vector_store_idx %arg9[%get3A_3445, %add3A_3448], %broadcast_in_dim3A_3241 {add = true} : memref<64x128xf32, #tpu.memory_space<vmem>>[vector<16xi32>, vector<16xi32>], vector<16xf32>,
      %add3A_3449 = arith.constant 112 : i32
      %add3A_3450 = arith.addi %multiple_of3A_35, %add3A_3449 : i32
      %get3A_3451 = arith.constant 2 : i32
      %get3A_3452 = arith.index_cast %get3A_3451 : i32 to index
      %get3A_3453 = arith.index_cast %add3A_3450 : i32 to index
      %get3A_3454 = tpu.vector_load %arg7[%get3A_3452, %get3A_3453] {strides = array<i32>} : memref<3x256xi32, #tpu.memory_space<vmem>>, vector<16xi32>,
      %add3A_3455 = arith.constant 112 : i32
      %add3A_3456 = vector.broadcast %add3A_3455 : i32 to vector<16xi32>
      %add3A_3457 = arith.addi %iota3A, %add3A_3456 : vector<16xi32>
      tpu.vector_store_idx %arg9[%get3A_3454, %add3A_3457], %broadcast_in_dim3A_3241 {add = true} : memref<64x128xf32, #tpu.memory_space<vmem>>[vector<16xi32>, vector<16xi32>], vector<16xf32>,
      "tpu.region"() ({
        %run_scoped3A = tpu.sem_alloc : memref<!tpu.dma_semaphore, #tpu.memory_space<semaphore_mem>>
        %dma_start3A = arith.constant 0 : i32
        %dma_start3A_3458 = tpu.memref_slice %arg5[%select_n3A, %dma_start3A, %multiple_of3A_35] : memref<8x64x256xf32, #tpu.memory_space<hbm>> -> memref<1x64x128xf32, #tpu.memory_space<hbm>>
        %dma_start3A_3459 = tpu.memref_squeeze %dma_start3A_3458 : memref<1x64x128xf32, #tpu.memory_space<hbm>> -> memref<64x128xf32, #tpu.memory_space<hbm>>
        %dma_start3A_3460 = arith.constant 0 : i32
        %dma_start3A_3461 = tpu.memref_slice %arg5[%select_n3A, %dma_start3A_3460, %multiple_of3A_35] : memref<8x64x256xf32, #tpu.memory_space<hbm>> -> memref<1x64x128xf32, #tpu.memory_space<hbm>>
        %dma_start3A_3462 = tpu.memref_squeeze %dma_start3A_3461 : memref<1x64x128xf32, #tpu.memory_space<hbm>> -> memref<64x128xf32, #tpu.memory_space<hbm>>
        tpu.enqueue_dma source(%arg9 : memref<64x128xf32, #tpu.memory_space<vmem>>) target(%dma_start3A_3462 : memref<64x128xf32, #tpu.memory_space<hbm>>) target_semaphore(%run_scoped3A : memref<!tpu.dma_semaphore, #tpu.memory_space<semaphore_mem>>)
        %dma_wait3A = arith.constant 0 : i32
        %dma_wait3A_3463 = tpu.memref_slice %arg5[%select_n3A, %dma_wait3A, %multiple_of3A_35] : memref<8x64x256xf32, #tpu.memory_space<hbm>> -> memref<1x64x128xf32, #tpu.memory_space<hbm>>
        %dma_wait3A_3464 = tpu.memref_squeeze %dma_wait3A_3463 : memref<1x64x128xf32, #tpu.memory_space<hbm>> -> memref<64x128xf32, #tpu.memory_space<hbm>>
        %dma_wait3A_3465 = arith.constant 0 : i32
        %dma_wait3A_3466 = tpu.memref_slice %arg5[%select_n3A, %dma_wait3A_3465, %multiple_of3A_35] : memref<8x64x256xf32, #tpu.memory_space<hbm>> -> memref<1x64x128xf32, #tpu.memory_space<hbm>>
        %dma_wait3A_3467 = tpu.memref_squeeze %dma_wait3A_3466 : memref<1x64x128xf32, #tpu.memory_space<hbm>> -> memref<64x128xf32, #tpu.memory_space<hbm>>
        tpu.wait_dma2 semaphore(%run_scoped3A : memref<!tpu.dma_semaphore, #tpu.memory_space<semaphore_mem>>) src(%arg9 : memref<64x128xf32, #tpu.memory_space<vmem>>) dst(%dma_wait3A_3467 : memref<64x128xf32, #tpu.memory_space<hbm>>)
        tpu.yield
      }) : () -> ()
    } else {
    }
    return
  }
}

module attributes {stable_mosaic.version = 14 : i64} {
  func.func @_tc_body(%arg0: i32, %arg1: memref<1x64x256xf32, #tpu.memory_space<vmem>>, %arg2: memref<1x64x256xf32, #tpu.memory_space<vmem>>, %arg3: memref<1x768x256xf32, #tpu.memory_space<vmem>>, %arg4: memref<768x768xf32, #tpu.memory_space<vmem>>, %arg5: memref<1x768xf32, #tpu.memory_space<vmem>>, %arg6: memref<768x768xf32, #tpu.memory_space<vmem>>, %arg7: memref<1x768xf32, #tpu.memory_space<vmem>>, %arg8: memref<1x1xf32, #tpu.memory_space<smem>>, %arg9: memref<1x768x256xf32, #tpu.memory_space<vmem>>) attributes {dimension_semantics = [#tpu.dimension_semantics<arbitrary>], iteration_bounds = array<i64: 8>, scalar_prefetch = 0 : i64, scratch_operands = 0 : i64, tpu.core_type = #tpu.core_type<tc>, window_params = [{transform_indices = @transform_0, window_bounds = array<i64: 1, 64, 256>}, {transform_indices = @transform_1, window_bounds = array<i64: 1, 64, 256>}, {transform_indices = @transform_2, window_bounds = array<i64: 1, 768, 256>}, {pipeline_mode = #tpu.pipeline_mode<synchronous>, transform_indices = @transform_3, window_bounds = array<i64: 768, 768>}, {pipeline_mode = #tpu.pipeline_mode<synchronous>, transform_indices = @transform_4, window_bounds = array<i64: 1, 768>}, {pipeline_mode = #tpu.pipeline_mode<synchronous>, transform_indices = @transform_5, window_bounds = array<i64: 768, 768>}, {pipeline_mode = #tpu.pipeline_mode<synchronous>, transform_indices = @transform_6, window_bounds = array<i64: 1, 768>}, {transform_indices = @transform_7, window_bounds = array<i64: 1, 1>}, {transform_indices = @transform_8, window_bounds = array<i64: 1, 768, 256>}]} {
    %get3A = arith.constant 0 : index
    %get3A_0 = arith.constant 0 : index
    %get3A_1 = arith.constant 0 : index
    %get3A_2 = vector.load %arg3[%get3A, %get3A_0, %get3A_1] : memref<1x768x256xf32, #tpu.memory_space<vmem>>, vector<1x768x256xf32>
    %get3A_3 = vector.shape_cast %get3A_2 : vector<1x768x256xf32> to vector<768x256xf32>
    %convert_element_type3A = arith.truncf %get3A_3 : vector<768x256xf32> to vector<768x256xbf16>
    %get3A_4 = arith.constant 0 : index
    %get3A_5 = arith.constant 0 : index
    %get3A_6 = arith.constant 0 : index
    %get3A_7 = vector.load %arg1[%get3A_4, %get3A_5, %get3A_6] : memref<1x64x256xf32, #tpu.memory_space<vmem>>, vector<1x64x256xf32>
    %get3A_8 = vector.shape_cast %get3A_7 : vector<1x64x256xf32> to vector<64x256xf32>
    %convert_element_type3A_9 = arith.truncf %get3A_8 : vector<64x256xf32> to vector<64x256xbf16>
    %dot_general3A = arith.constant dense<0.000000e+00> : vector<768x64xf32>
    %dot_general3A_10 = tpu.matmul %convert_element_type3A, %convert_element_type3A_9, %dot_general3A {dimension_numbers = #tpu.dot_dimension_numbers<[1], [1], [0], [0], [0, 0, 1, 0], [], []>, transpose_lhs_hint = false} : vector<768x256xbf16>, vector<64x256xbf16>, vector<768x64xf32> -> vector<768x64xf32>
    %get3A_11 = arith.constant 0 : index
    %get3A_12 = arith.constant 0 : index
    %get3A_13 = vector.load %arg4[%get3A_11, %get3A_12] : memref<768x768xf32, #tpu.memory_space<vmem>>, vector<768x768xf32>
    %convert_element_type3A_14 = arith.truncf %get3A_13 : vector<768x768xf32> to vector<768x768xbf16>
    %convert_element_type3A_15 = arith.truncf %dot_general3A_10 : vector<768x64xf32> to vector<768x64xbf16>
    %dot_general3A_16 = arith.constant dense<0.000000e+00> : vector<768x64xf32>
    %dot_general3A_17 = tpu.matmul %convert_element_type3A_14, %convert_element_type3A_15, %dot_general3A_16 {dimension_numbers = #tpu.dot_dimension_numbers<[1], [0], [0], [1], [0, 0, 1, 1], [], []>, transpose_lhs_hint = false} : vector<768x768xbf16>, vector<768x64xbf16>, vector<768x64xf32> -> vector<768x64xf32>
    %get3A_18 = arith.constant 0 : index
    %get3A_19 = arith.constant 0 : index
    %get3A_20 = vector.load %arg5[%get3A_18, %get3A_19] : memref<1x768xf32, #tpu.memory_space<vmem>>, vector<1x768xf32>
    %get3A_21 = vector.shape_cast %get3A_20 : vector<1x768xf32> to vector<768xf32>
    %broadcast_in_dim3A = vector.shape_cast %get3A_21 : vector<768xf32> to vector<768x1xf32>
    %add3A = vector.broadcast %broadcast_in_dim3A : vector<768x1xf32> to vector<768x64xf32>
    %add3A_22 = arith.addf %dot_general3A_17, %add3A : vector<768x64xf32>
    %max3A = arith.constant 0.000000e+00 : f32
    %max3A_23 = vector.broadcast %max3A : f32 to vector<768x64xf32>
    %max3A_24 = arith.maximumf %add3A_22, %max3A_23 : vector<768x64xf32>
    %convert_element_type3A_25 = arith.truncf %max3A_24 : vector<768x64xf32> to vector<768x64xbf16>
    %get3A_26 = arith.constant 0 : index
    %get3A_27 = arith.constant 0 : index
    %get3A_28 = arith.constant 0 : index
    %get3A_29 = vector.load %arg2[%get3A_26, %get3A_27, %get3A_28] : memref<1x64x256xf32, #tpu.memory_space<vmem>>, vector<1x64x256xf32>
    %get3A_30 = vector.shape_cast %get3A_29 : vector<1x64x256xf32> to vector<64x256xf32>
    %convert_element_type3A_31 = arith.truncf %get3A_30 : vector<64x256xf32> to vector<64x256xbf16>
    %dot_general3A_32 = arith.constant dense<0.000000e+00> : vector<768x256xf32>
    %dot_general3A_33 = tpu.matmul %convert_element_type3A_25, %convert_element_type3A_31, %dot_general3A_32 {dimension_numbers = #tpu.dot_dimension_numbers<[1], [0], [0], [1], [0, 0, 1, 1], [], []>, transpose_lhs_hint = false} : vector<768x64xbf16>, vector<64x256xbf16>, vector<768x256xf32> -> vector<768x256xf32>
    %get3A_34 = arith.constant 0 : index
    %get3A_35 = arith.constant 0 : index
    %get3A_36 = memref.load %arg8[%get3A_34, %get3A_35] : memref<1x1xf32, #tpu.memory_space<smem>>
    %add3A_37 = arith.constant 1.000000e+00 : f32
    %add3A_38 = arith.addf %add3A_37, %get3A_36 : f32
    %mul3A = vector.broadcast %add3A_38 : f32 to vector<768x256xf32>
    %mul3A_39 = arith.mulf %mul3A, %get3A_3 : vector<768x256xf32>
    %add3A_40 = arith.addf %mul3A_39, %dot_general3A_33 : vector<768x256xf32>
    %get3A_41 = arith.constant 0 : index
    %get3A_42 = arith.constant 0 : index
    %get3A_43 = vector.load %arg6[%get3A_41, %get3A_42] : memref<768x768xf32, #tpu.memory_space<vmem>>, vector<768x768xf32>
    %convert_element_type3A_44 = arith.truncf %get3A_43 : vector<768x768xf32> to vector<768x768xbf16>
    %convert_element_type3A_45 = arith.truncf %add3A_40 : vector<768x256xf32> to vector<768x256xbf16>
    %dot_general3A_46 = arith.constant dense<0.000000e+00> : vector<768x256xf32>
    %dot_general3A_47 = tpu.matmul %convert_element_type3A_44, %convert_element_type3A_45, %dot_general3A_46 {dimension_numbers = #tpu.dot_dimension_numbers<[1], [0], [0], [1], [0, 0, 1, 1], [], []>, transpose_lhs_hint = false} : vector<768x768xbf16>, vector<768x256xbf16>, vector<768x256xf32> -> vector<768x256xf32>
    %get3A_48 = arith.constant 0 : index
    %get3A_49 = arith.constant 0 : index
    %get3A_50 = vector.load %arg7[%get3A_48, %get3A_49] : memref<1x768xf32, #tpu.memory_space<vmem>>, vector<1x768xf32>
    %get3A_51 = vector.shape_cast %get3A_50 : vector<1x768xf32> to vector<768xf32>
    %broadcast_in_dim3A_52 = vector.shape_cast %get3A_51 : vector<768xf32> to vector<768x1xf32>
    %add3A_53 = vector.broadcast %broadcast_in_dim3A_52 : vector<768x1xf32> to vector<768x256xf32>
    %add3A_54 = arith.addf %dot_general3A_47, %add3A_53 : vector<768x256xf32>
    %max3A_55 = arith.constant 0.000000e+00 : f32
    %max3A_56 = vector.broadcast %max3A_55 : f32 to vector<768x256xf32>
    %max3A_57 = arith.maximumf %add3A_54, %max3A_56 : vector<768x256xf32>
    %swap3A = arith.constant 0 : index
    %swap3A_58 = arith.constant 0 : index
    %swap3A_59 = arith.constant 0 : index
    %swap3A_60 = vector.load %arg9[%swap3A, %swap3A_58, %swap3A_59] : memref<1x768x256xf32, #tpu.memory_space<vmem>>, vector<1x768x256xf32>
    %swap3A_61 = vector.shape_cast %swap3A_60 : vector<1x768x256xf32> to vector<768x256xf32>
    %swap3A_62 = vector.shape_cast %max3A_57 : vector<768x256xf32> to vector<1x768x256xf32>
    tpu.vector_store %arg9[%swap3A, %swap3A_58, %swap3A_59], %swap3A_62 {strides = array<i32>} : memref<1x768x256xf32, #tpu.memory_space<vmem>>, vector<1x768x256xf32>,
    return
  }
  func.func @transform_0(%arg0: i32) -> (i32, i32, i32) {
    %c0_i32 = arith.constant 0 : i32
    %c0_i32_0 = arith.constant 0 : i32
    %c0_i32_1 = arith.constant 0 : i32
    return %arg0, %c0_i32, %c0_i32_0 : i32, i32, i32
  }
  func.func @transform_1(%arg0: i32) -> (i32, i32, i32) {
    %c0_i32 = arith.constant 0 : i32
    %c0_i32_0 = arith.constant 0 : i32
    %c0_i32_1 = arith.constant 0 : i32
    return %arg0, %c0_i32, %c0_i32_0 : i32, i32, i32
  }
  func.func @transform_2(%arg0: i32) -> (i32, i32, i32) {
    %c0_i32 = arith.constant 0 : i32
    %c0_i32_0 = arith.constant 0 : i32
    %c0_i32_1 = arith.constant 0 : i32
    return %arg0, %c0_i32, %c0_i32_0 : i32, i32, i32
  }
  func.func @transform_3(%arg0: i32) -> (i32, i32) {
    %c0_i32 = arith.constant 0 : i32
    %c0_i32_0 = arith.constant 0 : i32
    %c0_i32_1 = arith.constant 0 : i32
    return %c0_i32, %c0_i32_0 : i32, i32
  }
  func.func @transform_4(%arg0: i32) -> (i32, i32) {
    %c0_i32 = arith.constant 0 : i32
    %c0_i32_0 = arith.constant 0 : i32
    %c0_i32_1 = arith.constant 0 : i32
    return %c0_i32, %c0_i32_0 : i32, i32
  }
  func.func @transform_5(%arg0: i32) -> (i32, i32) {
    %c0_i32 = arith.constant 0 : i32
    %c0_i32_0 = arith.constant 0 : i32
    %c0_i32_1 = arith.constant 0 : i32
    return %c0_i32, %c0_i32_0 : i32, i32
  }
  func.func @transform_6(%arg0: i32) -> (i32, i32) {
    %c0_i32 = arith.constant 0 : i32
    %c0_i32_0 = arith.constant 0 : i32
    %c0_i32_1 = arith.constant 0 : i32
    return %c0_i32, %c0_i32_0 : i32, i32
  }
  func.func @transform_7(%arg0: i32) -> (i32, i32) {
    %c0_i32 = arith.constant 0 : i32
    %c0_i32_0 = arith.constant 0 : i32
    %c0_i32_1 = arith.constant 0 : i32
    return %c0_i32, %c0_i32_0 : i32, i32
  }
  func.func @transform_8(%arg0: i32) -> (i32, i32, i32) {
    %c0_i32 = arith.constant 0 : i32
    %c0_i32_0 = arith.constant 0 : i32
    %c0_i32_1 = arith.constant 0 : i32
    return %arg0, %c0_i32, %c0_i32_0 : i32, i32, i32
  }
}

</mosaic_0001>

<sc_bundles>
// kernel: kernel.4.cloned.1.call-start
scs
__scs_entry_jumppad:
0x0: {  	(pc) =	sbr.rel $0x88, $3  }
0x1: {  	(tag) =	ssettag $0x0;
	lr =	simm.s32 $0x1  }
0x2: {  	[smem:$0x3F99] =	sst lr;
	_ =	strace $0xD0000000  }
0x3: {  	_ = 	snop  }
0x4: {  	_ = 	snop  }
0x5: {  	_ = 	snop  }
0x6: {  	_ = 	snop  }
0x7: {  	_ = 	snop  }
__scs_overlays_trampoline_lowered:
0x8: {  	[smem:$0x3FA8] =	sst s0  }
0x9: {  	[smem:$0x3FA9] =	sst s1  }
0xa: {  	[smem:$0x3FAA] =	sst s2  }
0xb: {  	[smem:$0x3FAB] =	sst s3  }
0xc: {  	[smem:$0x3FAC] =	sst s4  }
0xd: {  	[smem:$0x3FAD] =	sst s5  }
0xe: {  	[smem:$0x3FAE] =	sst s6  }
0xf: {  	[smem:$0x3FAF] =	sst s7  }
0x10: {  	[smem:$0x3FB0] =	sst s8  }
0x11: {  	[smem:$0x3FB1] =	sst s9;
	s0 =	simm.s32 @!p0 $0x0  }
0x12: {  	s1 =	sld [smem:$0x3F97];
	s0 =	simm.s32 @p0 $0x1  }
0x13: {  	[smem:$0x3FB2] =	sst s0;
	s0 =	simm.s32 @!p1 $0x0  }
0x14: {  	s2 =	sld [smem:$0x3F96];
	s0 =	simm.s32 @p1 $0x1  }
0x15: {  	[smem:$0x3FB3] =	sst s0;
	s0 =	simm.s32 @!p2 $0x0  }
0x16: {  	s3 =	sld [smem:$0x3FDB];
	s0 =	simm.s32 @p2 $0x1  }
0x17: {  	s4 =	simm.s32 $0x1BF5;
	[smem:$0x3FB5] =	sst s0  }
0x18: {  	s0 =	sld [smem:$0x3F98];
	_ =	swait.ge [sflag:s4], $0x0  }
0x19: {  	s7 =	sld [smem:$0x3F99]  }
0x1a: {  	s8 =	sadd.s32 $0xFFFFE003, lr  }
0x1b: {  	s9 =	sadd.s32 $0xFFFFFEF7, lr;
	s5 =	simm.s32 $0xFFFFFFFF;
	p2 =	slt.u32 s8, $0xFFFFF086  }
0x1c: {  	p1 =	slt.u32 s9, $0xF7A;
	s5 =	simm.s32 @!p2 $0x0  }
0x1d: {  	s5 =	simm.s32 @p1 $0x1;
	p0 =	seq.s32 s7, s2  }
0x1e: {  	s7 =	smul.u32 @!p0 $0xF7A, s2;
	p2 =	seq.s32 @!p0 s5, $0x0  }
0x1f: {  	s9 =	smul.u32 $0xF7A, s1;
	s8 =	simm.s32 @!p0 $0x1BF5;
	p2 =	por !p2, p0  }
0x20: {  	[sflag:s8] =	ssyncset.s32 @!p0 $0xFFFFF086;
	s6 =	sadd.s32 @!p0 s3, s7;
	s7 =	simm.s32 @!p0 $0x108  }
0x21: {  	s3 =	sadd.s32 s3, s9;
	s6 =	sadd.s32 @!p0 $0x88, s6;
	s7 =	simm.s32 @p2 $0x1082  }
0x22: {  	[simem:s7], [sflag:s8] =	dma.local @!p0 [hbm:s6], $0xF7A  }
0x23: {  	s9 =	sor.u32 $0xD0000000, s2;
	s6 =	simm.s32 $0x108;
	_ =	swait.ge @!p0 [sflag:s8], $0x0  }
0x24: {  	s3 =	sadd.s32 $0x88, s3;
	s6 =	simm.s32 @!p1 $0x1082;
	[sflag:s4] =	ssyncset.s32 $0xFFFFF086  }
0x25: {  	[simem:s6], [sflag:s4] =	dma.local [hbm:s3], $0xF7A  }
0x26: {  	[smem:$0x3F99] =	sst s1;
	(tag) =	ssettag s2;
	_ =	strace s9  }
0x27: {  	s1 =	sld [smem:$0x3FA9]  }
0x28: {  	s2 =	sld [smem:$0x3FAA]  }
0x29: {  	s4 =	sld [smem:$0x3FAC]  }
0x2a: {  	p0 =	seq.s32 s5, $0x0;
	s5 =	sld [smem:$0x3FAD]  }
0x2b: {  	s6 =	sld [smem:$0x3FAE]  }
0x2c: {  	s7 =	sld [smem:$0x3FAF]  }
0x2d: {  	s3 =	simm.s32 $0x108;
	s8 =	sld [smem:$0x3FB0]  }
0x2e: {  	s3 =	simm.s32 @!p0 $0x1082;
	s9 =	sld [smem:$0x3FB1]  }
0x2f: {  	lr =	sadd.s32 s0, s3;
	s0 =	sld [smem:$0x3FA8]  }
0x30: {  	s3 =	sld [smem:$0x3FAB]  }
0x31: {  	[smem:$0x3FB4] =	sst s10  }
0x32: {  	s10 =	sld [smem:$0x3FB2];
	_ =	sdelay $0x3  }
0x33: {  	p0 =	seq.s32 s10, $0x1;
	s10 =	sld [smem:$0x3FB4];
	_ =	sdelay $0x3  }
0x34: {  	[smem:$0x3FB4] =	sst s10  }
0x35: {  	s10 =	sld [smem:$0x3FB3];
	_ =	sdelay $0x3  }
0x36: {  	p1 =	seq.s32 s10, $0x1;
	s10 =	sld [smem:$0x3FB4];
	_ =	sdelay $0x3  }
0x37: {  	[smem:$0x3FB4] =	sst s10  }
0x38: {  	s10 =	sld [smem:$0x3FB5]  }
0x39: {  	_ = 	snop;
	(pc) =	sbr.ind lr, $3  }
0x3a: {  	_ = 	snop  }
0x3b: {  	_ = 	snop  }
0x3c: {  	p2 =	seq.s32 s10, $0x1;
	s10 =	sld [smem:$0x3FB4]  }
0x3d: {  	_ =	shalt  }
0x3e: {  	_ =	shalt  }
0x3f: {  	_ =	shalt  }
0x40: {  	_ =	shalt  }
0x41: {  	_ =	shalt  }
0x42: {  	_ =	shalt  }
0x43: {  	_ =	shalt  }
0x44: {  	_ =	shalt  }
0x45: {  	_ =	shalt  }
0x46: {  	_ =	shalt  }
0x47: {  	_ =	shalt  }
0x48: {  	_ =	shalt  }
0x49: {  	_ =	shalt  }
0x4a: {  	_ =	shalt  }
0x4b: {  	_ =	shalt  }
0x4c: {  	_ =	shalt  }
0x4d: {  	_ =	shalt  }
0x4e: {  	_ =	shalt  }
0x4f: {  	_ =	shalt  }
0x50: {  	_ =	shalt  }
0x51: {  	_ =	shalt  }
0x52: {  	_ =	shalt  }
0x53: {  	_ =	shalt  }
0x54: {  	_ =	shalt  }
0x55: {  	_ =	shalt  }
0x56: {  	_ =	shalt  }
0x57: {  	_ =	shalt  }
0x58: {  	_ =	shalt  }
0x59: {  	_ =	shalt  }
0x5a: {  	_ =	shalt  }
0x5b: {  	_ =	shalt  }
0x5c: {  	_ =	shalt  }
0x5d: {  	_ =	shalt  }
0x5e: {  	_ =	shalt  }
0x5f: {  	_ =	shalt  }
0x60: {  	_ =	shalt  }
0x61: {  	_ =	shalt  }
0x62: {  	_ =	shalt  }
0x63: {  	_ =	shalt  }
0x64: {  	_ =	shalt  }
0x65: {  	_ =	shalt  }
0x66: {  	_ =	shalt  }
0x67: {  	_ =	shalt  }
0x68: {  	_ =	shalt  }
0x69: {  	_ =	shalt  }
0x6a: {  	_ =	shalt  }
0x6b: {  	_ =	shalt  }
0x6c: {  	_ =	shalt  }
0x6d: {  	_ =	shalt  }
0x6e: {  	_ =	shalt  }
0x6f: {  	_ =	shalt  }
0x70: {  	_ =	shalt  }
0x71: {  	_ =	shalt  }
0x72: {  	_ =	shalt  }
0x73: {  	_ =	shalt  }
0x74: {  	_ =	shalt  }
0x75: {  	_ =	shalt  }
0x76: {  	_ =	shalt  }
0x77: {  	_ =	shalt  }
0x78: {  	_ =	shalt  }
0x79: {  	_ =	shalt  }
0x7a: {  	_ =	shalt  }
0x7b: {  	_ =	shalt  }
0x7c: {  	_ =	shalt  }
0x7d: {  	_ =	shalt  }
0x7e: {  	_ =	shalt  }
0x7f: {  	_ =	shalt  }
0x80: {  	_ =	shalt  }
0x81: {  	_ =	shalt  }
0x82: {  	_ =	shalt  }
0x83: {  	_ =	shalt  }
0x84: {  	_ =	shalt  }
0x85: {  	_ =	shalt  }
0x86: {  	_ =	shalt  }
0x87: {  	_ =	shalt  }
.Lfunc_end0:
.L_simem_size_0:
called_computation_lowered:
.L_overlay_start_0:
0x88: {  	s2 =	sld [smem:$0x3FD9]  }
0x89: {  	s3 =	sld [smem:$0x3FFE];
	_ =	sdelay $0x1  }
0x8a: {  	s1 =	srdreg.scid  }
0x8b: {  	s0 =	sand.u32 $0x1, s1  }
0x8c: {  	s17 =	sshll.u32 s0, $0xA;
	s2 =	sadd.s32 s3, s2  }
0x8d: {  	s2 =	sadd.s32 s2, s17  }
0x8e: {  	[smem:$0x3FC0] =	sst s2  }
0x8f: {  	_ = 	snop  }
0x90: {  	s2 =	sld [smem:$0x3FC8]  }
0x91: {  	s18 =	sld [smem:$0x3FD0];
	(tm) =	ssettm $0x1  }
0x92: {  	s4 =	sld [smem:$0x3FFB];
	_ =	sdelay $0x3  }
0x93: {  	_ =	strace s4  }
0x94: {  	s4 =	sld [smem:$0x3FFC];
	_ =	sdelay $0x3  }
0x95: {  	_ =	strace s4  }
0x96: {  	s4 =	sld [smem:$0x3FFD];
	_ =	sdelay $0x3  }
0x97: {  	_ =	strace s4  }
0x98: {  	_ =	strace $0x8FFFFFFF  }
0x99: {  	s19 =	sld [smem:$0x3FDB];
	_ =	sdelay $0x1  }
0x9a: {  	s5 =	simm.s32 $_scs_section_size  }
0x9b: {  	s6 =	simm.s32 $_size__tile_overlayer_lowered;
	s7 =	simm.s32 $_tile_overlayer_lowered  }
0x9c: {  	s22 =	simm.s32 $0x1BFF;
	s21 =	sshll.u32 s7, $0x1;
	s4 =	sadd.s32 s5, s19  }
0x9d: {  	s8 =	simm.s32 $0x0;
	s20 =	sshll.u32 s6, $0x1;
	s6 =	sadd.s32 s21, s4  }
0x9e: {  	[timem:s8], [sflag:s22] =	dma.local [hbm:s6], s20  }
0x9f: {  	_ =	swait.ge [sflag:s22], s20  }
0xa0: {  	s5 =	ssub.s32 $0x0, s20;
	[sflag:s22] =	ssyncset.done $0x0  }
0xa1: {  	[sflag:s22] =	ssyncadd.s32 s5;
	_ =	sdelay $0x1  }
0xa2: {  	s23 =	simm.s32 $0x1B8B  }
0xa3: {  	_ =	swait.ge [sflag:s23], $0x1  }
0xa4: {  	[sflag:s23] =	ssyncset.done $0x0  }
0xa5: {  	s25 =	simm.s32 $0x1B8E;
	s24 =	sld [smem:$0x3FFE];
	[sflag:s23] =	ssyncadd.s32 $0xFFFFFFFF  }
0xa6: {  	s26 =	simm.s32 $execute0_lowered;
	[smem:$0x3FD2] =	sst s25  }
0xa7: {  	s6 =	sshll.u32 s26, $0x1;
	_ =	strace $0x80000046;
	[dreg:$0x1] =	wrdreg $0xFFFFFFFF  }
0xa8: {  	s28 =	simm.s32 $_size_execute0_lowered;
	s4 =	sadd.s32 s4, s6;
	[dreg:$0x0] =	wrdreg $0x0  }
0xa9: {  	s6 =	sshll.u32 s28, $0x1;
	[dreg:$0x2] =	wrdreg s4  }
0xaa: {  	[dreg:$0x3] =	wrdreg s6  }
0xab: {  	[dreg:$0x4] =	wrdreg $0xC0  }
0xac: {  	_ =	task [dreg:s8], $0x5FFFF  }
0xad: {  	[dreg:$0x1] =	wrdreg $0xFFFFFFFF  }
0xae: {  	[dreg:$0x0] =	wrdreg $0x60  }
0xaf: {  	[dreg:$0x2] =	wrdreg s2  }
0xb0: {  	[dreg:$0x3] =	wrdreg s24  }
0xb1: {  	[dreg:$0x4] =	wrdreg s18  }
0xb2: {  	[dreg:$0x5] =	wrdreg $0x9  }
0xb3: {  	_ =	task.clear_ibuf [dreg:s8], $0x6FFFF;
	_ =	strace $0x90000046  }
0xb4: {  	s29 =	simm.s32 $0x9;
	_ =	strace $0x80000048  }
0xb5: {  	_ =	swait.ge [sflag:s29], $0x1  }
0xb6: {  	[sflag:s29] =	ssyncadd.s32 $0xFFFFFFFF  }
0xb7: {  	_ =	strace $0x90000048  }
0xb8: {  	_ =	sfence  }
0xb9: {  	s30 =	sld [smem:$0x0];
	_ =	sdelay $0x2  }
0xba: {  	s31 =	sshll.u32 s1, $0xD;
	s1 =	sshrl.u32 s1, $0x2  }
0xbb: {  	s3 =	sand.u32 $0x4000, s31;
	s1 =	sadd.s32 s1, s30  }
0xbc: {  	s0 =	sor.u32 s3, s0;
	s1 =	sshll.u32 s1, $0x11  }
0xbd: {  	s0 =	sor.u32 s1, s0  }
0xbe: {  	s0 =	sadd.s32 $0x8F2B, s0  }
0xbf: {  	[sflag:s0] =	ssyncadd.remote.s32 $0x1  }
0xc0: {  	_ =	sfence.sel $0xFFFF  }
0xc1: {  	[dreg:$0x0] =	wrdreg $0xFFFFFFFF;
	(pc) =	sbr.abs _section_cstart, $3  }
0xc2: {  	[dreg:$0x1] =	wrdreg $0xFFFFFFFF  }
0xc3: {  	_ =	task.clear_ibuf [dreg:s8], $0x2FFFF;
	_ =	strace $0x9FFFFFFF  }
0xc4: {  	(tm) =	ssettm $0x7FFFFFFF  }
0xc5: {  	_ =	shalt  }
tec
execute0_lowered:
.L_overlay_start_1:
0x0: {  	(tag) =	ssettag $0x1  }
0x1: {  	s3 =	rddreg [dreg:$0x0]  }
0x2: {  	v0 =	vimm.s32 $0xB80;
	vm0 =	vcmask $0x300;
	s4 =	rddreg [dreg:$0x1]  }
0x3: {  	vm14 =	vcmask $0x704;
	s5 =	rddreg [dreg:$0x2];
	v0 =	vsel vm0, $0x0, v0  }
0x4: {  	vm15 =	vcmask $0xB08;
	s0 =	rddreg [dreg:$0x3];
	v0 =	vsel vm14, $0x80, v0  }
0x5: {  	vm4 =	vcmask $0xF0C;
	s2 =	simm.s32 $0x0;
	s1 =	stileid.u32;
	s7 =	srdreg.scid;
	v0 =	vsel vm15, $0x100, v0  }
0x6: {  	vm5 =	vcmask $0x1310;
	s15 =	simm.s32 $0x800;
	[smem:$0x7FF] =	sst s2;
	s6 =	sshrl.u32 s1, $0x1;
	v0 =	vsel vm4, $0x180, v0  }
0x7: {  	vm6 =	vcmask $0x1714;
	s7 =	sand.u32 $0x1, s7;
	s11 =	sshll.u32 s1, $0x1;
	_ =	strace $0x80000047;
	v0 =	vsel vm5, $0x200, v0  }
0x8: {  	vm7 =	vcmask $0x1B18;
	vm8 =	vcmask $0x1F1C;
	s8 =	sshll.u32 s6, $0x7;
	s9 =	sshll.u32 s6, $0xE;
	s10 =	sshll.u32 s7, $0xA;
	v0 =	vsel vm6, $0x280, v0  }
0x9: {  	vm9 =	vcmask $0x2320;
	vm10 =	vcmask $0x2724;
	s11 =	sand.u32 $0x2, s11;
	s12 =	ssub.s32 $0x2, s7;
	s30 =	sshll.u32 s6, $0x9;
	v0 =	vsel vm7, $0x300, v0  }
0xa: {  	vm11 =	vcmask $0x2B28;
	vm12 =	vcmask $0x2F2C;
	s8 =	sadd.s32 s8, s4;
	s10 =	sor.u32 s10, s9;
	s13 =	sor.u32 s7, s11;
	v0 =	vsel vm8, $0x380, v0  }
0xb: {  	vm13 =	vcmask $0x3330;
	v2 =	vlaneseq.u32;
	s29 =	sshrl.u32 s12, $0x1;
	s3 =	sadd.s32 s3, s30;
	s7 =	sshll.u32 s7, $0x9;
	v0 =	vsel vm9, $0x800, v0  }
0xc: {  	v3 =	vimm.f32 $3.125000000e-02;
	v4 =	vimm.f32 $3.333333430e-01;
	p0 =	sne.s32 s11, $0x0;
	s11 =	simm.s32 $0x1400;
	s10 =	sshrl.u32 s10, $0x3;
	v0 =	vsel vm10, $0x880, v0  }
.Ltmp0:
0xd: {  	v5 =	vor.u32 $0x10, v2;
	v6 =	vor.u32 $0x20, v2;
	s14 =	sshll.u32 s13, $0xC;
	s12 =	ssub.s32 s12, s29;
	v0 =	vsel vm11, $0x900, v0;
	(pc) =	sbr.rel .LBB2_1-.Ltmp0, $4  }
0xe: {  	v7 =	vor.u32 $0x30, v2;
	v8 =	vor.u32 $0x40, v2;
	s10 =	sadd.s32 s10, s4;
	s31 =	sor.u32 s9, s14;
	s4 =	sshll.u32 s13, $0x4;
	v0 =	vsel vm12, $0x980, v0  }
0xf: {  	v9 =	vor.u32 $0x50, v2;
	vm14 =	vcmask $0x3734;
	s9 =	smax.u32 s12, $0x1;
	s12 =	simm.s32 $0x1000;
	s6 =	sshrl.u32 s31, $0x3;
	v0 =	vsel vm13, $0xA00, v0  }
0x10: {  	v10 =	vor.u32 $0x60, v2;
	vm15 =	vcmask $0x3B38;
	s13 =	simm.s32 $0x2400;
	s14 =	simm.s32 $0x400;
	s5 =	sadd.s32 s5, s6;
	v1 =	vsel vm14, $0xA80, v0  }
0x11: {  	v11 =	vor.u32 $0x70, v2;
	s6 =	sadd.s32 $0x1000, s8;
	s8 =	sadd.s32 $0x1400, s10;
	s10 =	simm.s32 $0x1;
	v0 =	vimm.f32 $0.0e+00;
	v1 =	vsel vm15, $0xB00, v1  }
.LBB2_3:
0x12: {  	s9 =	sadd.s32 $0xFFFFFFFF, s9  }
0x13: {  	p1 =	sne.s32 s9, $0x0  }
.Ltmp1:
0x14: {  	_ = 	snop;
	(pc) =	sbr.rel @!p1 .LBB2_4-.Ltmp1, $1  }
0x15: {  	_ =	sdelay $0x3  }
.LBB2_1:
0x16: {  	[tilespmem:s2], [sflag:$0x1] =	stream.linear.gather [hbm4b:s3+s2], $0x1000, $0x38;
	[tilespmem:$0x4400] =	vst v63  }
0x17: {  	_ =	swait.ge [sflag:s10], $0x1000  }
0x18: {  	[sflag:s10] =	ssyncset.done $0x0  }
0x19: {  	[sflag:s10] =	ssyncadd.s32 $0xFFFFF000  }
0x1a: {  	[tilespmem:$0x1400] =	vst v0  }
0x1b: {  	[tilespmem:$0x1410] =	vst v0  }
0x1c: {  	[tilespmem:$0x1420] =	vst v0  }
0x1d: {  	[tilespmem:$0x1430] =	vst v0  }
0x1e: {  	[tilespmem:$0x1440] =	vst v0  }
0x1f: {  	[tilespmem:$0x1450] =	vst v0  }
0x20: {  	[tilespmem:$0x1460] =	vst v0  }
0x21: {  	[tilespmem:$0x1470] =	vst v0  }
0x22: {  	[tilespmem:$0x1800] =	vst v0  }
0x23: {  	[tilespmem:$0x1810] =	vst v0  }
0x24: {  	[tilespmem:$0x1820] =	vst v0  }
0x25: {  	[tilespmem:$0x1830] =	vst v0  }
0x26: {  	[tilespmem:$0x1840] =	vst v0  }
0x27: {  	[tilespmem:$0x1850] =	vst v0  }
0x28: {  	[tilespmem:$0x1860] =	vst v0  }
0x29: {  	[tilespmem:$0x1870] =	vst v0  }
0x2a: {  	[tilespmem:$0x1480] =	vst v0  }
0x2b: {  	[tilespmem:$0x1490] =	vst v0  }
0x2c: {  	[tilespmem:$0x14A0] =	vst v0  }
0x2d: {  	[tilespmem:$0x14B0] =	vst v0  }
0x2e: {  	[tilespmem:$0x14C0] =	vst v0  }
0x2f: {  	[tilespmem:$0x14D0] =	vst v0  }
0x30: {  	[tilespmem:$0x14E0] =	vst v0  }
0x31: {  	[tilespmem:$0x14F0] =	vst v0  }
0x32: {  	[tilespmem:$0x1880] =	vst v0  }
0x33: {  	[tilespmem:$0x1890] =	vst v0  }
0x34: {  	[tilespmem:$0x18A0] =	vst v0  }
0x35: {  	[tilespmem:$0x18B0] =	vst v0  }
0x36: {  	[tilespmem:$0x18C0] =	vst v0  }
0x37: {  	[tilespmem:$0x18D0] =	vst v0  }
0x38: {  	[tilespmem:$0x18E0] =	vst v0  }
0x39: {  	[tilespmem:$0x18F0] =	vst v0  }
0x3a: {  	[tilespmem:$0x1500] =	vst v0  }
0x3b: {  	[tilespmem:$0x1510] =	vst v0  }
0x3c: {  	[tilespmem:$0x1520] =	vst v0  }
0x3d: {  	[tilespmem:$0x1530] =	vst v0  }
0x3e: {  	[tilespmem:$0x1540] =	vst v0  }
0x3f: {  	[tilespmem:$0x1550] =	vst v0  }
0x40: {  	[tilespmem:$0x1560] =	vst v0  }
0x41: {  	[tilespmem:$0x1570] =	vst v0  }
0x42: {  	[tilespmem:$0x1900] =	vst v0  }
0x43: {  	[tilespmem:$0x1910] =	vst v0  }
0x44: {  	[tilespmem:$0x1920] =	vst v0  }
0x45: {  	[tilespmem:$0x1930] =	vst v0  }
0x46: {  	[tilespmem:$0x1940] =	vst v0  }
0x47: {  	[tilespmem:$0x1950] =	vst v0  }
0x48: {  	[tilespmem:$0x1960] =	vst v0  }
0x49: {  	[tilespmem:$0x1970] =	vst v0  }
0x4a: {  	[tilespmem:$0x1580] =	vst v0  }
0x4b: {  	[tilespmem:$0x1590] =	vst v0  }
0x4c: {  	[tilespmem:$0x15A0] =	vst v0  }
0x4d: {  	[tilespmem:$0x15B0] =	vst v0  }
0x4e: {  	[tilespmem:$0x15C0] =	vst v0  }
0x4f: {  	[tilespmem:$0x15D0] =	vst v0  }
0x50: {  	[tilespmem:$0x15E0] =	vst v0  }
0x51: {  	[tilespmem:$0x15F0] =	vst v0  }
0x52: {  	[tilespmem:$0x1980] =	vst v0  }
0x53: {  	[tilespmem:$0x1990] =	vst v0  }
0x54: {  	[tilespmem:$0x19A0] =	vst v0  }
0x55: {  	[tilespmem:$0x19B0] =	vst v0  }
0x56: {  	[tilespmem:$0x19C0] =	vst v0  }
0x57: {  	[tilespmem:$0x19D0] =	vst v0  }
0x58: {  	[tilespmem:$0x19E0] =	vst v0  }
0x59: {  	[tilespmem:$0x19F0] =	vst v0  }
0x5a: {  	[tilespmem:$0x1600] =	vst v0  }
0x5b: {  	[tilespmem:$0x1610] =	vst v0  }
0x5c: {  	[tilespmem:$0x1620] =	vst v0  }
0x5d: {  	[tilespmem:$0x1630] =	vst v0  }
0x5e: {  	[tilespmem:$0x1640] =	vst v0  }
0x5f: {  	[tilespmem:$0x1650] =	vst v0  }
0x60: {  	[tilespmem:$0x1660] =	vst v0  }
0x61: {  	[tilespmem:$0x1670] =	vst v0  }
0x62: {  	[tilespmem:$0x1A00] =	vst v0  }
0x63: {  	[tilespmem:$0x1A10] =	vst v0  }
0x64: {  	[tilespmem:$0x1A20] =	vst v0  }
0x65: {  	[tilespmem:$0x1A30] =	vst v0  }
0x66: {  	[tilespmem:$0x1A40] =	vst v0  }
0x67: {  	[tilespmem:$0x1A50] =	vst v0  }
0x68: {  	[tilespmem:$0x1A60] =	vst v0  }
0x69: {  	[tilespmem:$0x1A70] =	vst v0  }
0x6a: {  	[tilespmem:$0x1680] =	vst v0  }
0x6b: {  	[tilespmem:$0x1690] =	vst v0  }
0x6c: {  	[tilespmem:$0x16A0] =	vst v0  }
0x6d: {  	[tilespmem:$0x16B0] =	vst v0  }
0x6e: {  	[tilespmem:$0x16C0] =	vst v0  }
0x6f: {  	[tilespmem:$0x16D0] =	vst v0  }
0x70: {  	[tilespmem:$0x16E0] =	vst v0  }
0x71: {  	[tilespmem:$0x16F0] =	vst v0  }
0x72: {  	[tilespmem:$0x1A80] =	vst v0  }
0x73: {  	[tilespmem:$0x1A90] =	vst v0  }
0x74: {  	[tilespmem:$0x1AA0] =	vst v0  }
0x75: {  	[tilespmem:$0x1AB0] =	vst v0  }
0x76: {  	[tilespmem:$0x1AC0] =	vst v0  }
0x77: {  	[tilespmem:$0x1AD0] =	vst v0  }
0x78: {  	[tilespmem:$0x1AE0] =	vst v0  }
0x79: {  	[tilespmem:$0x1AF0] =	vst v0  }
0x7a: {  	[tilespmem:$0x1700] =	vst v0  }
0x7b: {  	[tilespmem:$0x1710] =	vst v0  }
0x7c: {  	[tilespmem:$0x1720] =	vst v0  }
0x7d: {  	[tilespmem:$0x1730] =	vst v0  }
0x7e: {  	[tilespmem:$0x1740] =	vst v0  }
0x7f: {  	[tilespmem:$0x1750] =	vst v0  }
0x80: {  	[tilespmem:$0x1760] =	vst v0  }
0x81: {  	[tilespmem:$0x1770] =	vst v0  }
0x82: {  	[tilespmem:$0x1B00] =	vst v0  }
0x83: {  	[tilespmem:$0x1B10] =	vst v0  }
0x84: {  	[tilespmem:$0x1B20] =	vst v0  }
0x85: {  	[tilespmem:$0x1B30] =	vst v0  }
0x86: {  	[tilespmem:$0x1B40] =	vst v0  }
0x87: {  	[tilespmem:$0x1B50] =	vst v0  }
0x88: {  	[tilespmem:$0x1B60] =	vst v0  }
0x89: {  	[tilespmem:$0x1B70] =	vst v0  }
0x8a: {  	[tilespmem:$0x1780] =	vst v0  }
0x8b: {  	[tilespmem:$0x1790] =	vst v0  }
0x8c: {  	[tilespmem:$0x17A0] =	vst v0  }
0x8d: {  	[tilespmem:$0x17B0] =	vst v0  }
0x8e: {  	[tilespmem:$0x17C0] =	vst v0  }
0x8f: {  	[tilespmem:$0x17D0] =	vst v0  }
0x90: {  	[tilespmem:$0x17E0] =	vst v0  }
0x91: {  	[tilespmem:$0x17F0] =	vst v0  }
0x92: {  	[tilespmem:$0x1B80] =	vst v0  }
0x93: {  	[tilespmem:$0x1B90] =	vst v0  }
0x94: {  	[tilespmem:$0x1BA0] =	vst v0  }
0x95: {  	[tilespmem:$0x1BB0] =	vst v0  }
0x96: {  	[tilespmem:$0x1BC0] =	vst v0  }
0x97: {  	[tilespmem:$0x1BD0] =	vst v0  }
0x98: {  	[tilespmem:$0x1BE0] =	vst v0  }
0x99: {  	[tilespmem:$0x1BF0] =	vst v0  }
0x9a: {  	[tilespmem:$0x1C00] =	vst v0  }
0x9b: {  	[tilespmem:$0x1C10] =	vst v0  }
0x9c: {  	[tilespmem:$0x1C20] =	vst v0  }
0x9d: {  	[tilespmem:$0x1C30] =	vst v0  }
0x9e: {  	[tilespmem:$0x1C40] =	vst v0  }
0x9f: {  	[tilespmem:$0x1C50] =	vst v0  }
0xa0: {  	[tilespmem:$0x1C60] =	vst v0  }
0xa1: {  	[tilespmem:$0x1C70] =	vst v0  }
0xa2: {  	[tilespmem:$0x2000] =	vst v0  }
0xa3: {  	[tilespmem:$0x2010] =	vst v0  }
0xa4: {  	[tilespmem:$0x2020] =	vst v0  }
0xa5: {  	[tilespmem:$0x2030] =	vst v0  }
0xa6: {  	[tilespmem:$0x2040] =	vst v0  }
0xa7: {  	[tilespmem:$0x2050] =	vst v0  }
0xa8: {  	[tilespmem:$0x2060] =	vst v0  }
0xa9: {  	[tilespmem:$0x2070] =	vst v0  }
0xaa: {  	[tilespmem:$0x1C80] =	vst v0  }
0xab: {  	[tilespmem:$0x1C90] =	vst v0  }
0xac: {  	[tilespmem:$0x1CA0] =	vst v0  }
0xad: {  	[tilespmem:$0x1CB0] =	vst v0  }
0xae: {  	[tilespmem:$0x1CC0] =	vst v0  }
0xaf: {  	[tilespmem:$0x1CD0] =	vst v0  }
0xb0: {  	[tilespmem:$0x1CE0] =	vst v0  }
0xb1: {  	[tilespmem:$0x1CF0] =	vst v0  }
0xb2: {  	[tilespmem:$0x2080] =	vst v0  }
0xb3: {  	[tilespmem:$0x2090] =	vst v0  }
0xb4: {  	[tilespmem:$0x20A0] =	vst v0  }
0xb5: {  	[tilespmem:$0x20B0] =	vst v0  }
0xb6: {  	[tilespmem:$0x20C0] =	vst v0  }
0xb7: {  	[tilespmem:$0x20D0] =	vst v0  }
0xb8: {  	[tilespmem:$0x20E0] =	vst v0  }
0xb9: {  	[tilespmem:$0x20F0] =	vst v0  }
0xba: {  	[tilespmem:$0x1D00] =	vst v0  }
0xbb: {  	[tilespmem:$0x1D10] =	vst v0  }
0xbc: {  	[tilespmem:$0x1D20] =	vst v0  }
0xbd: {  	[tilespmem:$0x1D30] =	vst v0  }
0xbe: {  	[tilespmem:$0x1D40] =	vst v0  }
0xbf: {  	[tilespmem:$0x1D50] =	vst v0  }
0xc0: {  	[tilespmem:$0x1D60] =	vst v0  }
0xc1: {  	[tilespmem:$0x1D70] =	vst v0  }
0xc2: {  	[tilespmem:$0x2100] =	vst v0  }
0xc3: {  	[tilespmem:$0x2110] =	vst v0  }
0xc4: {  	[tilespmem:$0x2120] =	vst v0  }
0xc5: {  	[tilespmem:$0x2130] =	vst v0  }
0xc6: {  	[tilespmem:$0x2140] =	vst v0  }
0xc7: {  	[tilespmem:$0x2150] =	vst v0  }
0xc8: {  	[tilespmem:$0x2160] =	vst v0  }
0xc9: {  	[tilespmem:$0x2170] =	vst v0  }
0xca: {  	[tilespmem:$0x1D80] =	vst v0  }
0xcb: {  	[tilespmem:$0x1D90] =	vst v0  }
0xcc: {  	[tilespmem:$0x1DA0] =	vst v0  }
0xcd: {  	[tilespmem:$0x1DB0] =	vst v0  }
0xce: {  	[tilespmem:$0x1DC0] =	vst v0  }
0xcf: {  	[tilespmem:$0x1DD0] =	vst v0  }
0xd0: {  	[tilespmem:$0x1DE0] =	vst v0  }
0xd1: {  	[tilespmem:$0x1DF0] =	vst v0  }
0xd2: {  	[tilespmem:$0x2180] =	vst v0  }
0xd3: {  	[tilespmem:$0x2190] =	vst v0  }
0xd4: {  	[tilespmem:$0x21A0] =	vst v0  }
0xd5: {  	[tilespmem:$0x21B0] =	vst v0  }
0xd6: {  	[tilespmem:$0x21C0] =	vst v0  }
0xd7: {  	[tilespmem:$0x21D0] =	vst v0  }
0xd8: {  	[tilespmem:$0x21E0] =	vst v0  }
0xd9: {  	[tilespmem:$0x21F0] =	vst v0  }
0xda: {  	[tilespmem:$0x1E00] =	vst v0  }
0xdb: {  	[tilespmem:$0x1E10] =	vst v0  }
0xdc: {  	[tilespmem:$0x1E20] =	vst v0  }
0xdd: {  	[tilespmem:$0x1E30] =	vst v0  }
0xde: {  	[tilespmem:$0x1E40] =	vst v0  }
0xdf: {  	[tilespmem:$0x1E50] =	vst v0  }
0xe0: {  	[tilespmem:$0x1E60] =	vst v0  }
0xe1: {  	[tilespmem:$0x1E70] =	vst v0  }
0xe2: {  	[tilespmem:$0x2200] =	vst v0  }
0xe3: {  	[tilespmem:$0x2210] =	vst v0  }
0xe4: {  	[tilespmem:$0x2220] =	vst v0  }
0xe5: {  	[tilespmem:$0x2230] =	vst v0  }
0xe6: {  	[tilespmem:$0x2240] =	vst v0  }
0xe7: {  	[tilespmem:$0x2250] =	vst v0  }
0xe8: {  	[tilespmem:$0x2260] =	vst v0  }
0xe9: {  	[tilespmem:$0x2270] =	vst v0  }
0xea: {  	[tilespmem:$0x1E80] =	vst v0  }
0xeb: {  	[tilespmem:$0x1E90] =	vst v0  }
0xec: {  	[tilespmem:$0x1EA0] =	vst v0  }
0xed: {  	[tilespmem:$0x1EB0] =	vst v0  }
0xee: {  	[tilespmem:$0x1EC0] =	vst v0  }
0xef: {  	[tilespmem:$0x1ED0] =	vst v0  }
0xf0: {  	[tilespmem:$0x1EE0] =	vst v0  }
0xf1: {  	[tilespmem:$0x1EF0] =	vst v0  }
0xf2: {  	[tilespmem:$0x2280] =	vst v0  }
0xf3: {  	[tilespmem:$0x2290] =	vst v0  }
0xf4: {  	[tilespmem:$0x22A0] =	vst v0  }
0xf5: {  	[tilespmem:$0x22B0] =	vst v0  }
0xf6: {  	[tilespmem:$0x22C0] =	vst v0  }
0xf7: {  	[tilespmem:$0x22D0] =	vst v0  }
0xf8: {  	[tilespmem:$0x22E0] =	vst v0  }
0xf9: {  	[tilespmem:$0x22F0] =	vst v0  }
0xfa: {  	[tilespmem:$0x1F00] =	vst v0  }
0xfb: {  	[tilespmem:$0x1F10] =	vst v0  }
0xfc: {  	[tilespmem:$0x1F20] =	vst v0  }
0xfd: {  	[tilespmem:$0x1F30] =	vst v0  }
0xfe: {  	[tilespmem:$0x1F40] =	vst v0  }
0xff: {  	[tilespmem:$0x1F50] =	vst v0  }
0x100: {  	[tilespmem:$0x1F60] =	vst v0  }
0x101: {  	[tilespmem:$0x1F70] =	vst v0  }
0x102: {  	[tilespmem:$0x2300] =	vst v0  }
0x103: {  	[tilespmem:$0x2310] =	vst v0  }
0x104: {  	[tilespmem:$0x2320] =	vst v0  }
0x105: {  	[tilespmem:$0x2330] =	vst v0  }
0x106: {  	[tilespmem:$0x2340] =	vst v0  }
0x107: {  	[tilespmem:$0x2350] =	vst v0  }
0x108: {  	[tilespmem:$0x2360] =	vst v0  }
0x109: {  	[tilespmem:$0x2370] =	vst v0  }
0x10a: {  	[tilespmem:$0x1F80] =	vst v0  }
0x10b: {  	[tilespmem:$0x1F90] =	vst v0  }
0x10c: {  	[tilespmem:$0x1FA0] =	vst v0  }
0x10d: {  	[tilespmem:$0x1FB0] =	vst v0  }
0x10e: {  	[tilespmem:$0x1FC0] =	vst v0  }
0x10f: {  	[tilespmem:$0x1FD0] =	vst v0  }
0x110: {  	[tilespmem:$0x1FE0] =	vst v0  }
0x111: {  	[tilespmem:$0x1FF0] =	vst v0  }
0x112: {  	[tilespmem:$0x2380] =	vst v0  }
0x113: {  	[tilespmem:$0x2390] =	vst v0  }
0x114: {  	[tilespmem:$0x23A0] =	vst v0  }
0x115: {  	[tilespmem:$0x23B0] =	vst v0  }
0x116: {  	[tilespmem:$0x23C0] =	vst v0  }
0x117: {  	[tilespmem:$0x23D0] =	vst v0  }
0x118: {  	[tilespmem:$0x23E0] =	vst v0  }
0x119: {  	[tilespmem:$0x23F0] =	vst v0  }
0x11a: {  	v12 =	vld [tilespmem:s4+$0x0];
	_ =	sdelay $0x4  }
0x11b: {  	v13 =	vshll.u32 v12, $0x3  }
0x11c: {  	v12 =	vand.u32 $0x7F, v12;
	v13 =	vand.u32 $0xFFFFFC00, v13  }
0x11d: {  	v12 =	vor.u32 v12, v13  }
0x11e: {  	v12 =	vadd.s32 v1, v12;
	_ =	sdelay $0x4  }
0x11f: {  	[tilespmem:v12+s11+$0x0] =	vst.idx.add.f32.msk $0xffff, v3  }
0x120: {  	v12 =	vld [tilespmem:s4+$0x80];
	_ =	sdelay $0x4  }
0x121: {  	v33 =	vshll.u32 v12, $0x3  }
0x122: {  	v12 =	vand.u32 $0x7F, v12;
	v13 =	vand.u32 $0xFFFFFC00, v33  }
0x123: {  	v12 =	vor.u32 v12, v13  }
0x124: {  	v12 =	vadd.s32 v1, v12;
	_ =	sdelay $0x4  }
0x125: {  	[tilespmem:v12+s11+$0x0] =	vst.idx.add.f32.msk $0xffff, v3  }
0x126: {  	v12 =	vld [tilespmem:s4+$0x100];
	_ =	sdelay $0x4  }
0x127: {  	v34 =	vshll.u32 v12, $0x3  }
0x128: {  	v12 =	vand.u32 $0x7F, v12;
	v13 =	vand.u32 $0xFFFFFC00, v34  }
0x129: {  	v12 =	vor.u32 v12, v13  }
0x12a: {  	v12 =	vadd.s32 v1, v12;
	_ =	sdelay $0x4  }
0x12b: {  	[tilespmem:v12+s11+$0x0] =	vst.idx.add.f32.msk $0xffff, v3  }
0x12c: {  	v12 =	vld [tilespmem:s4+$0x180];
	_ =	sdelay $0x4  }
0x12d: {  	v35 =	vshll.u32 v12, $0x3  }
0x12e: {  	v12 =	vand.u32 $0x7F, v12;
	v13 =	vand.u32 $0xFFFFFC00, v35  }
0x12f: {  	v12 =	vor.u32 v12, v13  }
0x130: {  	v12 =	vadd.s32 v1, v12;
	_ =	sdelay $0x4  }
0x131: {  	[tilespmem:v12+s11+$0x0] =	vst.idx.add.f32.msk $0xffff, v3  }
0x132: {  	v12 =	vld [tilespmem:s4+$0x200];
	_ =	sdelay $0x4  }
0x133: {  	v36 =	vshll.u32 v12, $0x3  }
0x134: {  	v12 =	vand.u32 $0x7F, v12;
	v13 =	vand.u32 $0xFFFFFC00, v36  }
0x135: {  	v12 =	vor.u32 v12, v13  }
0x136: {  	v12 =	vadd.s32 v1, v12;
	_ =	sdelay $0x4  }
0x137: {  	[tilespmem:v12+s11+$0x0] =	vst.idx.add.f32.msk $0xffff, v3  }
0x138: {  	v12 =	vld [tilespmem:s4+$0x280];
	_ =	sdelay $0x4  }
0x139: {  	v37 =	vshll.u32 v12, $0x3  }
0x13a: {  	v12 =	vand.u32 $0x7F, v12;
	v13 =	vand.u32 $0xFFFFFC00, v37  }
0x13b: {  	v12 =	vor.u32 v12, v13  }
0x13c: {  	v12 =	vadd.s32 v1, v12;
	_ =	sdelay $0x4  }
0x13d: {  	[tilespmem:v12+s11+$0x0] =	vst.idx.add.f32.msk $0xffff, v3  }
0x13e: {  	v12 =	vld [tilespmem:s4+$0x300];
	_ =	sdelay $0x4  }
0x13f: {  	v38 =	vshll.u32 v12, $0x3  }
0x140: {  	v12 =	vand.u32 $0x7F, v12;
	v13 =	vand.u32 $0xFFFFFC00, v38  }
0x141: {  	v12 =	vor.u32 v12, v13  }
0x142: {  	v12 =	vadd.s32 v1, v12;
	_ =	sdelay $0x4  }
0x143: {  	[tilespmem:v12+s11+$0x0] =	vst.idx.add.f32.msk $0xffff, v3  }
0x144: {  	v12 =	vld [tilespmem:s4+$0x380];
	_ =	sdelay $0x4  }
0x145: {  	v39 =	vshll.u32 v12, $0x3  }
0x146: {  	v12 =	vand.u32 $0x7F, v12;
	v13 =	vand.u32 $0xFFFFFC00, v39  }
0x147: {  	v12 =	vor.u32 v12, v13  }
0x148: {  	v12 =	vadd.s32 v1, v12;
	_ =	sdelay $0x4  }
0x149: {  	[tilespmem:v12+s11+$0x0] =	vst.idx.add.f32.msk $0xffff, v3  }
0x14a: {  	v12 =	vld [tilespmem:s4+$0x400];
	_ =	sdelay $0x4  }
0x14b: {  	v40 =	vshll.u32 v12, $0x3  }
0x14c: {  	v12 =	vand.u32 $0x7F, v12;
	v13 =	vand.u32 $0xFFFFFC00, v40  }
0x14d: {  	v12 =	vor.u32 v12, v13  }
0x14e: {  	v12 =	vadd.s32 v1, v12;
	_ =	sdelay $0x4  }
0x14f: {  	[tilespmem:v12+s11+$0x0] =	vst.idx.add.f32.msk $0xffff, v3  }
0x150: {  	v12 =	vld [tilespmem:s4+$0x480];
	_ =	sdelay $0x4  }
0x151: {  	v41 =	vshll.u32 v12, $0x3  }
0x152: {  	v12 =	vand.u32 $0x7F, v12;
	v13 =	vand.u32 $0xFFFFFC00, v41  }
0x153: {  	v12 =	vor.u32 v12, v13  }
0x154: {  	v12 =	vadd.s32 v1, v12;
	_ =	sdelay $0x4  }
0x155: {  	[tilespmem:v12+s11+$0x0] =	vst.idx.add.f32.msk $0xffff, v3  }
0x156: {  	v12 =	vld [tilespmem:s4+$0x500];
	_ =	sdelay $0x4  }
0x157: {  	v42 =	vshll.u32 v12, $0x3  }
0x158: {  	v12 =	vand.u32 $0x7F, v12;
	v13 =	vand.u32 $0xFFFFFC00, v42  }
0x159: {  	v12 =	vor.u32 v12, v13  }
0x15a: {  	v12 =	vadd.s32 v1, v12;
	_ =	sdelay $0x4  }
0x15b: {  	[tilespmem:v12+s11+$0x0] =	vst.idx.add.f32.msk $0xffff, v3  }
0x15c: {  	v12 =	vld [tilespmem:s4+$0x580];
	_ =	sdelay $0x4  }
0x15d: {  	v43 =	vshll.u32 v12, $0x3  }
0x15e: {  	v12 =	vand.u32 $0x7F, v12;
	v13 =	vand.u32 $0xFFFFFC00, v43  }
0x15f: {  	v12 =	vor.u32 v12, v13  }
0x160: {  	v12 =	vadd.s32 v1, v12;
	_ =	sdelay $0x4  }
0x161: {  	[tilespmem:v12+s11+$0x0] =	vst.idx.add.f32.msk $0xffff, v3  }
0x162: {  	v12 =	vld [tilespmem:s4+$0x600];
	_ =	sdelay $0x4  }
0x163: {  	v44 =	vshll.u32 v12, $0x3  }
0x164: {  	v12 =	vand.u32 $0x7F, v12;
	v13 =	vand.u32 $0xFFFFFC00, v44  }
0x165: {  	v12 =	vor.u32 v12, v13  }
0x166: {  	v12 =	vadd.s32 v1, v12;
	_ =	sdelay $0x4  }
0x167: {  	[tilespmem:v12+s11+$0x0] =	vst.idx.add.f32.msk $0xffff, v3  }
0x168: {  	v12 =	vld [tilespmem:s4+$0x680];
	_ =	sdelay $0x4  }
0x169: {  	v45 =	vshll.u32 v12, $0x3  }
0x16a: {  	v12 =	vand.u32 $0x7F, v12;
	v13 =	vand.u32 $0xFFFFFC00, v45  }
0x16b: {  	v12 =	vor.u32 v12, v13  }
0x16c: {  	v12 =	vadd.s32 v1, v12;
	_ =	sdelay $0x4  }
0x16d: {  	[tilespmem:v12+s11+$0x0] =	vst.idx.add.f32.msk $0xffff, v3  }
0x16e: {  	v12 =	vld [tilespmem:s4+$0x700];
	_ =	sdelay $0x4  }
0x16f: {  	v46 =	vshll.u32 v12, $0x3  }
0x170: {  	v12 =	vand.u32 $0x7F, v12;
	v13 =	vand.u32 $0xFFFFFC00, v46  }
0x171: {  	v12 =	vor.u32 v12, v13  }
0x172: {  	v12 =	vadd.s32 v1, v12;
	_ =	sdelay $0x4  }
0x173: {  	[tilespmem:v12+s11+$0x0] =	vst.idx.add.f32.msk $0xffff, v3  }
0x174: {  	v12 =	vld [tilespmem:s4+$0x780];
	_ =	sdelay $0x4  }
0x175: {  	v47 =	vshll.u32 v12, $0x3  }
0x176: {  	v12 =	vand.u32 $0x7F, v12;
	v13 =	vand.u32 $0xFFFFFC00, v47  }
0x177: {  	v12 =	vor.u32 v12, v13  }
0x178: {  	v12 =	vadd.s32 v1, v12;
	_ =	sdelay $0x4  }
0x179: {  	[tilespmem:v12+s11+$0x0] =	vst.idx.add.f32.msk $0xffff, v3  }
0x17a: {  	v12 =	vld [tilespmem:s4+$0x800];
	_ =	sdelay $0x4  }
0x17b: {  	v48 =	vshll.u32 v12, $0x3  }
0x17c: {  	v12 =	vand.u32 $0x7F, v12;
	v13 =	vand.u32 $0xFFFFFC00, v48  }
0x17d: {  	v12 =	vor.u32 v12, v13  }
0x17e: {  	v12 =	vadd.s32 v1, v12;
	_ =	sdelay $0x4  }
0x17f: {  	[tilespmem:v12+s11+$0x0] =	vst.idx.add.f32.msk $0xffff, v3  }
0x180: {  	v12 =	vld [tilespmem:s4+$0x880];
	_ =	sdelay $0x4  }
0x181: {  	v49 =	vshll.u32 v12, $0x3  }
0x182: {  	v12 =	vand.u32 $0x7F, v12;
	v13 =	vand.u32 $0xFFFFFC00, v49  }
0x183: {  	v12 =	vor.u32 v12, v13  }
0x184: {  	v12 =	vadd.s32 v1, v12;
	_ =	sdelay $0x4  }
0x185: {  	[tilespmem:v12+s11+$0x0] =	vst.idx.add.f32.msk $0xffff, v3  }
0x186: {  	v12 =	vld [tilespmem:s4+$0x900];
	_ =	sdelay $0x4  }
0x187: {  	v50 =	vshll.u32 v12, $0x3  }
0x188: {  	v12 =	vand.u32 $0x7F, v12;
	v13 =	vand.u32 $0xFFFFFC00, v50  }
0x189: {  	v12 =	vor.u32 v12, v13  }
0x18a: {  	v12 =	vadd.s32 v1, v12;
	_ =	sdelay $0x4  }
0x18b: {  	[tilespmem:v12+s11+$0x0] =	vst.idx.add.f32.msk $0xffff, v3  }
0x18c: {  	v12 =	vld [tilespmem:s4+$0x980];
	_ =	sdelay $0x4  }
0x18d: {  	v51 =	vshll.u32 v12, $0x3  }
0x18e: {  	v12 =	vand.u32 $0x7F, v12;
	v13 =	vand.u32 $0xFFFFFC00, v51  }
0x18f: {  	v12 =	vor.u32 v12, v13  }
0x190: {  	v12 =	vadd.s32 v1, v12;
	_ =	sdelay $0x4  }
0x191: {  	[tilespmem:v12+s11+$0x0] =	vst.idx.add.f32.msk $0xffff, v3  }
0x192: {  	v12 =	vld [tilespmem:s4+$0xA00];
	_ =	sdelay $0x4  }
0x193: {  	v52 =	vshll.u32 v12, $0x3  }
0x194: {  	v12 =	vand.u32 $0x7F, v12;
	v13 =	vand.u32 $0xFFFFFC00, v52  }
0x195: {  	v12 =	vor.u32 v12, v13  }
0x196: {  	v12 =	vadd.s32 v1, v12;
	_ =	sdelay $0x4  }
0x197: {  	[tilespmem:v12+s11+$0x0] =	vst.idx.add.f32.msk $0xffff, v3  }
0x198: {  	v12 =	vld [tilespmem:s4+$0xA80];
	_ =	sdelay $0x4  }
0x199: {  	v53 =	vshll.u32 v12, $0x3  }
0x19a: {  	v12 =	vand.u32 $0x7F, v12;
	v13 =	vand.u32 $0xFFFFFC00, v53  }
0x19b: {  	v12 =	vor.u32 v12, v13  }
0x19c: {  	v12 =	vadd.s32 v1, v12;
	_ =	sdelay $0x4  }
0x19d: {  	[tilespmem:v12+s11+$0x0] =	vst.idx.add.f32.msk $0xffff, v3  }
0x19e: {  	v12 =	vld [tilespmem:s4+$0xB00];
	_ =	sdelay $0x4  }
0x19f: {  	v54 =	vshll.u32 v12, $0x3  }
0x1a0: {  	v12 =	vand.u32 $0x7F, v12;
	v13 =	vand.u32 $0xFFFFFC00, v54  }
0x1a1: {  	v12 =	vor.u32 v12, v13  }
0x1a2: {  	v12 =	vadd.s32 v1, v12;
	_ =	sdelay $0x4  }
0x1a3: {  	[tilespmem:v12+s11+$0x0] =	vst.idx.add.f32.msk $0xffff, v3  }
0x1a4: {  	v12 =	vld [tilespmem:s4+$0xB80];
	_ =	sdelay $0x4  }
0x1a5: {  	v55 =	vshll.u32 v12, $0x3  }
0x1a6: {  	v12 =	vand.u32 $0x7F, v12;
	v13 =	vand.u32 $0xFFFFFC00, v55  }
0x1a7: {  	v12 =	vor.u32 v12, v13  }
0x1a8: {  	v12 =	vadd.s32 v1, v12;
	_ =	sdelay $0x4  }
0x1a9: {  	[tilespmem:v12+s11+$0x0] =	vst.idx.add.f32.msk $0xffff, v3  }
0x1aa: {  	v12 =	vld [tilespmem:s4+$0xC00];
	_ =	sdelay $0x4  }
0x1ab: {  	v56 =	vshll.u32 v12, $0x3  }
0x1ac: {  	v12 =	vand.u32 $0x7F, v12;
	v13 =	vand.u32 $0xFFFFFC00, v56  }
0x1ad: {  	v12 =	vor.u32 v12, v13  }
0x1ae: {  	v12 =	vadd.s32 v1, v12;
	_ =	sdelay $0x4  }
0x1af: {  	[tilespmem:v12+s11+$0x0] =	vst.idx.add.f32.msk $0xffff, v3  }
0x1b0: {  	v12 =	vld [tilespmem:s4+$0xC80];
	_ =	sdelay $0x4  }
0x1b1: {  	v57 =	vshll.u32 v12, $0x3  }
0x1b2: {  	v12 =	vand.u32 $0x7F, v12;
	v13 =	vand.u32 $0xFFFFFC00, v57  }
0x1b3: {  	v12 =	vor.u32 v12, v13  }
0x1b4: {  	v12 =	vadd.s32 v1, v12;
	_ =	sdelay $0x4  }
0x1b5: {  	[tilespmem:v12+s11+$0x0] =	vst.idx.add.f32.msk $0xffff, v3  }
0x1b6: {  	v12 =	vld [tilespmem:s4+$0xD00];
	_ =	sdelay $0x4  }
0x1b7: {  	v58 =	vshll.u32 v12, $0x3  }
0x1b8: {  	v12 =	vand.u32 $0x7F, v12;
	v13 =	vand.u32 $0xFFFFFC00, v58  }
0x1b9: {  	v12 =	vor.u32 v12, v13  }
0x1ba: {  	v12 =	vadd.s32 v1, v12;
	_ =	sdelay $0x4  }
0x1bb: {  	[tilespmem:v12+s11+$0x0] =	vst.idx.add.f32.msk $0xffff, v3  }
0x1bc: {  	v12 =	vld [tilespmem:s4+$0xD80];
	_ =	sdelay $0x4  }
0x1bd: {  	v59 =	vshll.u32 v12, $0x3  }
0x1be: {  	v12 =	vand.u32 $0x7F, v12;
	v13 =	vand.u32 $0xFFFFFC00, v59  }
0x1bf: {  	v12 =	vor.u32 v12, v13  }
0x1c0: {  	v12 =	vadd.s32 v1, v12;
	_ =	sdelay $0x4  }
0x1c1: {  	[tilespmem:v12+s11+$0x0] =	vst.idx.add.f32.msk $0xffff, v3  }
0x1c2: {  	v12 =	vld [tilespmem:s4+$0xE00];
	_ =	sdelay $0x4  }
0x1c3: {  	v60 =	vshll.u32 v12, $0x3  }
0x1c4: {  	v12 =	vand.u32 $0x7F, v12;
	v13 =	vand.u32 $0xFFFFFC00, v60  }
0x1c5: {  	v12 =	vor.u32 v12, v13  }
0x1c6: {  	v12 =	vadd.s32 v1, v12;
	_ =	sdelay $0x4  }
0x1c7: {  	[tilespmem:v12+s11+$0x0] =	vst.idx.add.f32.msk $0xffff, v3  }
0x1c8: {  	v12 =	vld [tilespmem:s4+$0xE80];
	_ =	sdelay $0x4  }
0x1c9: {  	v61 =	vshll.u32 v12, $0x3  }
0x1ca: {  	v12 =	vand.u32 $0x7F, v12;
	v13 =	vand.u32 $0xFFFFFC00, v61  }
0x1cb: {  	v12 =	vor.u32 v12, v13  }
0x1cc: {  	v12 =	vadd.s32 v1, v12;
	_ =	sdelay $0x4  }
0x1cd: {  	[tilespmem:v12+s11+$0x0] =	vst.idx.add.f32.msk $0xffff, v3  }
0x1ce: {  	v12 =	vld [tilespmem:s4+$0xF00];
	_ =	sdelay $0x4  }
0x1cf: {  	v62 =	vshll.u32 v12, $0x3  }
0x1d0: {  	v12 =	vand.u32 $0x7F, v12;
	v13 =	vand.u32 $0xFFFFFC00, v62  }
0x1d1: {  	v12 =	vor.u32 v12, v13  }
0x1d2: {  	v12 =	vadd.s32 v1, v12;
	_ =	sdelay $0x4  }
0x1d3: {  	[tilespmem:v12+s11+$0x0] =	vst.idx.add.f32.msk $0xffff, v3  }
0x1d4: {  	v12 =	vld [tilespmem:s4+$0xF80];
	_ =	sdelay $0x4  }
0x1d5: {  	v63 =	vshll.u32 v12, $0x3  }
0x1d6: {  	v12 =	vand.u32 $0x7F, v12;
	v13 =	vand.u32 $0xFFFFFC00, v63  }
0x1d7: {  	v12 =	vor.u32 v12, v13  }
0x1d8: {  	v12 =	vadd.s32 v1, v12;
	_ =	sdelay $0x4  }
.Ltmp2:
0x1d9: {  	[tilespmem:v12+s11+$0x0] =	vst.idx.add.f32.msk $0xffff, v3;
	(pc) =	sbr.rel @p0 .LBB2_3-.Ltmp2, $4  }
0x1da: {  	[hbm4b:s5+s2] =	stream.linear.scatter [tilespmem:s11], [sflag:$0x1], $0x1000, $0x38;
	[tilespmem:$0x4400] =	vst v63  }
0x1db: {  	_ =	swait.ge [sflag:s10], $0x1000  }
0x1dc: {  	[sflag:s10] =	ssyncset.done $0x0  }
0x1dd: {  	[sflag:s10] =	ssyncadd.s32 $0xFFFFF000  }
0x1de: {  	[tilespmem:s12], [sflag:$0x1] =	stream.linear.gather [hbm4b:s6+s2], $0x400, $0x38;
	[tilespmem:$0x4400] =	vst v63  }
0x1df: {  	_ =	swait.ge [sflag:s10], $0x400  }
0x1e0: {  	[sflag:s10] =	ssyncset.done $0x0  }
0x1e1: {  	[sflag:s10] =	ssyncadd.s32 $0xFFFFFC00  }
0x1e2: {  	[tilespmem:$0x2400] =	vst v0  }
0x1e3: {  	[tilespmem:$0x2410] =	vst v0  }
0x1e4: {  	[tilespmem:$0x2420] =	vst v0  }
0x1e5: {  	[tilespmem:$0x2430] =	vst v0  }
0x1e6: {  	[tilespmem:$0x2440] =	vst v0  }
0x1e7: {  	[tilespmem:$0x2450] =	vst v0  }
0x1e8: {  	[tilespmem:$0x2460] =	vst v0  }
0x1e9: {  	[tilespmem:$0x2470] =	vst v0  }
0x1ea: {  	[tilespmem:$0x2480] =	vst v0  }
0x1eb: {  	[tilespmem:$0x2490] =	vst v0  }
0x1ec: {  	[tilespmem:$0x24A0] =	vst v0  }
0x1ed: {  	[tilespmem:$0x24B0] =	vst v0  }
0x1ee: {  	[tilespmem:$0x24C0] =	vst v0  }
0x1ef: {  	[tilespmem:$0x24D0] =	vst v0  }
0x1f0: {  	[tilespmem:$0x24E0] =	vst v0  }
0x1f1: {  	[tilespmem:$0x24F0] =	vst v0  }
0x1f2: {  	[tilespmem:$0x2500] =	vst v0  }
0x1f3: {  	[tilespmem:$0x2510] =	vst v0  }
0x1f4: {  	[tilespmem:$0x2520] =	vst v0  }
0x1f5: {  	[tilespmem:$0x2530] =	vst v0  }
0x1f6: {  	[tilespmem:$0x2540] =	vst v0  }
0x1f7: {  	[tilespmem:$0x2550] =	vst v0  }
0x1f8: {  	[tilespmem:$0x2560] =	vst v0  }
0x1f9: {  	[tilespmem:$0x2570] =	vst v0  }
0x1fa: {  	[tilespmem:$0x2580] =	vst v0  }
0x1fb: {  	[tilespmem:$0x2590] =	vst v0  }
0x1fc: {  	[tilespmem:$0x25A0] =	vst v0  }
0x1fd: {  	[tilespmem:$0x25B0] =	vst v0  }
0x1fe: {  	[tilespmem:$0x25C0] =	vst v0  }
0x1ff: {  	[tilespmem:$0x25D0] =	vst v0  }
0x200: {  	[tilespmem:$0x25E0] =	vst v0  }
0x201: {  	[tilespmem:$0x25F0] =	vst v0  }
0x202: {  	[tilespmem:$0x2600] =	vst v0  }
0x203: {  	[tilespmem:$0x2610] =	vst v0  }
0x204: {  	[tilespmem:$0x2620] =	vst v0  }
0x205: {  	[tilespmem:$0x2630] =	vst v0  }
0x206: {  	[tilespmem:$0x2640] =	vst v0  }
0x207: {  	[tilespmem:$0x2650] =	vst v0  }
0x208: {  	[tilespmem:$0x2660] =	vst v0  }
0x209: {  	[tilespmem:$0x2670] =	vst v0  }
0x20a: {  	[tilespmem:$0x2680] =	vst v0  }
0x20b: {  	[tilespmem:$0x2690] =	vst v0  }
0x20c: {  	[tilespmem:$0x26A0] =	vst v0  }
0x20d: {  	[tilespmem:$0x26B0] =	vst v0  }
0x20e: {  	[tilespmem:$0x26C0] =	vst v0  }
0x20f: {  	[tilespmem:$0x26D0] =	vst v0  }
0x210: {  	[tilespmem:$0x26E0] =	vst v0  }
0x211: {  	[tilespmem:$0x26F0] =	vst v0  }
0x212: {  	[tilespmem:$0x2700] =	vst v0  }
0x213: {  	[tilespmem:$0x2710] =	vst v0  }
0x214: {  	[tilespmem:$0x2720] =	vst v0  }
0x215: {  	[tilespmem:$0x2730] =	vst v0  }
0x216: {  	[tilespmem:$0x2740] =	vst v0  }
0x217: {  	[tilespmem:$0x2750] =	vst v0  }
0x218: {  	[tilespmem:$0x2760] =	vst v0  }
0x219: {  	[tilespmem:$0x2770] =	vst v0  }
0x21a: {  	[tilespmem:$0x2780] =	vst v0  }
0x21b: {  	[tilespmem:$0x2790] =	vst v0  }
0x21c: {  	[tilespmem:$0x27A0] =	vst v0  }
0x21d: {  	[tilespmem:$0x27B0] =	vst v0  }
0x21e: {  	[tilespmem:$0x27C0] =	vst v0  }
0x21f: {  	[tilespmem:$0x27D0] =	vst v0  }
0x220: {  	[tilespmem:$0x27E0] =	vst v0  }
0x221: {  	[tilespmem:$0x27F0] =	vst v0  }
0x222: {  	[tilespmem:$0x2800] =	vst v0  }
0x223: {  	[tilespmem:$0x2810] =	vst v0  }
0x224: {  	[tilespmem:$0x2820] =	vst v0  }
0x225: {  	[tilespmem:$0x2830] =	vst v0  }
0x226: {  	[tilespmem:$0x2840] =	vst v0  }
0x227: {  	[tilespmem:$0x2850] =	vst v0  }
0x228: {  	[tilespmem:$0x2860] =	vst v0  }
0x229: {  	[tilespmem:$0x2870] =	vst v0  }
0x22a: {  	[tilespmem:$0x2880] =	vst v0  }
0x22b: {  	[tilespmem:$0x2890] =	vst v0  }
0x22c: {  	[tilespmem:$0x28A0] =	vst v0  }
0x22d: {  	[tilespmem:$0x28B0] =	vst v0  }
0x22e: {  	[tilespmem:$0x28C0] =	vst v0  }
0x22f: {  	[tilespmem:$0x28D0] =	vst v0  }
0x230: {  	[tilespmem:$0x28E0] =	vst v0  }
0x231: {  	[tilespmem:$0x28F0] =	vst v0  }
0x232: {  	[tilespmem:$0x2900] =	vst v0  }
0x233: {  	[tilespmem:$0x2910] =	vst v0  }
0x234: {  	[tilespmem:$0x2920] =	vst v0  }
0x235: {  	[tilespmem:$0x2930] =	vst v0  }
0x236: {  	[tilespmem:$0x2940] =	vst v0  }
0x237: {  	[tilespmem:$0x2950] =	vst v0  }
0x238: {  	[tilespmem:$0x2960] =	vst v0  }
0x239: {  	[tilespmem:$0x2970] =	vst v0  }
0x23a: {  	[tilespmem:$0x2980] =	vst v0  }
0x23b: {  	[tilespmem:$0x2990] =	vst v0  }
0x23c: {  	[tilespmem:$0x29A0] =	vst v0  }
0x23d: {  	[tilespmem:$0x29B0] =	vst v0  }
0x23e: {  	[tilespmem:$0x29C0] =	vst v0  }
0x23f: {  	[tilespmem:$0x29D0] =	vst v0  }
0x240: {  	[tilespmem:$0x29E0] =	vst v0  }
0x241: {  	[tilespmem:$0x29F0] =	vst v0  }
0x242: {  	[tilespmem:$0x2A00] =	vst v0  }
0x243: {  	[tilespmem:$0x2A10] =	vst v0  }
0x244: {  	[tilespmem:$0x2A20] =	vst v0  }
0x245: {  	[tilespmem:$0x2A30] =	vst v0  }
0x246: {  	[tilespmem:$0x2A40] =	vst v0  }
0x247: {  	[tilespmem:$0x2A50] =	vst v0  }
0x248: {  	[tilespmem:$0x2A60] =	vst v0  }
0x249: {  	[tilespmem:$0x2A70] =	vst v0  }
0x24a: {  	[tilespmem:$0x2A80] =	vst v0  }
0x24b: {  	[tilespmem:$0x2A90] =	vst v0  }
0x24c: {  	[tilespmem:$0x2AA0] =	vst v0  }
0x24d: {  	[tilespmem:$0x2AB0] =	vst v0  }
0x24e: {  	[tilespmem:$0x2AC0] =	vst v0  }
0x24f: {  	[tilespmem:$0x2AD0] =	vst v0  }
0x250: {  	[tilespmem:$0x2AE0] =	vst v0  }
0x251: {  	[tilespmem:$0x2AF0] =	vst v0  }
0x252: {  	[tilespmem:$0x2B00] =	vst v0  }
0x253: {  	[tilespmem:$0x2B10] =	vst v0  }
0x254: {  	[tilespmem:$0x2B20] =	vst v0  }
0x255: {  	[tilespmem:$0x2B30] =	vst v0  }
0x256: {  	[tilespmem:$0x2B40] =	vst v0  }
0x257: {  	[tilespmem:$0x2B50] =	vst v0  }
0x258: {  	[tilespmem:$0x2B60] =	vst v0  }
0x259: {  	[tilespmem:$0x2B70] =	vst v0  }
0x25a: {  	[tilespmem:$0x2B80] =	vst v0  }
0x25b: {  	[tilespmem:$0x2B90] =	vst v0  }
0x25c: {  	[tilespmem:$0x2BA0] =	vst v0  }
0x25d: {  	[tilespmem:$0x2BB0] =	vst v0  }
0x25e: {  	[tilespmem:$0x2BC0] =	vst v0  }
0x25f: {  	[tilespmem:$0x2BD0] =	vst v0  }
0x260: {  	[tilespmem:$0x2BE0] =	vst v0  }
0x261: {  	[tilespmem:$0x2BF0] =	vst v0  }
0x262: {  	[tilespmem:$0x2C00] =	vst v0  }
0x263: {  	[tilespmem:$0x2C10] =	vst v0  }
0x264: {  	[tilespmem:$0x2C20] =	vst v0  }
0x265: {  	[tilespmem:$0x2C30] =	vst v0  }
0x266: {  	[tilespmem:$0x2C40] =	vst v0  }
0x267: {  	[tilespmem:$0x2C50] =	vst v0  }
0x268: {  	[tilespmem:$0x2C60] =	vst v0  }
0x269: {  	[tilespmem:$0x2C70] =	vst v0  }
0x26a: {  	[tilespmem:$0x2C80] =	vst v0  }
0x26b: {  	[tilespmem:$0x2C90] =	vst v0  }
0x26c: {  	[tilespmem:$0x2CA0] =	vst v0  }
0x26d: {  	[tilespmem:$0x2CB0] =	vst v0  }
0x26e: {  	[tilespmem:$0x2CC0] =	vst v0  }
0x26f: {  	[tilespmem:$0x2CD0] =	vst v0  }
0x270: {  	[tilespmem:$0x2CE0] =	vst v0  }
0x271: {  	[tilespmem:$0x2CF0] =	vst v0  }
0x272: {  	[tilespmem:$0x2D00] =	vst v0  }
0x273: {  	[tilespmem:$0x2D10] =	vst v0  }
0x274: {  	[tilespmem:$0x2D20] =	vst v0  }
0x275: {  	[tilespmem:$0x2D30] =	vst v0  }
0x276: {  	[tilespmem:$0x2D40] =	vst v0  }
0x277: {  	[tilespmem:$0x2D50] =	vst v0  }
0x278: {  	[tilespmem:$0x2D60] =	vst v0  }
0x279: {  	[tilespmem:$0x2D70] =	vst v0  }
0x27a: {  	[tilespmem:$0x2D80] =	vst v0  }
0x27b: {  	[tilespmem:$0x2D90] =	vst v0  }
0x27c: {  	[tilespmem:$0x2DA0] =	vst v0  }
0x27d: {  	[tilespmem:$0x2DB0] =	vst v0  }
0x27e: {  	[tilespmem:$0x2DC0] =	vst v0  }
0x27f: {  	[tilespmem:$0x2DD0] =	vst v0  }
0x280: {  	[tilespmem:$0x2DE0] =	vst v0  }
0x281: {  	[tilespmem:$0x2DF0] =	vst v0  }
0x282: {  	[tilespmem:$0x2E00] =	vst v0  }
0x283: {  	[tilespmem:$0x2E10] =	vst v0  }
0x284: {  	[tilespmem:$0x2E20] =	vst v0  }
0x285: {  	[tilespmem:$0x2E30] =	vst v0  }
0x286: {  	[tilespmem:$0x2E40] =	vst v0  }
0x287: {  	[tilespmem:$0x2E50] =	vst v0  }
0x288: {  	[tilespmem:$0x2E60] =	vst v0  }
0x289: {  	[tilespmem:$0x2E70] =	vst v0  }
0x28a: {  	[tilespmem:$0x2E80] =	vst v0  }
0x28b: {  	[tilespmem:$0x2E90] =	vst v0  }
0x28c: {  	[tilespmem:$0x2EA0] =	vst v0  }
0x28d: {  	[tilespmem:$0x2EB0] =	vst v0  }
0x28e: {  	[tilespmem:$0x2EC0] =	vst v0  }
0x28f: {  	[tilespmem:$0x2ED0] =	vst v0  }
0x290: {  	[tilespmem:$0x2EE0] =	vst v0  }
0x291: {  	[tilespmem:$0x2EF0] =	vst v0  }
0x292: {  	[tilespmem:$0x2F00] =	vst v0  }
0x293: {  	[tilespmem:$0x2F10] =	vst v0  }
0x294: {  	[tilespmem:$0x2F20] =	vst v0  }
0x295: {  	[tilespmem:$0x2F30] =	vst v0  }
0x296: {  	[tilespmem:$0x2F40] =	vst v0  }
0x297: {  	[tilespmem:$0x2F50] =	vst v0  }
0x298: {  	[tilespmem:$0x2F60] =	vst v0  }
0x299: {  	[tilespmem:$0x2F70] =	vst v0  }
0x29a: {  	[tilespmem:$0x2F80] =	vst v0  }
0x29b: {  	[tilespmem:$0x2F90] =	vst v0  }
0x29c: {  	[tilespmem:$0x2FA0] =	vst v0  }
0x29d: {  	[tilespmem:$0x2FB0] =	vst v0  }
0x29e: {  	[tilespmem:$0x2FC0] =	vst v0  }
0x29f: {  	[tilespmem:$0x2FD0] =	vst v0  }
0x2a0: {  	[tilespmem:$0x2FE0] =	vst v0  }
0x2a1: {  	[tilespmem:$0x2FF0] =	vst v0  }
0x2a2: {  	[tilespmem:$0x3000] =	vst v0  }
0x2a3: {  	[tilespmem:$0x3010] =	vst v0  }
0x2a4: {  	[tilespmem:$0x3020] =	vst v0  }
0x2a5: {  	[tilespmem:$0x3030] =	vst v0  }
0x2a6: {  	[tilespmem:$0x3040] =	vst v0  }
0x2a7: {  	[tilespmem:$0x3050] =	vst v0  }
0x2a8: {  	[tilespmem:$0x3060] =	vst v0  }
0x2a9: {  	[tilespmem:$0x3070] =	vst v0  }
0x2aa: {  	[tilespmem:$0x3080] =	vst v0  }
0x2ab: {  	[tilespmem:$0x3090] =	vst v0  }
0x2ac: {  	[tilespmem:$0x30A0] =	vst v0  }
0x2ad: {  	[tilespmem:$0x30B0] =	vst v0  }
0x2ae: {  	[tilespmem:$0x30C0] =	vst v0  }
0x2af: {  	[tilespmem:$0x30D0] =	vst v0  }
0x2b0: {  	[tilespmem:$0x30E0] =	vst v0  }
0x2b1: {  	[tilespmem:$0x30F0] =	vst v0  }
0x2b2: {  	[tilespmem:$0x3100] =	vst v0  }
0x2b3: {  	[tilespmem:$0x3110] =	vst v0  }
0x2b4: {  	[tilespmem:$0x3120] =	vst v0  }
0x2b5: {  	[tilespmem:$0x3130] =	vst v0  }
0x2b6: {  	[tilespmem:$0x3140] =	vst v0  }
0x2b7: {  	[tilespmem:$0x3150] =	vst v0  }
0x2b8: {  	[tilespmem:$0x3160] =	vst v0  }
0x2b9: {  	[tilespmem:$0x3170] =	vst v0  }
0x2ba: {  	[tilespmem:$0x3180] =	vst v0  }
0x2bb: {  	[tilespmem:$0x3190] =	vst v0  }
0x2bc: {  	[tilespmem:$0x31A0] =	vst v0  }
0x2bd: {  	[tilespmem:$0x31B0] =	vst v0  }
0x2be: {  	[tilespmem:$0x31C0] =	vst v0  }
0x2bf: {  	[tilespmem:$0x31D0] =	vst v0  }
0x2c0: {  	[tilespmem:$0x31E0] =	vst v0  }
0x2c1: {  	[tilespmem:$0x31F0] =	vst v0  }
0x2c2: {  	[tilespmem:$0x3200] =	vst v0  }
0x2c3: {  	[tilespmem:$0x3210] =	vst v0  }
0x2c4: {  	[tilespmem:$0x3220] =	vst v0  }
0x2c5: {  	[tilespmem:$0x3230] =	vst v0  }
0x2c6: {  	[tilespmem:$0x3240] =	vst v0  }
0x2c7: {  	[tilespmem:$0x3250] =	vst v0  }
0x2c8: {  	[tilespmem:$0x3260] =	vst v0  }
0x2c9: {  	[tilespmem:$0x3270] =	vst v0  }
0x2ca: {  	[tilespmem:$0x3280] =	vst v0  }
0x2cb: {  	[tilespmem:$0x3290] =	vst v0  }
0x2cc: {  	[tilespmem:$0x32A0] =	vst v0  }
0x2cd: {  	[tilespmem:$0x32B0] =	vst v0  }
0x2ce: {  	[tilespmem:$0x32C0] =	vst v0  }
0x2cf: {  	[tilespmem:$0x32D0] =	vst v0  }
0x2d0: {  	[tilespmem:$0x32E0] =	vst v0  }
0x2d1: {  	[tilespmem:$0x32F0] =	vst v0  }
0x2d2: {  	[tilespmem:$0x3300] =	vst v0  }
0x2d3: {  	[tilespmem:$0x3310] =	vst v0  }
0x2d4: {  	[tilespmem:$0x3320] =	vst v0  }
0x2d5: {  	[tilespmem:$0x3330] =	vst v0  }
0x2d6: {  	[tilespmem:$0x3340] =	vst v0  }
0x2d7: {  	[tilespmem:$0x3350] =	vst v0  }
0x2d8: {  	[tilespmem:$0x3360] =	vst v0  }
0x2d9: {  	[tilespmem:$0x3370] =	vst v0  }
0x2da: {  	[tilespmem:$0x3380] =	vst v0  }
0x2db: {  	[tilespmem:$0x3390] =	vst v0  }
0x2dc: {  	[tilespmem:$0x33A0] =	vst v0  }
0x2dd: {  	[tilespmem:$0x33B0] =	vst v0  }
0x2de: {  	[tilespmem:$0x33C0] =	vst v0  }
0x2df: {  	[tilespmem:$0x33D0] =	vst v0  }
0x2e0: {  	[tilespmem:$0x33E0] =	vst v0  }
0x2e1: {  	[tilespmem:$0x33F0] =	vst v0  }
0x2e2: {  	[tilespmem:$0x3400] =	vst v0  }
0x2e3: {  	[tilespmem:$0x3410] =	vst v0  }
0x2e4: {  	[tilespmem:$0x3420] =	vst v0  }
0x2e5: {  	[tilespmem:$0x3430] =	vst v0  }
0x2e6: {  	[tilespmem:$0x3440] =	vst v0  }
0x2e7: {  	[tilespmem:$0x3450] =	vst v0  }
0x2e8: {  	[tilespmem:$0x3460] =	vst v0  }
0x2e9: {  	[tilespmem:$0x3470] =	vst v0  }
0x2ea: {  	[tilespmem:$0x3480] =	vst v0  }
0x2eb: {  	[tilespmem:$0x3490] =	vst v0  }
0x2ec: {  	[tilespmem:$0x34A0] =	vst v0  }
0x2ed: {  	[tilespmem:$0x34B0] =	vst v0  }
0x2ee: {  	[tilespmem:$0x34C0] =	vst v0  }
0x2ef: {  	[tilespmem:$0x34D0] =	vst v0  }
0x2f0: {  	[tilespmem:$0x34E0] =	vst v0  }
0x2f1: {  	[tilespmem:$0x34F0] =	vst v0  }
0x2f2: {  	[tilespmem:$0x3500] =	vst v0  }
0x2f3: {  	[tilespmem:$0x3510] =	vst v0  }
0x2f4: {  	[tilespmem:$0x3520] =	vst v0  }
0x2f5: {  	[tilespmem:$0x3530] =	vst v0  }
0x2f6: {  	[tilespmem:$0x3540] =	vst v0  }
0x2f7: {  	[tilespmem:$0x3550] =	vst v0  }
0x2f8: {  	[tilespmem:$0x3560] =	vst v0  }
0x2f9: {  	[tilespmem:$0x3570] =	vst v0  }
0x2fa: {  	[tilespmem:$0x3580] =	vst v0  }
0x2fb: {  	[tilespmem:$0x3590] =	vst v0  }
0x2fc: {  	[tilespmem:$0x35A0] =	vst v0  }
0x2fd: {  	[tilespmem:$0x35B0] =	vst v0  }
0x2fe: {  	[tilespmem:$0x35C0] =	vst v0  }
0x2ff: {  	[tilespmem:$0x35D0] =	vst v0  }
0x300: {  	[tilespmem:$0x35E0] =	vst v0  }
0x301: {  	[tilespmem:$0x35F0] =	vst v0  }
0x302: {  	[tilespmem:$0x3600] =	vst v0  }
0x303: {  	[tilespmem:$0x3610] =	vst v0  }
0x304: {  	[tilespmem:$0x3620] =	vst v0  }
0x305: {  	[tilespmem:$0x3630] =	vst v0  }
0x306: {  	[tilespmem:$0x3640] =	vst v0  }
0x307: {  	[tilespmem:$0x3650] =	vst v0  }
0x308: {  	[tilespmem:$0x3660] =	vst v0  }
0x309: {  	[tilespmem:$0x3670] =	vst v0  }
0x30a: {  	[tilespmem:$0x3680] =	vst v0  }
0x30b: {  	[tilespmem:$0x3690] =	vst v0  }
0x30c: {  	[tilespmem:$0x36A0] =	vst v0  }
0x30d: {  	[tilespmem:$0x36B0] =	vst v0  }
0x30e: {  	[tilespmem:$0x36C0] =	vst v0  }
0x30f: {  	[tilespmem:$0x36D0] =	vst v0  }
0x310: {  	[tilespmem:$0x36E0] =	vst v0  }
0x311: {  	[tilespmem:$0x36F0] =	vst v0  }
0x312: {  	[tilespmem:$0x3700] =	vst v0  }
0x313: {  	[tilespmem:$0x3710] =	vst v0  }
0x314: {  	[tilespmem:$0x3720] =	vst v0  }
0x315: {  	[tilespmem:$0x3730] =	vst v0  }
0x316: {  	[tilespmem:$0x3740] =	vst v0  }
0x317: {  	[tilespmem:$0x3750] =	vst v0  }
0x318: {  	[tilespmem:$0x3760] =	vst v0  }
0x319: {  	[tilespmem:$0x3770] =	vst v0  }
0x31a: {  	[tilespmem:$0x3780] =	vst v0  }
0x31b: {  	[tilespmem:$0x3790] =	vst v0  }
0x31c: {  	[tilespmem:$0x37A0] =	vst v0  }
0x31d: {  	[tilespmem:$0x37B0] =	vst v0  }
0x31e: {  	[tilespmem:$0x37C0] =	vst v0  }
0x31f: {  	[tilespmem:$0x37D0] =	vst v0  }
0x320: {  	[tilespmem:$0x37E0] =	vst v0  }
0x321: {  	[tilespmem:$0x37F0] =	vst v0  }
0x322: {  	[tilespmem:$0x3800] =	vst v0  }
0x323: {  	[tilespmem:$0x3810] =	vst v0  }
0x324: {  	[tilespmem:$0x3820] =	vst v0  }
0x325: {  	[tilespmem:$0x3830] =	vst v0  }
0x326: {  	[tilespmem:$0x3840] =	vst v0  }
0x327: {  	[tilespmem:$0x3850] =	vst v0  }
0x328: {  	[tilespmem:$0x3860] =	vst v0  }
0x329: {  	[tilespmem:$0x3870] =	vst v0  }
0x32a: {  	[tilespmem:$0x3880] =	vst v0  }
0x32b: {  	[tilespmem:$0x3890] =	vst v0  }
0x32c: {  	[tilespmem:$0x38A0] =	vst v0  }
0x32d: {  	[tilespmem:$0x38B0] =	vst v0  }
0x32e: {  	[tilespmem:$0x38C0] =	vst v0  }
0x32f: {  	[tilespmem:$0x38D0] =	vst v0  }
0x330: {  	[tilespmem:$0x38E0] =	vst v0  }
0x331: {  	[tilespmem:$0x38F0] =	vst v0  }
0x332: {  	[tilespmem:$0x3900] =	vst v0  }
0x333: {  	[tilespmem:$0x3910] =	vst v0  }
0x334: {  	[tilespmem:$0x3920] =	vst v0  }
0x335: {  	[tilespmem:$0x3930] =	vst v0  }
0x336: {  	[tilespmem:$0x3940] =	vst v0  }
0x337: {  	[tilespmem:$0x3950] =	vst v0  }
0x338: {  	[tilespmem:$0x3960] =	vst v0  }
0x339: {  	[tilespmem:$0x3970] =	vst v0  }
0x33a: {  	[tilespmem:$0x3980] =	vst v0  }
0x33b: {  	[tilespmem:$0x3990] =	vst v0  }
0x33c: {  	[tilespmem:$0x39A0] =	vst v0  }
0x33d: {  	[tilespmem:$0x39B0] =	vst v0  }
0x33e: {  	[tilespmem:$0x39C0] =	vst v0  }
0x33f: {  	[tilespmem:$0x39D0] =	vst v0  }
0x340: {  	[tilespmem:$0x39E0] =	vst v0  }
0x341: {  	[tilespmem:$0x39F0] =	vst v0  }
0x342: {  	[tilespmem:$0x3A00] =	vst v0  }
0x343: {  	[tilespmem:$0x3A10] =	vst v0  }
0x344: {  	[tilespmem:$0x3A20] =	vst v0  }
0x345: {  	[tilespmem:$0x3A30] =	vst v0  }
0x346: {  	[tilespmem:$0x3A40] =	vst v0  }
0x347: {  	[tilespmem:$0x3A50] =	vst v0  }
0x348: {  	[tilespmem:$0x3A60] =	vst v0  }
0x349: {  	[tilespmem:$0x3A70] =	vst v0  }
0x34a: {  	[tilespmem:$0x3A80] =	vst v0  }
0x34b: {  	[tilespmem:$0x3A90] =	vst v0  }
0x34c: {  	[tilespmem:$0x3AA0] =	vst v0  }
0x34d: {  	[tilespmem:$0x3AB0] =	vst v0  }
0x34e: {  	[tilespmem:$0x3AC0] =	vst v0  }
0x34f: {  	[tilespmem:$0x3AD0] =	vst v0  }
0x350: {  	[tilespmem:$0x3AE0] =	vst v0  }
0x351: {  	[tilespmem:$0x3AF0] =	vst v0  }
0x352: {  	[tilespmem:$0x3B00] =	vst v0  }
0x353: {  	[tilespmem:$0x3B10] =	vst v0  }
0x354: {  	[tilespmem:$0x3B20] =	vst v0  }
0x355: {  	[tilespmem:$0x3B30] =	vst v0  }
0x356: {  	[tilespmem:$0x3B40] =	vst v0  }
0x357: {  	[tilespmem:$0x3B50] =	vst v0  }
0x358: {  	[tilespmem:$0x3B60] =	vst v0  }
0x359: {  	[tilespmem:$0x3B70] =	vst v0  }
0x35a: {  	[tilespmem:$0x3B80] =	vst v0  }
0x35b: {  	[tilespmem:$0x3B90] =	vst v0  }
0x35c: {  	[tilespmem:$0x3BA0] =	vst v0  }
0x35d: {  	[tilespmem:$0x3BB0] =	vst v0  }
0x35e: {  	[tilespmem:$0x3BC0] =	vst v0  }
0x35f: {  	[tilespmem:$0x3BD0] =	vst v0  }
0x360: {  	[tilespmem:$0x3BE0] =	vst v0  }
0x361: {  	[tilespmem:$0x3BF0] =	vst v0  }
0x362: {  	[tilespmem:$0x3C00] =	vst v0  }
0x363: {  	[tilespmem:$0x3C10] =	vst v0  }
0x364: {  	[tilespmem:$0x3C20] =	vst v0  }
0x365: {  	[tilespmem:$0x3C30] =	vst v0  }
0x366: {  	[tilespmem:$0x3C40] =	vst v0  }
0x367: {  	[tilespmem:$0x3C50] =	vst v0  }
0x368: {  	[tilespmem:$0x3C60] =	vst v0  }
0x369: {  	[tilespmem:$0x3C70] =	vst v0  }
0x36a: {  	[tilespmem:$0x3C80] =	vst v0  }
0x36b: {  	[tilespmem:$0x3C90] =	vst v0  }
0x36c: {  	[tilespmem:$0x3CA0] =	vst v0  }
0x36d: {  	[tilespmem:$0x3CB0] =	vst v0  }
0x36e: {  	[tilespmem:$0x3CC0] =	vst v0  }
0x36f: {  	[tilespmem:$0x3CD0] =	vst v0  }
0x370: {  	[tilespmem:$0x3CE0] =	vst v0  }
0x371: {  	[tilespmem:$0x3CF0] =	vst v0  }
0x372: {  	[tilespmem:$0x3D00] =	vst v0  }
0x373: {  	[tilespmem:$0x3D10] =	vst v0  }
0x374: {  	[tilespmem:$0x3D20] =	vst v0  }
0x375: {  	[tilespmem:$0x3D30] =	vst v0  }
0x376: {  	[tilespmem:$0x3D40] =	vst v0  }
0x377: {  	[tilespmem:$0x3D50] =	vst v0  }
0x378: {  	[tilespmem:$0x3D60] =	vst v0  }
0x379: {  	[tilespmem:$0x3D70] =	vst v0  }
0x37a: {  	[tilespmem:$0x3D80] =	vst v0  }
0x37b: {  	[tilespmem:$0x3D90] =	vst v0  }
0x37c: {  	[tilespmem:$0x3DA0] =	vst v0  }
0x37d: {  	[tilespmem:$0x3DB0] =	vst v0  }
0x37e: {  	[tilespmem:$0x3DC0] =	vst v0  }
0x37f: {  	[tilespmem:$0x3DD0] =	vst v0  }
0x380: {  	[tilespmem:$0x3DE0] =	vst v0  }
0x381: {  	[tilespmem:$0x3DF0] =	vst v0  }
0x382: {  	[tilespmem:$0x3E00] =	vst v0  }
0x383: {  	[tilespmem:$0x3E10] =	vst v0  }
0x384: {  	[tilespmem:$0x3E20] =	vst v0  }
0x385: {  	[tilespmem:$0x3E30] =	vst v0  }
0x386: {  	[tilespmem:$0x3E40] =	vst v0  }
0x387: {  	[tilespmem:$0x3E50] =	vst v0  }
0x388: {  	[tilespmem:$0x3E60] =	vst v0  }
0x389: {  	[tilespmem:$0x3E70] =	vst v0  }
0x38a: {  	[tilespmem:$0x3E80] =	vst v0  }
0x38b: {  	[tilespmem:$0x3E90] =	vst v0  }
0x38c: {  	[tilespmem:$0x3EA0] =	vst v0  }
0x38d: {  	[tilespmem:$0x3EB0] =	vst v0  }
0x38e: {  	[tilespmem:$0x3EC0] =	vst v0  }
0x38f: {  	[tilespmem:$0x3ED0] =	vst v0  }
0x390: {  	[tilespmem:$0x3EE0] =	vst v0  }
0x391: {  	[tilespmem:$0x3EF0] =	vst v0  }
0x392: {  	[tilespmem:$0x3F00] =	vst v0  }
0x393: {  	[tilespmem:$0x3F10] =	vst v0  }
0x394: {  	[tilespmem:$0x3F20] =	vst v0  }
0x395: {  	[tilespmem:$0x3F30] =	vst v0  }
0x396: {  	[tilespmem:$0x3F40] =	vst v0  }
0x397: {  	[tilespmem:$0x3F50] =	vst v0  }
0x398: {  	[tilespmem:$0x3F60] =	vst v0  }
0x399: {  	[tilespmem:$0x3F70] =	vst v0  }
0x39a: {  	[tilespmem:$0x3F80] =	vst v0  }
0x39b: {  	[tilespmem:$0x3F90] =	vst v0  }
0x39c: {  	[tilespmem:$0x3FA0] =	vst v0  }
0x39d: {  	[tilespmem:$0x3FB0] =	vst v0  }
0x39e: {  	[tilespmem:$0x3FC0] =	vst v0  }
0x39f: {  	[tilespmem:$0x3FD0] =	vst v0  }
0x3a0: {  	[tilespmem:$0x3FE0] =	vst v0  }
0x3a1: {  	[tilespmem:$0x3FF0] =	vst v0  }
0x3a2: {  	[tilespmem:$0x4000] =	vst v0  }
0x3a3: {  	[tilespmem:$0x4010] =	vst v0  }
0x3a4: {  	[tilespmem:$0x4020] =	vst v0  }
0x3a5: {  	[tilespmem:$0x4030] =	vst v0  }
0x3a6: {  	[tilespmem:$0x4040] =	vst v0  }
0x3a7: {  	[tilespmem:$0x4050] =	vst v0  }
0x3a8: {  	[tilespmem:$0x4060] =	vst v0  }
0x3a9: {  	[tilespmem:$0x4070] =	vst v0  }
0x3aa: {  	[tilespmem:$0x4080] =	vst v0  }
0x3ab: {  	[tilespmem:$0x4090] =	vst v0  }
0x3ac: {  	[tilespmem:$0x40A0] =	vst v0  }
0x3ad: {  	[tilespmem:$0x40B0] =	vst v0  }
0x3ae: {  	[tilespmem:$0x40C0] =	vst v0  }
0x3af: {  	[tilespmem:$0x40D0] =	vst v0  }
0x3b0: {  	[tilespmem:$0x40E0] =	vst v0  }
0x3b1: {  	[tilespmem:$0x40F0] =	vst v0  }
0x3b2: {  	[tilespmem:$0x4100] =	vst v0  }
0x3b3: {  	[tilespmem:$0x4110] =	vst v0  }
0x3b4: {  	[tilespmem:$0x4120] =	vst v0  }
0x3b5: {  	[tilespmem:$0x4130] =	vst v0  }
0x3b6: {  	[tilespmem:$0x4140] =	vst v0  }
0x3b7: {  	[tilespmem:$0x4150] =	vst v0  }
0x3b8: {  	[tilespmem:$0x4160] =	vst v0  }
0x3b9: {  	[tilespmem:$0x4170] =	vst v0  }
0x3ba: {  	[tilespmem:$0x4180] =	vst v0  }
0x3bb: {  	[tilespmem:$0x4190] =	vst v0  }
0x3bc: {  	[tilespmem:$0x41A0] =	vst v0  }
0x3bd: {  	[tilespmem:$0x41B0] =	vst v0  }
0x3be: {  	[tilespmem:$0x41C0] =	vst v0  }
0x3bf: {  	[tilespmem:$0x41D0] =	vst v0  }
0x3c0: {  	[tilespmem:$0x41E0] =	vst v0  }
0x3c1: {  	[tilespmem:$0x41F0] =	vst v0  }
0x3c2: {  	[tilespmem:$0x4200] =	vst v0  }
0x3c3: {  	[tilespmem:$0x4210] =	vst v0  }
0x3c4: {  	[tilespmem:$0x4220] =	vst v0  }
0x3c5: {  	[tilespmem:$0x4230] =	vst v0  }
0x3c6: {  	[tilespmem:$0x4240] =	vst v0  }
0x3c7: {  	[tilespmem:$0x4250] =	vst v0  }
0x3c8: {  	[tilespmem:$0x4260] =	vst v0  }
0x3c9: {  	[tilespmem:$0x4270] =	vst v0  }
0x3ca: {  	[tilespmem:$0x4280] =	vst v0  }
0x3cb: {  	[tilespmem:$0x4290] =	vst v0  }
0x3cc: {  	[tilespmem:$0x42A0] =	vst v0  }
0x3cd: {  	[tilespmem:$0x42B0] =	vst v0  }
0x3ce: {  	[tilespmem:$0x42C0] =	vst v0  }
0x3cf: {  	[tilespmem:$0x42D0] =	vst v0  }
0x3d0: {  	[tilespmem:$0x42E0] =	vst v0  }
0x3d1: {  	[tilespmem:$0x42F0] =	vst v0  }
0x3d2: {  	[tilespmem:$0x4300] =	vst v0  }
0x3d3: {  	[tilespmem:$0x4310] =	vst v0  }
0x3d4: {  	[tilespmem:$0x4320] =	vst v0  }
0x3d5: {  	[tilespmem:$0x4330] =	vst v0  }
0x3d6: {  	[tilespmem:$0x4340] =	vst v0  }
0x3d7: {  	[tilespmem:$0x4350] =	vst v0  }
0x3d8: {  	[tilespmem:$0x4360] =	vst v0  }
0x3d9: {  	[tilespmem:$0x4370] =	vst v0  }
0x3da: {  	[tilespmem:$0x4380] =	vst v0  }
0x3db: {  	[tilespmem:$0x4390] =	vst v0  }
0x3dc: {  	[tilespmem:$0x43A0] =	vst v0  }
0x3dd: {  	[tilespmem:$0x43B0] =	vst v0  }
0x3de: {  	[tilespmem:$0x43C0] =	vst v0  }
0x3df: {  	[tilespmem:$0x43D0] =	vst v0  }
0x3e0: {  	[tilespmem:$0x43E0] =	vst v0  }
0x3e1: {  	[tilespmem:$0x43F0] =	vst v0  }
0x3e2: {  	v12 =	vld [tilespmem:s7+$0x1000];
	_ =	sdelay $0x4  }
0x3e3: {  	v12 =	vshll.u32 v12, $0x7  }
0x3e4: {  	v12 =	vor.u32 v2, v12;
	_ =	sdelay $0x4  }
0x3e5: {  	[tilespmem:v12+s13+$0x0] =	vst.idx.add.f32.msk $0xffff, v4  }
0x3e6: {  	v12 =	vld [tilespmem:s7+$0x1010];
	_ =	sdelay $0x4  }
0x3e7: {  	v12 =	vshll.u32 v12, $0x7  }
0x3e8: {  	v12 =	vor.u32 v5, v12;
	_ =	sdelay $0x4  }
0x3e9: {  	[tilespmem:v12+s13+$0x0] =	vst.idx.add.f32.msk $0xffff, v4  }
0x3ea: {  	v12 =	vld [tilespmem:s7+$0x1020];
	_ =	sdelay $0x4  }
0x3eb: {  	v12 =	vshll.u32 v12, $0x7  }
0x3ec: {  	v12 =	vor.u32 v6, v12;
	_ =	sdelay $0x4  }
0x3ed: {  	[tilespmem:v12+s13+$0x0] =	vst.idx.add.f32.msk $0xffff, v4  }
0x3ee: {  	v12 =	vld [tilespmem:s7+$0x1030];
	_ =	sdelay $0x4  }
0x3ef: {  	v12 =	vshll.u32 v12, $0x7  }
0x3f0: {  	v12 =	vor.u32 v7, v12;
	_ =	sdelay $0x4  }
0x3f1: {  	[tilespmem:v12+s13+$0x0] =	vst.idx.add.f32.msk $0xffff, v4  }
0x3f2: {  	v12 =	vld [tilespmem:s7+$0x1040];
	_ =	sdelay $0x4  }
0x3f3: {  	v12 =	vshll.u32 v12, $0x7  }
0x3f4: {  	v12 =	vor.u32 v8, v12;
	_ =	sdelay $0x4  }
0x3f5: {  	[tilespmem:v12+s13+$0x0] =	vst.idx.add.f32.msk $0xffff, v4  }
0x3f6: {  	v12 =	vld [tilespmem:s7+$0x1050];
	_ =	sdelay $0x4  }
0x3f7: {  	v12 =	vshll.u32 v12, $0x7  }
0x3f8: {  	v12 =	vor.u32 v9, v12;
	_ =	sdelay $0x4  }
0x3f9: {  	[tilespmem:v12+s13+$0x0] =	vst.idx.add.f32.msk $0xffff, v4  }
0x3fa: {  	v12 =	vld [tilespmem:s7+$0x1060];
	_ =	sdelay $0x4  }
0x3fb: {  	v12 =	vshll.u32 v12, $0x7  }
0x3fc: {  	v12 =	vor.u32 v10, v12;
	_ =	sdelay $0x4  }
0x3fd: {  	[tilespmem:v12+s13+$0x0] =	vst.idx.add.f32.msk $0xffff, v4  }
0x3fe: {  	v12 =	vld [tilespmem:s7+$0x1070];
	_ =	sdelay $0x4  }
0x3ff: {  	v12 =	vshll.u32 v12, $0x7  }
0x400: {  	v12 =	vor.u32 v11, v12;
	_ =	sdelay $0x4  }
0x401: {  	[tilespmem:v12+s13+$0x0] =	vst.idx.add.f32.msk $0xffff, v4  }
0x402: {  	v12 =	vld [tilespmem:s7+$0x1080];
	_ =	sdelay $0x4  }
0x403: {  	v12 =	vshll.u32 v12, $0x7  }
0x404: {  	v12 =	vor.u32 v2, v12;
	_ =	sdelay $0x4  }
0x405: {  	[tilespmem:v12+s13+$0x0] =	vst.idx.add.f32.msk $0xffff, v4  }
0x406: {  	v12 =	vld [tilespmem:s7+$0x1090];
	_ =	sdelay $0x4  }
0x407: {  	v12 =	vshll.u32 v12, $0x7  }
0x408: {  	v12 =	vor.u32 v5, v12;
	_ =	sdelay $0x4  }
0x409: {  	[tilespmem:v12+s13+$0x0] =	vst.idx.add.f32.msk $0xffff, v4  }
0x40a: {  	v12 =	vld [tilespmem:s7+$0x10A0];
	_ =	sdelay $0x4  }
0x40b: {  	v12 =	vshll.u32 v12, $0x7  }
0x40c: {  	v12 =	vor.u32 v6, v12;
	_ =	sdelay $0x4  }
0x40d: {  	[tilespmem:v12+s13+$0x0] =	vst.idx.add.f32.msk $0xffff, v4  }
0x40e: {  	v12 =	vld [tilespmem:s7+$0x10B0];
	_ =	sdelay $0x4  }
0x40f: {  	v12 =	vshll.u32 v12, $0x7  }
0x410: {  	v12 =	vor.u32 v7, v12;
	_ =	sdelay $0x4  }
0x411: {  	[tilespmem:v12+s13+$0x0] =	vst.idx.add.f32.msk $0xffff, v4  }
0x412: {  	v12 =	vld [tilespmem:s7+$0x10C0];
	_ =	sdelay $0x4  }
0x413: {  	v12 =	vshll.u32 v12, $0x7  }
0x414: {  	v12 =	vor.u32 v8, v12;
	_ =	sdelay $0x4  }
0x415: {  	[tilespmem:v12+s13+$0x0] =	vst.idx.add.f32.msk $0xffff, v4  }
0x416: {  	v12 =	vld [tilespmem:s7+$0x10D0];
	_ =	sdelay $0x4  }
0x417: {  	v12 =	vshll.u32 v12, $0x7  }
0x418: {  	v12 =	vor.u32 v9, v12;
	_ =	sdelay $0x4  }
0x419: {  	[tilespmem:v12+s13+$0x0] =	vst.idx.add.f32.msk $0xffff, v4  }
0x41a: {  	v12 =	vld [tilespmem:s7+$0x10E0];
	_ =	sdelay $0x4  }
0x41b: {  	v12 =	vshll.u32 v12, $0x7  }
0x41c: {  	v12 =	vor.u32 v10, v12;
	_ =	sdelay $0x4  }
0x41d: {  	[tilespmem:v12+s13+$0x0] =	vst.idx.add.f32.msk $0xffff, v4  }
0x41e: {  	v12 =	vld [tilespmem:s7+$0x10F0];
	_ =	sdelay $0x4  }
0x41f: {  	v12 =	vshll.u32 v12, $0x7  }
0x420: {  	v12 =	vor.u32 v11, v12;
	_ =	sdelay $0x4  }
0x421: {  	[tilespmem:v12+s13+$0x0] =	vst.idx.add.f32.msk $0xffff, v4  }
0x422: {  	v12 =	vld [tilespmem:s7+$0x1100];
	_ =	sdelay $0x4  }
0x423: {  	v12 =	vshll.u32 v12, $0x7  }
0x424: {  	v12 =	vor.u32 v2, v12;
	_ =	sdelay $0x4  }
0x425: {  	[tilespmem:v12+s13+$0x0] =	vst.idx.add.f32.msk $0xffff, v4  }
0x426: {  	v12 =	vld [tilespmem:s7+$0x1110];
	_ =	sdelay $0x4  }
0x427: {  	v12 =	vshll.u32 v12, $0x7  }
0x428: {  	v12 =	vor.u32 v5, v12;
	_ =	sdelay $0x4  }
0x429: {  	[tilespmem:v12+s13+$0x0] =	vst.idx.add.f32.msk $0xffff, v4  }
0x42a: {  	v12 =	vld [tilespmem:s7+$0x1120];
	_ =	sdelay $0x4  }
0x42b: {  	v12 =	vshll.u32 v12, $0x7  }
0x42c: {  	v12 =	vor.u32 v6, v12;
	_ =	sdelay $0x4  }
0x42d: {  	[tilespmem:v12+s13+$0x0] =	vst.idx.add.f32.msk $0xffff, v4  }
0x42e: {  	v12 =	vld [tilespmem:s7+$0x1130];
	_ =	sdelay $0x4  }
0x42f: {  	v12 =	vshll.u32 v12, $0x7  }
0x430: {  	v12 =	vor.u32 v7, v12;
	_ =	sdelay $0x4  }
0x431: {  	[tilespmem:v12+s13+$0x0] =	vst.idx.add.f32.msk $0xffff, v4  }
0x432: {  	v12 =	vld [tilespmem:s7+$0x1140];
	_ =	sdelay $0x4  }
0x433: {  	v12 =	vshll.u32 v12, $0x7  }
0x434: {  	v12 =	vor.u32 v8, v12;
	_ =	sdelay $0x4  }
0x435: {  	[tilespmem:v12+s13+$0x0] =	vst.idx.add.f32.msk $0xffff, v4  }
0x436: {  	v12 =	vld [tilespmem:s7+$0x1150];
	_ =	sdelay $0x4  }
0x437: {  	v12 =	vshll.u32 v12, $0x7  }
0x438: {  	v12 =	vor.u32 v9, v12;
	_ =	sdelay $0x4  }
0x439: {  	[tilespmem:v12+s13+$0x0] =	vst.idx.add.f32.msk $0xffff, v4  }
0x43a: {  	v12 =	vld [tilespmem:s7+$0x1160];
	_ =	sdelay $0x4  }
0x43b: {  	v12 =	vshll.u32 v12, $0x7  }
0x43c: {  	v12 =	vor.u32 v10, v12;
	_ =	sdelay $0x4  }
0x43d: {  	[tilespmem:v12+s13+$0x0] =	vst.idx.add.f32.msk $0xffff, v4  }
0x43e: {  	v12 =	vld [tilespmem:s7+$0x1170];
	_ =	sdelay $0x4  }
0x43f: {  	v12 =	vshll.u32 v12, $0x7  }
0x440: {  	v12 =	vor.u32 v11, v12;
	_ =	sdelay $0x4  }
.Ltmp3:
0x441: {  	[tilespmem:v12+s13+$0x0] =	vst.idx.add.f32.msk $0xffff, v4;
	(pc) =	sbr.rel .LBB2_3-.Ltmp3, $4  }
0x442: {  	[hbm4b:s8+s14] =	stream.strided.scatter [tilespmem:s13], [sflag:$0x1], $0x2000, s15, s14, $0x38;
	[tilespmem:$0x4400] =	vst v63  }
0x443: {  	_ =	swait.ge [sflag:s10], $0x2000  }
0x444: {  	[sflag:s10] =	ssyncset.done $0x0  }
0x445: {  	[sflag:s10] =	ssyncadd.s32 $0xFFFFE000  }
.LBB2_4:
0x446: {  	_ =	sfence.sel $0x180000  }
0x447: {  	[bflag:$0x0] =	sbarrier.arrive $0xFFFF  }
0x448: {  	p0 =	sne.s32 s1, $0x0;
	_ =	strace $0x90000047  }
0x449: {  	s0 =	sadd.s32 @!p0 $0x100000, s0;
	[bflag:$0x2] =	sbarrier.arrive $0xFFFF  }
0x44a: {  	[sflag:s0] =	ssyncadd.tile.s32 @!p0 $0x1;
	_ =	shalt  }
.Lfunc_end2:
_tile_overlayer_lowered:
.L_overlay_start_2:
0x44b: {  	(tag) =	ssettag $0x2  }
0x44c: {  	s0 =	rddreg [dreg:$0x0];
	s2 =	stileid.u32  }
0x44d: {  	s1 =	rddreg [dreg:$0x1];
	p0 =	sne.s32 s2, $0x0  }
0x44e: {  	s3 =	rddreg [dreg:$0x2];
	[bflag:$0x3] =	sbarrier.arrive $0xFFFF;
	s2 =	simm.s32 @!p0 $0x1C01  }
0x44f: {  	[timem:s3], [sflag:s2] =	dma.local @!p0 [hbm:s0], s1  }
0x450: {  	s0 =	simm.s32 @!p0 $0x1  }
0x451: {  	_ =	swait.ge @!p0 [sflag:s0], s1  }
0x452: {  	s1 =	ssub.s32 @!p0 $0x0, s1;
	[sflag:s0] =	ssyncset.done @!p0 $0x0  }
0x453: {  	[sflag:s0] =	ssyncadd.s32 @!p0 s1  }
0x454: {  	[bflag:$0x3] =	sbarrier.arrive $0xFFFF  }
0x455: {  	_ =	shalt  }

</sc_bundles>
